<compile_context>
chip_gen: v7x
topology: tpu7x:2x2x1
jax: 0.10.2.dev20260603
libtpu: 0.0.44.dev20260713+nightly
codegen_flags: <defaults>
</compile_context>

<pallas_src>
import jax
import jax.numpy as jnp
from jax import lax
from jax.experimental import pallas as pl
from jax.experimental.pallas import tpu as pltpu
from jax.experimental.pallas import tpu_sc as plsc

N = 10000
N_PAD = 10240
E = 320000
D_IN = 128
D_OUT = 128
NGATE = 3
NSC = 2
NSUB = 16
ROWS16 = N_PAD // 16
EDGES_PER_WORKER = E // (NSC * NSUB)
EDGES_PER_CORE = E // NSC
EDGES_PER_SUB = EDGES_PER_CORE // NSUB
WIN = 250
NWIN = EDGES_PER_SUB // WIN


def _sc_mesh():
    return plsc.VectorSubcoreMesh(core_axis_name="c", subcore_axis_name="s")


_SC_PARAMS = pltpu.CompilerParams(needs_layout_passes=False,
                                  use_tc_tiling_on_sc=False)


def _degree_partials(dst):
    iota = lax.iota(jnp.int32, ROWS16)

    @pl.kernel(
        out_type=jax.ShapeDtypeStruct((NSC * ROWS16, 16), jnp.float32),
        mesh=_sc_mesh(),
        scratch_types=[
            pltpu.VMEM((EDGES_PER_WORKER,), jnp.int32),
            pltpu.VMEM((ROWS16, 16), jnp.float32),
            pltpu.VMEM((ROWS16,), jnp.int32),
            pltpu.VMEM_SHARED((ROWS16, 16), jnp.float32),
        ],
        compiler_params=_SC_PARAMS,
    )
    def deg_kernel(dst_hbm, iota_hbm, out_hbm, dst_v, hist_v, iota_v, deg_sh):
        cid = lax.axis_index("c")
        sid = lax.axis_index("s")
        wid = cid * NSUB + sid

        zeros16 = jnp.zeros((16,), jnp.float32)

        @pl.loop(0, ROWS16)
        def _(r):
            hist_v[r] = zeros16

        @pl.when(sid == 0)
        def _():
            pltpu.sync_copy(hist_v, deg_sh)

        plsc.subcore_barrier()

        pltpu.sync_copy(dst_hbm.at[pl.ds(wid * EDGES_PER_WORKER, EDGES_PER_WORKER)], dst_v)
        pltpu.sync_copy(iota_hbm, iota_v)

        ones16 = jnp.ones((16,), jnp.float32)

        @pl.loop(0, EDGES_PER_WORKER // 16)
        def _(i):
            v = dst_v[pl.ds(i * 16, 16)]
            row = jnp.right_shift(v, 4)
            lane = jnp.bitwise_and(v, 15)
            plsc.addupdate_scatter(hist_v, [row, lane], ones16)

        pltpu.sync_copy(hist_v, deg_sh.at[iota_v], add=True)
        plsc.subcore_barrier()

        rows_per_sub = ROWS16 // NSUB
        pltpu.sync_copy(
            deg_sh.at[pl.ds(sid * rows_per_sub, rows_per_sub)],
            out_hbm.at[pl.ds(cid * ROWS16 + sid * rows_per_sub, rows_per_sub)],
        )

    return deg_kernel(dst, iota)


def _matmul_scale(x, w_cat, deg_parts):
    BLK = 2000
    grid = (N // BLK,)

    def body(x_ref, w_ref, d_ref, hi_ref, hc_ref, ho_ref):
        h = jnp.dot(x_ref[...], w_ref[...], preferred_element_type=jnp.float32)
        deg = d_ref[0] + d_ref[1]
        dinv = jnp.where(deg > 0.0, lax.rsqrt(jnp.maximum(deg, 1.0)), 0.0)
        hs = (h * dinv).astype(jnp.bfloat16)
        hi_ref[...] = hs[:, :128]
        hc_ref[...] = hs[:, 128:256]
        ho_ref[...] = hs[:, 256:]

    out128 = jax.ShapeDtypeStruct((N, 128), jnp.bfloat16)
    blk128 = pl.BlockSpec((BLK, 128), lambda i: (i, 0))
    return pl.pallas_call(
        body,
        grid=grid,
        in_specs=[
            pl.BlockSpec((BLK, D_IN), lambda i: (i, 0)),
            pl.BlockSpec((D_IN, NGATE * D_OUT), lambda i: (0, 0)),
            pl.BlockSpec((NSC, BLK, 1), lambda i: (0, i, 0)),
        ],
        out_specs=[blk128, blk128, blk128],
        out_shape=[out128, out128, out128],
    )(x, w_cat, deg_parts)


def _aggregate(h_i, h_c, h_o, src2d, dst2d, zeros_init):
    rows_per_sub = N // NSUB
    RING = 4
    IRING = 2 * RING

    @pl.kernel(
        out_type=jax.ShapeDtypeStruct((NGATE * NSC * N, 128), jnp.bfloat16),
        mesh=_sc_mesh(),
        scratch_types=(
            [pltpu.VMEM((1, WIN), jnp.int32)] * IRING
            + [pltpu.VMEM((1, WIN), jnp.int32)] * IRING
            + [pltpu.VMEM((WIN, 128), jnp.bfloat16)] * RING
            + [pltpu.VMEM_SHARED((N, 128), jnp.bfloat16)]
            + [pltpu.SemaphoreType.DMA] * (3 * RING + 2 * IRING)
        ),
        compiler_params=_SC_PARAMS,
    )
    def agg_kernel(hi_hbm, hc_hbm, ho_hbm, src_hbm, dst_hbm, z_hbm, out_hbm,
                   *refs):
        sbufs = refs[:IRING]
        dbufs = refs[IRING:2 * IRING]
        bufs = refs[2 * IRING:2 * IRING + RING]
        acc_sh = refs[2 * IRING + RING]
        sems = refs[2 * IRING + RING + 1:]
        gsems = sems[:RING]
        ssems = sems[RING:2 * RING]
        rsems = sems[2 * RING:3 * RING]
        isems = sems[3 * RING:3 * RING + IRING]
        dsems = sems[3 * RING + IRING:]
        cid = lax.axis_index("c")
        sid = lax.axis_index("s")
        slc = pl.ds(sid * rows_per_sub, rows_per_sub)

        base_row = (cid * EDGES_PER_CORE + sid * EDGES_PER_SUB) // WIN
        NMAIN = NWIN - (NWIN % IRING)

        def load_idx(j, win_row):
            pltpu.async_copy(src_hbm.at[pl.ds(win_row, 1)], sbufs[j], isems[j])
            pltpu.async_copy(dst_hbm.at[pl.ds(win_row, 1)], dbufs[j], dsems[j])

        def wait_idx(j):
            pltpu.make_async_copy(src_hbm.at[pl.ds(base_row, 1)], sbufs[j],
                                  isems[j]).wait()
            pltpu.make_async_copy(dst_hbm.at[pl.ds(base_row, 1)], dbufs[j],
                                  dsems[j]).wait()

        def slot(w, j, h_hbm, refill):
            k = j % RING
            pltpu.make_async_copy(h_hbm.at[sbufs[j].at[0]], bufs[k],
                                  gsems[k]).wait()
            sd = pltpu.async_copy(bufs[k], acc_sh.at[dbufs[j].at[0]], ssems[k],
                                  add=True)
            sd.wait()
            if refill:
                @pl.when(w + IRING < NWIN)
                def _():
                    load_idx(j, base_row + w + IRING)

                @pl.when(w + RING < NWIN)
                def _():
                    j2 = (j + RING) % IRING
                    wait_idx(j2)
                    pltpu.async_copy(h_hbm.at[sbufs[j2].at[0]], bufs[k],
                                     gsems[k])

        for g, h_hbm in enumerate((hi_hbm, hc_hbm, ho_hbm)):
            pltpu.sync_copy(z_hbm, acc_sh.at[slc])
            for j in range(IRING):
                load_idx(j, base_row + j)
            for j in range(RING):
                wait_idx(j)
                pltpu.async_copy(h_hbm.at[sbufs[j].at[0]], bufs[j], gsems[j])
            plsc.subcore_barrier()

            @pl.loop(0, NMAIN, step=IRING)
            def _(w):
                for j in range(IRING):
                    slot(w + j, j, h_hbm, True)

            for j in range(NWIN % IRING):
                slot(NMAIN + j, j, h_hbm, False)

            plsc.subcore_barrier()
            out_base = (g * NSC + cid) * N + sid * rows_per_sub
            pltpu.sync_copy(acc_sh.at[slc],
                            out_hbm.at[pl.ds(out_base, rows_per_sub)])
            plsc.subcore_barrier()

    return agg_kernel(h_i, h_c, h_o, src2d, dst2d, zeros_init)


def _gates(parts, deg_parts, b_i, b_c, b_o, wco):
    BLK = 2000
    grid = (N // BLK,)

    def body(p_ref, d_ref, bi_ref, bc_ref, bo_ref, wco_ref, h_ref, c_ref):
        deg = d_ref[0] + d_ref[1]
        dv = jnp.where(deg > 0.0, lax.rsqrt(jnp.maximum(deg, 1.0)), 0.0)
        p = p_ref[...].astype(jnp.float32)
        acc_i = p[0, 0] + p[0, 1]
        acc_c = p[1, 0] + p[1, 1]
        acc_o = p[2, 0] + p[2, 1]
        i_gate = jax.nn.sigmoid(acc_i * dv + bi_ref[...])
        t_gate = jnp.tanh(acc_c * dv + bc_ref[...])
        c_new = i_gate * t_gate
        o_gate = jax.nn.sigmoid(acc_o * dv + wco_ref[...] * c_new + bo_ref[...])
        h_ref[...] = o_gate * jnp.tanh(c_new)
        c_ref[...] = c_new

    bias_spec = pl.BlockSpec((1, 128), lambda i: (0, 0))
    blk128 = pl.BlockSpec((BLK, 128), lambda i: (i, 0))
    return pl.pallas_call(
        body,
        grid=grid,
        in_specs=[
            pl.BlockSpec((NGATE, NSC, BLK, 128), lambda i: (0, 0, i, 0)),
            pl.BlockSpec((NSC, BLK, 1), lambda i: (0, i, 0)),
            bias_spec, bias_spec, bias_spec, bias_spec,
        ],
        out_specs=[blk128, blk128],
        out_shape=[
            jax.ShapeDtypeStruct((N, 128), jnp.float32),
            jax.ShapeDtypeStruct((N, 128), jnp.float32),
        ],
    )(parts, deg_parts, b_i, b_c, b_o, wco)


def kernel(x, edge_index, Wxi, bxi, Whi, bhi, Wxf, bxf, Whf, bhf, Wxc, bxc,
           Whc, bhc, Wxo, bxo, Who, bho, wci, wcf, wco, bi, bf, bc, bo):
    src = edge_index[0].astype(jnp.int32)
    dst = edge_index[1].astype(jnp.int32)

    deg_parts = _degree_partials(dst)
    deg_parts = deg_parts.reshape(NSC, N_PAD, 1)

    w_cat = jnp.concatenate([Wxi, Wxc, Wxo], axis=1)
    h_i, h_c, h_o = _matmul_scale(x, w_cat, deg_parts)

    zeros_init = jnp.zeros((N // NSUB, 128), jnp.bfloat16)
    parts = _aggregate(h_i, h_c, h_o, src.reshape(E // WIN, WIN),
                       dst.reshape(E // WIN, WIN), zeros_init)
    parts = parts.reshape(NGATE, NSC, N, 128)

    b_i = (bi + bxi + bhi).reshape(1, 128)
    b_c = (bc + bxc + bhc).reshape(1, 128)
    b_o = (bo + bxo + bho).reshape(1, 128)
    return _gates(parts, deg_parts, b_i, b_c, b_o, wco.reshape(1, 128))

# --- scband reference (transcript-rebuilt; emitter-appended) ---
"""Pipeline reference for scband-gconv-lstm-38173669327257 (READ-ONLY COPY).

The authoritative reference and input builder live on the scoring server;
editing this copy changes nothing except your own understanding.
"""

import jax, jax.numpy as jnp
import numpy as np

N = 10000
E = 320000
D_IN = 128
D_OUT = 128


def _glorot(key, shape):
    limit = np.sqrt(6.0 / (shape[0] + shape[-1]))
    return jax.random.uniform(key, shape, minval=-limit, maxval=limit, dtype=jnp.float32)


def setup_inputs(seed: int = 0):
    key = jax.random.key(seed)
    ks = jax.random.split(key, 16)
    inp = {}
    inp['x'] = jax.random.normal(ks[0], (N, D_IN), dtype=jnp.float32)
    inp['edge_index'] = jax.random.randint(ks[1], (2, E), 0, N)
    # 8 GCNConv layers: weight glorot, bias zeros
    names = ['xi', 'hi', 'xf', 'hf', 'xc', 'hc', 'xo', 'ho']
    for j, nm in enumerate(names):
        d_in = D_IN if nm[0] == 'x' else D_OUT
        inp['W' + nm] = _glorot(jax.random.fold_in(key, 100 + j), (d_in, D_OUT))
        inp['b' + nm] = jnp.zeros((D_OUT,), jnp.float32)
    # peephole weights (glorot) and gate biases (zeros)
    inp['wci'] = _glorot(jax.random.fold_in(key, 200), (1, D_OUT))
    inp['wcf'] = _glorot(jax.random.fold_in(key, 201), (1, D_OUT))
    inp['wco'] = _glorot(jax.random.fold_in(key, 202), (1, D_OUT))
    inp['bi'] = jnp.zeros((1, D_OUT), jnp.float32)
    inp['bf'] = jnp.zeros((1, D_OUT), jnp.float32)
    inp['bc'] = jnp.zeros((1, D_OUT), jnp.float32)
    inp['bo'] = jnp.zeros((1, D_OUT), jnp.float32)
    return inp


def _gcn(x, W, b, src, dst):
    # GCNConv with add_self_loops=False, sym normalization, edge_weight=None (ones)
    n = x.shape[0]
    h = x @ W
    deg = jnp.zeros((n,), x.dtype).at[dst].add(1.0)
    dinv = jnp.where(deg > 0, 1.0 / jnp.sqrt(jnp.maximum(deg, 1.0)), 0.0)
    norm = dinv[src] * dinv[dst]
    out = jnp.zeros((n, W.shape[1]), x.dtype).at[dst].add(h[src] * norm[:, None])
    return out + b


def reference(x, edge_index, Wxi, bxi, Whi, bhi, Wxf, bxf, Whf, bhf, Wxc, bxc, Whc, bhc, Wxo, bxo, Who, bho, wci, wcf, wco, bi, bf, bc, bo):
    src, dst = edge_index[0], edge_index[1]
    H = jnp.zeros((x.shape[0], D_OUT), x.dtype)
    C = jnp.zeros((x.shape[0], D_OUT), x.dtype)
    I = jax.nn.sigmoid(_gcn(x, Wxi, bxi, src, dst) + _gcn(H, Whi, bhi, src, dst) + wci * C + bi)
    F = jax.nn.sigmoid(_gcn(x, Wxf, bxf, src, dst) + _gcn(H, Whf, bhf, src, dst) + wcf * C + bf)
    T = jnp.tanh(_gcn(x, Wxc, bxc, src, dst) + _gcn(H, Whc, bhc, src, dst) + bc)
    C = F * C + I * T
    O = jax.nn.sigmoid(_gcn(x, Wxo, bxo, src, dst) + _gcn(H, Who, bho, src, dst) + wco * C + bo)
    H = O * jnp.tanh(C)
    return H, C

if __name__ == "__main__":
    import jax
    _d = setup_inputs()
    print(jax.jit(kernel)(*tuple(_d.values())))

</pallas_src>

<mosaic_0001>
#map = affine_map<(d0, d1) -> (0)>
#map1 = affine_map<(d0, d1) -> (0, 0)>
module attributes {stable_mosaic.version = 14 : i64} {
  func.func @deg_kernel(%arg0: i32, %arg1: i32, %arg2: memref<320000xi32, #tpu.memory_space<hbm>>, %arg3: memref<640xi32, #tpu.memory_space<hbm>>, %arg4: memref<1280x16xf32, #tpu.memory_space<hbm>>, %arg5: memref<10000xi32, #tpu.memory_space<vmem>>, %arg6: memref<640x16xf32, #tpu.memory_space<vmem>>, %arg7: memref<640xi32, #tpu.memory_space<vmem>>, %arg8: memref<640x16xf32, #tpu.memory_space<vmem_shared>>) attributes {dimension_semantics = [#tpu.dimension_semantics<core_parallel>, #tpu.dimension_semantics<subcore_parallel>], iteration_bounds = array<i64: 2, 16>, scalar_prefetch = 0 : i64, scratch_operands = 4 : i64, tpu.core_type = #tpu.core_type<sc_vector_subcore>, window_params = [{transform_indices = #map}, {transform_indices = #map}, {transform_indices = #map1}]} {
    %mul3A = arith.constant 16 : i32
    %mul3A_0 = arith.muli %arg0, %mul3A : i32
    %add3A = arith.addi %mul3A_0, %arg1 : i32
    %broadcast_in_dim3A = arith.constant 0.000000e+00 : f32
    %broadcast_in_dim3A_1 = vector.broadcast %broadcast_in_dim3A : f32 to vector<16xf32>
    %scan3A = arith.constant 0 : i32
    %scan3A_2 = arith.constant 640 : i32
    %scan3A_3 = arith.addi %scan3A, %scan3A_2 : i32
    %scan3A_4 = arith.constant 1 : i32
    scf.for %scan3A_25 = %scan3A to %scan3A_3 step %scan3A_4  : i32 {
      %mul3A_26 = arith.constant 1 : i32
      %mul3A_27 = arith.muli %scan3A_25, %mul3A_26 : i32
      %add3A_28 = arith.constant 0 : i32
      %add3A_29 = arith.addi %add3A_28, %mul3A_27 : i32
      %swap3A = arith.index_cast %add3A_29 : i32 to index
      %swap3A_30 = arith.constant 0 : index
      %swap3A_31 = tpu.vector_load %arg6[%swap3A, %swap3A_30] {strides = array<i32>} : memref<640x16xf32, #tpu.memory_space<vmem>>, vector<16xf32>,
      tpu.vector_store %arg6[%swap3A, %swap3A_30], %broadcast_in_dim3A_1 {strides = array<i32>} : memref<640x16xf32, #tpu.memory_space<vmem>>, vector<16xf32>,
    }
    %scan3A_5 = arith.constant 640 : i32
    %eq3A = arith.constant 0 : i32
    %eq3A_6 = arith.cmpi eq, %arg1, %eq3A : i32
    %convert_element_type3A = arith.extui %eq3A_6 : i1 to i32
    %cond3A = arith.constant 0 : i32
    %cond3A_7 = arith.cmpi ne, %convert_element_type3A, %cond3A : i32
    scf.if %cond3A_7 {
      "tpu.region"() ({
        %run_scoped3A = tpu.sem_alloc : memref<!tpu.dma_semaphore, #tpu.memory_space<semaphore_mem>>
        tpu.enqueue_dma source(%arg6 : memref<640x16xf32, #tpu.memory_space<vmem>>) target(%arg8 : memref<640x16xf32, #tpu.memory_space<vmem_shared>>) target_semaphore(%run_scoped3A : memref<!tpu.dma_semaphore, #tpu.memory_space<semaphore_mem>>)
        tpu.wait_dma2 semaphore(%run_scoped3A : memref<!tpu.dma_semaphore, #tpu.memory_space<semaphore_mem>>) src(%arg6 : memref<640x16xf32, #tpu.memory_space<vmem>>) dst(%arg8 : memref<640x16xf32, #tpu.memory_space<vmem_shared>>)
        tpu.yield
      }) : () -> ()
    } else {
    }
    %barrier3A = arith.constant 0 : index
    tpu.barrier barrier_id(%barrier3A)
    %mul3A_8 = arith.constant 10000 : i32
    %mul3A_9 = arith.muli %add3A, %mul3A_8 : i32
    "tpu.region"() ({
      %run_scoped3A = tpu.sem_alloc : memref<!tpu.dma_semaphore, #tpu.memory_space<semaphore_mem>>
      %dma_start3A = tpu.memref_slice %arg2[%mul3A_9] : memref<320000xi32, #tpu.memory_space<hbm>> -> memref<10000xi32, #tpu.memory_space<hbm>>
      %dma_start3A_25 = tpu.memref_slice %arg2[%mul3A_9] : memref<320000xi32, #tpu.memory_space<hbm>> -> memref<10000xi32, #tpu.memory_space<hbm>>
      tpu.enqueue_dma source(%dma_start3A_25 : memref<10000xi32, #tpu.memory_space<hbm>>) target(%arg5 : memref<10000xi32, #tpu.memory_space<vmem>>) target_semaphore(%run_scoped3A : memref<!tpu.dma_semaphore, #tpu.memory_space<semaphore_mem>>)
      %dma_wait3A = tpu.memref_slice %arg2[%mul3A_9] : memref<320000xi32, #tpu.memory_space<hbm>> -> memref<10000xi32, #tpu.memory_space<hbm>>
      %dma_wait3A_26 = tpu.memref_slice %arg2[%mul3A_9] : memref<320000xi32, #tpu.memory_space<hbm>> -> memref<10000xi32, #tpu.memory_space<hbm>>
      tpu.wait_dma2 semaphore(%run_scoped3A : memref<!tpu.dma_semaphore, #tpu.memory_space<semaphore_mem>>) src(%dma_wait3A_26 : memref<10000xi32, #tpu.memory_space<hbm>>) dst(%arg5 : memref<10000xi32, #tpu.memory_space<vmem>>)
      tpu.yield
    }) : () -> ()
    "tpu.region"() ({
      %run_scoped3A = tpu.sem_alloc : memref<!tpu.dma_semaphore, #tpu.memory_space<semaphore_mem>>
      tpu.enqueue_dma source(%arg3 : memref<640xi32, #tpu.memory_space<hbm>>) target(%arg7 : memref<640xi32, #tpu.memory_space<vmem>>) target_semaphore(%run_scoped3A : memref<!tpu.dma_semaphore, #tpu.memory_space<semaphore_mem>>)
      tpu.wait_dma2 semaphore(%run_scoped3A : memref<!tpu.dma_semaphore, #tpu.memory_space<semaphore_mem>>) src(%arg3 : memref<640xi32, #tpu.memory_space<hbm>>) dst(%arg7 : memref<640xi32, #tpu.memory_space<vmem>>)
      tpu.yield
    }) : () -> ()
    %broadcast_in_dim3A_10 = arith.constant 1.000000e+00 : f32
    %broadcast_in_dim3A_11 = vector.broadcast %broadcast_in_dim3A_10 : f32 to vector<16xf32>
    %scan3A_12 = arith.constant 0 : i32
    %scan3A_13 = arith.constant 625 : i32
    %scan3A_14 = arith.addi %scan3A_12, %scan3A_13 : i32
    %scan3A_15 = arith.constant 1 : i32
    scf.for %scan3A_25 = %scan3A_12 to %scan3A_14 step %scan3A_15  : i32 {
      %mul3A_26 = arith.constant 1 : i32
      %mul3A_27 = arith.muli %scan3A_25, %mul3A_26 : i32
      %add3A_28 = arith.constant 0 : i32
      %add3A_29 = arith.addi %add3A_28, %mul3A_27 : i32
      %mul3A_30 = arith.constant 16 : i32
      %mul3A_31 = arith.muli %add3A_29, %mul3A_30 : i32
      %get3A = arith.index_cast %mul3A_31 : i32 to index
      %get3A_32 = tpu.vector_load %arg5[%get3A] {strides = array<i32>} : memref<10000xi32, #tpu.memory_space<vmem>>, vector<16xi32>,
      %shift_right_arithmetic3A = arith.constant 4 : i32
      %shift_right_arithmetic3A_33 = vector.broadcast %shift_right_arithmetic3A : i32 to vector<16xi32>
      %shift_right_arithmetic3A_34 = arith.shrsi %get3A_32, %shift_right_arithmetic3A_33 : vector<16xi32>
      %and3A = arith.constant 15 : i32
      %and3A_35 = vector.broadcast %and3A : i32 to vector<16xi32>
      %and3A_36 = arith.andi %get3A_32, %and3A_35 : vector<16xi32>
      tpu.vector_store_idx %arg6[%shift_right_arithmetic3A_34, %and3A_36], %broadcast_in_dim3A_11 {add = true} : memref<640x16xf32, #tpu.memory_space<vmem>>[vector<16xi32>, vector<16xi32>], vector<16xf32>,
    }
    %scan3A_16 = arith.constant 625 : i32
    "tpu.region"() ({
      %run_scoped3A = tpu.sem_alloc : memref<!tpu.dma_semaphore, #tpu.memory_space<semaphore_mem>>
      %dma_start3A = arith.constant 0 : i32
      %dma_start3A_25 = arith.constant 0 : i32
      %dma_start3A_26 = tpu.memref_slice %arg8[%dma_start3A, %dma_start3A_25] : memref<640x16xf32, #tpu.memory_space<vmem_shared>> -> memref<640x16xf32, #tpu.memory_space<vmem_shared>>
      tpu.enqueue_indirect_dma source(%arg6 : memref<640x16xf32, #tpu.memory_space<vmem>>) target(%dma_start3A_26 : memref<640x16xf32, #tpu.memory_space<vmem_shared>>) offsets(%arg7 : memref<640xi32, #tpu.memory_space<vmem>>) semaphore(%run_scoped3A : memref<!tpu.dma_semaphore, #tpu.memory_space<semaphore_mem>>) {add = true}
      %dma_wait3A = arith.constant 0 : i32
      %dma_wait3A_27 = arith.constant 0 : i32
      %dma_wait3A_28 = tpu.memref_slice %arg8[%dma_wait3A, %dma_wait3A_27] : memref<640x16xf32, #tpu.memory_space<vmem_shared>> -> memref<640x16xf32, #tpu.memory_space<vmem_shared>>
      tpu.wait_indirect_dma semaphore(%run_scoped3A : memref<!tpu.dma_semaphore, #tpu.memory_space<semaphore_mem>>) src(%arg6 : memref<640x16xf32, #tpu.memory_space<vmem>>) dst(%dma_wait3A_28 : memref<640x16xf32, #tpu.memory_space<vmem_shared>>)
      tpu.yield
    }) : () -> ()
    %barrier3A_17 = arith.constant 0 : index
    tpu.barrier barrier_id(%barrier3A_17)
    %mul3A_18 = arith.constant 40 : i32
    %mul3A_19 = arith.muli %arg1, %mul3A_18 : i32
    %mul3A_20 = arith.constant 640 : i32
    %mul3A_21 = arith.muli %arg0, %mul3A_20 : i32
    %mul3A_22 = arith.constant 40 : i32
    %mul3A_23 = arith.muli %arg1, %mul3A_22 : i32
    %add3A_24 = arith.addi %mul3A_21, %mul3A_23 : i32
    "tpu.region"() ({
      %run_scoped3A = tpu.sem_alloc : memref<!tpu.dma_semaphore, #tpu.memory_space<semaphore_mem>>
      %dma_start3A = arith.constant 0 : i32
      %dma_start3A_25 = tpu.memref_slice %arg4[%add3A_24, %dma_start3A] : memref<1280x16xf32, #tpu.memory_space<hbm>> -> memref<40x16xf32, #tpu.memory_space<hbm>>
      %dma_start3A_26 = arith.constant 0 : i32
      %dma_start3A_27 = tpu.memref_slice %arg8[%mul3A_19, %dma_start3A_26] : memref<640x16xf32, #tpu.memory_space<vmem_shared>> -> memref<40x16xf32, #tpu.memory_space<vmem_shared>>
      tpu.enqueue_dma source(%dma_start3A_27 : memref<40x16xf32, #tpu.memory_space<vmem_shared>>) target(%dma_start3A_25 : memref<40x16xf32, #tpu.memory_space<hbm>>) target_semaphore(%run_scoped3A : memref<!tpu.dma_semaphore, #tpu.memory_space<semaphore_mem>>)
      %dma_wait3A = arith.constant 0 : i32
      %dma_wait3A_28 = tpu.memref_slice %arg4[%add3A_24, %dma_wait3A] : memref<1280x16xf32, #tpu.memory_space<hbm>> -> memref<40x16xf32, #tpu.memory_space<hbm>>
      %dma_wait3A_29 = arith.constant 0 : i32
      %dma_wait3A_30 = tpu.memref_slice %arg8[%mul3A_19, %dma_wait3A_29] : memref<640x16xf32, #tpu.memory_space<vmem_shared>> -> memref<40x16xf32, #tpu.memory_space<vmem_shared>>
      tpu.wait_dma2 semaphore(%run_scoped3A : memref<!tpu.dma_semaphore, #tpu.memory_space<semaphore_mem>>) src(%dma_wait3A_30 : memref<40x16xf32, #tpu.memory_space<vmem_shared>>) dst(%dma_wait3A_28 : memref<40x16xf32, #tpu.memory_space<hbm>>)
      tpu.yield
    }) : () -> ()
    return
  }
}

#map = affine_map<(d0, d1) -> (0, 0)>
module attributes {stable_mosaic.version = 14 : i64} {
  func.func @agg_kernel(%arg0: i32, %arg1: i32, %arg2: memref<10000x128xbf16, #tpu.memory_space<hbm>>, %arg3: memref<10000x128xbf16, #tpu.memory_space<hbm>>, %arg4: memref<10000x128xbf16, #tpu.memory_space<hbm>>, %arg5: memref<1280x250xi32, #tpu.memory_space<hbm>>, %arg6: memref<1280x250xi32, #tpu.memory_space<hbm>>, %arg7: memref<625x128xbf16, #tpu.memory_space<hbm>>, %arg8: memref<60000x128xbf16, #tpu.memory_space<hbm>>, %arg9: memref<1x250xi32, #tpu.memory_space<vmem>>, %arg10: memref<1x250xi32, #tpu.memory_space<vmem>>, %arg11: memref<1x250xi32, #tpu.memory_space<vmem>>, %arg12: memref<1x250xi32, #tpu.memory_space<vmem>>, %arg13: memref<1x250xi32, #tpu.memory_space<vmem>>, %arg14: memref<1x250xi32, #tpu.memory_space<vmem>>, %arg15: memref<1x250xi32, #tpu.memory_space<vmem>>, %arg16: memref<1x250xi32, #tpu.memory_space<vmem>>, %arg17: memref<1x250xi32, #tpu.memory_space<vmem>>, %arg18: memref<1x250xi32, #tpu.memory_space<vmem>>, %arg19: memref<1x250xi32, #tpu.memory_space<vmem>>, %arg20: memref<1x250xi32, #tpu.memory_space<vmem>>, %arg21: memref<1x250xi32, #tpu.memory_space<vmem>>, %arg22: memref<1x250xi32, #tpu.memory_space<vmem>>, %arg23: memref<1x250xi32, #tpu.memory_space<vmem>>, %arg24: memref<1x250xi32, #tpu.memory_space<vmem>>, %arg25: memref<250x128xbf16, #tpu.memory_space<vmem>>, %arg26: memref<250x128xbf16, #tpu.memory_space<vmem>>, %arg27: memref<250x128xbf16, #tpu.memory_space<vmem>>, %arg28: memref<250x128xbf16, #tpu.memory_space<vmem>>, %arg29: memref<10000x128xbf16, #tpu.memory_space<vmem_shared>>, %arg30: memref<!tpu.dma_semaphore, #tpu.memory_space<semaphore_mem>>, %arg31: memref<!tpu.dma_semaphore, #tpu.memory_space<semaphore_mem>>, %arg32: memref<!tpu.dma_semaphore, #tpu.memory_space<semaphore_mem>>, %arg33: memref<!tpu.dma_semaphore, #tpu.memory_space<semaphore_mem>>, %arg34: memref<!tpu.dma_semaphore, #tpu.memory_space<semaphore_mem>>, %arg35: memref<!tpu.dma_semaphore, #tpu.memory_space<semaphore_mem>>, %arg36: memref<!tpu.dma_semaphore, #tpu.memory_space<semaphore_mem>>, %arg37: memref<!tpu.dma_semaphore, #tpu.memory_space<semaphore_mem>>, %arg38: memref<!tpu.dma_semaphore, #tpu.memory_space<semaphore_mem>>, %arg39: memref<!tpu.dma_semaphore, #tpu.memory_space<semaphore_mem>>, %arg40: memref<!tpu.dma_semaphore, #tpu.memory_space<semaphore_mem>>, %arg41: memref<!tpu.dma_semaphore, #tpu.memory_space<semaphore_mem>>, %arg42: memref<!tpu.dma_semaphore, #tpu.memory_space<semaphore_mem>>, %arg43: memref<!tpu.dma_semaphore, #tpu.memory_space<semaphore_mem>>, %arg44: memref<!tpu.dma_semaphore, #tpu.memory_space<semaphore_mem>>, %arg45: memref<!tpu.dma_semaphore, #tpu.memory_space<semaphore_mem>>, %arg46: memref<!tpu.dma_semaphore, #tpu.memory_space<semaphore_mem>>, %arg47: memref<!tpu.dma_semaphore, #tpu.memory_space<semaphore_mem>>, %arg48: memref<!tpu.dma_semaphore, #tpu.memory_space<semaphore_mem>>, %arg49: memref<!tpu.dma_semaphore, #tpu.memory_space<semaphore_mem>>, %arg50: memref<!tpu.dma_semaphore, #tpu.memory_space<semaphore_mem>>, %arg51: memref<!tpu.dma_semaphore, #tpu.memory_space<semaphore_mem>>, %arg52: memref<!tpu.dma_semaphore, #tpu.memory_space<semaphore_mem>>, %arg53: memref<!tpu.dma_semaphore, #tpu.memory_space<semaphore_mem>>, %arg54: memref<!tpu.dma_semaphore, #tpu.memory_space<semaphore_mem>>, %arg55: memref<!tpu.dma_semaphore, #tpu.memory_space<semaphore_mem>>, %arg56: memref<!tpu.dma_semaphore, #tpu.memory_space<semaphore_mem>>, %arg57: memref<!tpu.dma_semaphore, #tpu.memory_space<semaphore_mem>>) attributes {dimension_semantics = [#tpu.dimension_semantics<core_parallel>, #tpu.dimension_semantics<subcore_parallel>], iteration_bounds = array<i64: 2, 16>, scalar_prefetch = 0 : i64, scratch_operands = 49 : i64, tpu.core_type = #tpu.core_type<sc_vector_subcore>, window_params = [{transform_indices = #map}, {transform_indices = #map}, {transform_indices = #map}, {transform_indices = #map}, {transform_indices = #map}, {transform_indices = #map}, {transform_indices = #map}]} {
    %mul3A = arith.constant 625 : i32
    %mul3A_0 = arith.muli %arg1, %mul3A : i32
    %mul3A_1 = arith.constant 160000 : i32
    %mul3A_2 = arith.muli %arg0, %mul3A_1 : i32
    %mul3A_3 = arith.constant 10000 : i32
    %mul3A_4 = arith.muli %arg1, %mul3A_3 : i32
    %add3A = arith.addi %mul3A_2, %mul3A_4 : i32
    %jit3A = arith.constant 250 : i32
    %div3A = arith.divsi %add3A, %jit3A : i32
    %sign3A = arith.constant 0 : i32
    %sign3A_5 = arith.cmpi sgt, %add3A, %sign3A : i32
    %sign3A_6 = arith.extui %sign3A_5 : i1 to i32
    %sign3A_7 = arith.constant 0 : i32
    %sign3A_8 = arith.cmpi slt, %add3A, %sign3A_7 : i32
    %sign3A_9 = arith.extui %sign3A_8 : i1 to i32
    %sign3A_10 = arith.subi %sign3A_6, %sign3A_9 : i32
    %sign3A_11 = arith.constant 0 : i32
    %sign3A_12 = arith.cmpi sgt, %jit3A, %sign3A_11 : i32
    %sign3A_13 = arith.extui %sign3A_12 : i1 to i32
    %sign3A_14 = arith.constant 0 : i32
    %sign3A_15 = arith.cmpi slt, %jit3A, %sign3A_14 : i32
    %sign3A_16 = arith.extui %sign3A_15 : i1 to i32
    %sign3A_17 = arith.subi %sign3A_13, %sign3A_16 : i32
    %ne3A = arith.cmpi ne, %sign3A_10, %sign3A_17 : i32
    %rem3A = arith.remsi %add3A, %jit3A : i32
    %ne3A_18 = arith.constant 0 : i32
    %ne3A_19 = arith.cmpi ne, %rem3A, %ne3A_18 : i32
    %and3A = arith.andi %ne3A, %ne3A_19 : i1
    %sub3A = arith.constant 1 : i32
    %sub3A_20 = arith.subi %div3A, %sub3A : i32
    %select_n3A = arith.select %and3A, %sub3A_20, %div3A : i32
    "tpu.region"() ({
      %run_scoped3A = tpu.sem_alloc : memref<!tpu.dma_semaphore, #tpu.memory_space<semaphore_mem>>
      %dma_start3A_482 = arith.constant 0 : i32
      %dma_start3A_483 = tpu.memref_slice %arg29[%mul3A_0, %dma_start3A_482] : memref<10000x128xbf16, #tpu.memory_space<vmem_shared>> -> memref<625x128xbf16, #tpu.memory_space<vmem_shared>>
      tpu.enqueue_dma source(%arg7 : memref<625x128xbf16, #tpu.memory_space<hbm>>) target(%dma_start3A_483 : memref<625x128xbf16, #tpu.memory_space<vmem_shared>>) target_semaphore(%run_scoped3A : memref<!tpu.dma_semaphore, #tpu.memory_space<semaphore_mem>>)
      %dma_wait3A_484 = arith.constant 0 : i32
      %dma_wait3A_485 = tpu.memref_slice %arg29[%mul3A_0, %dma_wait3A_484] : memref<10000x128xbf16, #tpu.memory_space<vmem_shared>> -> memref<625x128xbf16, #tpu.memory_space<vmem_shared>>
      tpu.wait_dma2 semaphore(%run_scoped3A : memref<!tpu.dma_semaphore, #tpu.memory_space<semaphore_mem>>) src(%arg7 : memref<625x128xbf16, #tpu.memory_space<hbm>>) dst(%dma_wait3A_485 : memref<625x128xbf16, #tpu.memory_space<vmem_shared>>)
      tpu.yield
    }) : () -> ()
    %add3A_21 = arith.constant 0 : i32
    %add3A_22 = arith.addi %select_n3A, %add3A_21 : i32
    %dma_start3A = arith.constant 0 : i32
    %dma_start3A_23 = tpu.memref_slice %arg5[%add3A_22, %dma_start3A] : memref<1280x250xi32, #tpu.memory_space<hbm>> -> memref<1x250xi32, #tpu.memory_space<hbm>>
    %dma_start3A_24 = arith.constant 0 : i32
    %dma_start3A_25 = tpu.memref_slice %arg5[%add3A_22, %dma_start3A_24] : memref<1280x250xi32, #tpu.memory_space<hbm>> -> memref<1x250xi32, #tpu.memory_space<hbm>>
    tpu.enqueue_dma source(%dma_start3A_25 : memref<1x250xi32, #tpu.memory_space<hbm>>) target(%arg9 : memref<1x250xi32, #tpu.memory_space<vmem>>) target_semaphore(%arg42 : memref<!tpu.dma_semaphore, #tpu.memory_space<semaphore_mem>>)
    %dma_start3A_26 = arith.constant 0 : i32
    %dma_start3A_27 = tpu.memref_slice %arg6[%add3A_22, %dma_start3A_26] : memref<1280x250xi32, #tpu.memory_space<hbm>> -> memref<1x250xi32, #tpu.memory_space<hbm>>
    %dma_start3A_28 = arith.constant 0 : i32
    %dma_start3A_29 = tpu.memref_slice %arg6[%add3A_22, %dma_start3A_28] : memref<1280x250xi32, #tpu.memory_space<hbm>> -> memref<1x250xi32, #tpu.memory_space<hbm>>
    tpu.enqueue_dma source(%dma_start3A_29 : memref<1x250xi32, #tpu.memory_space<hbm>>) target(%arg17 : memref<1x250xi32, #tpu.memory_space<vmem>>) target_semaphore(%arg50 : memref<!tpu.dma_semaphore, #tpu.memory_space<semaphore_mem>>)
    %add3A_30 = arith.constant 1 : i32
    %add3A_31 = arith.addi %select_n3A, %add3A_30 : i32
    %dma_start3A_32 = arith.constant 0 : i32
    %dma_start3A_33 = tpu.memref_slice %arg5[%add3A_31, %dma_start3A_32] : memref<1280x250xi32, #tpu.memory_space<hbm>> -> memref<1x250xi32, #tpu.memory_space<hbm>>
    %dma_start3A_34 = arith.constant 0 : i32
    %dma_start3A_35 = tpu.memref_slice %arg5[%add3A_31, %dma_start3A_34] : memref<1280x250xi32, #tpu.memory_space<hbm>> -> memref<1x250xi32, #tpu.memory_space<hbm>>
    tpu.enqueue_dma source(%dma_start3A_35 : memref<1x250xi32, #tpu.memory_space<hbm>>) target(%arg10 : memref<1x250xi32, #tpu.memory_space<vmem>>) target_semaphore(%arg43 : memref<!tpu.dma_semaphore, #tpu.memory_space<semaphore_mem>>)
    %dma_start3A_36 = arith.constant 0 : i32
    %dma_start3A_37 = tpu.memref_slice %arg6[%add3A_31, %dma_start3A_36] : memref<1280x250xi32, #tpu.memory_space<hbm>> -> memref<1x250xi32, #tpu.memory_space<hbm>>
    %dma_start3A_38 = arith.constant 0 : i32
    %dma_start3A_39 = tpu.memref_slice %arg6[%add3A_31, %dma_start3A_38] : memref<1280x250xi32, #tpu.memory_space<hbm>> -> memref<1x250xi32, #tpu.memory_space<hbm>>
    tpu.enqueue_dma source(%dma_start3A_39 : memref<1x250xi32, #tpu.memory_space<hbm>>) target(%arg18 : memref<1x250xi32, #tpu.memory_space<vmem>>) target_semaphore(%arg51 : memref<!tpu.dma_semaphore, #tpu.memory_space<semaphore_mem>>)
    %add3A_40 = arith.constant 2 : i32
    %add3A_41 = arith.addi %select_n3A, %add3A_40 : i32
    %dma_start3A_42 = arith.constant 0 : i32
    %dma_start3A_43 = tpu.memref_slice %arg5[%add3A_41, %dma_start3A_42] : memref<1280x250xi32, #tpu.memory_space<hbm>> -> memref<1x250xi32, #tpu.memory_space<hbm>>
    %dma_start3A_44 = arith.constant 0 : i32
    %dma_start3A_45 = tpu.memref_slice %arg5[%add3A_41, %dma_start3A_44] : memref<1280x250xi32, #tpu.memory_space<hbm>> -> memref<1x250xi32, #tpu.memory_space<hbm>>
    tpu.enqueue_dma source(%dma_start3A_45 : memref<1x250xi32, #tpu.memory_space<hbm>>) target(%arg11 : memref<1x250xi32, #tpu.memory_space<vmem>>) target_semaphore(%arg44 : memref<!tpu.dma_semaphore, #tpu.memory_space<semaphore_mem>>)
    %dma_start3A_46 = arith.constant 0 : i32
    %dma_start3A_47 = tpu.memref_slice %arg6[%add3A_41, %dma_start3A_46] : memref<1280x250xi32, #tpu.memory_space<hbm>> -> memref<1x250xi32, #tpu.memory_space<hbm>>
    %dma_start3A_48 = arith.constant 0 : i32
    %dma_start3A_49 = tpu.memref_slice %arg6[%add3A_41, %dma_start3A_48] : memref<1280x250xi32, #tpu.memory_space<hbm>> -> memref<1x250xi32, #tpu.memory_space<hbm>>
    tpu.enqueue_dma source(%dma_start3A_49 : memref<1x250xi32, #tpu.memory_space<hbm>>) target(%arg19 : memref<1x250xi32, #tpu.memory_space<vmem>>) target_semaphore(%arg52 : memref<!tpu.dma_semaphore, #tpu.memory_space<semaphore_mem>>)
    %add3A_50 = arith.constant 3 : i32
    %add3A_51 = arith.addi %select_n3A, %add3A_50 : i32
    %dma_start3A_52 = arith.constant 0 : i32
    %dma_start3A_53 = tpu.memref_slice %arg5[%add3A_51, %dma_start3A_52] : memref<1280x250xi32, #tpu.memory_space<hbm>> -> memref<1x250xi32, #tpu.memory_space<hbm>>
    %dma_start3A_54 = arith.constant 0 : i32
    %dma_start3A_55 = tpu.memref_slice %arg5[%add3A_51, %dma_start3A_54] : memref<1280x250xi32, #tpu.memory_space<hbm>> -> memref<1x250xi32, #tpu.memory_space<hbm>>
    tpu.enqueue_dma source(%dma_start3A_55 : memref<1x250xi32, #tpu.memory_space<hbm>>) target(%arg12 : memref<1x250xi32, #tpu.memory_space<vmem>>) target_semaphore(%arg45 : memref<!tpu.dma_semaphore, #tpu.memory_space<semaphore_mem>>)
    %dma_start3A_56 = arith.constant 0 : i32
    %dma_start3A_57 = tpu.memref_slice %arg6[%add3A_51, %dma_start3A_56] : memref<1280x250xi32, #tpu.memory_space<hbm>> -> memref<1x250xi32, #tpu.memory_space<hbm>>
    %dma_start3A_58 = arith.constant 0 : i32
    %dma_start3A_59 = tpu.memref_slice %arg6[%add3A_51, %dma_start3A_58] : memref<1280x250xi32, #tpu.memory_space<hbm>> -> memref<1x250xi32, #tpu.memory_space<hbm>>
    tpu.enqueue_dma source(%dma_start3A_59 : memref<1x250xi32, #tpu.memory_space<hbm>>) target(%arg20 : memref<1x250xi32, #tpu.memory_space<vmem>>) target_semaphore(%arg53 : memref<!tpu.dma_semaphore, #tpu.memory_space<semaphore_mem>>)
    %add3A_60 = arith.constant 4 : i32
    %add3A_61 = arith.addi %select_n3A, %add3A_60 : i32
    %dma_start3A_62 = arith.constant 0 : i32
    %dma_start3A_63 = tpu.memref_slice %arg5[%add3A_61, %dma_start3A_62] : memref<1280x250xi32, #tpu.memory_space<hbm>> -> memref<1x250xi32, #tpu.memory_space<hbm>>
    %dma_start3A_64 = arith.constant 0 : i32
    %dma_start3A_65 = tpu.memref_slice %arg5[%add3A_61, %dma_start3A_64] : memref<1280x250xi32, #tpu.memory_space<hbm>> -> memref<1x250xi32, #tpu.memory_space<hbm>>
    tpu.enqueue_dma source(%dma_start3A_65 : memref<1x250xi32, #tpu.memory_space<hbm>>) target(%arg13 : memref<1x250xi32, #tpu.memory_space<vmem>>) target_semaphore(%arg46 : memref<!tpu.dma_semaphore, #tpu.memory_space<semaphore_mem>>)
    %dma_start3A_66 = arith.constant 0 : i32
    %dma_start3A_67 = tpu.memref_slice %arg6[%add3A_61, %dma_start3A_66] : memref<1280x250xi32, #tpu.memory_space<hbm>> -> memref<1x250xi32, #tpu.memory_space<hbm>>
    %dma_start3A_68 = arith.constant 0 : i32
    %dma_start3A_69 = tpu.memref_slice %arg6[%add3A_61, %dma_start3A_68] : memref<1280x250xi32, #tpu.memory_space<hbm>> -> memref<1x250xi32, #tpu.memory_space<hbm>>
    tpu.enqueue_dma source(%dma_start3A_69 : memref<1x250xi32, #tpu.memory_space<hbm>>) target(%arg21 : memref<1x250xi32, #tpu.memory_space<vmem>>) target_semaphore(%arg54 : memref<!tpu.dma_semaphore, #tpu.memory_space<semaphore_mem>>)
    %add3A_70 = arith.constant 5 : i32
    %add3A_71 = arith.addi %select_n3A, %add3A_70 : i32
    %dma_start3A_72 = arith.constant 0 : i32
    %dma_start3A_73 = tpu.memref_slice %arg5[%add3A_71, %dma_start3A_72] : memref<1280x250xi32, #tpu.memory_space<hbm>> -> memref<1x250xi32, #tpu.memory_space<hbm>>
    %dma_start3A_74 = arith.constant 0 : i32
    %dma_start3A_75 = tpu.memref_slice %arg5[%add3A_71, %dma_start3A_74] : memref<1280x250xi32, #tpu.memory_space<hbm>> -> memref<1x250xi32, #tpu.memory_space<hbm>>
    tpu.enqueue_dma source(%dma_start3A_75 : memref<1x250xi32, #tpu.memory_space<hbm>>) target(%arg14 : memref<1x250xi32, #tpu.memory_space<vmem>>) target_semaphore(%arg47 : memref<!tpu.dma_semaphore, #tpu.memory_space<semaphore_mem>>)
    %dma_start3A_76 = arith.constant 0 : i32
    %dma_start3A_77 = tpu.memref_slice %arg6[%add3A_71, %dma_start3A_76] : memref<1280x250xi32, #tpu.memory_space<hbm>> -> memref<1x250xi32, #tpu.memory_space<hbm>>
    %dma_start3A_78 = arith.constant 0 : i32
    %dma_start3A_79 = tpu.memref_slice %arg6[%add3A_71, %dma_start3A_78] : memref<1280x250xi32, #tpu.memory_space<hbm>> -> memref<1x250xi32, #tpu.memory_space<hbm>>
    tpu.enqueue_dma source(%dma_start3A_79 : memref<1x250xi32, #tpu.memory_space<hbm>>) target(%arg22 : memref<1x250xi32, #tpu.memory_space<vmem>>) target_semaphore(%arg55 : memref<!tpu.dma_semaphore, #tpu.memory_space<semaphore_mem>>)
    %add3A_80 = arith.constant 6 : i32
    %add3A_81 = arith.addi %select_n3A, %add3A_80 : i32
    %dma_start3A_82 = arith.constant 0 : i32
    %dma_start3A_83 = tpu.memref_slice %arg5[%add3A_81, %dma_start3A_82] : memref<1280x250xi32, #tpu.memory_space<hbm>> -> memref<1x250xi32, #tpu.memory_space<hbm>>
    %dma_start3A_84 = arith.constant 0 : i32
    %dma_start3A_85 = tpu.memref_slice %arg5[%add3A_81, %dma_start3A_84] : memref<1280x250xi32, #tpu.memory_space<hbm>> -> memref<1x250xi32, #tpu.memory_space<hbm>>
    tpu.enqueue_dma source(%dma_start3A_85 : memref<1x250xi32, #tpu.memory_space<hbm>>) target(%arg15 : memref<1x250xi32, #tpu.memory_space<vmem>>) target_semaphore(%arg48 : memref<!tpu.dma_semaphore, #tpu.memory_space<semaphore_mem>>)
    %dma_start3A_86 = arith.constant 0 : i32
    %dma_start3A_87 = tpu.memref_slice %arg6[%add3A_81, %dma_start3A_86] : memref<1280x250xi32, #tpu.memory_space<hbm>> -> memref<1x250xi32, #tpu.memory_space<hbm>>
    %dma_start3A_88 = arith.constant 0 : i32
    %dma_start3A_89 = tpu.memref_slice %arg6[%add3A_81, %dma_start3A_88] : memref<1280x250xi32, #tpu.memory_space<hbm>> -> memref<1x250xi32, #tpu.memory_space<hbm>>
    tpu.enqueue_dma source(%dma_start3A_89 : memref<1x250xi32, #tpu.memory_space<hbm>>) target(%arg23 : memref<1x250xi32, #tpu.memory_space<vmem>>) target_semaphore(%arg56 : memref<!tpu.dma_semaphore, #tpu.memory_space<semaphore_mem>>)
    %add3A_90 = arith.constant 7 : i32
    %add3A_91 = arith.addi %select_n3A, %add3A_90 : i32
    %dma_start3A_92 = arith.constant 0 : i32
    %dma_start3A_93 = tpu.memref_slice %arg5[%add3A_91, %dma_start3A_92] : memref<1280x250xi32, #tpu.memory_space<hbm>> -> memref<1x250xi32, #tpu.memory_space<hbm>>
    %dma_start3A_94 = arith.constant 0 : i32
    %dma_start3A_95 = tpu.memref_slice %arg5[%add3A_91, %dma_start3A_94] : memref<1280x250xi32, #tpu.memory_space<hbm>> -> memref<1x250xi32, #tpu.memory_space<hbm>>
    tpu.enqueue_dma source(%dma_start3A_95 : memref<1x250xi32, #tpu.memory_space<hbm>>) target(%arg16 : memref<1x250xi32, #tpu.memory_space<vmem>>) target_semaphore(%arg49 : memref<!tpu.dma_semaphore, #tpu.memory_space<semaphore_mem>>)
    %dma_start3A_96 = arith.constant 0 : i32
    %dma_start3A_97 = tpu.memref_slice %arg6[%add3A_91, %dma_start3A_96] : memref<1280x250xi32, #tpu.memory_space<hbm>> -> memref<1x250xi32, #tpu.memory_space<hbm>>
    %dma_start3A_98 = arith.constant 0 : i32
    %dma_start3A_99 = tpu.memref_slice %arg6[%add3A_91, %dma_start3A_98] : memref<1280x250xi32, #tpu.memory_space<hbm>> -> memref<1x250xi32, #tpu.memory_space<hbm>>
    tpu.enqueue_dma source(%dma_start3A_99 : memref<1x250xi32, #tpu.memory_space<hbm>>) target(%arg24 : memref<1x250xi32, #tpu.memory_space<vmem>>) target_semaphore(%arg57 : memref<!tpu.dma_semaphore, #tpu.memory_space<semaphore_mem>>)
    %dma_wait3A = arith.constant 0 : i32
    %dma_wait3A_100 = tpu.memref_slice %arg5[%select_n3A, %dma_wait3A] : memref<1280x250xi32, #tpu.memory_space<hbm>> -> memref<1x250xi32, #tpu.memory_space<hbm>>
    %dma_wait3A_101 = arith.constant 0 : i32
    %dma_wait3A_102 = tpu.memref_slice %arg5[%select_n3A, %dma_wait3A_101] : memref<1280x250xi32, #tpu.memory_space<hbm>> -> memref<1x250xi32, #tpu.memory_space<hbm>>
    tpu.wait_dma2 semaphore(%arg42 : memref<!tpu.dma_semaphore, #tpu.memory_space<semaphore_mem>>) src(%dma_wait3A_102 : memref<1x250xi32, #tpu.memory_space<hbm>>) dst(%arg9 : memref<1x250xi32, #tpu.memory_space<vmem>>)
    %dma_wait3A_103 = arith.constant 0 : i32
    %dma_wait3A_104 = tpu.memref_slice %arg6[%select_n3A, %dma_wait3A_103] : memref<1280x250xi32, #tpu.memory_space<hbm>> -> memref<1x250xi32, #tpu.memory_space<hbm>>
    %dma_wait3A_105 = arith.constant 0 : i32
    %dma_wait3A_106 = tpu.memref_slice %arg6[%select_n3A, %dma_wait3A_105] : memref<1280x250xi32, #tpu.memory_space<hbm>> -> memref<1x250xi32, #tpu.memory_space<hbm>>
    tpu.wait_dma2 semaphore(%arg50 : memref<!tpu.dma_semaphore, #tpu.memory_space<semaphore_mem>>) src(%dma_wait3A_106 : memref<1x250xi32, #tpu.memory_space<hbm>>) dst(%arg17 : memref<1x250xi32, #tpu.memory_space<vmem>>)
    %dma_start3A_107 = arith.constant 0 : i32
    %dma_start3A_108 = arith.constant 0 : i32
    %dma_start3A_109 = tpu.memref_slice %arg9[%dma_start3A_107, %dma_start3A_108] : memref<1x250xi32, #tpu.memory_space<vmem>> -> memref<1x250xi32, #tpu.memory_space<vmem>>
    %dma_start3A_110 = tpu.memref_squeeze %dma_start3A_109 : memref<1x250xi32, #tpu.memory_space<vmem>> -> memref<250xi32, #tpu.memory_space<vmem>>
    %dma_start3A_111 = arith.constant 0 : i32
    %dma_start3A_112 = arith.constant 0 : i32
    %dma_start3A_113 = tpu.memref_slice %arg2[%dma_start3A_111, %dma_start3A_112] : memref<10000x128xbf16, #tpu.memory_space<hbm>> -> memref<10000x128xbf16, #tpu.memory_space<hbm>>
    tpu.enqueue_indirect_dma source(%dma_start3A_113 : memref<10000x128xbf16, #tpu.memory_space<hbm>>) target(%arg25 : memref<250x128xbf16, #tpu.memory_space<vmem>>) offsets(%dma_start3A_110 : memref<250xi32, #tpu.memory_space<vmem>>) semaphore(%arg30 : memref<!tpu.dma_semaphore, #tpu.memory_space<semaphore_mem>>)
    %dma_wait3A_114 = arith.constant 0 : i32
    %dma_wait3A_115 = tpu.memref_slice %arg5[%select_n3A, %dma_wait3A_114] : memref<1280x250xi32, #tpu.memory_space<hbm>> -> memref<1x250xi32, #tpu.memory_space<hbm>>
    %dma_wait3A_116 = arith.constant 0 : i32
    %dma_wait3A_117 = tpu.memref_slice %arg5[%select_n3A, %dma_wait3A_116] : memref<1280x250xi32, #tpu.memory_space<hbm>> -> memref<1x250xi32, #tpu.memory_space<hbm>>
    tpu.wait_dma2 semaphore(%arg43 : memref<!tpu.dma_semaphore, #tpu.memory_space<semaphore_mem>>) src(%dma_wait3A_117 : memref<1x250xi32, #tpu.memory_space<hbm>>) dst(%arg10 : memref<1x250xi32, #tpu.memory_space<vmem>>)
    %dma_wait3A_118 = arith.constant 0 : i32
    %dma_wait3A_119 = tpu.memref_slice %arg6[%select_n3A, %dma_wait3A_118] : memref<1280x250xi32, #tpu.memory_space<hbm>> -> memref<1x250xi32, #tpu.memory_space<hbm>>
    %dma_wait3A_120 = arith.constant 0 : i32
    %dma_wait3A_121 = tpu.memref_slice %arg6[%select_n3A, %dma_wait3A_120] : memref<1280x250xi32, #tpu.memory_space<hbm>> -> memref<1x250xi32, #tpu.memory_space<hbm>>
    tpu.wait_dma2 semaphore(%arg51 : memref<!tpu.dma_semaphore, #tpu.memory_space<semaphore_mem>>) src(%dma_wait3A_121 : memref<1x250xi32, #tpu.memory_space<hbm>>) dst(%arg18 : memref<1x250xi32, #tpu.memory_space<vmem>>)
    %dma_start3A_122 = arith.constant 0 : i32
    %dma_start3A_123 = arith.constant 0 : i32
    %dma_start3A_124 = tpu.memref_slice %arg10[%dma_start3A_122, %dma_start3A_123] : memref<1x250xi32, #tpu.memory_space<vmem>> -> memref<1x250xi32, #tpu.memory_space<vmem>>
    %dma_start3A_125 = tpu.memref_squeeze %dma_start3A_124 : memref<1x250xi32, #tpu.memory_space<vmem>> -> memref<250xi32, #tpu.memory_space<vmem>>
    %dma_start3A_126 = arith.constant 0 : i32
    %dma_start3A_127 = arith.constant 0 : i32
    %dma_start3A_128 = tpu.memref_slice %arg2[%dma_start3A_126, %dma_start3A_127] : memref<10000x128xbf16, #tpu.memory_space<hbm>> -> memref<10000x128xbf16, #tpu.memory_space<hbm>>
    tpu.enqueue_indirect_dma source(%dma_start3A_128 : memref<10000x128xbf16, #tpu.memory_space<hbm>>) target(%arg26 : memref<250x128xbf16, #tpu.memory_space<vmem>>) offsets(%dma_start3A_125 : memref<250xi32, #tpu.memory_space<vmem>>) semaphore(%arg31 : memref<!tpu.dma_semaphore, #tpu.memory_space<semaphore_mem>>)
    %dma_wait3A_129 = arith.constant 0 : i32
    %dma_wait3A_130 = tpu.memref_slice %arg5[%select_n3A, %dma_wait3A_129] : memref<1280x250xi32, #tpu.memory_space<hbm>> -> memref<1x250xi32, #tpu.memory_space<hbm>>
    %dma_wait3A_131 = arith.constant 0 : i32
    %dma_wait3A_132 = tpu.memref_slice %arg5[%select_n3A, %dma_wait3A_131] : memref<1280x250xi32, #tpu.memory_space<hbm>> -> memref<1x250xi32, #tpu.memory_space<hbm>>
    tpu.wait_dma2 semaphore(%arg44 : memref<!tpu.dma_semaphore, #tpu.memory_space<semaphore_mem>>) src(%dma_wait3A_132 : memref<1x250xi32, #tpu.memory_space<hbm>>) dst(%arg11 : memref<1x250xi32, #tpu.memory_space<vmem>>)
    %dma_wait3A_133 = arith.constant 0 : i32
    %dma_wait3A_134 = tpu.memref_slice %arg6[%select_n3A, %dma_wait3A_133] : memref<1280x250xi32, #tpu.memory_space<hbm>> -> memref<1x250xi32, #tpu.memory_space<hbm>>
    %dma_wait3A_135 = arith.constant 0 : i32
    %dma_wait3A_136 = tpu.memref_slice %arg6[%select_n3A, %dma_wait3A_135] : memref<1280x250xi32, #tpu.memory_space<hbm>> -> memref<1x250xi32, #tpu.memory_space<hbm>>
    tpu.wait_dma2 semaphore(%arg52 : memref<!tpu.dma_semaphore, #tpu.memory_space<semaphore_mem>>) src(%dma_wait3A_136 : memref<1x250xi32, #tpu.memory_space<hbm>>) dst(%arg19 : memref<1x250xi32, #tpu.memory_space<vmem>>)
    %dma_start3A_137 = arith.constant 0 : i32
    %dma_start3A_138 = arith.constant 0 : i32
    %dma_start3A_139 = tpu.memref_slice %arg11[%dma_start3A_137, %dma_start3A_138] : memref<1x250xi32, #tpu.memory_space<vmem>> -> memref<1x250xi32, #tpu.memory_space<vmem>>
    %dma_start3A_140 = tpu.memref_squeeze %dma_start3A_139 : memref<1x250xi32, #tpu.memory_space<vmem>> -> memref<250xi32, #tpu.memory_space<vmem>>
    %dma_start3A_141 = arith.constant 0 : i32
    %dma_start3A_142 = arith.constant 0 : i32
    %dma_start3A_143 = tpu.memref_slice %arg2[%dma_start3A_141, %dma_start3A_142] : memref<10000x128xbf16, #tpu.memory_space<hbm>> -> memref<10000x128xbf16, #tpu.memory_space<hbm>>
    tpu.enqueue_indirect_dma source(%dma_start3A_143 : memref<10000x128xbf16, #tpu.memory_space<hbm>>) target(%arg27 : memref<250x128xbf16, #tpu.memory_space<vmem>>) offsets(%dma_start3A_140 : memref<250xi32, #tpu.memory_space<vmem>>) semaphore(%arg32 : memref<!tpu.dma_semaphore, #tpu.memory_space<semaphore_mem>>)
    %dma_wait3A_144 = arith.constant 0 : i32
    %dma_wait3A_145 = tpu.memref_slice %arg5[%select_n3A, %dma_wait3A_144] : memref<1280x250xi32, #tpu.memory_space<hbm>> -> memref<1x250xi32, #tpu.memory_space<hbm>>
    %dma_wait3A_146 = arith.constant 0 : i32
    %dma_wait3A_147 = tpu.memref_slice %arg5[%select_n3A, %dma_wait3A_146] : memref<1280x250xi32, #tpu.memory_space<hbm>> -> memref<1x250xi32, #tpu.memory_space<hbm>>
    tpu.wait_dma2 semaphore(%arg45 : memref<!tpu.dma_semaphore, #tpu.memory_space<semaphore_mem>>) src(%dma_wait3A_147 : memref<1x250xi32, #tpu.memory_space<hbm>>) dst(%arg12 : memref<1x250xi32, #tpu.memory_space<vmem>>)
    %dma_wait3A_148 = arith.constant 0 : i32
    %dma_wait3A_149 = tpu.memref_slice %arg6[%select_n3A, %dma_wait3A_148] : memref<1280x250xi32, #tpu.memory_space<hbm>> -> memref<1x250xi32, #tpu.memory_space<hbm>>
    %dma_wait3A_150 = arith.constant 0 : i32
    %dma_wait3A_151 = tpu.memref_slice %arg6[%select_n3A, %dma_wait3A_150] : memref<1280x250xi32, #tpu.memory_space<hbm>> -> memref<1x250xi32, #tpu.memory_space<hbm>>
    tpu.wait_dma2 semaphore(%arg53 : memref<!tpu.dma_semaphore, #tpu.memory_space<semaphore_mem>>) src(%dma_wait3A_151 : memref<1x250xi32, #tpu.memory_space<hbm>>) dst(%arg20 : memref<1x250xi32, #tpu.memory_space<vmem>>)
    %dma_start3A_152 = arith.constant 0 : i32
    %dma_start3A_153 = arith.constant 0 : i32
    %dma_start3A_154 = tpu.memref_slice %arg12[%dma_start3A_152, %dma_start3A_153] : memref<1x250xi32, #tpu.memory_space<vmem>> -> memref<1x250xi32, #tpu.memory_space<vmem>>
    %dma_start3A_155 = tpu.memref_squeeze %dma_start3A_154 : memref<1x250xi32, #tpu.memory_space<vmem>> -> memref<250xi32, #tpu.memory_space<vmem>>
    %dma_start3A_156 = arith.constant 0 : i32
    %dma_start3A_157 = arith.constant 0 : i32
    %dma_start3A_158 = tpu.memref_slice %arg2[%dma_start3A_156, %dma_start3A_157] : memref<10000x128xbf16, #tpu.memory_space<hbm>> -> memref<10000x128xbf16, #tpu.memory_space<hbm>>
    tpu.enqueue_indirect_dma source(%dma_start3A_158 : memref<10000x128xbf16, #tpu.memory_space<hbm>>) target(%arg28 : memref<250x128xbf16, #tpu.memory_space<vmem>>) offsets(%dma_start3A_155 : memref<250xi32, #tpu.memory_space<vmem>>) semaphore(%arg33 : memref<!tpu.dma_semaphore, #tpu.memory_space<semaphore_mem>>)
    %barrier3A = arith.constant 0 : index
    tpu.barrier barrier_id(%barrier3A)
    %scan3A = arith.constant 0 : i32
    %scan3A_159 = arith.constant 5 : i32
    %scan3A_160 = arith.addi %scan3A, %scan3A_159 : i32
    %scan3A_161 = arith.constant 1 : i32
    scf.for %scan3A_482 = %scan3A to %scan3A_160 step %scan3A_161  : i32 {
      %mul3A_483 = arith.constant 8 : i32
      %mul3A_484 = arith.muli %scan3A_482, %mul3A_483 : i32
      %add3A_485 = arith.constant 0 : i32
      %add3A_486 = arith.addi %add3A_485, %mul3A_484 : i32
      %add3A_487 = arith.constant 0 : i32
      %add3A_488 = arith.addi %add3A_486, %add3A_487 : i32
      %dma_wait3A_489 = arith.constant 0 : i32
      %dma_wait3A_490 = arith.constant 0 : i32
      %dma_wait3A_491 = tpu.memref_slice %arg9[%dma_wait3A_489, %dma_wait3A_490] : memref<1x250xi32, #tpu.memory_space<vmem>> -> memref<1x250xi32, #tpu.memory_space<vmem>>
      %dma_wait3A_492 = tpu.memref_squeeze %dma_wait3A_491 : memref<1x250xi32, #tpu.memory_space<vmem>> -> memref<250xi32, #tpu.memory_space<vmem>>
      %dma_wait3A_493 = arith.constant 0 : i32
      %dma_wait3A_494 = arith.constant 0 : i32
      %dma_wait3A_495 = tpu.memref_slice %arg2[%dma_wait3A_493, %dma_wait3A_494] : memref<10000x128xbf16, #tpu.memory_space<hbm>> -> memref<10000x128xbf16, #tpu.memory_space<hbm>>
      tpu.wait_indirect_dma semaphore(%arg30 : memref<!tpu.dma_semaphore, #tpu.memory_space<semaphore_mem>>) src(%dma_wait3A_495 : memref<10000x128xbf16, #tpu.memory_space<hbm>>) dst(%arg25 : memref<250x128xbf16, #tpu.memory_space<vmem>>)
      %dma_start3A_496 = arith.constant 0 : i32
      %dma_start3A_497 = arith.constant 0 : i32
      %dma_start3A_498 = tpu.memref_slice %arg17[%dma_start3A_496, %dma_start3A_497] : memref<1x250xi32, #tpu.memory_space<vmem>> -> memref<1x250xi32, #tpu.memory_space<vmem>>
      %dma_start3A_499 = tpu.memref_squeeze %dma_start3A_498 : memref<1x250xi32, #tpu.memory_space<vmem>> -> memref<250xi32, #tpu.memory_space<vmem>>
      %dma_start3A_500 = arith.constant 0 : i32
      %dma_start3A_501 = arith.constant 0 : i32
      %dma_start3A_502 = tpu.memref_slice %arg29[%dma_start3A_500, %dma_start3A_501] : memref<10000x128xbf16, #tpu.memory_space<vmem_shared>> -> memref<10000x128xbf16, #tpu.memory_space<vmem_shared>>
      tpu.enqueue_indirect_dma source(%arg25 : memref<250x128xbf16, #tpu.memory_space<vmem>>) target(%dma_start3A_502 : memref<10000x128xbf16, #tpu.memory_space<vmem_shared>>) offsets(%dma_start3A_499 : memref<250xi32, #tpu.memory_space<vmem>>) semaphore(%arg34 : memref<!tpu.dma_semaphore, #tpu.memory_space<semaphore_mem>>) {add = true}
      %dma_wait3A_503 = arith.constant 0 : i32
      %dma_wait3A_504 = arith.constant 0 : i32
      %dma_wait3A_505 = tpu.memref_slice %arg17[%dma_wait3A_503, %dma_wait3A_504] : memref<1x250xi32, #tpu.memory_space<vmem>> -> memref<1x250xi32, #tpu.memory_space<vmem>>
      %dma_wait3A_506 = tpu.memref_squeeze %dma_wait3A_505 : memref<1x250xi32, #tpu.memory_space<vmem>> -> memref<250xi32, #tpu.memory_space<vmem>>
      %dma_wait3A_507 = arith.constant 0 : i32
      %dma_wait3A_508 = arith.constant 0 : i32
      %dma_wait3A_509 = tpu.memref_slice %arg29[%dma_wait3A_507, %dma_wait3A_508] : memref<10000x128xbf16, #tpu.memory_space<vmem_shared>> -> memref<10000x128xbf16, #tpu.memory_space<vmem_shared>>
      tpu.wait_indirect_dma semaphore(%arg34 : memref<!tpu.dma_semaphore, #tpu.memory_space<semaphore_mem>>) src(%arg25 : memref<250x128xbf16, #tpu.memory_space<vmem>>) dst(%dma_wait3A_509 : memref<10000x128xbf16, #tpu.memory_space<vmem_shared>>)
      %add3A_510 = arith.constant 8 : i32
      %add3A_511 = arith.addi %add3A_488, %add3A_510 : i32
      %lt3A = arith.constant 40 : i32
      %lt3A_512 = arith.cmpi slt, %add3A_511, %lt3A : i32
      %convert_element_type3A = arith.extui %lt3A_512 : i1 to i32
      %cond3A = arith.constant 0 : i32
      %cond3A_513 = arith.cmpi ne, %convert_element_type3A, %cond3A : i32
      scf.if %cond3A_513 {
        %add3A_780 = arith.addi %select_n3A, %add3A_488 : i32
        %add3A_781 = arith.constant 8 : i32
        %add3A_782 = arith.addi %add3A_780, %add3A_781 : i32
        %dma_start3A_783 = arith.constant 0 : i32
        %dma_start3A_784 = tpu.memref_slice %arg5[%add3A_782, %dma_start3A_783] : memref<1280x250xi32, #tpu.memory_space<hbm>> -> memref<1x250xi32, #tpu.memory_space<hbm>>
        %dma_start3A_785 = arith.constant 0 : i32
        %dma_start3A_786 = tpu.memref_slice %arg5[%add3A_782, %dma_start3A_785] : memref<1280x250xi32, #tpu.memory_space<hbm>> -> memref<1x250xi32, #tpu.memory_space<hbm>>
        tpu.enqueue_dma source(%dma_start3A_786 : memref<1x250xi32, #tpu.memory_space<hbm>>) target(%arg9 : memref<1x250xi32, #tpu.memory_space<vmem>>) target_semaphore(%arg42 : memref<!tpu.dma_semaphore, #tpu.memory_space<semaphore_mem>>)
        %dma_start3A_787 = arith.constant 0 : i32
        %dma_start3A_788 = tpu.memref_slice %arg6[%add3A_782, %dma_start3A_787] : memref<1280x250xi32, #tpu.memory_space<hbm>> -> memref<1x250xi32, #tpu.memory_space<hbm>>
        %dma_start3A_789 = arith.constant 0 : i32
        %dma_start3A_790 = tpu.memref_slice %arg6[%add3A_782, %dma_start3A_789] : memref<1280x250xi32, #tpu.memory_space<hbm>> -> memref<1x250xi32, #tpu.memory_space<hbm>>
        tpu.enqueue_dma source(%dma_start3A_790 : memref<1x250xi32, #tpu.memory_space<hbm>>) target(%arg17 : memref<1x250xi32, #tpu.memory_space<vmem>>) target_semaphore(%arg50 : memref<!tpu.dma_semaphore, #tpu.memory_space<semaphore_mem>>)
      } else {
      }
      %add3A_514 = arith.constant 4 : i32
      %add3A_515 = arith.addi %add3A_488, %add3A_514 : i32
      %lt3A_516 = arith.constant 40 : i32
      %lt3A_517 = arith.cmpi slt, %add3A_515, %lt3A_516 : i32
      %convert_element_type3A_518 = arith.extui %lt3A_517 : i1 to i32
      %cond3A_519 = arith.constant 0 : i32
      %cond3A_520 = arith.cmpi ne, %convert_element_type3A_518, %cond3A_519 : i32
      scf.if %cond3A_520 {
        %dma_wait3A_780 = arith.constant 0 : i32
        %dma_wait3A_781 = tpu.memref_slice %arg5[%select_n3A, %dma_wait3A_780] : memref<1280x250xi32, #tpu.memory_space<hbm>> -> memref<1x250xi32, #tpu.memory_space<hbm>>
        %dma_wait3A_782 = arith.constant 0 : i32
        %dma_wait3A_783 = tpu.memref_slice %arg5[%select_n3A, %dma_wait3A_782] : memref<1280x250xi32, #tpu.memory_space<hbm>> -> memref<1x250xi32, #tpu.memory_space<hbm>>
        tpu.wait_dma2 semaphore(%arg46 : memref<!tpu.dma_semaphore, #tpu.memory_space<semaphore_mem>>) src(%dma_wait3A_783 : memref<1x250xi32, #tpu.memory_space<hbm>>) dst(%arg13 : memref<1x250xi32, #tpu.memory_space<vmem>>)
        %dma_wait3A_784 = arith.constant 0 : i32
        %dma_wait3A_785 = tpu.memref_slice %arg6[%select_n3A, %dma_wait3A_784] : memref<1280x250xi32, #tpu.memory_space<hbm>> -> memref<1x250xi32, #tpu.memory_space<hbm>>
        %dma_wait3A_786 = arith.constant 0 : i32
        %dma_wait3A_787 = tpu.memref_slice %arg6[%select_n3A, %dma_wait3A_786] : memref<1280x250xi32, #tpu.memory_space<hbm>> -> memref<1x250xi32, #tpu.memory_space<hbm>>
        tpu.wait_dma2 semaphore(%arg54 : memref<!tpu.dma_semaphore, #tpu.memory_space<semaphore_mem>>) src(%dma_wait3A_787 : memref<1x250xi32, #tpu.memory_space<hbm>>) dst(%arg21 : memref<1x250xi32, #tpu.memory_space<vmem>>)
        %dma_start3A_788 = arith.constant 0 : i32
        %dma_start3A_789 = arith.constant 0 : i32
        %dma_start3A_790 = tpu.memref_slice %arg13[%dma_start3A_788, %dma_start3A_789] : memref<1x250xi32, #tpu.memory_space<vmem>> -> memref<1x250xi32, #tpu.memory_space<vmem>>
        %dma_start3A_791 = tpu.memref_squeeze %dma_start3A_790 : memref<1x250xi32, #tpu.memory_space<vmem>> -> memref<250xi32, #tpu.memory_space<vmem>>
        %dma_start3A_792 = arith.constant 0 : i32
        %dma_start3A_793 = arith.constant 0 : i32
        %dma_start3A_794 = tpu.memref_slice %arg2[%dma_start3A_792, %dma_start3A_793] : memref<10000x128xbf16, #tpu.memory_space<hbm>> -> memref<10000x128xbf16, #tpu.memory_space<hbm>>
        tpu.enqueue_indirect_dma source(%dma_start3A_794 : memref<10000x128xbf16, #tpu.memory_space<hbm>>) target(%arg25 : memref<250x128xbf16, #tpu.memory_space<vmem>>) offsets(%dma_start3A_791 : memref<250xi32, #tpu.memory_space<vmem>>) semaphore(%arg30 : memref<!tpu.dma_semaphore, #tpu.memory_space<semaphore_mem>>)
      } else {
      }
      %add3A_521 = arith.constant 1 : i32
      %add3A_522 = arith.addi %add3A_486, %add3A_521 : i32
      %dma_wait3A_523 = arith.constant 0 : i32
      %dma_wait3A_524 = arith.constant 0 : i32
      %dma_wait3A_525 = tpu.memref_slice %arg10[%dma_wait3A_523, %dma_wait3A_524] : memref<1x250xi32, #tpu.memory_space<vmem>> -> memref<1x250xi32, #tpu.memory_space<vmem>>
      %dma_wait3A_526 = tpu.memref_squeeze %dma_wait3A_525 : memref<1x250xi32, #tpu.memory_space<vmem>> -> memref<250xi32, #tpu.memory_space<vmem>>
      %dma_wait3A_527 = arith.constant 0 : i32
      %dma_wait3A_528 = arith.constant 0 : i32
      %dma_wait3A_529 = tpu.memref_slice %arg2[%dma_wait3A_527, %dma_wait3A_528] : memref<10000x128xbf16, #tpu.memory_space<hbm>> -> memref<10000x128xbf16, #tpu.memory_space<hbm>>
      tpu.wait_indirect_dma semaphore(%arg31 : memref<!tpu.dma_semaphore, #tpu.memory_space<semaphore_mem>>) src(%dma_wait3A_529 : memref<10000x128xbf16, #tpu.memory_space<hbm>>) dst(%arg26 : memref<250x128xbf16, #tpu.memory_space<vmem>>)
      %dma_start3A_530 = arith.constant 0 : i32
      %dma_start3A_531 = arith.constant 0 : i32
      %dma_start3A_532 = tpu.memref_slice %arg18[%dma_start3A_530, %dma_start3A_531] : memref<1x250xi32, #tpu.memory_space<vmem>> -> memref<1x250xi32, #tpu.memory_space<vmem>>
      %dma_start3A_533 = tpu.memref_squeeze %dma_start3A_532 : memref<1x250xi32, #tpu.memory_space<vmem>> -> memref<250xi32, #tpu.memory_space<vmem>>
      %dma_start3A_534 = arith.constant 0 : i32
      %dma_start3A_535 = arith.constant 0 : i32
      %dma_start3A_536 = tpu.memref_slice %arg29[%dma_start3A_534, %dma_start3A_535] : memref<10000x128xbf16, #tpu.memory_space<vmem_shared>> -> memref<10000x128xbf16, #tpu.memory_space<vmem_shared>>
      tpu.enqueue_indirect_dma source(%arg26 : memref<250x128xbf16, #tpu.memory_space<vmem>>) target(%dma_start3A_536 : memref<10000x128xbf16, #tpu.memory_space<vmem_shared>>) offsets(%dma_start3A_533 : memref<250xi32, #tpu.memory_space<vmem>>) semaphore(%arg35 : memref<!tpu.dma_semaphore, #tpu.memory_space<semaphore_mem>>) {add = true}
      %dma_wait3A_537 = arith.constant 0 : i32
      %dma_wait3A_538 = arith.constant 0 : i32
      %dma_wait3A_539 = tpu.memref_slice %arg18[%dma_wait3A_537, %dma_wait3A_538] : memref<1x250xi32, #tpu.memory_space<vmem>> -> memref<1x250xi32, #tpu.memory_space<vmem>>
      %dma_wait3A_540 = tpu.memref_squeeze %dma_wait3A_539 : memref<1x250xi32, #tpu.memory_space<vmem>> -> memref<250xi32, #tpu.memory_space<vmem>>
      %dma_wait3A_541 = arith.constant 0 : i32
      %dma_wait3A_542 = arith.constant 0 : i32
      %dma_wait3A_543 = tpu.memref_slice %arg29[%dma_wait3A_541, %dma_wait3A_542] : memref<10000x128xbf16, #tpu.memory_space<vmem_shared>> -> memref<10000x128xbf16, #tpu.memory_space<vmem_shared>>
      tpu.wait_indirect_dma semaphore(%arg35 : memref<!tpu.dma_semaphore, #tpu.memory_space<semaphore_mem>>) src(%arg26 : memref<250x128xbf16, #tpu.memory_space<vmem>>) dst(%dma_wait3A_543 : memref<10000x128xbf16, #tpu.memory_space<vmem_shared>>)
      %add3A_544 = arith.constant 8 : i32
      %add3A_545 = arith.addi %add3A_522, %add3A_544 : i32
      %lt3A_546 = arith.constant 40 : i32
      %lt3A_547 = arith.cmpi slt, %add3A_545, %lt3A_546 : i32
      %convert_element_type3A_548 = arith.extui %lt3A_547 : i1 to i32
      %cond3A_549 = arith.constant 0 : i32
      %cond3A_550 = arith.cmpi ne, %convert_element_type3A_548, %cond3A_549 : i32
      scf.if %cond3A_550 {
        %add3A_780 = arith.addi %select_n3A, %add3A_522 : i32
        %add3A_781 = arith.constant 8 : i32
        %add3A_782 = arith.addi %add3A_780, %add3A_781 : i32
        %dma_start3A_783 = arith.constant 0 : i32
        %dma_start3A_784 = tpu.memref_slice %arg5[%add3A_782, %dma_start3A_783] : memref<1280x250xi32, #tpu.memory_space<hbm>> -> memref<1x250xi32, #tpu.memory_space<hbm>>
        %dma_start3A_785 = arith.constant 0 : i32
        %dma_start3A_786 = tpu.memref_slice %arg5[%add3A_782, %dma_start3A_785] : memref<1280x250xi32, #tpu.memory_space<hbm>> -> memref<1x250xi32, #tpu.memory_space<hbm>>
        tpu.enqueue_dma source(%dma_start3A_786 : memref<1x250xi32, #tpu.memory_space<hbm>>) target(%arg10 : memref<1x250xi32, #tpu.memory_space<vmem>>) target_semaphore(%arg43 : memref<!tpu.dma_semaphore, #tpu.memory_space<semaphore_mem>>)
        %dma_start3A_787 = arith.constant 0 : i32
        %dma_start3A_788 = tpu.memref_slice %arg6[%add3A_782, %dma_start3A_787] : memref<1280x250xi32, #tpu.memory_space<hbm>> -> memref<1x250xi32, #tpu.memory_space<hbm>>
        %dma_start3A_789 = arith.constant 0 : i32
        %dma_start3A_790 = tpu.memref_slice %arg6[%add3A_782, %dma_start3A_789] : memref<1280x250xi32, #tpu.memory_space<hbm>> -> memref<1x250xi32, #tpu.memory_space<hbm>>
        tpu.enqueue_dma source(%dma_start3A_790 : memref<1x250xi32, #tpu.memory_space<hbm>>) target(%arg18 : memref<1x250xi32, #tpu.memory_space<vmem>>) target_semaphore(%arg51 : memref<!tpu.dma_semaphore, #tpu.memory_space<semaphore_mem>>)
      } else {
      }
      %add3A_551 = arith.constant 4 : i32
      %add3A_552 = arith.addi %add3A_522, %add3A_551 : i32
      %lt3A_553 = arith.constant 40 : i32
      %lt3A_554 = arith.cmpi slt, %add3A_552, %lt3A_553 : i32
      %convert_element_type3A_555 = arith.extui %lt3A_554 : i1 to i32
      %cond3A_556 = arith.constant 0 : i32
      %cond3A_557 = arith.cmpi ne, %convert_element_type3A_555, %cond3A_556 : i32
      scf.if %cond3A_557 {
        %dma_wait3A_780 = arith.constant 0 : i32
        %dma_wait3A_781 = tpu.memref_slice %arg5[%select_n3A, %dma_wait3A_780] : memref<1280x250xi32, #tpu.memory_space<hbm>> -> memref<1x250xi32, #tpu.memory_space<hbm>>
        %dma_wait3A_782 = arith.constant 0 : i32
        %dma_wait3A_783 = tpu.memref_slice %arg5[%select_n3A, %dma_wait3A_782] : memref<1280x250xi32, #tpu.memory_space<hbm>> -> memref<1x250xi32, #tpu.memory_space<hbm>>
        tpu.wait_dma2 semaphore(%arg47 : memref<!tpu.dma_semaphore, #tpu.memory_space<semaphore_mem>>) src(%dma_wait3A_783 : memref<1x250xi32, #tpu.memory_space<hbm>>) dst(%arg14 : memref<1x250xi32, #tpu.memory_space<vmem>>)
        %dma_wait3A_784 = arith.constant 0 : i32
        %dma_wait3A_785 = tpu.memref_slice %arg6[%select_n3A, %dma_wait3A_784] : memref<1280x250xi32, #tpu.memory_space<hbm>> -> memref<1x250xi32, #tpu.memory_space<hbm>>
        %dma_wait3A_786 = arith.constant 0 : i32
        %dma_wait3A_787 = tpu.memref_slice %arg6[%select_n3A, %dma_wait3A_786] : memref<1280x250xi32, #tpu.memory_space<hbm>> -> memref<1x250xi32, #tpu.memory_space<hbm>>
        tpu.wait_dma2 semaphore(%arg55 : memref<!tpu.dma_semaphore, #tpu.memory_space<semaphore_mem>>) src(%dma_wait3A_787 : memref<1x250xi32, #tpu.memory_space<hbm>>) dst(%arg22 : memref<1x250xi32, #tpu.memory_space<vmem>>)
        %dma_start3A_788 = arith.constant 0 : i32
        %dma_start3A_789 = arith.constant 0 : i32
        %dma_start3A_790 = tpu.memref_slice %arg14[%dma_start3A_788, %dma_start3A_789] : memref<1x250xi32, #tpu.memory_space<vmem>> -> memref<1x250xi32, #tpu.memory_space<vmem>>
        %dma_start3A_791 = tpu.memref_squeeze %dma_start3A_790 : memref<1x250xi32, #tpu.memory_space<vmem>> -> memref<250xi32, #tpu.memory_space<vmem>>
        %dma_start3A_792 = arith.constant 0 : i32
        %dma_start3A_793 = arith.constant 0 : i32
        %dma_start3A_794 = tpu.memref_slice %arg2[%dma_start3A_792, %dma_start3A_793] : memref<10000x128xbf16, #tpu.memory_space<hbm>> -> memref<10000x128xbf16, #tpu.memory_space<hbm>>
        tpu.enqueue_indirect_dma source(%dma_start3A_794 : memref<10000x128xbf16, #tpu.memory_space<hbm>>) target(%arg26 : memref<250x128xbf16, #tpu.memory_space<vmem>>) offsets(%dma_start3A_791 : memref<250xi32, #tpu.memory_space<vmem>>) semaphore(%arg31 : memref<!tpu.dma_semaphore, #tpu.memory_space<semaphore_mem>>)
      } else {
      }
      %add3A_558 = arith.constant 2 : i32
      %add3A_559 = arith.addi %add3A_486, %add3A_558 : i32
      %dma_wait3A_560 = arith.constant 0 : i32
      %dma_wait3A_561 = arith.constant 0 : i32
      %dma_wait3A_562 = tpu.memref_slice %arg11[%dma_wait3A_560, %dma_wait3A_561] : memref<1x250xi32, #tpu.memory_space<vmem>> -> memref<1x250xi32, #tpu.memory_space<vmem>>
      %dma_wait3A_563 = tpu.memref_squeeze %dma_wait3A_562 : memref<1x250xi32, #tpu.memory_space<vmem>> -> memref<250xi32, #tpu.memory_space<vmem>>
      %dma_wait3A_564 = arith.constant 0 : i32
      %dma_wait3A_565 = arith.constant 0 : i32
      %dma_wait3A_566 = tpu.memref_slice %arg2[%dma_wait3A_564, %dma_wait3A_565] : memref<10000x128xbf16, #tpu.memory_space<hbm>> -> memref<10000x128xbf16, #tpu.memory_space<hbm>>
      tpu.wait_indirect_dma semaphore(%arg32 : memref<!tpu.dma_semaphore, #tpu.memory_space<semaphore_mem>>) src(%dma_wait3A_566 : memref<10000x128xbf16, #tpu.memory_space<hbm>>) dst(%arg27 : memref<250x128xbf16, #tpu.memory_space<vmem>>)
      %dma_start3A_567 = arith.constant 0 : i32
      %dma_start3A_568 = arith.constant 0 : i32
      %dma_start3A_569 = tpu.memref_slice %arg19[%dma_start3A_567, %dma_start3A_568] : memref<1x250xi32, #tpu.memory_space<vmem>> -> memref<1x250xi32, #tpu.memory_space<vmem>>
      %dma_start3A_570 = tpu.memref_squeeze %dma_start3A_569 : memref<1x250xi32, #tpu.memory_space<vmem>> -> memref<250xi32, #tpu.memory_space<vmem>>
      %dma_start3A_571 = arith.constant 0 : i32
      %dma_start3A_572 = arith.constant 0 : i32
      %dma_start3A_573 = tpu.memref_slice %arg29[%dma_start3A_571, %dma_start3A_572] : memref<10000x128xbf16, #tpu.memory_space<vmem_shared>> -> memref<10000x128xbf16, #tpu.memory_space<vmem_shared>>
      tpu.enqueue_indirect_dma source(%arg27 : memref<250x128xbf16, #tpu.memory_space<vmem>>) target(%dma_start3A_573 : memref<10000x128xbf16, #tpu.memory_space<vmem_shared>>) offsets(%dma_start3A_570 : memref<250xi32, #tpu.memory_space<vmem>>) semaphore(%arg36 : memref<!tpu.dma_semaphore, #tpu.memory_space<semaphore_mem>>) {add = true}
      %dma_wait3A_574 = arith.constant 0 : i32
      %dma_wait3A_575 = arith.constant 0 : i32
      %dma_wait3A_576 = tpu.memref_slice %arg19[%dma_wait3A_574, %dma_wait3A_575] : memref<1x250xi32, #tpu.memory_space<vmem>> -> memref<1x250xi32, #tpu.memory_space<vmem>>
      %dma_wait3A_577 = tpu.memref_squeeze %dma_wait3A_576 : memref<1x250xi32, #tpu.memory_space<vmem>> -> memref<250xi32, #tpu.memory_space<vmem>>
      %dma_wait3A_578 = arith.constant 0 : i32
      %dma_wait3A_579 = arith.constant 0 : i32
      %dma_wait3A_580 = tpu.memref_slice %arg29[%dma_wait3A_578, %dma_wait3A_579] : memref<10000x128xbf16, #tpu.memory_space<vmem_shared>> -> memref<10000x128xbf16, #tpu.memory_space<vmem_shared>>
      tpu.wait_indirect_dma semaphore(%arg36 : memref<!tpu.dma_semaphore, #tpu.memory_space<semaphore_mem>>) src(%arg27 : memref<250x128xbf16, #tpu.memory_space<vmem>>) dst(%dma_wait3A_580 : memref<10000x128xbf16, #tpu.memory_space<vmem_shared>>)
      %add3A_581 = arith.constant 8 : i32
      %add3A_582 = arith.addi %add3A_559, %add3A_581 : i32
      %lt3A_583 = arith.constant 40 : i32
      %lt3A_584 = arith.cmpi slt, %add3A_582, %lt3A_583 : i32
      %convert_element_type3A_585 = arith.extui %lt3A_584 : i1 to i32
      %cond3A_586 = arith.constant 0 : i32
      %cond3A_587 = arith.cmpi ne, %convert_element_type3A_585, %cond3A_586 : i32
      scf.if %cond3A_587 {
        %add3A_780 = arith.addi %select_n3A, %add3A_559 : i32
        %add3A_781 = arith.constant 8 : i32
        %add3A_782 = arith.addi %add3A_780, %add3A_781 : i32
        %dma_start3A_783 = arith.constant 0 : i32
        %dma_start3A_784 = tpu.memref_slice %arg5[%add3A_782, %dma_start3A_783] : memref<1280x250xi32, #tpu.memory_space<hbm>> -> memref<1x250xi32, #tpu.memory_space<hbm>>
        %dma_start3A_785 = arith.constant 0 : i32
        %dma_start3A_786 = tpu.memref_slice %arg5[%add3A_782, %dma_start3A_785] : memref<1280x250xi32, #tpu.memory_space<hbm>> -> memref<1x250xi32, #tpu.memory_space<hbm>>
        tpu.enqueue_dma source(%dma_start3A_786 : memref<1x250xi32, #tpu.memory_space<hbm>>) target(%arg11 : memref<1x250xi32, #tpu.memory_space<vmem>>) target_semaphore(%arg44 : memref<!tpu.dma_semaphore, #tpu.memory_space<semaphore_mem>>)
        %dma_start3A_787 = arith.constant 0 : i32
        %dma_start3A_788 = tpu.memref_slice %arg6[%add3A_782, %dma_start3A_787] : memref<1280x250xi32, #tpu.memory_space<hbm>> -> memref<1x250xi32, #tpu.memory_space<hbm>>
        %dma_start3A_789 = arith.constant 0 : i32
        %dma_start3A_790 = tpu.memref_slice %arg6[%add3A_782, %dma_start3A_789] : memref<1280x250xi32, #tpu.memory_space<hbm>> -> memref<1x250xi32, #tpu.memory_space<hbm>>
        tpu.enqueue_dma source(%dma_start3A_790 : memref<1x250xi32, #tpu.memory_space<hbm>>) target(%arg19 : memref<1x250xi32, #tpu.memory_space<vmem>>) target_semaphore(%arg52 : memref<!tpu.dma_semaphore, #tpu.memory_space<semaphore_mem>>)
      } else {
      }
      %add3A_588 = arith.constant 4 : i32
      %add3A_589 = arith.addi %add3A_559, %add3A_588 : i32
      %lt3A_590 = arith.constant 40 : i32
      %lt3A_591 = arith.cmpi slt, %add3A_589, %lt3A_590 : i32
      %convert_element_type3A_592 = arith.extui %lt3A_591 : i1 to i32
      %cond3A_593 = arith.constant 0 : i32
      %cond3A_594 = arith.cmpi ne, %convert_element_type3A_592, %cond3A_593 : i32
      scf.if %cond3A_594 {
        %dma_wait3A_780 = arith.constant 0 : i32
        %dma_wait3A_781 = tpu.memref_slice %arg5[%select_n3A, %dma_wait3A_780] : memref<1280x250xi32, #tpu.memory_space<hbm>> -> memref<1x250xi32, #tpu.memory_space<hbm>>
        %dma_wait3A_782 = arith.constant 0 : i32
        %dma_wait3A_783 = tpu.memref_slice %arg5[%select_n3A, %dma_wait3A_782] : memref<1280x250xi32, #tpu.memory_space<hbm>> -> memref<1x250xi32, #tpu.memory_space<hbm>>
        tpu.wait_dma2 semaphore(%arg48 : memref<!tpu.dma_semaphore, #tpu.memory_space<semaphore_mem>>) src(%dma_wait3A_783 : memref<1x250xi32, #tpu.memory_space<hbm>>) dst(%arg15 : memref<1x250xi32, #tpu.memory_space<vmem>>)
        %dma_wait3A_784 = arith.constant 0 : i32
        %dma_wait3A_785 = tpu.memref_slice %arg6[%select_n3A, %dma_wait3A_784] : memref<1280x250xi32, #tpu.memory_space<hbm>> -> memref<1x250xi32, #tpu.memory_space<hbm>>
        %dma_wait3A_786 = arith.constant 0 : i32
        %dma_wait3A_787 = tpu.memref_slice %arg6[%select_n3A, %dma_wait3A_786] : memref<1280x250xi32, #tpu.memory_space<hbm>> -> memref<1x250xi32, #tpu.memory_space<hbm>>
        tpu.wait_dma2 semaphore(%arg56 : memref<!tpu.dma_semaphore, #tpu.memory_space<semaphore_mem>>) src(%dma_wait3A_787 : memref<1x250xi32, #tpu.memory_space<hbm>>) dst(%arg23 : memref<1x250xi32, #tpu.memory_space<vmem>>)
        %dma_start3A_788 = arith.constant 0 : i32
        %dma_start3A_789 = arith.constant 0 : i32
        %dma_start3A_790 = tpu.memref_slice %arg15[%dma_start3A_788, %dma_start3A_789] : memref<1x250xi32, #tpu.memory_space<vmem>> -> memref<1x250xi32, #tpu.memory_space<vmem>>
        %dma_start3A_791 = tpu.memref_squeeze %dma_start3A_790 : memref<1x250xi32, #tpu.memory_space<vmem>> -> memref<250xi32, #tpu.memory_space<vmem>>
        %dma_start3A_792 = arith.constant 0 : i32
        %dma_start3A_793 = arith.constant 0 : i32
        %dma_start3A_794 = tpu.memref_slice %arg2[%dma_start3A_792, %dma_start3A_793] : memref<10000x128xbf16, #tpu.memory_space<hbm>> -> memref<10000x128xbf16, #tpu.memory_space<hbm>>
        tpu.enqueue_indirect_dma source(%dma_start3A_794 : memref<10000x128xbf16, #tpu.memory_space<hbm>>) target(%arg27 : memref<250x128xbf16, #tpu.memory_space<vmem>>) offsets(%dma_start3A_791 : memref<250xi32, #tpu.memory_space<vmem>>) semaphore(%arg32 : memref<!tpu.dma_semaphore, #tpu.memory_space<semaphore_mem>>)
      } else {
      }
      %add3A_595 = arith.constant 3 : i32
      %add3A_596 = arith.addi %add3A_486, %add3A_595 : i32
      %dma_wait3A_597 = arith.constant 0 : i32
      %dma_wait3A_598 = arith.constant 0 : i32
      %dma_wait3A_599 = tpu.memref_slice %arg12[%dma_wait3A_597, %dma_wait3A_598] : memref<1x250xi32, #tpu.memory_space<vmem>> -> memref<1x250xi32, #tpu.memory_space<vmem>>
      %dma_wait3A_600 = tpu.memref_squeeze %dma_wait3A_599 : memref<1x250xi32, #tpu.memory_space<vmem>> -> memref<250xi32, #tpu.memory_space<vmem>>
      %dma_wait3A_601 = arith.constant 0 : i32
      %dma_wait3A_602 = arith.constant 0 : i32
      %dma_wait3A_603 = tpu.memref_slice %arg2[%dma_wait3A_601, %dma_wait3A_602] : memref<10000x128xbf16, #tpu.memory_space<hbm>> -> memref<10000x128xbf16, #tpu.memory_space<hbm>>
      tpu.wait_indirect_dma semaphore(%arg33 : memref<!tpu.dma_semaphore, #tpu.memory_space<semaphore_mem>>) src(%dma_wait3A_603 : memref<10000x128xbf16, #tpu.memory_space<hbm>>) dst(%arg28 : memref<250x128xbf16, #tpu.memory_space<vmem>>)
      %dma_start3A_604 = arith.constant 0 : i32
      %dma_start3A_605 = arith.constant 0 : i32
      %dma_start3A_606 = tpu.memref_slice %arg20[%dma_start3A_604, %dma_start3A_605] : memref<1x250xi32, #tpu.memory_space<vmem>> -> memref<1x250xi32, #tpu.memory_space<vmem>>
      %dma_start3A_607 = tpu.memref_squeeze %dma_start3A_606 : memref<1x250xi32, #tpu.memory_space<vmem>> -> memref<250xi32, #tpu.memory_space<vmem>>
      %dma_start3A_608 = arith.constant 0 : i32
      %dma_start3A_609 = arith.constant 0 : i32
      %dma_start3A_610 = tpu.memref_slice %arg29[%dma_start3A_608, %dma_start3A_609] : memref<10000x128xbf16, #tpu.memory_space<vmem_shared>> -> memref<10000x128xbf16, #tpu.memory_space<vmem_shared>>
      tpu.enqueue_indirect_dma source(%arg28 : memref<250x128xbf16, #tpu.memory_space<vmem>>) target(%dma_start3A_610 : memref<10000x128xbf16, #tpu.memory_space<vmem_shared>>) offsets(%dma_start3A_607 : memref<250xi32, #tpu.memory_space<vmem>>) semaphore(%arg37 : memref<!tpu.dma_semaphore, #tpu.memory_space<semaphore_mem>>) {add = true}
      %dma_wait3A_611 = arith.constant 0 : i32
      %dma_wait3A_612 = arith.constant 0 : i32
      %dma_wait3A_613 = tpu.memref_slice %arg20[%dma_wait3A_611, %dma_wait3A_612] : memref<1x250xi32, #tpu.memory_space<vmem>> -> memref<1x250xi32, #tpu.memory_space<vmem>>
      %dma_wait3A_614 = tpu.memref_squeeze %dma_wait3A_613 : memref<1x250xi32, #tpu.memory_space<vmem>> -> memref<250xi32, #tpu.memory_space<vmem>>
      %dma_wait3A_615 = arith.constant 0 : i32
      %dma_wait3A_616 = arith.constant 0 : i32
      %dma_wait3A_617 = tpu.memref_slice %arg29[%dma_wait3A_615, %dma_wait3A_616] : memref<10000x128xbf16, #tpu.memory_space<vmem_shared>> -> memref<10000x128xbf16, #tpu.memory_space<vmem_shared>>
      tpu.wait_indirect_dma semaphore(%arg37 : memref<!tpu.dma_semaphore, #tpu.memory_space<semaphore_mem>>) src(%arg28 : memref<250x128xbf16, #tpu.memory_space<vmem>>) dst(%dma_wait3A_617 : memref<10000x128xbf16, #tpu.memory_space<vmem_shared>>)
      %add3A_618 = arith.constant 8 : i32
      %add3A_619 = arith.addi %add3A_596, %add3A_618 : i32
      %lt3A_620 = arith.constant 40 : i32
      %lt3A_621 = arith.cmpi slt, %add3A_619, %lt3A_620 : i32
      %convert_element_type3A_622 = arith.extui %lt3A_621 : i1 to i32
      %cond3A_623 = arith.constant 0 : i32
      %cond3A_624 = arith.cmpi ne, %convert_element_type3A_622, %cond3A_623 : i32
      scf.if %cond3A_624 {
        %add3A_780 = arith.addi %select_n3A, %add3A_596 : i32
        %add3A_781 = arith.constant 8 : i32
        %add3A_782 = arith.addi %add3A_780, %add3A_781 : i32
        %dma_start3A_783 = arith.constant 0 : i32
        %dma_start3A_784 = tpu.memref_slice %arg5[%add3A_782, %dma_start3A_783] : memref<1280x250xi32, #tpu.memory_space<hbm>> -> memref<1x250xi32, #tpu.memory_space<hbm>>
        %dma_start3A_785 = arith.constant 0 : i32
        %dma_start3A_786 = tpu.memref_slice %arg5[%add3A_782, %dma_start3A_785] : memref<1280x250xi32, #tpu.memory_space<hbm>> -> memref<1x250xi32, #tpu.memory_space<hbm>>
        tpu.enqueue_dma source(%dma_start3A_786 : memref<1x250xi32, #tpu.memory_space<hbm>>) target(%arg12 : memref<1x250xi32, #tpu.memory_space<vmem>>) target_semaphore(%arg45 : memref<!tpu.dma_semaphore, #tpu.memory_space<semaphore_mem>>)
        %dma_start3A_787 = arith.constant 0 : i32
        %dma_start3A_788 = tpu.memref_slice %arg6[%add3A_782, %dma_start3A_787] : memref<1280x250xi32, #tpu.memory_space<hbm>> -> memref<1x250xi32, #tpu.memory_space<hbm>>
        %dma_start3A_789 = arith.constant 0 : i32
        %dma_start3A_790 = tpu.memref_slice %arg6[%add3A_782, %dma_start3A_789] : memref<1280x250xi32, #tpu.memory_space<hbm>> -> memref<1x250xi32, #tpu.memory_space<hbm>>
        tpu.enqueue_dma source(%dma_start3A_790 : memref<1x250xi32, #tpu.memory_space<hbm>>) target(%arg20 : memref<1x250xi32, #tpu.memory_space<vmem>>) target_semaphore(%arg53 : memref<!tpu.dma_semaphore, #tpu.memory_space<semaphore_mem>>)
      } else {
      }
      %add3A_625 = arith.constant 4 : i32
      %add3A_626 = arith.addi %add3A_596, %add3A_625 : i32
      %lt3A_627 = arith.constant 40 : i32
      %lt3A_628 = arith.cmpi slt, %add3A_626, %lt3A_627 : i32
      %convert_element_type3A_629 = arith.extui %lt3A_628 : i1 to i32
      %cond3A_630 = arith.constant 0 : i32
      %cond3A_631 = arith.cmpi ne, %convert_element_type3A_629, %cond3A_630 : i32
      scf.if %cond3A_631 {
        %dma_wait3A_780 = arith.constant 0 : i32
        %dma_wait3A_781 = tpu.memref_slice %arg5[%select_n3A, %dma_wait3A_780] : memref<1280x250xi32, #tpu.memory_space<hbm>> -> memref<1x250xi32, #tpu.memory_space<hbm>>
        %dma_wait3A_782 = arith.constant 0 : i32
        %dma_wait3A_783 = tpu.memref_slice %arg5[%select_n3A, %dma_wait3A_782] : memref<1280x250xi32, #tpu.memory_space<hbm>> -> memref<1x250xi32, #tpu.memory_space<hbm>>
        tpu.wait_dma2 semaphore(%arg49 : memref<!tpu.dma_semaphore, #tpu.memory_space<semaphore_mem>>) src(%dma_wait3A_783 : memref<1x250xi32, #tpu.memory_space<hbm>>) dst(%arg16 : memref<1x250xi32, #tpu.memory_space<vmem>>)
        %dma_wait3A_784 = arith.constant 0 : i32
        %dma_wait3A_785 = tpu.memref_slice %arg6[%select_n3A, %dma_wait3A_784] : memref<1280x250xi32, #tpu.memory_space<hbm>> -> memref<1x250xi32, #tpu.memory_space<hbm>>
        %dma_wait3A_786 = arith.constant 0 : i32
        %dma_wait3A_787 = tpu.memref_slice %arg6[%select_n3A, %dma_wait3A_786] : memref<1280x250xi32, #tpu.memory_space<hbm>> -> memref<1x250xi32, #tpu.memory_space<hbm>>
        tpu.wait_dma2 semaphore(%arg57 : memref<!tpu.dma_semaphore, #tpu.memory_space<semaphore_mem>>) src(%dma_wait3A_787 : memref<1x250xi32, #tpu.memory_space<hbm>>) dst(%arg24 : memref<1x250xi32, #tpu.memory_space<vmem>>)
        %dma_start3A_788 = arith.constant 0 : i32
        %dma_start3A_789 = arith.constant 0 : i32
        %dma_start3A_790 = tpu.memref_slice %arg16[%dma_start3A_788, %dma_start3A_789] : memref<1x250xi32, #tpu.memory_space<vmem>> -> memref<1x250xi32, #tpu.memory_space<vmem>>
        %dma_start3A_791 = tpu.memref_squeeze %dma_start3A_790 : memref<1x250xi32, #tpu.memory_space<vmem>> -> memref<250xi32, #tpu.memory_space<vmem>>
        %dma_start3A_792 = arith.constant 0 : i32
        %dma_start3A_793 = arith.constant 0 : i32
        %dma_start3A_794 = tpu.memref_slice %arg2[%dma_start3A_792, %dma_start3A_793] : memref<10000x128xbf16, #tpu.memory_space<hbm>> -> memref<10000x128xbf16, #tpu.memory_space<hbm>>
        tpu.enqueue_indirect_dma source(%dma_start3A_794 : memref<10000x128xbf16, #tpu.memory_space<hbm>>) target(%arg28 : memref<250x128xbf16, #tpu.memory_space<vmem>>) offsets(%dma_start3A_791 : memref<250xi32, #tpu.memory_space<vmem>>) semaphore(%arg33 : memref<!tpu.dma_semaphore, #tpu.memory_space<semaphore_mem>>)
      } else {
      }
      %add3A_632 = arith.constant 4 : i32
      %add3A_633 = arith.addi %add3A_486, %add3A_632 : i32
      %dma_wait3A_634 = arith.constant 0 : i32
      %dma_wait3A_635 = arith.constant 0 : i32
      %dma_wait3A_636 = tpu.memref_slice %arg13[%dma_wait3A_634, %dma_wait3A_635] : memref<1x250xi32, #tpu.memory_space<vmem>> -> memref<1x250xi32, #tpu.memory_space<vmem>>
      %dma_wait3A_637 = tpu.memref_squeeze %dma_wait3A_636 : memref<1x250xi32, #tpu.memory_space<vmem>> -> memref<250xi32, #tpu.memory_space<vmem>>
      %dma_wait3A_638 = arith.constant 0 : i32
      %dma_wait3A_639 = arith.constant 0 : i32
      %dma_wait3A_640 = tpu.memref_slice %arg2[%dma_wait3A_638, %dma_wait3A_639] : memref<10000x128xbf16, #tpu.memory_space<hbm>> -> memref<10000x128xbf16, #tpu.memory_space<hbm>>
      tpu.wait_indirect_dma semaphore(%arg30 : memref<!tpu.dma_semaphore, #tpu.memory_space<semaphore_mem>>) src(%dma_wait3A_640 : memref<10000x128xbf16, #tpu.memory_space<hbm>>) dst(%arg25 : memref<250x128xbf16, #tpu.memory_space<vmem>>)
      %dma_start3A_641 = arith.constant 0 : i32
      %dma_start3A_642 = arith.constant 0 : i32
      %dma_start3A_643 = tpu.memref_slice %arg21[%dma_start3A_641, %dma_start3A_642] : memref<1x250xi32, #tpu.memory_space<vmem>> -> memref<1x250xi32, #tpu.memory_space<vmem>>
      %dma_start3A_644 = tpu.memref_squeeze %dma_start3A_643 : memref<1x250xi32, #tpu.memory_space<vmem>> -> memref<250xi32, #tpu.memory_space<vmem>>
      %dma_start3A_645 = arith.constant 0 : i32
      %dma_start3A_646 = arith.constant 0 : i32
      %dma_start3A_647 = tpu.memref_slice %arg29[%dma_start3A_645, %dma_start3A_646] : memref<10000x128xbf16, #tpu.memory_space<vmem_shared>> -> memref<10000x128xbf16, #tpu.memory_space<vmem_shared>>
      tpu.enqueue_indirect_dma source(%arg25 : memref<250x128xbf16, #tpu.memory_space<vmem>>) target(%dma_start3A_647 : memref<10000x128xbf16, #tpu.memory_space<vmem_shared>>) offsets(%dma_start3A_644 : memref<250xi32, #tpu.memory_space<vmem>>) semaphore(%arg34 : memref<!tpu.dma_semaphore, #tpu.memory_space<semaphore_mem>>) {add = true}
      %dma_wait3A_648 = arith.constant 0 : i32
      %dma_wait3A_649 = arith.constant 0 : i32
      %dma_wait3A_650 = tpu.memref_slice %arg21[%dma_wait3A_648, %dma_wait3A_649] : memref<1x250xi32, #tpu.memory_space<vmem>> -> memref<1x250xi32, #tpu.memory_space<vmem>>
      %dma_wait3A_651 = tpu.memref_squeeze %dma_wait3A_650 : memref<1x250xi32, #tpu.memory_space<vmem>> -> memref<250xi32, #tpu.memory_space<vmem>>
      %dma_wait3A_652 = arith.constant 0 : i32
      %dma_wait3A_653 = arith.constant 0 : i32
      %dma_wait3A_654 = tpu.memref_slice %arg29[%dma_wait3A_652, %dma_wait3A_653] : memref<10000x128xbf16, #tpu.memory_space<vmem_shared>> -> memref<10000x128xbf16, #tpu.memory_space<vmem_shared>>
      tpu.wait_indirect_dma semaphore(%arg34 : memref<!tpu.dma_semaphore, #tpu.memory_space<semaphore_mem>>) src(%arg25 : memref<250x128xbf16, #tpu.memory_space<vmem>>) dst(%dma_wait3A_654 : memref<10000x128xbf16, #tpu.memory_space<vmem_shared>>)
      %add3A_655 = arith.constant 8 : i32
      %add3A_656 = arith.addi %add3A_633, %add3A_655 : i32
      %lt3A_657 = arith.constant 40 : i32
      %lt3A_658 = arith.cmpi slt, %add3A_656, %lt3A_657 : i32
      %convert_element_type3A_659 = arith.extui %lt3A_658 : i1 to i32
      %cond3A_660 = arith.constant 0 : i32
      %cond3A_661 = arith.cmpi ne, %convert_element_type3A_659, %cond3A_660 : i32
      scf.if %cond3A_661 {
        %add3A_780 = arith.addi %select_n3A, %add3A_633 : i32
        %add3A_781 = arith.constant 8 : i32
        %add3A_782 = arith.addi %add3A_780, %add3A_781 : i32
        %dma_start3A_783 = arith.constant 0 : i32
        %dma_start3A_784 = tpu.memref_slice %arg5[%add3A_782, %dma_start3A_783] : memref<1280x250xi32, #tpu.memory_space<hbm>> -> memref<1x250xi32, #tpu.memory_space<hbm>>
        %dma_start3A_785 = arith.constant 0 : i32
        %dma_start3A_786 = tpu.memref_slice %arg5[%add3A_782, %dma_start3A_785] : memref<1280x250xi32, #tpu.memory_space<hbm>> -> memref<1x250xi32, #tpu.memory_space<hbm>>
        tpu.enqueue_dma source(%dma_start3A_786 : memref<1x250xi32, #tpu.memory_space<hbm>>) target(%arg13 : memref<1x250xi32, #tpu.memory_space<vmem>>) target_semaphore(%arg46 : memref<!tpu.dma_semaphore, #tpu.memory_space<semaphore_mem>>)
        %dma_start3A_787 = arith.constant 0 : i32
        %dma_start3A_788 = tpu.memref_slice %arg6[%add3A_782, %dma_start3A_787] : memref<1280x250xi32, #tpu.memory_space<hbm>> -> memref<1x250xi32, #tpu.memory_space<hbm>>
        %dma_start3A_789 = arith.constant 0 : i32
        %dma_start3A_790 = tpu.memref_slice %arg6[%add3A_782, %dma_start3A_789] : memref<1280x250xi32, #tpu.memory_space<hbm>> -> memref<1x250xi32, #tpu.memory_space<hbm>>
        tpu.enqueue_dma source(%dma_start3A_790 : memref<1x250xi32, #tpu.memory_space<hbm>>) target(%arg21 : memref<1x250xi32, #tpu.memory_space<vmem>>) target_semaphore(%arg54 : memref<!tpu.dma_semaphore, #tpu.memory_space<semaphore_mem>>)
      } else {
      }
      %add3A_662 = arith.constant 4 : i32
      %add3A_663 = arith.addi %add3A_633, %add3A_662 : i32
      %lt3A_664 = arith.constant 40 : i32
      %lt3A_665 = arith.cmpi slt, %add3A_663, %lt3A_664 : i32
      %convert_element_type3A_666 = arith.extui %lt3A_665 : i1 to i32
      %cond3A_667 = arith.constant 0 : i32
      %cond3A_668 = arith.cmpi ne, %convert_element_type3A_666, %cond3A_667 : i32
      scf.if %cond3A_668 {
        %dma_wait3A_780 = arith.constant 0 : i32
        %dma_wait3A_781 = tpu.memref_slice %arg5[%select_n3A, %dma_wait3A_780] : memref<1280x250xi32, #tpu.memory_space<hbm>> -> memref<1x250xi32, #tpu.memory_space<hbm>>
        %dma_wait3A_782 = arith.constant 0 : i32
        %dma_wait3A_783 = tpu.memref_slice %arg5[%select_n3A, %dma_wait3A_782] : memref<1280x250xi32, #tpu.memory_space<hbm>> -> memref<1x250xi32, #tpu.memory_space<hbm>>
        tpu.wait_dma2 semaphore(%arg42 : memref<!tpu.dma_semaphore, #tpu.memory_space<semaphore_mem>>) src(%dma_wait3A_783 : memref<1x250xi32, #tpu.memory_space<hbm>>) dst(%arg9 : memref<1x250xi32, #tpu.memory_space<vmem>>)
        %dma_wait3A_784 = arith.constant 0 : i32
        %dma_wait3A_785 = tpu.memref_slice %arg6[%select_n3A, %dma_wait3A_784] : memref<1280x250xi32, #tpu.memory_space<hbm>> -> memref<1x250xi32, #tpu.memory_space<hbm>>
        %dma_wait3A_786 = arith.constant 0 : i32
        %dma_wait3A_787 = tpu.memref_slice %arg6[%select_n3A, %dma_wait3A_786] : memref<1280x250xi32, #tpu.memory_space<hbm>> -> memref<1x250xi32, #tpu.memory_space<hbm>>
        tpu.wait_dma2 semaphore(%arg50 : memref<!tpu.dma_semaphore, #tpu.memory_space<semaphore_mem>>) src(%dma_wait3A_787 : memref<1x250xi32, #tpu.memory_space<hbm>>) dst(%arg17 : memref<1x250xi32, #tpu.memory_space<vmem>>)
        %dma_start3A_788 = arith.constant 0 : i32
        %dma_start3A_789 = arith.constant 0 : i32
        %dma_start3A_790 = tpu.memref_slice %arg9[%dma_start3A_788, %dma_start3A_789] : memref<1x250xi32, #tpu.memory_space<vmem>> -> memref<1x250xi32, #tpu.memory_space<vmem>>
        %dma_start3A_791 = tpu.memref_squeeze %dma_start3A_790 : memref<1x250xi32, #tpu.memory_space<vmem>> -> memref<250xi32, #tpu.memory_space<vmem>>
        %dma_start3A_792 = arith.constant 0 : i32
        %dma_start3A_793 = arith.constant 0 : i32
        %dma_start3A_794 = tpu.memref_slice %arg2[%dma_start3A_792, %dma_start3A_793] : memref<10000x128xbf16, #tpu.memory_space<hbm>> -> memref<10000x128xbf16, #tpu.memory_space<hbm>>
        tpu.enqueue_indirect_dma source(%dma_start3A_794 : memref<10000x128xbf16, #tpu.memory_space<hbm>>) target(%arg25 : memref<250x128xbf16, #tpu.memory_space<vmem>>) offsets(%dma_start3A_791 : memref<250xi32, #tpu.memory_space<vmem>>) semaphore(%arg30 : memref<!tpu.dma_semaphore, #tpu.memory_space<semaphore_mem>>)
      } else {
      }
      %add3A_669 = arith.constant 5 : i32
      %add3A_670 = arith.addi %add3A_486, %add3A_669 : i32
      %dma_wait3A_671 = arith.constant 0 : i32
      %dma_wait3A_672 = arith.constant 0 : i32
      %dma_wait3A_673 = tpu.memref_slice %arg14[%dma_wait3A_671, %dma_wait3A_672] : memref<1x250xi32, #tpu.memory_space<vmem>> -> memref<1x250xi32, #tpu.memory_space<vmem>>
      %dma_wait3A_674 = tpu.memref_squeeze %dma_wait3A_673 : memref<1x250xi32, #tpu.memory_space<vmem>> -> memref<250xi32, #tpu.memory_space<vmem>>
      %dma_wait3A_675 = arith.constant 0 : i32
      %dma_wait3A_676 = arith.constant 0 : i32
      %dma_wait3A_677 = tpu.memref_slice %arg2[%dma_wait3A_675, %dma_wait3A_676] : memref<10000x128xbf16, #tpu.memory_space<hbm>> -> memref<10000x128xbf16, #tpu.memory_space<hbm>>
      tpu.wait_indirect_dma semaphore(%arg31 : memref<!tpu.dma_semaphore, #tpu.memory_space<semaphore_mem>>) src(%dma_wait3A_677 : memref<10000x128xbf16, #tpu.memory_space<hbm>>) dst(%arg26 : memref<250x128xbf16, #tpu.memory_space<vmem>>)
      %dma_start3A_678 = arith.constant 0 : i32
      %dma_start3A_679 = arith.constant 0 : i32
      %dma_start3A_680 = tpu.memref_slice %arg22[%dma_start3A_678, %dma_start3A_679] : memref<1x250xi32, #tpu.memory_space<vmem>> -> memref<1x250xi32, #tpu.memory_space<vmem>>
      %dma_start3A_681 = tpu.memref_squeeze %dma_start3A_680 : memref<1x250xi32, #tpu.memory_space<vmem>> -> memref<250xi32, #tpu.memory_space<vmem>>
      %dma_start3A_682 = arith.constant 0 : i32
      %dma_start3A_683 = arith.constant 0 : i32
      %dma_start3A_684 = tpu.memref_slice %arg29[%dma_start3A_682, %dma_start3A_683] : memref<10000x128xbf16, #tpu.memory_space<vmem_shared>> -> memref<10000x128xbf16, #tpu.memory_space<vmem_shared>>
      tpu.enqueue_indirect_dma source(%arg26 : memref<250x128xbf16, #tpu.memory_space<vmem>>) target(%dma_start3A_684 : memref<10000x128xbf16, #tpu.memory_space<vmem_shared>>) offsets(%dma_start3A_681 : memref<250xi32, #tpu.memory_space<vmem>>) semaphore(%arg35 : memref<!tpu.dma_semaphore, #tpu.memory_space<semaphore_mem>>) {add = true}
      %dma_wait3A_685 = arith.constant 0 : i32
      %dma_wait3A_686 = arith.constant 0 : i32
      %dma_wait3A_687 = tpu.memref_slice %arg22[%dma_wait3A_685, %dma_wait3A_686] : memref<1x250xi32, #tpu.memory_space<vmem>> -> memref<1x250xi32, #tpu.memory_space<vmem>>
      %dma_wait3A_688 = tpu.memref_squeeze %dma_wait3A_687 : memref<1x250xi32, #tpu.memory_space<vmem>> -> memref<250xi32, #tpu.memory_space<vmem>>
      %dma_wait3A_689 = arith.constant 0 : i32
      %dma_wait3A_690 = arith.constant 0 : i32
      %dma_wait3A_691 = tpu.memref_slice %arg29[%dma_wait3A_689, %dma_wait3A_690] : memref<10000x128xbf16, #tpu.memory_space<vmem_shared>> -> memref<10000x128xbf16, #tpu.memory_space<vmem_shared>>
      tpu.wait_indirect_dma semaphore(%arg35 : memref<!tpu.dma_semaphore, #tpu.memory_space<semaphore_mem>>) src(%arg26 : memref<250x128xbf16, #tpu.memory_space<vmem>>) dst(%dma_wait3A_691 : memref<10000x128xbf16, #tpu.memory_space<vmem_shared>>)
      %add3A_692 = arith.constant 8 : i32
      %add3A_693 = arith.addi %add3A_670, %add3A_692 : i32
      %lt3A_694 = arith.constant 40 : i32
      %lt3A_695 = arith.cmpi slt, %add3A_693, %lt3A_694 : i32
      %convert_element_type3A_696 = arith.extui %lt3A_695 : i1 to i32
      %cond3A_697 = arith.constant 0 : i32
      %cond3A_698 = arith.cmpi ne, %convert_element_type3A_696, %cond3A_697 : i32
      scf.if %cond3A_698 {
        %add3A_780 = arith.addi %select_n3A, %add3A_670 : i32
        %add3A_781 = arith.constant 8 : i32
        %add3A_782 = arith.addi %add3A_780, %add3A_781 : i32
        %dma_start3A_783 = arith.constant 0 : i32
        %dma_start3A_784 = tpu.memref_slice %arg5[%add3A_782, %dma_start3A_783] : memref<1280x250xi32, #tpu.memory_space<hbm>> -> memref<1x250xi32, #tpu.memory_space<hbm>>
        %dma_start3A_785 = arith.constant 0 : i32
        %dma_start3A_786 = tpu.memref_slice %arg5[%add3A_782, %dma_start3A_785] : memref<1280x250xi32, #tpu.memory_space<hbm>> -> memref<1x250xi32, #tpu.memory_space<hbm>>
        tpu.enqueue_dma source(%dma_start3A_786 : memref<1x250xi32, #tpu.memory_space<hbm>>) target(%arg14 : memref<1x250xi32, #tpu.memory_space<vmem>>) target_semaphore(%arg47 : memref<!tpu.dma_semaphore, #tpu.memory_space<semaphore_mem>>)
        %dma_start3A_787 = arith.constant 0 : i32
        %dma_start3A_788 = tpu.memref_slice %arg6[%add3A_782, %dma_start3A_787] : memref<1280x250xi32, #tpu.memory_space<hbm>> -> memref<1x250xi32, #tpu.memory_space<hbm>>
        %dma_start3A_789 = arith.constant 0 : i32
        %dma_start3A_790 = tpu.memref_slice %arg6[%add3A_782, %dma_start3A_789] : memref<1280x250xi32, #tpu.memory_space<hbm>> -> memref<1x250xi32, #tpu.memory_space<hbm>>
        tpu.enqueue_dma source(%dma_start3A_790 : memref<1x250xi32, #tpu.memory_space<hbm>>) target(%arg22 : memref<1x250xi32, #tpu.memory_space<vmem>>) target_semaphore(%arg55 : memref<!tpu.dma_semaphore, #tpu.memory_space<semaphore_mem>>)
      } else {
      }
      %add3A_699 = arith.constant 4 : i32
      %add3A_700 = arith.addi %add3A_670, %add3A_699 : i32
      %lt3A_701 = arith.constant 40 : i32
      %lt3A_702 = arith.cmpi slt, %add3A_700, %lt3A_701 : i32
      %convert_element_type3A_703 = arith.extui %lt3A_702 : i1 to i32
      %cond3A_704 = arith.constant 0 : i32
      %cond3A_705 = arith.cmpi ne, %convert_element_type3A_703, %cond3A_704 : i32
      scf.if %cond3A_705 {
        %dma_wait3A_780 = arith.constant 0 : i32
        %dma_wait3A_781 = tpu.memref_slice %arg5[%select_n3A, %dma_wait3A_780] : memref<1280x250xi32, #tpu.memory_space<hbm>> -> memref<1x250xi32, #tpu.memory_space<hbm>>
        %dma_wait3A_782 = arith.constant 0 : i32
        %dma_wait3A_783 = tpu.memref_slice %arg5[%select_n3A, %dma_wait3A_782] : memref<1280x250xi32, #tpu.memory_space<hbm>> -> memref<1x250xi32, #tpu.memory_space<hbm>>
        tpu.wait_dma2 semaphore(%arg43 : memref<!tpu.dma_semaphore, #tpu.memory_space<semaphore_mem>>) src(%dma_wait3A_783 : memref<1x250xi32, #tpu.memory_space<hbm>>) dst(%arg10 : memref<1x250xi32, #tpu.memory_space<vmem>>)
        %dma_wait3A_784 = arith.constant 0 : i32
        %dma_wait3A_785 = tpu.memref_slice %arg6[%select_n3A, %dma_wait3A_784] : memref<1280x250xi32, #tpu.memory_space<hbm>> -> memref<1x250xi32, #tpu.memory_space<hbm>>
        %dma_wait3A_786 = arith.constant 0 : i32
        %dma_wait3A_787 = tpu.memref_slice %arg6[%select_n3A, %dma_wait3A_786] : memref<1280x250xi32, #tpu.memory_space<hbm>> -> memref<1x250xi32, #tpu.memory_space<hbm>>
        tpu.wait_dma2 semaphore(%arg51 : memref<!tpu.dma_semaphore, #tpu.memory_space<semaphore_mem>>) src(%dma_wait3A_787 : memref<1x250xi32, #tpu.memory_space<hbm>>) dst(%arg18 : memref<1x250xi32, #tpu.memory_space<vmem>>)
        %dma_start3A_788 = arith.constant 0 : i32
        %dma_start3A_789 = arith.constant 0 : i32
        %dma_start3A_790 = tpu.memref_slice %arg10[%dma_start3A_788, %dma_start3A_789] : memref<1x250xi32, #tpu.memory_space<vmem>> -> memref<1x250xi32, #tpu.memory_space<vmem>>
        %dma_start3A_791 = tpu.memref_squeeze %dma_start3A_790 : memref<1x250xi32, #tpu.memory_space<vmem>> -> memref<250xi32, #tpu.memory_space<vmem>>
        %dma_start3A_792 = arith.constant 0 : i32
        %dma_start3A_793 = arith.constant 0 : i32
        %dma_start3A_794 = tpu.memref_slice %arg2[%dma_start3A_792, %dma_start3A_793] : memref<10000x128xbf16, #tpu.memory_space<hbm>> -> memref<10000x128xbf16, #tpu.memory_space<hbm>>
        tpu.enqueue_indirect_dma source(%dma_start3A_794 : memref<10000x128xbf16, #tpu.memory_space<hbm>>) target(%arg26 : memref<250x128xbf16, #tpu.memory_space<vmem>>) offsets(%dma_start3A_791 : memref<250xi32, #tpu.memory_space<vmem>>) semaphore(%arg31 : memref<!tpu.dma_semaphore, #tpu.memory_space<semaphore_mem>>)
      } else {
      }
      %add3A_706 = arith.constant 6 : i32
      %add3A_707 = arith.addi %add3A_486, %add3A_706 : i32
      %dma_wait3A_708 = arith.constant 0 : i32
      %dma_wait3A_709 = arith.constant 0 : i32
      %dma_wait3A_710 = tpu.memref_slice %arg15[%dma_wait3A_708, %dma_wait3A_709] : memref<1x250xi32, #tpu.memory_space<vmem>> -> memref<1x250xi32, #tpu.memory_space<vmem>>
      %dma_wait3A_711 = tpu.memref_squeeze %dma_wait3A_710 : memref<1x250xi32, #tpu.memory_space<vmem>> -> memref<250xi32, #tpu.memory_space<vmem>>
      %dma_wait3A_712 = arith.constant 0 : i32
      %dma_wait3A_713 = arith.constant 0 : i32
      %dma_wait3A_714 = tpu.memref_slice %arg2[%dma_wait3A_712, %dma_wait3A_713] : memref<10000x128xbf16, #tpu.memory_space<hbm>> -> memref<10000x128xbf16, #tpu.memory_space<hbm>>
      tpu.wait_indirect_dma semaphore(%arg32 : memref<!tpu.dma_semaphore, #tpu.memory_space<semaphore_mem>>) src(%dma_wait3A_714 : memref<10000x128xbf16, #tpu.memory_space<hbm>>) dst(%arg27 : memref<250x128xbf16, #tpu.memory_space<vmem>>)
      %dma_start3A_715 = arith.constant 0 : i32
      %dma_start3A_716 = arith.constant 0 : i32
      %dma_start3A_717 = tpu.memref_slice %arg23[%dma_start3A_715, %dma_start3A_716] : memref<1x250xi32, #tpu.memory_space<vmem>> -> memref<1x250xi32, #tpu.memory_space<vmem>>
      %dma_start3A_718 = tpu.memref_squeeze %dma_start3A_717 : memref<1x250xi32, #tpu.memory_space<vmem>> -> memref<250xi32, #tpu.memory_space<vmem>>
      %dma_start3A_719 = arith.constant 0 : i32
      %dma_start3A_720 = arith.constant 0 : i32
      %dma_start3A_721 = tpu.memref_slice %arg29[%dma_start3A_719, %dma_start3A_720] : memref<10000x128xbf16, #tpu.memory_space<vmem_shared>> -> memref<10000x128xbf16, #tpu.memory_space<vmem_shared>>
      tpu.enqueue_indirect_dma source(%arg27 : memref<250x128xbf16, #tpu.memory_space<vmem>>) target(%dma_start3A_721 : memref<10000x128xbf16, #tpu.memory_space<vmem_shared>>) offsets(%dma_start3A_718 : memref<250xi32, #tpu.memory_space<vmem>>) semaphore(%arg36 : memref<!tpu.dma_semaphore, #tpu.memory_space<semaphore_mem>>) {add = true}
      %dma_wait3A_722 = arith.constant 0 : i32
      %dma_wait3A_723 = arith.constant 0 : i32
      %dma_wait3A_724 = tpu.memref_slice %arg23[%dma_wait3A_722, %dma_wait3A_723] : memref<1x250xi32, #tpu.memory_space<vmem>> -> memref<1x250xi32, #tpu.memory_space<vmem>>
      %dma_wait3A_725 = tpu.memref_squeeze %dma_wait3A_724 : memref<1x250xi32, #tpu.memory_space<vmem>> -> memref<250xi32, #tpu.memory_space<vmem>>
      %dma_wait3A_726 = arith.constant 0 : i32
      %dma_wait3A_727 = arith.constant 0 : i32
      %dma_wait3A_728 = tpu.memref_slice %arg29[%dma_wait3A_726, %dma_wait3A_727] : memref<10000x128xbf16, #tpu.memory_space<vmem_shared>> -> memref<10000x128xbf16, #tpu.memory_space<vmem_shared>>
      tpu.wait_indirect_dma semaphore(%arg36 : memref<!tpu.dma_semaphore, #tpu.memory_space<semaphore_mem>>) src(%arg27 : memref<250x128xbf16, #tpu.memory_space<vmem>>) dst(%dma_wait3A_728 : memref<10000x128xbf16, #tpu.memory_space<vmem_shared>>)
      %add3A_729 = arith.constant 8 : i32
      %add3A_730 = arith.addi %add3A_707, %add3A_729 : i32
      %lt3A_731 = arith.constant 40 : i32
      %lt3A_732 = arith.cmpi slt, %add3A_730, %lt3A_731 : i32
      %convert_element_type3A_733 = arith.extui %lt3A_732 : i1 to i32
      %cond3A_734 = arith.constant 0 : i32
      %cond3A_735 = arith.cmpi ne, %convert_element_type3A_733, %cond3A_734 : i32
      scf.if %cond3A_735 {
        %add3A_780 = arith.addi %select_n3A, %add3A_707 : i32
        %add3A_781 = arith.constant 8 : i32
        %add3A_782 = arith.addi %add3A_780, %add3A_781 : i32
        %dma_start3A_783 = arith.constant 0 : i32
        %dma_start3A_784 = tpu.memref_slice %arg5[%add3A_782, %dma_start3A_783] : memref<1280x250xi32, #tpu.memory_space<hbm>> -> memref<1x250xi32, #tpu.memory_space<hbm>>
        %dma_start3A_785 = arith.constant 0 : i32
        %dma_start3A_786 = tpu.memref_slice %arg5[%add3A_782, %dma_start3A_785] : memref<1280x250xi32, #tpu.memory_space<hbm>> -> memref<1x250xi32, #tpu.memory_space<hbm>>
        tpu.enqueue_dma source(%dma_start3A_786 : memref<1x250xi32, #tpu.memory_space<hbm>>) target(%arg15 : memref<1x250xi32, #tpu.memory_space<vmem>>) target_semaphore(%arg48 : memref<!tpu.dma_semaphore, #tpu.memory_space<semaphore_mem>>)
        %dma_start3A_787 = arith.constant 0 : i32
        %dma_start3A_788 = tpu.memref_slice %arg6[%add3A_782, %dma_start3A_787] : memref<1280x250xi32, #tpu.memory_space<hbm>> -> memref<1x250xi32, #tpu.memory_space<hbm>>
        %dma_start3A_789 = arith.constant 0 : i32
        %dma_start3A_790 = tpu.memref_slice %arg6[%add3A_782, %dma_start3A_789] : memref<1280x250xi32, #tpu.memory_space<hbm>> -> memref<1x250xi32, #tpu.memory_space<hbm>>
        tpu.enqueue_dma source(%dma_start3A_790 : memref<1x250xi32, #tpu.memory_space<hbm>>) target(%arg23 : memref<1x250xi32, #tpu.memory_space<vmem>>) target_semaphore(%arg56 : memref<!tpu.dma_semaphore, #tpu.memory_space<semaphore_mem>>)
      } else {
      }
      %add3A_736 = arith.constant 4 : i32
      %add3A_737 = arith.addi %add3A_707, %add3A_736 : i32
      %lt3A_738 = arith.constant 40 : i32
      %lt3A_739 = arith.cmpi slt, %add3A_737, %lt3A_738 : i32
      %convert_element_type3A_740 = arith.extui %lt3A_739 : i1 to i32
      %cond3A_741 = arith.constant 0 : i32
      %cond3A_742 = arith.cmpi ne, %convert_element_type3A_740, %cond3A_741 : i32
      scf.if %cond3A_742 {
        %dma_wait3A_780 = arith.constant 0 : i32
        %dma_wait3A_781 = tpu.memref_slice %arg5[%select_n3A, %dma_wait3A_780] : memref<1280x250xi32, #tpu.memory_space<hbm>> -> memref<1x250xi32, #tpu.memory_space<hbm>>
        %dma_wait3A_782 = arith.constant 0 : i32
        %dma_wait3A_783 = tpu.memref_slice %arg5[%select_n3A, %dma_wait3A_782] : memref<1280x250xi32, #tpu.memory_space<hbm>> -> memref<1x250xi32, #tpu.memory_space<hbm>>
        tpu.wait_dma2 semaphore(%arg44 : memref<!tpu.dma_semaphore, #tpu.memory_space<semaphore_mem>>) src(%dma_wait3A_783 : memref<1x250xi32, #tpu.memory_space<hbm>>) dst(%arg11 : memref<1x250xi32, #tpu.memory_space<vmem>>)
        %dma_wait3A_784 = arith.constant 0 : i32
        %dma_wait3A_785 = tpu.memref_slice %arg6[%select_n3A, %dma_wait3A_784] : memref<1280x250xi32, #tpu.memory_space<hbm>> -> memref<1x250xi32, #tpu.memory_space<hbm>>
        %dma_wait3A_786 = arith.constant 0 : i32
        %dma_wait3A_787 = tpu.memref_slice %arg6[%select_n3A, %dma_wait3A_786] : memref<1280x250xi32, #tpu.memory_space<hbm>> -> memref<1x250xi32, #tpu.memory_space<hbm>>
        tpu.wait_dma2 semaphore(%arg52 : memref<!tpu.dma_semaphore, #tpu.memory_space<semaphore_mem>>) src(%dma_wait3A_787 : memref<1x250xi32, #tpu.memory_space<hbm>>) dst(%arg19 : memref<1x250xi32, #tpu.memory_space<vmem>>)
        %dma_start3A_788 = arith.constant 0 : i32
        %dma_start3A_789 = arith.constant 0 : i32
        %dma_start3A_790 = tpu.memref_slice %arg11[%dma_start3A_788, %dma_start3A_789] : memref<1x250xi32, #tpu.memory_space<vmem>> -> memref<1x250xi32, #tpu.memory_space<vmem>>
        %dma_start3A_791 = tpu.memref_squeeze %dma_start3A_790 : memref<1x250xi32, #tpu.memory_space<vmem>> -> memref<250xi32, #tpu.memory_space<vmem>>
        %dma_start3A_792 = arith.constant 0 : i32
        %dma_start3A_793 = arith.constant 0 : i32
        %dma_start3A_794 = tpu.memref_slice %arg2[%dma_start3A_792, %dma_start3A_793] : memref<10000x128xbf16, #tpu.memory_space<hbm>> -> memref<10000x128xbf16, #tpu.memory_space<hbm>>
        tpu.enqueue_indirect_dma source(%dma_start3A_794 : memref<10000x128xbf16, #tpu.memory_space<hbm>>) target(%arg27 : memref<250x128xbf16, #tpu.memory_space<vmem>>) offsets(%dma_start3A_791 : memref<250xi32, #tpu.memory_space<vmem>>) semaphore(%arg32 : memref<!tpu.dma_semaphore, #tpu.memory_space<semaphore_mem>>)
      } else {
      }
      %add3A_743 = arith.constant 7 : i32
      %add3A_744 = arith.addi %add3A_486, %add3A_743 : i32
      %dma_wait3A_745 = arith.constant 0 : i32
      %dma_wait3A_746 = arith.constant 0 : i32
      %dma_wait3A_747 = tpu.memref_slice %arg16[%dma_wait3A_745, %dma_wait3A_746] : memref<1x250xi32, #tpu.memory_space<vmem>> -> memref<1x250xi32, #tpu.memory_space<vmem>>
      %dma_wait3A_748 = tpu.memref_squeeze %dma_wait3A_747 : memref<1x250xi32, #tpu.memory_space<vmem>> -> memref<250xi32, #tpu.memory_space<vmem>>
      %dma_wait3A_749 = arith.constant 0 : i32
      %dma_wait3A_750 = arith.constant 0 : i32
      %dma_wait3A_751 = tpu.memref_slice %arg2[%dma_wait3A_749, %dma_wait3A_750] : memref<10000x128xbf16, #tpu.memory_space<hbm>> -> memref<10000x128xbf16, #tpu.memory_space<hbm>>
      tpu.wait_indirect_dma semaphore(%arg33 : memref<!tpu.dma_semaphore, #tpu.memory_space<semaphore_mem>>) src(%dma_wait3A_751 : memref<10000x128xbf16, #tpu.memory_space<hbm>>) dst(%arg28 : memref<250x128xbf16, #tpu.memory_space<vmem>>)
      %dma_start3A_752 = arith.constant 0 : i32
      %dma_start3A_753 = arith.constant 0 : i32
      %dma_start3A_754 = tpu.memref_slice %arg24[%dma_start3A_752, %dma_start3A_753] : memref<1x250xi32, #tpu.memory_space<vmem>> -> memref<1x250xi32, #tpu.memory_space<vmem>>
      %dma_start3A_755 = tpu.memref_squeeze %dma_start3A_754 : memref<1x250xi32, #tpu.memory_space<vmem>> -> memref<250xi32, #tpu.memory_space<vmem>>
      %dma_start3A_756 = arith.constant 0 : i32
      %dma_start3A_757 = arith.constant 0 : i32
      %dma_start3A_758 = tpu.memref_slice %arg29[%dma_start3A_756, %dma_start3A_757] : memref<10000x128xbf16, #tpu.memory_space<vmem_shared>> -> memref<10000x128xbf16, #tpu.memory_space<vmem_shared>>
      tpu.enqueue_indirect_dma source(%arg28 : memref<250x128xbf16, #tpu.memory_space<vmem>>) target(%dma_start3A_758 : memref<10000x128xbf16, #tpu.memory_space<vmem_shared>>) offsets(%dma_start3A_755 : memref<250xi32, #tpu.memory_space<vmem>>) semaphore(%arg37 : memref<!tpu.dma_semaphore, #tpu.memory_space<semaphore_mem>>) {add = true}
      %dma_wait3A_759 = arith.constant 0 : i32
      %dma_wait3A_760 = arith.constant 0 : i32
      %dma_wait3A_761 = tpu.memref_slice %arg24[%dma_wait3A_759, %dma_wait3A_760] : memref<1x250xi32, #tpu.memory_space<vmem>> -> memref<1x250xi32, #tpu.memory_space<vmem>>
      %dma_wait3A_762 = tpu.memref_squeeze %dma_wait3A_761 : memref<1x250xi32, #tpu.memory_space<vmem>> -> memref<250xi32, #tpu.memory_space<vmem>>
      %dma_wait3A_763 = arith.constant 0 : i32
      %dma_wait3A_764 = arith.constant 0 : i32
      %dma_wait3A_765 = tpu.memref_slice %arg29[%dma_wait3A_763, %dma_wait3A_764] : memref<10000x128xbf16, #tpu.memory_space<vmem_shared>> -> memref<10000x128xbf16, #tpu.memory_space<vmem_shared>>
      tpu.wait_indirect_dma semaphore(%arg37 : memref<!tpu.dma_semaphore, #tpu.memory_space<semaphore_mem>>) src(%arg28 : memref<250x128xbf16, #tpu.memory_space<vmem>>) dst(%dma_wait3A_765 : memref<10000x128xbf16, #tpu.memory_space<vmem_shared>>)
      %add3A_766 = arith.constant 8 : i32
      %add3A_767 = arith.addi %add3A_744, %add3A_766 : i32
      %lt3A_768 = arith.constant 40 : i32
      %lt3A_769 = arith.cmpi slt, %add3A_767, %lt3A_768 : i32
      %convert_element_type3A_770 = arith.extui %lt3A_769 : i1 to i32
      %cond3A_771 = arith.constant 0 : i32
      %cond3A_772 = arith.cmpi ne, %convert_element_type3A_770, %cond3A_771 : i32
      scf.if %cond3A_772 {
        %add3A_780 = arith.addi %select_n3A, %add3A_744 : i32
        %add3A_781 = arith.constant 8 : i32
        %add3A_782 = arith.addi %add3A_780, %add3A_781 : i32
        %dma_start3A_783 = arith.constant 0 : i32
        %dma_start3A_784 = tpu.memref_slice %arg5[%add3A_782, %dma_start3A_783] : memref<1280x250xi32, #tpu.memory_space<hbm>> -> memref<1x250xi32, #tpu.memory_space<hbm>>
        %dma_start3A_785 = arith.constant 0 : i32
        %dma_start3A_786 = tpu.memref_slice %arg5[%add3A_782, %dma_start3A_785] : memref<1280x250xi32, #tpu.memory_space<hbm>> -> memref<1x250xi32, #tpu.memory_space<hbm>>
        tpu.enqueue_dma source(%dma_start3A_786 : memref<1x250xi32, #tpu.memory_space<hbm>>) target(%arg16 : memref<1x250xi32, #tpu.memory_space<vmem>>) target_semaphore(%arg49 : memref<!tpu.dma_semaphore, #tpu.memory_space<semaphore_mem>>)
        %dma_start3A_787 = arith.constant 0 : i32
        %dma_start3A_788 = tpu.memref_slice %arg6[%add3A_782, %dma_start3A_787] : memref<1280x250xi32, #tpu.memory_space<hbm>> -> memref<1x250xi32, #tpu.memory_space<hbm>>
        %dma_start3A_789 = arith.constant 0 : i32
        %dma_start3A_790 = tpu.memref_slice %arg6[%add3A_782, %dma_start3A_789] : memref<1280x250xi32, #tpu.memory_space<hbm>> -> memref<1x250xi32, #tpu.memory_space<hbm>>
        tpu.enqueue_dma source(%dma_start3A_790 : memref<1x250xi32, #tpu.memory_space<hbm>>) target(%arg24 : memref<1x250xi32, #tpu.memory_space<vmem>>) target_semaphore(%arg57 : memref<!tpu.dma_semaphore, #tpu.memory_space<semaphore_mem>>)
      } else {
      }
      %add3A_773 = arith.constant 4 : i32
      %add3A_774 = arith.addi %add3A_744, %add3A_773 : i32
      %lt3A_775 = arith.constant 40 : i32
      %lt3A_776 = arith.cmpi slt, %add3A_774, %lt3A_775 : i32
      %convert_element_type3A_777 = arith.extui %lt3A_776 : i1 to i32
      %cond3A_778 = arith.constant 0 : i32
      %cond3A_779 = arith.cmpi ne, %convert_element_type3A_777, %cond3A_778 : i32
      scf.if %cond3A_779 {
        %dma_wait3A_780 = arith.constant 0 : i32
        %dma_wait3A_781 = tpu.memref_slice %arg5[%select_n3A, %dma_wait3A_780] : memref<1280x250xi32, #tpu.memory_space<hbm>> -> memref<1x250xi32, #tpu.memory_space<hbm>>
        %dma_wait3A_782 = arith.constant 0 : i32
        %dma_wait3A_783 = tpu.memref_slice %arg5[%select_n3A, %dma_wait3A_782] : memref<1280x250xi32, #tpu.memory_space<hbm>> -> memref<1x250xi32, #tpu.memory_space<hbm>>
        tpu.wait_dma2 semaphore(%arg45 : memref<!tpu.dma_semaphore, #tpu.memory_space<semaphore_mem>>) src(%dma_wait3A_783 : memref<1x250xi32, #tpu.memory_space<hbm>>) dst(%arg12 : memref<1x250xi32, #tpu.memory_space<vmem>>)
        %dma_wait3A_784 = arith.constant 0 : i32
        %dma_wait3A_785 = tpu.memref_slice %arg6[%select_n3A, %dma_wait3A_784] : memref<1280x250xi32, #tpu.memory_space<hbm>> -> memref<1x250xi32, #tpu.memory_space<hbm>>
        %dma_wait3A_786 = arith.constant 0 : i32
        %dma_wait3A_787 = tpu.memref_slice %arg6[%select_n3A, %dma_wait3A_786] : memref<1280x250xi32, #tpu.memory_space<hbm>> -> memref<1x250xi32, #tpu.memory_space<hbm>>
        tpu.wait_dma2 semaphore(%arg53 : memref<!tpu.dma_semaphore, #tpu.memory_space<semaphore_mem>>) src(%dma_wait3A_787 : memref<1x250xi32, #tpu.memory_space<hbm>>) dst(%arg20 : memref<1x250xi32, #tpu.memory_space<vmem>>)
        %dma_start3A_788 = arith.constant 0 : i32
        %dma_start3A_789 = arith.constant 0 : i32
        %dma_start3A_790 = tpu.memref_slice %arg12[%dma_start3A_788, %dma_start3A_789] : memref<1x250xi32, #tpu.memory_space<vmem>> -> memref<1x250xi32, #tpu.memory_space<vmem>>
        %dma_start3A_791 = tpu.memref_squeeze %dma_start3A_790 : memref<1x250xi32, #tpu.memory_space<vmem>> -> memref<250xi32, #tpu.memory_space<vmem>>
        %dma_start3A_792 = arith.constant 0 : i32
        %dma_start3A_793 = arith.constant 0 : i32
        %dma_start3A_794 = tpu.memref_slice %arg2[%dma_start3A_792, %dma_start3A_793] : memref<10000x128xbf16, #tpu.memory_space<hbm>> -> memref<10000x128xbf16, #tpu.memory_space<hbm>>
        tpu.enqueue_indirect_dma source(%dma_start3A_794 : memref<10000x128xbf16, #tpu.memory_space<hbm>>) target(%arg28 : memref<250x128xbf16, #tpu.memory_space<vmem>>) offsets(%dma_start3A_791 : memref<250xi32, #tpu.memory_space<vmem>>) semaphore(%arg33 : memref<!tpu.dma_semaphore, #tpu.memory_space<semaphore_mem>>)
      } else {
      }
    }
    %scan3A_162 = arith.constant 5 : i32
    %barrier3A_163 = arith.constant 0 : index
    tpu.barrier barrier_id(%barrier3A_163)
    %add3A_164 = arith.constant 0 : i32
    %add3A_165 = arith.addi %add3A_164, %arg0 : i32
    %mul3A_166 = arith.constant 10000 : i32
    %mul3A_167 = arith.muli %add3A_165, %mul3A_166 : i32
    %mul3A_168 = arith.constant 625 : i32
    %mul3A_169 = arith.muli %arg1, %mul3A_168 : i32
    %add3A_170 = arith.addi %mul3A_167, %mul3A_169 : i32
    "tpu.region"() ({
      %run_scoped3A = tpu.sem_alloc : memref<!tpu.dma_semaphore, #tpu.memory_space<semaphore_mem>>
      %dma_start3A_482 = arith.constant 0 : i32
      %dma_start3A_483 = tpu.memref_slice %arg8[%add3A_170, %dma_start3A_482] : memref<60000x128xbf16, #tpu.memory_space<hbm>> -> memref<625x128xbf16, #tpu.memory_space<hbm>>
      %dma_start3A_484 = arith.constant 0 : i32
      %dma_start3A_485 = tpu.memref_slice %arg29[%mul3A_0, %dma_start3A_484] : memref<10000x128xbf16, #tpu.memory_space<vmem_shared>> -> memref<625x128xbf16, #tpu.memory_space<vmem_shared>>
      tpu.enqueue_dma source(%dma_start3A_485 : memref<625x128xbf16, #tpu.memory_space<vmem_shared>>) target(%dma_start3A_483 : memref<625x128xbf16, #tpu.memory_space<hbm>>) target_semaphore(%run_scoped3A : memref<!tpu.dma_semaphore, #tpu.memory_space<semaphore_mem>>)
      %dma_wait3A_486 = arith.constant 0 : i32
      %dma_wait3A_487 = tpu.memref_slice %arg8[%add3A_170, %dma_wait3A_486] : memref<60000x128xbf16, #tpu.memory_space<hbm>> -> memref<625x128xbf16, #tpu.memory_space<hbm>>
      %dma_wait3A_488 = arith.constant 0 : i32
      %dma_wait3A_489 = tpu.memref_slice %arg29[%mul3A_0, %dma_wait3A_488] : memref<10000x128xbf16, #tpu.memory_space<vmem_shared>> -> memref<625x128xbf16, #tpu.memory_space<vmem_shared>>
      tpu.wait_dma2 semaphore(%run_scoped3A : memref<!tpu.dma_semaphore, #tpu.memory_space<semaphore_mem>>) src(%dma_wait3A_489 : memref<625x128xbf16, #tpu.memory_space<vmem_shared>>) dst(%dma_wait3A_487 : memref<625x128xbf16, #tpu.memory_space<hbm>>)
      tpu.yield
    }) : () -> ()
    %barrier3A_171 = arith.constant 0 : index
    tpu.barrier barrier_id(%barrier3A_171)
    "tpu.region"() ({
      %run_scoped3A = tpu.sem_alloc : memref<!tpu.dma_semaphore, #tpu.memory_space<semaphore_mem>>
      %dma_start3A_482 = arith.constant 0 : i32
      %dma_start3A_483 = tpu.memref_slice %arg29[%mul3A_0, %dma_start3A_482] : memref<10000x128xbf16, #tpu.memory_space<vmem_shared>> -> memref<625x128xbf16, #tpu.memory_space<vmem_shared>>
      tpu.enqueue_dma source(%arg7 : memref<625x128xbf16, #tpu.memory_space<hbm>>) target(%dma_start3A_483 : memref<625x128xbf16, #tpu.memory_space<vmem_shared>>) target_semaphore(%run_scoped3A : memref<!tpu.dma_semaphore, #tpu.memory_space<semaphore_mem>>)
      %dma_wait3A_484 = arith.constant 0 : i32
      %dma_wait3A_485 = tpu.memref_slice %arg29[%mul3A_0, %dma_wait3A_484] : memref<10000x128xbf16, #tpu.memory_space<vmem_shared>> -> memref<625x128xbf16, #tpu.memory_space<vmem_shared>>
      tpu.wait_dma2 semaphore(%run_scoped3A : memref<!tpu.dma_semaphore, #tpu.memory_space<semaphore_mem>>) src(%arg7 : memref<625x128xbf16, #tpu.memory_space<hbm>>) dst(%dma_wait3A_485 : memref<625x128xbf16, #tpu.memory_space<vmem_shared>>)
      tpu.yield
    }) : () -> ()
    %add3A_172 = arith.constant 0 : i32
    %add3A_173 = arith.addi %select_n3A, %add3A_172 : i32
    %dma_start3A_174 = arith.constant 0 : i32
    %dma_start3A_175 = tpu.memref_slice %arg5[%add3A_173, %dma_start3A_174] : memref<1280x250xi32, #tpu.memory_space<hbm>> -> memref<1x250xi32, #tpu.memory_space<hbm>>
    %dma_start3A_176 = arith.constant 0 : i32
    %dma_start3A_177 = tpu.memref_slice %arg5[%add3A_173, %dma_start3A_176] : memref<1280x250xi32, #tpu.memory_space<hbm>> -> memref<1x250xi32, #tpu.memory_space<hbm>>
    tpu.enqueue_dma source(%dma_start3A_177 : memref<1x250xi32, #tpu.memory_space<hbm>>) target(%arg9 : memref<1x250xi32, #tpu.memory_space<vmem>>) target_semaphore(%arg42 : memref<!tpu.dma_semaphore, #tpu.memory_space<semaphore_mem>>)
    %dma_start3A_178 = arith.constant 0 : i32
    %dma_start3A_179 = tpu.memref_slice %arg6[%add3A_173, %dma_start3A_178] : memref<1280x250xi32, #tpu.memory_space<hbm>> -> memref<1x250xi32, #tpu.memory_space<hbm>>
    %dma_start3A_180 = arith.constant 0 : i32
    %dma_start3A_181 = tpu.memref_slice %arg6[%add3A_173, %dma_start3A_180] : memref<1280x250xi32, #tpu.memory_space<hbm>> -> memref<1x250xi32, #tpu.memory_space<hbm>>
    tpu.enqueue_dma source(%dma_start3A_181 : memref<1x250xi32, #tpu.memory_space<hbm>>) target(%arg17 : memref<1x250xi32, #tpu.memory_space<vmem>>) target_semaphore(%arg50 : memref<!tpu.dma_semaphore, #tpu.memory_space<semaphore_mem>>)
    %add3A_182 = arith.constant 1 : i32
    %add3A_183 = arith.addi %select_n3A, %add3A_182 : i32
    %dma_start3A_184 = arith.constant 0 : i32
    %dma_start3A_185 = tpu.memref_slice %arg5[%add3A_183, %dma_start3A_184] : memref<1280x250xi32, #tpu.memory_space<hbm>> -> memref<1x250xi32, #tpu.memory_space<hbm>>
    %dma_start3A_186 = arith.constant 0 : i32
    %dma_start3A_187 = tpu.memref_slice %arg5[%add3A_183, %dma_start3A_186] : memref<1280x250xi32, #tpu.memory_space<hbm>> -> memref<1x250xi32, #tpu.memory_space<hbm>>
    tpu.enqueue_dma source(%dma_start3A_187 : memref<1x250xi32, #tpu.memory_space<hbm>>) target(%arg10 : memref<1x250xi32, #tpu.memory_space<vmem>>) target_semaphore(%arg43 : memref<!tpu.dma_semaphore, #tpu.memory_space<semaphore_mem>>)
    %dma_start3A_188 = arith.constant 0 : i32
    %dma_start3A_189 = tpu.memref_slice %arg6[%add3A_183, %dma_start3A_188] : memref<1280x250xi32, #tpu.memory_space<hbm>> -> memref<1x250xi32, #tpu.memory_space<hbm>>
    %dma_start3A_190 = arith.constant 0 : i32
    %dma_start3A_191 = tpu.memref_slice %arg6[%add3A_183, %dma_start3A_190] : memref<1280x250xi32, #tpu.memory_space<hbm>> -> memref<1x250xi32, #tpu.memory_space<hbm>>
    tpu.enqueue_dma source(%dma_start3A_191 : memref<1x250xi32, #tpu.memory_space<hbm>>) target(%arg18 : memref<1x250xi32, #tpu.memory_space<vmem>>) target_semaphore(%arg51 : memref<!tpu.dma_semaphore, #tpu.memory_space<semaphore_mem>>)
    %add3A_192 = arith.constant 2 : i32
    %add3A_193 = arith.addi %select_n3A, %add3A_192 : i32
    %dma_start3A_194 = arith.constant 0 : i32
    %dma_start3A_195 = tpu.memref_slice %arg5[%add3A_193, %dma_start3A_194] : memref<1280x250xi32, #tpu.memory_space<hbm>> -> memref<1x250xi32, #tpu.memory_space<hbm>>
    %dma_start3A_196 = arith.constant 0 : i32
    %dma_start3A_197 = tpu.memref_slice %arg5[%add3A_193, %dma_start3A_196] : memref<1280x250xi32, #tpu.memory_space<hbm>> -> memref<1x250xi32, #tpu.memory_space<hbm>>
    tpu.enqueue_dma source(%dma_start3A_197 : memref<1x250xi32, #tpu.memory_space<hbm>>) target(%arg11 : memref<1x250xi32, #tpu.memory_space<vmem>>) target_semaphore(%arg44 : memref<!tpu.dma_semaphore, #tpu.memory_space<semaphore_mem>>)
    %dma_start3A_198 = arith.constant 0 : i32
    %dma_start3A_199 = tpu.memref_slice %arg6[%add3A_193, %dma_start3A_198] : memref<1280x250xi32, #tpu.memory_space<hbm>> -> memref<1x250xi32, #tpu.memory_space<hbm>>
    %dma_start3A_200 = arith.constant 0 : i32
    %dma_start3A_201 = tpu.memref_slice %arg6[%add3A_193, %dma_start3A_200] : memref<1280x250xi32, #tpu.memory_space<hbm>> -> memref<1x250xi32, #tpu.memory_space<hbm>>
    tpu.enqueue_dma source(%dma_start3A_201 : memref<1x250xi32, #tpu.memory_space<hbm>>) target(%arg19 : memref<1x250xi32, #tpu.memory_space<vmem>>) target_semaphore(%arg52 : memref<!tpu.dma_semaphore, #tpu.memory_space<semaphore_mem>>)
    %add3A_202 = arith.constant 3 : i32
    %add3A_203 = arith.addi %select_n3A, %add3A_202 : i32
    %dma_start3A_204 = arith.constant 0 : i32
    %dma_start3A_205 = tpu.memref_slice %arg5[%add3A_203, %dma_start3A_204] : memref<1280x250xi32, #tpu.memory_space<hbm>> -> memref<1x250xi32, #tpu.memory_space<hbm>>
    %dma_start3A_206 = arith.constant 0 : i32
    %dma_start3A_207 = tpu.memref_slice %arg5[%add3A_203, %dma_start3A_206] : memref<1280x250xi32, #tpu.memory_space<hbm>> -> memref<1x250xi32, #tpu.memory_space<hbm>>
    tpu.enqueue_dma source(%dma_start3A_207 : memref<1x250xi32, #tpu.memory_space<hbm>>) target(%arg12 : memref<1x250xi32, #tpu.memory_space<vmem>>) target_semaphore(%arg45 : memref<!tpu.dma_semaphore, #tpu.memory_space<semaphore_mem>>)
    %dma_start3A_208 = arith.constant 0 : i32
    %dma_start3A_209 = tpu.memref_slice %arg6[%add3A_203, %dma_start3A_208] : memref<1280x250xi32, #tpu.memory_space<hbm>> -> memref<1x250xi32, #tpu.memory_space<hbm>>
    %dma_start3A_210 = arith.constant 0 : i32
    %dma_start3A_211 = tpu.memref_slice %arg6[%add3A_203, %dma_start3A_210] : memref<1280x250xi32, #tpu.memory_space<hbm>> -> memref<1x250xi32, #tpu.memory_space<hbm>>
    tpu.enqueue_dma source(%dma_start3A_211 : memref<1x250xi32, #tpu.memory_space<hbm>>) target(%arg20 : memref<1x250xi32, #tpu.memory_space<vmem>>) target_semaphore(%arg53 : memref<!tpu.dma_semaphore, #tpu.memory_space<semaphore_mem>>)
    %add3A_212 = arith.constant 4 : i32
    %add3A_213 = arith.addi %select_n3A, %add3A_212 : i32
    %dma_start3A_214 = arith.constant 0 : i32
    %dma_start3A_215 = tpu.memref_slice %arg5[%add3A_213, %dma_start3A_214] : memref<1280x250xi32, #tpu.memory_space<hbm>> -> memref<1x250xi32, #tpu.memory_space<hbm>>
    %dma_start3A_216 = arith.constant 0 : i32
    %dma_start3A_217 = tpu.memref_slice %arg5[%add3A_213, %dma_start3A_216] : memref<1280x250xi32, #tpu.memory_space<hbm>> -> memref<1x250xi32, #tpu.memory_space<hbm>>
    tpu.enqueue_dma source(%dma_start3A_217 : memref<1x250xi32, #tpu.memory_space<hbm>>) target(%arg13 : memref<1x250xi32, #tpu.memory_space<vmem>>) target_semaphore(%arg46 : memref<!tpu.dma_semaphore, #tpu.memory_space<semaphore_mem>>)
    %dma_start3A_218 = arith.constant 0 : i32
    %dma_start3A_219 = tpu.memref_slice %arg6[%add3A_213, %dma_start3A_218] : memref<1280x250xi32, #tpu.memory_space<hbm>> -> memref<1x250xi32, #tpu.memory_space<hbm>>
    %dma_start3A_220 = arith.constant 0 : i32
    %dma_start3A_221 = tpu.memref_slice %arg6[%add3A_213, %dma_start3A_220] : memref<1280x250xi32, #tpu.memory_space<hbm>> -> memref<1x250xi32, #tpu.memory_space<hbm>>
    tpu.enqueue_dma source(%dma_start3A_221 : memref<1x250xi32, #tpu.memory_space<hbm>>) target(%arg21 : memref<1x250xi32, #tpu.memory_space<vmem>>) target_semaphore(%arg54 : memref<!tpu.dma_semaphore, #tpu.memory_space<semaphore_mem>>)
    %add3A_222 = arith.constant 5 : i32
    %add3A_223 = arith.addi %select_n3A, %add3A_222 : i32
    %dma_start3A_224 = arith.constant 0 : i32
    %dma_start3A_225 = tpu.memref_slice %arg5[%add3A_223, %dma_start3A_224] : memref<1280x250xi32, #tpu.memory_space<hbm>> -> memref<1x250xi32, #tpu.memory_space<hbm>>
    %dma_start3A_226 = arith.constant 0 : i32
    %dma_start3A_227 = tpu.memref_slice %arg5[%add3A_223, %dma_start3A_226] : memref<1280x250xi32, #tpu.memory_space<hbm>> -> memref<1x250xi32, #tpu.memory_space<hbm>>
    tpu.enqueue_dma source(%dma_start3A_227 : memref<1x250xi32, #tpu.memory_space<hbm>>) target(%arg14 : memref<1x250xi32, #tpu.memory_space<vmem>>) target_semaphore(%arg47 : memref<!tpu.dma_semaphore, #tpu.memory_space<semaphore_mem>>)
    %dma_start3A_228 = arith.constant 0 : i32
    %dma_start3A_229 = tpu.memref_slice %arg6[%add3A_223, %dma_start3A_228] : memref<1280x250xi32, #tpu.memory_space<hbm>> -> memref<1x250xi32, #tpu.memory_space<hbm>>
    %dma_start3A_230 = arith.constant 0 : i32
    %dma_start3A_231 = tpu.memref_slice %arg6[%add3A_223, %dma_start3A_230] : memref<1280x250xi32, #tpu.memory_space<hbm>> -> memref<1x250xi32, #tpu.memory_space<hbm>>
    tpu.enqueue_dma source(%dma_start3A_231 : memref<1x250xi32, #tpu.memory_space<hbm>>) target(%arg22 : memref<1x250xi32, #tpu.memory_space<vmem>>) target_semaphore(%arg55 : memref<!tpu.dma_semaphore, #tpu.memory_space<semaphore_mem>>)
    %add3A_232 = arith.constant 6 : i32
    %add3A_233 = arith.addi %select_n3A, %add3A_232 : i32
    %dma_start3A_234 = arith.constant 0 : i32
    %dma_start3A_235 = tpu.memref_slice %arg5[%add3A_233, %dma_start3A_234] : memref<1280x250xi32, #tpu.memory_space<hbm>> -> memref<1x250xi32, #tpu.memory_space<hbm>>
    %dma_start3A_236 = arith.constant 0 : i32
    %dma_start3A_237 = tpu.memref_slice %arg5[%add3A_233, %dma_start3A_236] : memref<1280x250xi32, #tpu.memory_space<hbm>> -> memref<1x250xi32, #tpu.memory_space<hbm>>
    tpu.enqueue_dma source(%dma_start3A_237 : memref<1x250xi32, #tpu.memory_space<hbm>>) target(%arg15 : memref<1x250xi32, #tpu.memory_space<vmem>>) target_semaphore(%arg48 : memref<!tpu.dma_semaphore, #tpu.memory_space<semaphore_mem>>)
    %dma_start3A_238 = arith.constant 0 : i32
    %dma_start3A_239 = tpu.memref_slice %arg6[%add3A_233, %dma_start3A_238] : memref<1280x250xi32, #tpu.memory_space<hbm>> -> memref<1x250xi32, #tpu.memory_space<hbm>>
    %dma_start3A_240 = arith.constant 0 : i32
    %dma_start3A_241 = tpu.memref_slice %arg6[%add3A_233, %dma_start3A_240] : memref<1280x250xi32, #tpu.memory_space<hbm>> -> memref<1x250xi32, #tpu.memory_space<hbm>>
    tpu.enqueue_dma source(%dma_start3A_241 : memref<1x250xi32, #tpu.memory_space<hbm>>) target(%arg23 : memref<1x250xi32, #tpu.memory_space<vmem>>) target_semaphore(%arg56 : memref<!tpu.dma_semaphore, #tpu.memory_space<semaphore_mem>>)
    %add3A_242 = arith.constant 7 : i32
    %add3A_243 = arith.addi %select_n3A, %add3A_242 : i32
    %dma_start3A_244 = arith.constant 0 : i32
    %dma_start3A_245 = tpu.memref_slice %arg5[%add3A_243, %dma_start3A_244] : memref<1280x250xi32, #tpu.memory_space<hbm>> -> memref<1x250xi32, #tpu.memory_space<hbm>>
    %dma_start3A_246 = arith.constant 0 : i32
    %dma_start3A_247 = tpu.memref_slice %arg5[%add3A_243, %dma_start3A_246] : memref<1280x250xi32, #tpu.memory_space<hbm>> -> memref<1x250xi32, #tpu.memory_space<hbm>>
    tpu.enqueue_dma source(%dma_start3A_247 : memref<1x250xi32, #tpu.memory_space<hbm>>) target(%arg16 : memref<1x250xi32, #tpu.memory_space<vmem>>) target_semaphore(%arg49 : memref<!tpu.dma_semaphore, #tpu.memory_space<semaphore_mem>>)
    %dma_start3A_248 = arith.constant 0 : i32
    %dma_start3A_249 = tpu.memref_slice %arg6[%add3A_243, %dma_start3A_248] : memref<1280x250xi32, #tpu.memory_space<hbm>> -> memref<1x250xi32, #tpu.memory_space<hbm>>
    %dma_start3A_250 = arith.constant 0 : i32
    %dma_start3A_251 = tpu.memref_slice %arg6[%add3A_243, %dma_start3A_250] : memref<1280x250xi32, #tpu.memory_space<hbm>> -> memref<1x250xi32, #tpu.memory_space<hbm>>
    tpu.enqueue_dma source(%dma_start3A_251 : memref<1x250xi32, #tpu.memory_space<hbm>>) target(%arg24 : memref<1x250xi32, #tpu.memory_space<vmem>>) target_semaphore(%arg57 : memref<!tpu.dma_semaphore, #tpu.memory_space<semaphore_mem>>)
    %dma_wait3A_252 = arith.constant 0 : i32
    %dma_wait3A_253 = tpu.memref_slice %arg5[%select_n3A, %dma_wait3A_252] : memref<1280x250xi32, #tpu.memory_space<hbm>> -> memref<1x250xi32, #tpu.memory_space<hbm>>
    %dma_wait3A_254 = arith.constant 0 : i32
    %dma_wait3A_255 = tpu.memref_slice %arg5[%select_n3A, %dma_wait3A_254] : memref<1280x250xi32, #tpu.memory_space<hbm>> -> memref<1x250xi32, #tpu.memory_space<hbm>>
    tpu.wait_dma2 semaphore(%arg42 : memref<!tpu.dma_semaphore, #tpu.memory_space<semaphore_mem>>) src(%dma_wait3A_255 : memref<1x250xi32, #tpu.memory_space<hbm>>) dst(%arg9 : memref<1x250xi32, #tpu.memory_space<vmem>>)
    %dma_wait3A_256 = arith.constant 0 : i32
    %dma_wait3A_257 = tpu.memref_slice %arg6[%select_n3A, %dma_wait3A_256] : memref<1280x250xi32, #tpu.memory_space<hbm>> -> memref<1x250xi32, #tpu.memory_space<hbm>>
    %dma_wait3A_258 = arith.constant 0 : i32
    %dma_wait3A_259 = tpu.memref_slice %arg6[%select_n3A, %dma_wait3A_258] : memref<1280x250xi32, #tpu.memory_space<hbm>> -> memref<1x250xi32, #tpu.memory_space<hbm>>
    tpu.wait_dma2 semaphore(%arg50 : memref<!tpu.dma_semaphore, #tpu.memory_space<semaphore_mem>>) src(%dma_wait3A_259 : memref<1x250xi32, #tpu.memory_space<hbm>>) dst(%arg17 : memref<1x250xi32, #tpu.memory_space<vmem>>)
    %dma_start3A_260 = arith.constant 0 : i32
    %dma_start3A_261 = arith.constant 0 : i32
    %dma_start3A_262 = tpu.memref_slice %arg9[%dma_start3A_260, %dma_start3A_261] : memref<1x250xi32, #tpu.memory_space<vmem>> -> memref<1x250xi32, #tpu.memory_space<vmem>>
    %dma_start3A_263 = tpu.memref_squeeze %dma_start3A_262 : memref<1x250xi32, #tpu.memory_space<vmem>> -> memref<250xi32, #tpu.memory_space<vmem>>
    %dma_start3A_264 = arith.constant 0 : i32
    %dma_start3A_265 = arith.constant 0 : i32
    %dma_start3A_266 = tpu.memref_slice %arg3[%dma_start3A_264, %dma_start3A_265] : memref<10000x128xbf16, #tpu.memory_space<hbm>> -> memref<10000x128xbf16, #tpu.memory_space<hbm>>
    tpu.enqueue_indirect_dma source(%dma_start3A_266 : memref<10000x128xbf16, #tpu.memory_space<hbm>>) target(%arg25 : memref<250x128xbf16, #tpu.memory_space<vmem>>) offsets(%dma_start3A_263 : memref<250xi32, #tpu.memory_space<vmem>>) semaphore(%arg30 : memref<!tpu.dma_semaphore, #tpu.memory_space<semaphore_mem>>)
    %dma_wait3A_267 = arith.constant 0 : i32
    %dma_wait3A_268 = tpu.memref_slice %arg5[%select_n3A, %dma_wait3A_267] : memref<1280x250xi32, #tpu.memory_space<hbm>> -> memref<1x250xi32, #tpu.memory_space<hbm>>
    %dma_wait3A_269 = arith.constant 0 : i32
    %dma_wait3A_270 = tpu.memref_slice %arg5[%select_n3A, %dma_wait3A_269] : memref<1280x250xi32, #tpu.memory_space<hbm>> -> memref<1x250xi32, #tpu.memory_space<hbm>>
    tpu.wait_dma2 semaphore(%arg43 : memref<!tpu.dma_semaphore, #tpu.memory_space<semaphore_mem>>) src(%dma_wait3A_270 : memref<1x250xi32, #tpu.memory_space<hbm>>) dst(%arg10 : memref<1x250xi32, #tpu.memory_space<vmem>>)
    %dma_wait3A_271 = arith.constant 0 : i32
    %dma_wait3A_272 = tpu.memref_slice %arg6[%select_n3A, %dma_wait3A_271] : memref<1280x250xi32, #tpu.memory_space<hbm>> -> memref<1x250xi32, #tpu.memory_space<hbm>>
    %dma_wait3A_273 = arith.constant 0 : i32
    %dma_wait3A_274 = tpu.memref_slice %arg6[%select_n3A, %dma_wait3A_273] : memref<1280x250xi32, #tpu.memory_space<hbm>> -> memref<1x250xi32, #tpu.memory_space<hbm>>
    tpu.wait_dma2 semaphore(%arg51 : memref<!tpu.dma_semaphore, #tpu.memory_space<semaphore_mem>>) src(%dma_wait3A_274 : memref<1x250xi32, #tpu.memory_space<hbm>>) dst(%arg18 : memref<1x250xi32, #tpu.memory_space<vmem>>)
    %dma_start3A_275 = arith.constant 0 : i32
    %dma_start3A_276 = arith.constant 0 : i32
    %dma_start3A_277 = tpu.memref_slice %arg10[%dma_start3A_275, %dma_start3A_276] : memref<1x250xi32, #tpu.memory_space<vmem>> -> memref<1x250xi32, #tpu.memory_space<vmem>>
    %dma_start3A_278 = tpu.memref_squeeze %dma_start3A_277 : memref<1x250xi32, #tpu.memory_space<vmem>> -> memref<250xi32, #tpu.memory_space<vmem>>
    %dma_start3A_279 = arith.constant 0 : i32
    %dma_start3A_280 = arith.constant 0 : i32
    %dma_start3A_281 = tpu.memref_slice %arg3[%dma_start3A_279, %dma_start3A_280] : memref<10000x128xbf16, #tpu.memory_space<hbm>> -> memref<10000x128xbf16, #tpu.memory_space<hbm>>
    tpu.enqueue_indirect_dma source(%dma_start3A_281 : memref<10000x128xbf16, #tpu.memory_space<hbm>>) target(%arg26 : memref<250x128xbf16, #tpu.memory_space<vmem>>) offsets(%dma_start3A_278 : memref<250xi32, #tpu.memory_space<vmem>>) semaphore(%arg31 : memref<!tpu.dma_semaphore, #tpu.memory_space<semaphore_mem>>)
    %dma_wait3A_282 = arith.constant 0 : i32
    %dma_wait3A_283 = tpu.memref_slice %arg5[%select_n3A, %dma_wait3A_282] : memref<1280x250xi32, #tpu.memory_space<hbm>> -> memref<1x250xi32, #tpu.memory_space<hbm>>
    %dma_wait3A_284 = arith.constant 0 : i32
    %dma_wait3A_285 = tpu.memref_slice %arg5[%select_n3A, %dma_wait3A_284] : memref<1280x250xi32, #tpu.memory_space<hbm>> -> memref<1x250xi32, #tpu.memory_space<hbm>>
    tpu.wait_dma2 semaphore(%arg44 : memref<!tpu.dma_semaphore, #tpu.memory_space<semaphore_mem>>) src(%dma_wait3A_285 : memref<1x250xi32, #tpu.memory_space<hbm>>) dst(%arg11 : memref<1x250xi32, #tpu.memory_space<vmem>>)
    %dma_wait3A_286 = arith.constant 0 : i32
    %dma_wait3A_287 = tpu.memref_slice %arg6[%select_n3A, %dma_wait3A_286] : memref<1280x250xi32, #tpu.memory_space<hbm>> -> memref<1x250xi32, #tpu.memory_space<hbm>>
    %dma_wait3A_288 = arith.constant 0 : i32
    %dma_wait3A_289 = tpu.memref_slice %arg6[%select_n3A, %dma_wait3A_288] : memref<1280x250xi32, #tpu.memory_space<hbm>> -> memref<1x250xi32, #tpu.memory_space<hbm>>
    tpu.wait_dma2 semaphore(%arg52 : memref<!tpu.dma_semaphore, #tpu.memory_space<semaphore_mem>>) src(%dma_wait3A_289 : memref<1x250xi32, #tpu.memory_space<hbm>>) dst(%arg19 : memref<1x250xi32, #tpu.memory_space<vmem>>)
    %dma_start3A_290 = arith.constant 0 : i32
    %dma_start3A_291 = arith.constant 0 : i32
    %dma_start3A_292 = tpu.memref_slice %arg11[%dma_start3A_290, %dma_start3A_291] : memref<1x250xi32, #tpu.memory_space<vmem>> -> memref<1x250xi32, #tpu.memory_space<vmem>>
    %dma_start3A_293 = tpu.memref_squeeze %dma_start3A_292 : memref<1x250xi32, #tpu.memory_space<vmem>> -> memref<250xi32, #tpu.memory_space<vmem>>
    %dma_start3A_294 = arith.constant 0 : i32
    %dma_start3A_295 = arith.constant 0 : i32
    %dma_start3A_296 = tpu.memref_slice %arg3[%dma_start3A_294, %dma_start3A_295] : memref<10000x128xbf16, #tpu.memory_space<hbm>> -> memref<10000x128xbf16, #tpu.memory_space<hbm>>
    tpu.enqueue_indirect_dma source(%dma_start3A_296 : memref<10000x128xbf16, #tpu.memory_space<hbm>>) target(%arg27 : memref<250x128xbf16, #tpu.memory_space<vmem>>) offsets(%dma_start3A_293 : memref<250xi32, #tpu.memory_space<vmem>>) semaphore(%arg32 : memref<!tpu.dma_semaphore, #tpu.memory_space<semaphore_mem>>)
    %dma_wait3A_297 = arith.constant 0 : i32
    %dma_wait3A_298 = tpu.memref_slice %arg5[%select_n3A, %dma_wait3A_297] : memref<1280x250xi32, #tpu.memory_space<hbm>> -> memref<1x250xi32, #tpu.memory_space<hbm>>
    %dma_wait3A_299 = arith.constant 0 : i32
    %dma_wait3A_300 = tpu.memref_slice %arg5[%select_n3A, %dma_wait3A_299] : memref<1280x250xi32, #tpu.memory_space<hbm>> -> memref<1x250xi32, #tpu.memory_space<hbm>>
    tpu.wait_dma2 semaphore(%arg45 : memref<!tpu.dma_semaphore, #tpu.memory_space<semaphore_mem>>) src(%dma_wait3A_300 : memref<1x250xi32, #tpu.memory_space<hbm>>) dst(%arg12 : memref<1x250xi32, #tpu.memory_space<vmem>>)
    %dma_wait3A_301 = arith.constant 0 : i32
    %dma_wait3A_302 = tpu.memref_slice %arg6[%select_n3A, %dma_wait3A_301] : memref<1280x250xi32, #tpu.memory_space<hbm>> -> memref<1x250xi32, #tpu.memory_space<hbm>>
    %dma_wait3A_303 = arith.constant 0 : i32
    %dma_wait3A_304 = tpu.memref_slice %arg6[%select_n3A, %dma_wait3A_303] : memref<1280x250xi32, #tpu.memory_space<hbm>> -> memref<1x250xi32, #tpu.memory_space<hbm>>
    tpu.wait_dma2 semaphore(%arg53 : memref<!tpu.dma_semaphore, #tpu.memory_space<semaphore_mem>>) src(%dma_wait3A_304 : memref<1x250xi32, #tpu.memory_space<hbm>>) dst(%arg20 : memref<1x250xi32, #tpu.memory_space<vmem>>)
    %dma_start3A_305 = arith.constant 0 : i32
    %dma_start3A_306 = arith.constant 0 : i32
    %dma_start3A_307 = tpu.memref_slice %arg12[%dma_start3A_305, %dma_start3A_306] : memref<1x250xi32, #tpu.memory_space<vmem>> -> memref<1x250xi32, #tpu.memory_space<vmem>>
    %dma_start3A_308 = tpu.memref_squeeze %dma_start3A_307 : memref<1x250xi32, #tpu.memory_space<vmem>> -> memref<250xi32, #tpu.memory_space<vmem>>
    %dma_start3A_309 = arith.constant 0 : i32
    %dma_start3A_310 = arith.constant 0 : i32
    %dma_start3A_311 = tpu.memref_slice %arg3[%dma_start3A_309, %dma_start3A_310] : memref<10000x128xbf16, #tpu.memory_space<hbm>> -> memref<10000x128xbf16, #tpu.memory_space<hbm>>
    tpu.enqueue_indirect_dma source(%dma_start3A_311 : memref<10000x128xbf16, #tpu.memory_space<hbm>>) target(%arg28 : memref<250x128xbf16, #tpu.memory_space<vmem>>) offsets(%dma_start3A_308 : memref<250xi32, #tpu.memory_space<vmem>>) semaphore(%arg33 : memref<!tpu.dma_semaphore, #tpu.memory_space<semaphore_mem>>)
    %barrier3A_312 = arith.constant 0 : index
    tpu.barrier barrier_id(%barrier3A_312)
    %scan3A_313 = arith.constant 0 : i32
    %scan3A_314 = arith.constant 5 : i32
    %scan3A_315 = arith.addi %scan3A_313, %scan3A_314 : i32
    %scan3A_316 = arith.constant 1 : i32
    scf.for %scan3A_482 = %scan3A_313 to %scan3A_315 step %scan3A_316  : i32 {
      %mul3A_483 = arith.constant 8 : i32
      %mul3A_484 = arith.muli %scan3A_482, %mul3A_483 : i32
      %add3A_485 = arith.constant 0 : i32
      %add3A_486 = arith.addi %add3A_485, %mul3A_484 : i32
      %add3A_487 = arith.constant 0 : i32
      %add3A_488 = arith.addi %add3A_486, %add3A_487 : i32
      %dma_wait3A_489 = arith.constant 0 : i32
      %dma_wait3A_490 = arith.constant 0 : i32
      %dma_wait3A_491 = tpu.memref_slice %arg9[%dma_wait3A_489, %dma_wait3A_490] : memref<1x250xi32, #tpu.memory_space<vmem>> -> memref<1x250xi32, #tpu.memory_space<vmem>>
      %dma_wait3A_492 = tpu.memref_squeeze %dma_wait3A_491 : memref<1x250xi32, #tpu.memory_space<vmem>> -> memref<250xi32, #tpu.memory_space<vmem>>
      %dma_wait3A_493 = arith.constant 0 : i32
      %dma_wait3A_494 = arith.constant 0 : i32
      %dma_wait3A_495 = tpu.memref_slice %arg3[%dma_wait3A_493, %dma_wait3A_494] : memref<10000x128xbf16, #tpu.memory_space<hbm>> -> memref<10000x128xbf16, #tpu.memory_space<hbm>>
      tpu.wait_indirect_dma semaphore(%arg30 : memref<!tpu.dma_semaphore, #tpu.memory_space<semaphore_mem>>) src(%dma_wait3A_495 : memref<10000x128xbf16, #tpu.memory_space<hbm>>) dst(%arg25 : memref<250x128xbf16, #tpu.memory_space<vmem>>)
      %dma_start3A_496 = arith.constant 0 : i32
      %dma_start3A_497 = arith.constant 0 : i32
      %dma_start3A_498 = tpu.memref_slice %arg17[%dma_start3A_496, %dma_start3A_497] : memref<1x250xi32, #tpu.memory_space<vmem>> -> memref<1x250xi32, #tpu.memory_space<vmem>>
      %dma_start3A_499 = tpu.memref_squeeze %dma_start3A_498 : memref<1x250xi32, #tpu.memory_space<vmem>> -> memref<250xi32, #tpu.memory_space<vmem>>
      %dma_start3A_500 = arith.constant 0 : i32
      %dma_start3A_501 = arith.constant 0 : i32
      %dma_start3A_502 = tpu.memref_slice %arg29[%dma_start3A_500, %dma_start3A_501] : memref<10000x128xbf16, #tpu.memory_space<vmem_shared>> -> memref<10000x128xbf16, #tpu.memory_space<vmem_shared>>
      tpu.enqueue_indirect_dma source(%arg25 : memref<250x128xbf16, #tpu.memory_space<vmem>>) target(%dma_start3A_502 : memref<10000x128xbf16, #tpu.memory_space<vmem_shared>>) offsets(%dma_start3A_499 : memref<250xi32, #tpu.memory_space<vmem>>) semaphore(%arg34 : memref<!tpu.dma_semaphore, #tpu.memory_space<semaphore_mem>>) {add = true}
      %dma_wait3A_503 = arith.constant 0 : i32
      %dma_wait3A_504 = arith.constant 0 : i32
      %dma_wait3A_505 = tpu.memref_slice %arg17[%dma_wait3A_503, %dma_wait3A_504] : memref<1x250xi32, #tpu.memory_space<vmem>> -> memref<1x250xi32, #tpu.memory_space<vmem>>
      %dma_wait3A_506 = tpu.memref_squeeze %dma_wait3A_505 : memref<1x250xi32, #tpu.memory_space<vmem>> -> memref<250xi32, #tpu.memory_space<vmem>>
      %dma_wait3A_507 = arith.constant 0 : i32
      %dma_wait3A_508 = arith.constant 0 : i32
      %dma_wait3A_509 = tpu.memref_slice %arg29[%dma_wait3A_507, %dma_wait3A_508] : memref<10000x128xbf16, #tpu.memory_space<vmem_shared>> -> memref<10000x128xbf16, #tpu.memory_space<vmem_shared>>
      tpu.wait_indirect_dma semaphore(%arg34 : memref<!tpu.dma_semaphore, #tpu.memory_space<semaphore_mem>>) src(%arg25 : memref<250x128xbf16, #tpu.memory_space<vmem>>) dst(%dma_wait3A_509 : memref<10000x128xbf16, #tpu.memory_space<vmem_shared>>)
      %add3A_510 = arith.constant 8 : i32
      %add3A_511 = arith.addi %add3A_488, %add3A_510 : i32
      %lt3A = arith.constant 40 : i32
      %lt3A_512 = arith.cmpi slt, %add3A_511, %lt3A : i32
      %convert_element_type3A = arith.extui %lt3A_512 : i1 to i32
      %cond3A = arith.constant 0 : i32
      %cond3A_513 = arith.cmpi ne, %convert_element_type3A, %cond3A : i32
      scf.if %cond3A_513 {
        %add3A_780 = arith.addi %select_n3A, %add3A_488 : i32
        %add3A_781 = arith.constant 8 : i32
        %add3A_782 = arith.addi %add3A_780, %add3A_781 : i32
        %dma_start3A_783 = arith.constant 0 : i32
        %dma_start3A_784 = tpu.memref_slice %arg5[%add3A_782, %dma_start3A_783] : memref<1280x250xi32, #tpu.memory_space<hbm>> -> memref<1x250xi32, #tpu.memory_space<hbm>>
        %dma_start3A_785 = arith.constant 0 : i32
        %dma_start3A_786 = tpu.memref_slice %arg5[%add3A_782, %dma_start3A_785] : memref<1280x250xi32, #tpu.memory_space<hbm>> -> memref<1x250xi32, #tpu.memory_space<hbm>>
        tpu.enqueue_dma source(%dma_start3A_786 : memref<1x250xi32, #tpu.memory_space<hbm>>) target(%arg9 : memref<1x250xi32, #tpu.memory_space<vmem>>) target_semaphore(%arg42 : memref<!tpu.dma_semaphore, #tpu.memory_space<semaphore_mem>>)
        %dma_start3A_787 = arith.constant 0 : i32
        %dma_start3A_788 = tpu.memref_slice %arg6[%add3A_782, %dma_start3A_787] : memref<1280x250xi32, #tpu.memory_space<hbm>> -> memref<1x250xi32, #tpu.memory_space<hbm>>
        %dma_start3A_789 = arith.constant 0 : i32
        %dma_start3A_790 = tpu.memref_slice %arg6[%add3A_782, %dma_start3A_789] : memref<1280x250xi32, #tpu.memory_space<hbm>> -> memref<1x250xi32, #tpu.memory_space<hbm>>
        tpu.enqueue_dma source(%dma_start3A_790 : memref<1x250xi32, #tpu.memory_space<hbm>>) target(%arg17 : memref<1x250xi32, #tpu.memory_space<vmem>>) target_semaphore(%arg50 : memref<!tpu.dma_semaphore, #tpu.memory_space<semaphore_mem>>)
      } else {
      }
      %add3A_514 = arith.constant 4 : i32
      %add3A_515 = arith.addi %add3A_488, %add3A_514 : i32
      %lt3A_516 = arith.constant 40 : i32
      %lt3A_517 = arith.cmpi slt, %add3A_515, %lt3A_516 : i32
      %convert_element_type3A_518 = arith.extui %lt3A_517 : i1 to i32
      %cond3A_519 = arith.constant 0 : i32
      %cond3A_520 = arith.cmpi ne, %convert_element_type3A_518, %cond3A_519 : i32
      scf.if %cond3A_520 {
        %dma_wait3A_780 = arith.constant 0 : i32
        %dma_wait3A_781 = tpu.memref_slice %arg5[%select_n3A, %dma_wait3A_780] : memref<1280x250xi32, #tpu.memory_space<hbm>> -> memref<1x250xi32, #tpu.memory_space<hbm>>
        %dma_wait3A_782 = arith.constant 0 : i32
        %dma_wait3A_783 = tpu.memref_slice %arg5[%select_n3A, %dma_wait3A_782] : memref<1280x250xi32, #tpu.memory_space<hbm>> -> memref<1x250xi32, #tpu.memory_space<hbm>>
        tpu.wait_dma2 semaphore(%arg46 : memref<!tpu.dma_semaphore, #tpu.memory_space<semaphore_mem>>) src(%dma_wait3A_783 : memref<1x250xi32, #tpu.memory_space<hbm>>) dst(%arg13 : memref<1x250xi32, #tpu.memory_space<vmem>>)
        %dma_wait3A_784 = arith.constant 0 : i32
        %dma_wait3A_785 = tpu.memref_slice %arg6[%select_n3A, %dma_wait3A_784] : memref<1280x250xi32, #tpu.memory_space<hbm>> -> memref<1x250xi32, #tpu.memory_space<hbm>>
        %dma_wait3A_786 = arith.constant 0 : i32
        %dma_wait3A_787 = tpu.memref_slice %arg6[%select_n3A, %dma_wait3A_786] : memref<1280x250xi32, #tpu.memory_space<hbm>> -> memref<1x250xi32, #tpu.memory_space<hbm>>
        tpu.wait_dma2 semaphore(%arg54 : memref<!tpu.dma_semaphore, #tpu.memory_space<semaphore_mem>>) src(%dma_wait3A_787 : memref<1x250xi32, #tpu.memory_space<hbm>>) dst(%arg21 : memref<1x250xi32, #tpu.memory_space<vmem>>)
        %dma_start3A_788 = arith.constant 0 : i32
        %dma_start3A_789 = arith.constant 0 : i32
        %dma_start3A_790 = tpu.memref_slice %arg13[%dma_start3A_788, %dma_start3A_789] : memref<1x250xi32, #tpu.memory_space<vmem>> -> memref<1x250xi32, #tpu.memory_space<vmem>>
        %dma_start3A_791 = tpu.memref_squeeze %dma_start3A_790 : memref<1x250xi32, #tpu.memory_space<vmem>> -> memref<250xi32, #tpu.memory_space<vmem>>
        %dma_start3A_792 = arith.constant 0 : i32
        %dma_start3A_793 = arith.constant 0 : i32
        %dma_start3A_794 = tpu.memref_slice %arg3[%dma_start3A_792, %dma_start3A_793] : memref<10000x128xbf16, #tpu.memory_space<hbm>> -> memref<10000x128xbf16, #tpu.memory_space<hbm>>
        tpu.enqueue_indirect_dma source(%dma_start3A_794 : memref<10000x128xbf16, #tpu.memory_space<hbm>>) target(%arg25 : memref<250x128xbf16, #tpu.memory_space<vmem>>) offsets(%dma_start3A_791 : memref<250xi32, #tpu.memory_space<vmem>>) semaphore(%arg30 : memref<!tpu.dma_semaphore, #tpu.memory_space<semaphore_mem>>)
      } else {
      }
      %add3A_521 = arith.constant 1 : i32
      %add3A_522 = arith.addi %add3A_486, %add3A_521 : i32
      %dma_wait3A_523 = arith.constant 0 : i32
      %dma_wait3A_524 = arith.constant 0 : i32
      %dma_wait3A_525 = tpu.memref_slice %arg10[%dma_wait3A_523, %dma_wait3A_524] : memref<1x250xi32, #tpu.memory_space<vmem>> -> memref<1x250xi32, #tpu.memory_space<vmem>>
      %dma_wait3A_526 = tpu.memref_squeeze %dma_wait3A_525 : memref<1x250xi32, #tpu.memory_space<vmem>> -> memref<250xi32, #tpu.memory_space<vmem>>
      %dma_wait3A_527 = arith.constant 0 : i32
      %dma_wait3A_528 = arith.constant 0 : i32
      %dma_wait3A_529 = tpu.memref_slice %arg3[%dma_wait3A_527, %dma_wait3A_528] : memref<10000x128xbf16, #tpu.memory_space<hbm>> -> memref<10000x128xbf16, #tpu.memory_space<hbm>>
      tpu.wait_indirect_dma semaphore(%arg31 : memref<!tpu.dma_semaphore, #tpu.memory_space<semaphore_mem>>) src(%dma_wait3A_529 : memref<10000x128xbf16, #tpu.memory_space<hbm>>) dst(%arg26 : memref<250x128xbf16, #tpu.memory_space<vmem>>)
      %dma_start3A_530 = arith.constant 0 : i32
      %dma_start3A_531 = arith.constant 0 : i32
      %dma_start3A_532 = tpu.memref_slice %arg18[%dma_start3A_530, %dma_start3A_531] : memref<1x250xi32, #tpu.memory_space<vmem>> -> memref<1x250xi32, #tpu.memory_space<vmem>>
      %dma_start3A_533 = tpu.memref_squeeze %dma_start3A_532 : memref<1x250xi32, #tpu.memory_space<vmem>> -> memref<250xi32, #tpu.memory_space<vmem>>
      %dma_start3A_534 = arith.constant 0 : i32
      %dma_start3A_535 = arith.constant 0 : i32
      %dma_start3A_536 = tpu.memref_slice %arg29[%dma_start3A_534, %dma_start3A_535] : memref<10000x128xbf16, #tpu.memory_space<vmem_shared>> -> memref<10000x128xbf16, #tpu.memory_space<vmem_shared>>
      tpu.enqueue_indirect_dma source(%arg26 : memref<250x128xbf16, #tpu.memory_space<vmem>>) target(%dma_start3A_536 : memref<10000x128xbf16, #tpu.memory_space<vmem_shared>>) offsets(%dma_start3A_533 : memref<250xi32, #tpu.memory_space<vmem>>) semaphore(%arg35 : memref<!tpu.dma_semaphore, #tpu.memory_space<semaphore_mem>>) {add = true}
      %dma_wait3A_537 = arith.constant 0 : i32
      %dma_wait3A_538 = arith.constant 0 : i32
      %dma_wait3A_539 = tpu.memref_slice %arg18[%dma_wait3A_537, %dma_wait3A_538] : memref<1x250xi32, #tpu.memory_space<vmem>> -> memref<1x250xi32, #tpu.memory_space<vmem>>
      %dma_wait3A_540 = tpu.memref_squeeze %dma_wait3A_539 : memref<1x250xi32, #tpu.memory_space<vmem>> -> memref<250xi32, #tpu.memory_space<vmem>>
      %dma_wait3A_541 = arith.constant 0 : i32
      %dma_wait3A_542 = arith.constant 0 : i32
      %dma_wait3A_543 = tpu.memref_slice %arg29[%dma_wait3A_541, %dma_wait3A_542] : memref<10000x128xbf16, #tpu.memory_space<vmem_shared>> -> memref<10000x128xbf16, #tpu.memory_space<vmem_shared>>
      tpu.wait_indirect_dma semaphore(%arg35 : memref<!tpu.dma_semaphore, #tpu.memory_space<semaphore_mem>>) src(%arg26 : memref<250x128xbf16, #tpu.memory_space<vmem>>) dst(%dma_wait3A_543 : memref<10000x128xbf16, #tpu.memory_space<vmem_shared>>)
      %add3A_544 = arith.constant 8 : i32
      %add3A_545 = arith.addi %add3A_522, %add3A_544 : i32
      %lt3A_546 = arith.constant 40 : i32
      %lt3A_547 = arith.cmpi slt, %add3A_545, %lt3A_546 : i32
      %convert_element_type3A_548 = arith.extui %lt3A_547 : i1 to i32
      %cond3A_549 = arith.constant 0 : i32
      %cond3A_550 = arith.cmpi ne, %convert_element_type3A_548, %cond3A_549 : i32
      scf.if %cond3A_550 {
        %add3A_780 = arith.addi %select_n3A, %add3A_522 : i32
        %add3A_781 = arith.constant 8 : i32
        %add3A_782 = arith.addi %add3A_780, %add3A_781 : i32
        %dma_start3A_783 = arith.constant 0 : i32
        %dma_start3A_784 = tpu.memref_slice %arg5[%add3A_782, %dma_start3A_783] : memref<1280x250xi32, #tpu.memory_space<hbm>> -> memref<1x250xi32, #tpu.memory_space<hbm>>
        %dma_start3A_785 = arith.constant 0 : i32
        %dma_start3A_786 = tpu.memref_slice %arg5[%add3A_782, %dma_start3A_785] : memref<1280x250xi32, #tpu.memory_space<hbm>> -> memref<1x250xi32, #tpu.memory_space<hbm>>
        tpu.enqueue_dma source(%dma_start3A_786 : memref<1x250xi32, #tpu.memory_space<hbm>>) target(%arg10 : memref<1x250xi32, #tpu.memory_space<vmem>>) target_semaphore(%arg43 : memref<!tpu.dma_semaphore, #tpu.memory_space<semaphore_mem>>)
        %dma_start3A_787 = arith.constant 0 : i32
        %dma_start3A_788 = tpu.memref_slice %arg6[%add3A_782, %dma_start3A_787] : memref<1280x250xi32, #tpu.memory_space<hbm>> -> memref<1x250xi32, #tpu.memory_space<hbm>>
        %dma_start3A_789 = arith.constant 0 : i32
        %dma_start3A_790 = tpu.memref_slice %arg6[%add3A_782, %dma_start3A_789] : memref<1280x250xi32, #tpu.memory_space<hbm>> -> memref<1x250xi32, #tpu.memory_space<hbm>>
        tpu.enqueue_dma source(%dma_start3A_790 : memref<1x250xi32, #tpu.memory_space<hbm>>) target(%arg18 : memref<1x250xi32, #tpu.memory_space<vmem>>) target_semaphore(%arg51 : memref<!tpu.dma_semaphore, #tpu.memory_space<semaphore_mem>>)
      } else {
      }
      %add3A_551 = arith.constant 4 : i32
      %add3A_552 = arith.addi %add3A_522, %add3A_551 : i32
      %lt3A_553 = arith.constant 40 : i32
      %lt3A_554 = arith.cmpi slt, %add3A_552, %lt3A_553 : i32
      %convert_element_type3A_555 = arith.extui %lt3A_554 : i1 to i32
      %cond3A_556 = arith.constant 0 : i32
      %cond3A_557 = arith.cmpi ne, %convert_element_type3A_555, %cond3A_556 : i32
      scf.if %cond3A_557 {
        %dma_wait3A_780 = arith.constant 0 : i32
        %dma_wait3A_781 = tpu.memref_slice %arg5[%select_n3A, %dma_wait3A_780] : memref<1280x250xi32, #tpu.memory_space<hbm>> -> memref<1x250xi32, #tpu.memory_space<hbm>>
        %dma_wait3A_782 = arith.constant 0 : i32
        %dma_wait3A_783 = tpu.memref_slice %arg5[%select_n3A, %dma_wait3A_782] : memref<1280x250xi32, #tpu.memory_space<hbm>> -> memref<1x250xi32, #tpu.memory_space<hbm>>
        tpu.wait_dma2 semaphore(%arg47 : memref<!tpu.dma_semaphore, #tpu.memory_space<semaphore_mem>>) src(%dma_wait3A_783 : memref<1x250xi32, #tpu.memory_space<hbm>>) dst(%arg14 : memref<1x250xi32, #tpu.memory_space<vmem>>)
        %dma_wait3A_784 = arith.constant 0 : i32
        %dma_wait3A_785 = tpu.memref_slice %arg6[%select_n3A, %dma_wait3A_784] : memref<1280x250xi32, #tpu.memory_space<hbm>> -> memref<1x250xi32, #tpu.memory_space<hbm>>
        %dma_wait3A_786 = arith.constant 0 : i32
        %dma_wait3A_787 = tpu.memref_slice %arg6[%select_n3A, %dma_wait3A_786] : memref<1280x250xi32, #tpu.memory_space<hbm>> -> memref<1x250xi32, #tpu.memory_space<hbm>>
        tpu.wait_dma2 semaphore(%arg55 : memref<!tpu.dma_semaphore, #tpu.memory_space<semaphore_mem>>) src(%dma_wait3A_787 : memref<1x250xi32, #tpu.memory_space<hbm>>) dst(%arg22 : memref<1x250xi32, #tpu.memory_space<vmem>>)
        %dma_start3A_788 = arith.constant 0 : i32
        %dma_start3A_789 = arith.constant 0 : i32
        %dma_start3A_790 = tpu.memref_slice %arg14[%dma_start3A_788, %dma_start3A_789] : memref<1x250xi32, #tpu.memory_space<vmem>> -> memref<1x250xi32, #tpu.memory_space<vmem>>
        %dma_start3A_791 = tpu.memref_squeeze %dma_start3A_790 : memref<1x250xi32, #tpu.memory_space<vmem>> -> memref<250xi32, #tpu.memory_space<vmem>>
        %dma_start3A_792 = arith.constant 0 : i32
        %dma_start3A_793 = arith.constant 0 : i32
        %dma_start3A_794 = tpu.memref_slice %arg3[%dma_start3A_792, %dma_start3A_793] : memref<10000x128xbf16, #tpu.memory_space<hbm>> -> memref<10000x128xbf16, #tpu.memory_space<hbm>>
        tpu.enqueue_indirect_dma source(%dma_start3A_794 : memref<10000x128xbf16, #tpu.memory_space<hbm>>) target(%arg26 : memref<250x128xbf16, #tpu.memory_space<vmem>>) offsets(%dma_start3A_791 : memref<250xi32, #tpu.memory_space<vmem>>) semaphore(%arg31 : memref<!tpu.dma_semaphore, #tpu.memory_space<semaphore_mem>>)
      } else {
      }
      %add3A_558 = arith.constant 2 : i32
      %add3A_559 = arith.addi %add3A_486, %add3A_558 : i32
      %dma_wait3A_560 = arith.constant 0 : i32
      %dma_wait3A_561 = arith.constant 0 : i32
      %dma_wait3A_562 = tpu.memref_slice %arg11[%dma_wait3A_560, %dma_wait3A_561] : memref<1x250xi32, #tpu.memory_space<vmem>> -> memref<1x250xi32, #tpu.memory_space<vmem>>
      %dma_wait3A_563 = tpu.memref_squeeze %dma_wait3A_562 : memref<1x250xi32, #tpu.memory_space<vmem>> -> memref<250xi32, #tpu.memory_space<vmem>>
      %dma_wait3A_564 = arith.constant 0 : i32
      %dma_wait3A_565 = arith.constant 0 : i32
      %dma_wait3A_566 = tpu.memref_slice %arg3[%dma_wait3A_564, %dma_wait3A_565] : memref<10000x128xbf16, #tpu.memory_space<hbm>> -> memref<10000x128xbf16, #tpu.memory_space<hbm>>
      tpu.wait_indirect_dma semaphore(%arg32 : memref<!tpu.dma_semaphore, #tpu.memory_space<semaphore_mem>>) src(%dma_wait3A_566 : memref<10000x128xbf16, #tpu.memory_space<hbm>>) dst(%arg27 : memref<250x128xbf16, #tpu.memory_space<vmem>>)
      %dma_start3A_567 = arith.constant 0 : i32
      %dma_start3A_568 = arith.constant 0 : i32
      %dma_start3A_569 = tpu.memref_slice %arg19[%dma_start3A_567, %dma_start3A_568] : memref<1x250xi32, #tpu.memory_space<vmem>> -> memref<1x250xi32, #tpu.memory_space<vmem>>
      %dma_start3A_570 = tpu.memref_squeeze %dma_start3A_569 : memref<1x250xi32, #tpu.memory_space<vmem>> -> memref<250xi32, #tpu.memory_space<vmem>>
      %dma_start3A_571 = arith.constant 0 : i32
      %dma_start3A_572 = arith.constant 0 : i32
      %dma_start3A_573 = tpu.memref_slice %arg29[%dma_start3A_571, %dma_start3A_572] : memref<10000x128xbf16, #tpu.memory_space<vmem_shared>> -> memref<10000x128xbf16, #tpu.memory_space<vmem_shared>>
      tpu.enqueue_indirect_dma source(%arg27 : memref<250x128xbf16, #tpu.memory_space<vmem>>) target(%dma_start3A_573 : memref<10000x128xbf16, #tpu.memory_space<vmem_shared>>) offsets(%dma_start3A_570 : memref<250xi32, #tpu.memory_space<vmem>>) semaphore(%arg36 : memref<!tpu.dma_semaphore, #tpu.memory_space<semaphore_mem>>) {add = true}
      %dma_wait3A_574 = arith.constant 0 : i32
      %dma_wait3A_575 = arith.constant 0 : i32
      %dma_wait3A_576 = tpu.memref_slice %arg19[%dma_wait3A_574, %dma_wait3A_575] : memref<1x250xi32, #tpu.memory_space<vmem>> -> memref<1x250xi32, #tpu.memory_space<vmem>>
      %dma_wait3A_577 = tpu.memref_squeeze %dma_wait3A_576 : memref<1x250xi32, #tpu.memory_space<vmem>> -> memref<250xi32, #tpu.memory_space<vmem>>
      %dma_wait3A_578 = arith.constant 0 : i32
      %dma_wait3A_579 = arith.constant 0 : i32
      %dma_wait3A_580 = tpu.memref_slice %arg29[%dma_wait3A_578, %dma_wait3A_579] : memref<10000x128xbf16, #tpu.memory_space<vmem_shared>> -> memref<10000x128xbf16, #tpu.memory_space<vmem_shared>>
      tpu.wait_indirect_dma semaphore(%arg36 : memref<!tpu.dma_semaphore, #tpu.memory_space<semaphore_mem>>) src(%arg27 : memref<250x128xbf16, #tpu.memory_space<vmem>>) dst(%dma_wait3A_580 : memref<10000x128xbf16, #tpu.memory_space<vmem_shared>>)
      %add3A_581 = arith.constant 8 : i32
      %add3A_582 = arith.addi %add3A_559, %add3A_581 : i32
      %lt3A_583 = arith.constant 40 : i32
      %lt3A_584 = arith.cmpi slt, %add3A_582, %lt3A_583 : i32
      %convert_element_type3A_585 = arith.extui %lt3A_584 : i1 to i32
      %cond3A_586 = arith.constant 0 : i32
      %cond3A_587 = arith.cmpi ne, %convert_element_type3A_585, %cond3A_586 : i32
      scf.if %cond3A_587 {
        %add3A_780 = arith.addi %select_n3A, %add3A_559 : i32
        %add3A_781 = arith.constant 8 : i32
        %add3A_782 = arith.addi %add3A_780, %add3A_781 : i32
        %dma_start3A_783 = arith.constant 0 : i32
        %dma_start3A_784 = tpu.memref_slice %arg5[%add3A_782, %dma_start3A_783] : memref<1280x250xi32, #tpu.memory_space<hbm>> -> memref<1x250xi32, #tpu.memory_space<hbm>>
        %dma_start3A_785 = arith.constant 0 : i32
        %dma_start3A_786 = tpu.memref_slice %arg5[%add3A_782, %dma_start3A_785] : memref<1280x250xi32, #tpu.memory_space<hbm>> -> memref<1x250xi32, #tpu.memory_space<hbm>>
        tpu.enqueue_dma source(%dma_start3A_786 : memref<1x250xi32, #tpu.memory_space<hbm>>) target(%arg11 : memref<1x250xi32, #tpu.memory_space<vmem>>) target_semaphore(%arg44 : memref<!tpu.dma_semaphore, #tpu.memory_space<semaphore_mem>>)
        %dma_start3A_787 = arith.constant 0 : i32
        %dma_start3A_788 = tpu.memref_slice %arg6[%add3A_782, %dma_start3A_787] : memref<1280x250xi32, #tpu.memory_space<hbm>> -> memref<1x250xi32, #tpu.memory_space<hbm>>
        %dma_start3A_789 = arith.constant 0 : i32
        %dma_start3A_790 = tpu.memref_slice %arg6[%add3A_782, %dma_start3A_789] : memref<1280x250xi32, #tpu.memory_space<hbm>> -> memref<1x250xi32, #tpu.memory_space<hbm>>
        tpu.enqueue_dma source(%dma_start3A_790 : memref<1x250xi32, #tpu.memory_space<hbm>>) target(%arg19 : memref<1x250xi32, #tpu.memory_space<vmem>>) target_semaphore(%arg52 : memref<!tpu.dma_semaphore, #tpu.memory_space<semaphore_mem>>)
      } else {
      }
      %add3A_588 = arith.constant 4 : i32
      %add3A_589 = arith.addi %add3A_559, %add3A_588 : i32
      %lt3A_590 = arith.constant 40 : i32
      %lt3A_591 = arith.cmpi slt, %add3A_589, %lt3A_590 : i32
      %convert_element_type3A_592 = arith.extui %lt3A_591 : i1 to i32
      %cond3A_593 = arith.constant 0 : i32
      %cond3A_594 = arith.cmpi ne, %convert_element_type3A_592, %cond3A_593 : i32
      scf.if %cond3A_594 {
        %dma_wait3A_780 = arith.constant 0 : i32
        %dma_wait3A_781 = tpu.memref_slice %arg5[%select_n3A, %dma_wait3A_780] : memref<1280x250xi32, #tpu.memory_space<hbm>> -> memref<1x250xi32, #tpu.memory_space<hbm>>
        %dma_wait3A_782 = arith.constant 0 : i32
        %dma_wait3A_783 = tpu.memref_slice %arg5[%select_n3A, %dma_wait3A_782] : memref<1280x250xi32, #tpu.memory_space<hbm>> -> memref<1x250xi32, #tpu.memory_space<hbm>>
        tpu.wait_dma2 semaphore(%arg48 : memref<!tpu.dma_semaphore, #tpu.memory_space<semaphore_mem>>) src(%dma_wait3A_783 : memref<1x250xi32, #tpu.memory_space<hbm>>) dst(%arg15 : memref<1x250xi32, #tpu.memory_space<vmem>>)
        %dma_wait3A_784 = arith.constant 0 : i32
        %dma_wait3A_785 = tpu.memref_slice %arg6[%select_n3A, %dma_wait3A_784] : memref<1280x250xi32, #tpu.memory_space<hbm>> -> memref<1x250xi32, #tpu.memory_space<hbm>>
        %dma_wait3A_786 = arith.constant 0 : i32
        %dma_wait3A_787 = tpu.memref_slice %arg6[%select_n3A, %dma_wait3A_786] : memref<1280x250xi32, #tpu.memory_space<hbm>> -> memref<1x250xi32, #tpu.memory_space<hbm>>
        tpu.wait_dma2 semaphore(%arg56 : memref<!tpu.dma_semaphore, #tpu.memory_space<semaphore_mem>>) src(%dma_wait3A_787 : memref<1x250xi32, #tpu.memory_space<hbm>>) dst(%arg23 : memref<1x250xi32, #tpu.memory_space<vmem>>)
        %dma_start3A_788 = arith.constant 0 : i32
        %dma_start3A_789 = arith.constant 0 : i32
        %dma_start3A_790 = tpu.memref_slice %arg15[%dma_start3A_788, %dma_start3A_789] : memref<1x250xi32, #tpu.memory_space<vmem>> -> memref<1x250xi32, #tpu.memory_space<vmem>>
        %dma_start3A_791 = tpu.memref_squeeze %dma_start3A_790 : memref<1x250xi32, #tpu.memory_space<vmem>> -> memref<250xi32, #tpu.memory_space<vmem>>
        %dma_start3A_792 = arith.constant 0 : i32
        %dma_start3A_793 = arith.constant 0 : i32
        %dma_start3A_794 = tpu.memref_slice %arg3[%dma_start3A_792, %dma_start3A_793] : memref<10000x128xbf16, #tpu.memory_space<hbm>> -> memref<10000x128xbf16, #tpu.memory_space<hbm>>
        tpu.enqueue_indirect_dma source(%dma_start3A_794 : memref<10000x128xbf16, #tpu.memory_space<hbm>>) target(%arg27 : memref<250x128xbf16, #tpu.memory_space<vmem>>) offsets(%dma_start3A_791 : memref<250xi32, #tpu.memory_space<vmem>>) semaphore(%arg32 : memref<!tpu.dma_semaphore, #tpu.memory_space<semaphore_mem>>)
      } else {
      }
      %add3A_595 = arith.constant 3 : i32
      %add3A_596 = arith.addi %add3A_486, %add3A_595 : i32
      %dma_wait3A_597 = arith.constant 0 : i32
      %dma_wait3A_598 = arith.constant 0 : i32
      %dma_wait3A_599 = tpu.memref_slice %arg12[%dma_wait3A_597, %dma_wait3A_598] : memref<1x250xi32, #tpu.memory_space<vmem>> -> memref<1x250xi32, #tpu.memory_space<vmem>>
      %dma_wait3A_600 = tpu.memref_squeeze %dma_wait3A_599 : memref<1x250xi32, #tpu.memory_space<vmem>> -> memref<250xi32, #tpu.memory_space<vmem>>
      %dma_wait3A_601 = arith.constant 0 : i32
      %dma_wait3A_602 = arith.constant 0 : i32
      %dma_wait3A_603 = tpu.memref_slice %arg3[%dma_wait3A_601, %dma_wait3A_602] : memref<10000x128xbf16, #tpu.memory_space<hbm>> -> memref<10000x128xbf16, #tpu.memory_space<hbm>>
      tpu.wait_indirect_dma semaphore(%arg33 : memref<!tpu.dma_semaphore, #tpu.memory_space<semaphore_mem>>) src(%dma_wait3A_603 : memref<10000x128xbf16, #tpu.memory_space<hbm>>) dst(%arg28 : memref<250x128xbf16, #tpu.memory_space<vmem>>)
      %dma_start3A_604 = arith.constant 0 : i32
      %dma_start3A_605 = arith.constant 0 : i32
      %dma_start3A_606 = tpu.memref_slice %arg20[%dma_start3A_604, %dma_start3A_605] : memref<1x250xi32, #tpu.memory_space<vmem>> -> memref<1x250xi32, #tpu.memory_space<vmem>>
      %dma_start3A_607 = tpu.memref_squeeze %dma_start3A_606 : memref<1x250xi32, #tpu.memory_space<vmem>> -> memref<250xi32, #tpu.memory_space<vmem>>
      %dma_start3A_608 = arith.constant 0 : i32
      %dma_start3A_609 = arith.constant 0 : i32
      %dma_start3A_610 = tpu.memref_slice %arg29[%dma_start3A_608, %dma_start3A_609] : memref<10000x128xbf16, #tpu.memory_space<vmem_shared>> -> memref<10000x128xbf16, #tpu.memory_space<vmem_shared>>
      tpu.enqueue_indirect_dma source(%arg28 : memref<250x128xbf16, #tpu.memory_space<vmem>>) target(%dma_start3A_610 : memref<10000x128xbf16, #tpu.memory_space<vmem_shared>>) offsets(%dma_start3A_607 : memref<250xi32, #tpu.memory_space<vmem>>) semaphore(%arg37 : memref<!tpu.dma_semaphore, #tpu.memory_space<semaphore_mem>>) {add = true}
      %dma_wait3A_611 = arith.constant 0 : i32
      %dma_wait3A_612 = arith.constant 0 : i32
      %dma_wait3A_613 = tpu.memref_slice %arg20[%dma_wait3A_611, %dma_wait3A_612] : memref<1x250xi32, #tpu.memory_space<vmem>> -> memref<1x250xi32, #tpu.memory_space<vmem>>
      %dma_wait3A_614 = tpu.memref_squeeze %dma_wait3A_613 : memref<1x250xi32, #tpu.memory_space<vmem>> -> memref<250xi32, #tpu.memory_space<vmem>>
      %dma_wait3A_615 = arith.constant 0 : i32
      %dma_wait3A_616 = arith.constant 0 : i32
      %dma_wait3A_617 = tpu.memref_slice %arg29[%dma_wait3A_615, %dma_wait3A_616] : memref<10000x128xbf16, #tpu.memory_space<vmem_shared>> -> memref<10000x128xbf16, #tpu.memory_space<vmem_shared>>
      tpu.wait_indirect_dma semaphore(%arg37 : memref<!tpu.dma_semaphore, #tpu.memory_space<semaphore_mem>>) src(%arg28 : memref<250x128xbf16, #tpu.memory_space<vmem>>) dst(%dma_wait3A_617 : memref<10000x128xbf16, #tpu.memory_space<vmem_shared>>)
      %add3A_618 = arith.constant 8 : i32
      %add3A_619 = arith.addi %add3A_596, %add3A_618 : i32
      %lt3A_620 = arith.constant 40 : i32
      %lt3A_621 = arith.cmpi slt, %add3A_619, %lt3A_620 : i32
      %convert_element_type3A_622 = arith.extui %lt3A_621 : i1 to i32
      %cond3A_623 = arith.constant 0 : i32
      %cond3A_624 = arith.cmpi ne, %convert_element_type3A_622, %cond3A_623 : i32
      scf.if %cond3A_624 {
        %add3A_780 = arith.addi %select_n3A, %add3A_596 : i32
        %add3A_781 = arith.constant 8 : i32
        %add3A_782 = arith.addi %add3A_780, %add3A_781 : i32
        %dma_start3A_783 = arith.constant 0 : i32
        %dma_start3A_784 = tpu.memref_slice %arg5[%add3A_782, %dma_start3A_783] : memref<1280x250xi32, #tpu.memory_space<hbm>> -> memref<1x250xi32, #tpu.memory_space<hbm>>
        %dma_start3A_785 = arith.constant 0 : i32
        %dma_start3A_786 = tpu.memref_slice %arg5[%add3A_782, %dma_start3A_785] : memref<1280x250xi32, #tpu.memory_space<hbm>> -> memref<1x250xi32, #tpu.memory_space<hbm>>
        tpu.enqueue_dma source(%dma_start3A_786 : memref<1x250xi32, #tpu.memory_space<hbm>>) target(%arg12 : memref<1x250xi32, #tpu.memory_space<vmem>>) target_semaphore(%arg45 : memref<!tpu.dma_semaphore, #tpu.memory_space<semaphore_mem>>)
        %dma_start3A_787 = arith.constant 0 : i32
        %dma_start3A_788 = tpu.memref_slice %arg6[%add3A_782, %dma_start3A_787] : memref<1280x250xi32, #tpu.memory_space<hbm>> -> memref<1x250xi32, #tpu.memory_space<hbm>>
        %dma_start3A_789 = arith.constant 0 : i32
        %dma_start3A_790 = tpu.memref_slice %arg6[%add3A_782, %dma_start3A_789] : memref<1280x250xi32, #tpu.memory_space<hbm>> -> memref<1x250xi32, #tpu.memory_space<hbm>>
        tpu.enqueue_dma source(%dma_start3A_790 : memref<1x250xi32, #tpu.memory_space<hbm>>) target(%arg20 : memref<1x250xi32, #tpu.memory_space<vmem>>) target_semaphore(%arg53 : memref<!tpu.dma_semaphore, #tpu.memory_space<semaphore_mem>>)
      } else {
      }
      %add3A_625 = arith.constant 4 : i32
      %add3A_626 = arith.addi %add3A_596, %add3A_625 : i32
      %lt3A_627 = arith.constant 40 : i32
      %lt3A_628 = arith.cmpi slt, %add3A_626, %lt3A_627 : i32
      %convert_element_type3A_629 = arith.extui %lt3A_628 : i1 to i32
      %cond3A_630 = arith.constant 0 : i32
      %cond3A_631 = arith.cmpi ne, %convert_element_type3A_629, %cond3A_630 : i32
      scf.if %cond3A_631 {
        %dma_wait3A_780 = arith.constant 0 : i32
        %dma_wait3A_781 = tpu.memref_slice %arg5[%select_n3A, %dma_wait3A_780] : memref<1280x250xi32, #tpu.memory_space<hbm>> -> memref<1x250xi32, #tpu.memory_space<hbm>>
        %dma_wait3A_782 = arith.constant 0 : i32
        %dma_wait3A_783 = tpu.memref_slice %arg5[%select_n3A, %dma_wait3A_782] : memref<1280x250xi32, #tpu.memory_space<hbm>> -> memref<1x250xi32, #tpu.memory_space<hbm>>
        tpu.wait_dma2 semaphore(%arg49 : memref<!tpu.dma_semaphore, #tpu.memory_space<semaphore_mem>>) src(%dma_wait3A_783 : memref<1x250xi32, #tpu.memory_space<hbm>>) dst(%arg16 : memref<1x250xi32, #tpu.memory_space<vmem>>)
        %dma_wait3A_784 = arith.constant 0 : i32
        %dma_wait3A_785 = tpu.memref_slice %arg6[%select_n3A, %dma_wait3A_784] : memref<1280x250xi32, #tpu.memory_space<hbm>> -> memref<1x250xi32, #tpu.memory_space<hbm>>
        %dma_wait3A_786 = arith.constant 0 : i32
        %dma_wait3A_787 = tpu.memref_slice %arg6[%select_n3A, %dma_wait3A_786] : memref<1280x250xi32, #tpu.memory_space<hbm>> -> memref<1x250xi32, #tpu.memory_space<hbm>>
        tpu.wait_dma2 semaphore(%arg57 : memref<!tpu.dma_semaphore, #tpu.memory_space<semaphore_mem>>) src(%dma_wait3A_787 : memref<1x250xi32, #tpu.memory_space<hbm>>) dst(%arg24 : memref<1x250xi32, #tpu.memory_space<vmem>>)
        %dma_start3A_788 = arith.constant 0 : i32
        %dma_start3A_789 = arith.constant 0 : i32
        %dma_start3A_790 = tpu.memref_slice %arg16[%dma_start3A_788, %dma_start3A_789] : memref<1x250xi32, #tpu.memory_space<vmem>> -> memref<1x250xi32, #tpu.memory_space<vmem>>
        %dma_start3A_791 = tpu.memref_squeeze %dma_start3A_790 : memref<1x250xi32, #tpu.memory_space<vmem>> -> memref<250xi32, #tpu.memory_space<vmem>>
        %dma_start3A_792 = arith.constant 0 : i32
        %dma_start3A_793 = arith.constant 0 : i32
        %dma_start3A_794 = tpu.memref_slice %arg3[%dma_start3A_792, %dma_start3A_793] : memref<10000x128xbf16, #tpu.memory_space<hbm>> -> memref<10000x128xbf16, #tpu.memory_space<hbm>>
        tpu.enqueue_indirect_dma source(%dma_start3A_794 : memref<10000x128xbf16, #tpu.memory_space<hbm>>) target(%arg28 : memref<250x128xbf16, #tpu.memory_space<vmem>>) offsets(%dma_start3A_791 : memref<250xi32, #tpu.memory_space<vmem>>) semaphore(%arg33 : memref<!tpu.dma_semaphore, #tpu.memory_space<semaphore_mem>>)
      } else {
      }
      %add3A_632 = arith.constant 4 : i32
      %add3A_633 = arith.addi %add3A_486, %add3A_632 : i32
      %dma_wait3A_634 = arith.constant 0 : i32
      %dma_wait3A_635 = arith.constant 0 : i32
      %dma_wait3A_636 = tpu.memref_slice %arg13[%dma_wait3A_634, %dma_wait3A_635] : memref<1x250xi32, #tpu.memory_space<vmem>> -> memref<1x250xi32, #tpu.memory_space<vmem>>
      %dma_wait3A_637 = tpu.memref_squeeze %dma_wait3A_636 : memref<1x250xi32, #tpu.memory_space<vmem>> -> memref<250xi32, #tpu.memory_space<vmem>>
      %dma_wait3A_638 = arith.constant 0 : i32
      %dma_wait3A_639 = arith.constant 0 : i32
      %dma_wait3A_640 = tpu.memref_slice %arg3[%dma_wait3A_638, %dma_wait3A_639] : memref<10000x128xbf16, #tpu.memory_space<hbm>> -> memref<10000x128xbf16, #tpu.memory_space<hbm>>
      tpu.wait_indirect_dma semaphore(%arg30 : memref<!tpu.dma_semaphore, #tpu.memory_space<semaphore_mem>>) src(%dma_wait3A_640 : memref<10000x128xbf16, #tpu.memory_space<hbm>>) dst(%arg25 : memref<250x128xbf16, #tpu.memory_space<vmem>>)
      %dma_start3A_641 = arith.constant 0 : i32
      %dma_start3A_642 = arith.constant 0 : i32
      %dma_start3A_643 = tpu.memref_slice %arg21[%dma_start3A_641, %dma_start3A_642] : memref<1x250xi32, #tpu.memory_space<vmem>> -> memref<1x250xi32, #tpu.memory_space<vmem>>
      %dma_start3A_644 = tpu.memref_squeeze %dma_start3A_643 : memref<1x250xi32, #tpu.memory_space<vmem>> -> memref<250xi32, #tpu.memory_space<vmem>>
      %dma_start3A_645 = arith.constant 0 : i32
      %dma_start3A_646 = arith.constant 0 : i32
      %dma_start3A_647 = tpu.memref_slice %arg29[%dma_start3A_645, %dma_start3A_646] : memref<10000x128xbf16, #tpu.memory_space<vmem_shared>> -> memref<10000x128xbf16, #tpu.memory_space<vmem_shared>>
      tpu.enqueue_indirect_dma source(%arg25 : memref<250x128xbf16, #tpu.memory_space<vmem>>) target(%dma_start3A_647 : memref<10000x128xbf16, #tpu.memory_space<vmem_shared>>) offsets(%dma_start3A_644 : memref<250xi32, #tpu.memory_space<vmem>>) semaphore(%arg34 : memref<!tpu.dma_semaphore, #tpu.memory_space<semaphore_mem>>) {add = true}
      %dma_wait3A_648 = arith.constant 0 : i32
      %dma_wait3A_649 = arith.constant 0 : i32
      %dma_wait3A_650 = tpu.memref_slice %arg21[%dma_wait3A_648, %dma_wait3A_649] : memref<1x250xi32, #tpu.memory_space<vmem>> -> memref<1x250xi32, #tpu.memory_space<vmem>>
      %dma_wait3A_651 = tpu.memref_squeeze %dma_wait3A_650 : memref<1x250xi32, #tpu.memory_space<vmem>> -> memref<250xi32, #tpu.memory_space<vmem>>
      %dma_wait3A_652 = arith.constant 0 : i32
      %dma_wait3A_653 = arith.constant 0 : i32
      %dma_wait3A_654 = tpu.memref_slice %arg29[%dma_wait3A_652, %dma_wait3A_653] : memref<10000x128xbf16, #tpu.memory_space<vmem_shared>> -> memref<10000x128xbf16, #tpu.memory_space<vmem_shared>>
      tpu.wait_indirect_dma semaphore(%arg34 : memref<!tpu.dma_semaphore, #tpu.memory_space<semaphore_mem>>) src(%arg25 : memref<250x128xbf16, #tpu.memory_space<vmem>>) dst(%dma_wait3A_654 : memref<10000x128xbf16, #tpu.memory_space<vmem_shared>>)
      %add3A_655 = arith.constant 8 : i32
      %add3A_656 = arith.addi %add3A_633, %add3A_655 : i32
      %lt3A_657 = arith.constant 40 : i32
      %lt3A_658 = arith.cmpi slt, %add3A_656, %lt3A_657 : i32
      %convert_element_type3A_659 = arith.extui %lt3A_658 : i1 to i32
      %cond3A_660 = arith.constant 0 : i32
      %cond3A_661 = arith.cmpi ne, %convert_element_type3A_659, %cond3A_660 : i32
      scf.if %cond3A_661 {
        %add3A_780 = arith.addi %select_n3A, %add3A_633 : i32
        %add3A_781 = arith.constant 8 : i32
        %add3A_782 = arith.addi %add3A_780, %add3A_781 : i32
        %dma_start3A_783 = arith.constant 0 : i32
        %dma_start3A_784 = tpu.memref_slice %arg5[%add3A_782, %dma_start3A_783] : memref<1280x250xi32, #tpu.memory_space<hbm>> -> memref<1x250xi32, #tpu.memory_space<hbm>>
        %dma_start3A_785 = arith.constant 0 : i32
        %dma_start3A_786 = tpu.memref_slice %arg5[%add3A_782, %dma_start3A_785] : memref<1280x250xi32, #tpu.memory_space<hbm>> -> memref<1x250xi32, #tpu.memory_space<hbm>>
        tpu.enqueue_dma source(%dma_start3A_786 : memref<1x250xi32, #tpu.memory_space<hbm>>) target(%arg13 : memref<1x250xi32, #tpu.memory_space<vmem>>) target_semaphore(%arg46 : memref<!tpu.dma_semaphore, #tpu.memory_space<semaphore_mem>>)
        %dma_start3A_787 = arith.constant 0 : i32
        %dma_start3A_788 = tpu.memref_slice %arg6[%add3A_782, %dma_start3A_787] : memref<1280x250xi32, #tpu.memory_space<hbm>> -> memref<1x250xi32, #tpu.memory_space<hbm>>
        %dma_start3A_789 = arith.constant 0 : i32
        %dma_start3A_790 = tpu.memref_slice %arg6[%add3A_782, %dma_start3A_789] : memref<1280x250xi32, #tpu.memory_space<hbm>> -> memref<1x250xi32, #tpu.memory_space<hbm>>
        tpu.enqueue_dma source(%dma_start3A_790 : memref<1x250xi32, #tpu.memory_space<hbm>>) target(%arg21 : memref<1x250xi32, #tpu.memory_space<vmem>>) target_semaphore(%arg54 : memref<!tpu.dma_semaphore, #tpu.memory_space<semaphore_mem>>)
      } else {
      }
      %add3A_662 = arith.constant 4 : i32
      %add3A_663 = arith.addi %add3A_633, %add3A_662 : i32
      %lt3A_664 = arith.constant 40 : i32
      %lt3A_665 = arith.cmpi slt, %add3A_663, %lt3A_664 : i32
      %convert_element_type3A_666 = arith.extui %lt3A_665 : i1 to i32
      %cond3A_667 = arith.constant 0 : i32
      %cond3A_668 = arith.cmpi ne, %convert_element_type3A_666, %cond3A_667 : i32
      scf.if %cond3A_668 {
        %dma_wait3A_780 = arith.constant 0 : i32
        %dma_wait3A_781 = tpu.memref_slice %arg5[%select_n3A, %dma_wait3A_780] : memref<1280x250xi32, #tpu.memory_space<hbm>> -> memref<1x250xi32, #tpu.memory_space<hbm>>
        %dma_wait3A_782 = arith.constant 0 : i32
        %dma_wait3A_783 = tpu.memref_slice %arg5[%select_n3A, %dma_wait3A_782] : memref<1280x250xi32, #tpu.memory_space<hbm>> -> memref<1x250xi32, #tpu.memory_space<hbm>>
        tpu.wait_dma2 semaphore(%arg42 : memref<!tpu.dma_semaphore, #tpu.memory_space<semaphore_mem>>) src(%dma_wait3A_783 : memref<1x250xi32, #tpu.memory_space<hbm>>) dst(%arg9 : memref<1x250xi32, #tpu.memory_space<vmem>>)
        %dma_wait3A_784 = arith.constant 0 : i32
        %dma_wait3A_785 = tpu.memref_slice %arg6[%select_n3A, %dma_wait3A_784] : memref<1280x250xi32, #tpu.memory_space<hbm>> -> memref<1x250xi32, #tpu.memory_space<hbm>>
        %dma_wait3A_786 = arith.constant 0 : i32
        %dma_wait3A_787 = tpu.memref_slice %arg6[%select_n3A, %dma_wait3A_786] : memref<1280x250xi32, #tpu.memory_space<hbm>> -> memref<1x250xi32, #tpu.memory_space<hbm>>
        tpu.wait_dma2 semaphore(%arg50 : memref<!tpu.dma_semaphore, #tpu.memory_space<semaphore_mem>>) src(%dma_wait3A_787 : memref<1x250xi32, #tpu.memory_space<hbm>>) dst(%arg17 : memref<1x250xi32, #tpu.memory_space<vmem>>)
        %dma_start3A_788 = arith.constant 0 : i32
        %dma_start3A_789 = arith.constant 0 : i32
        %dma_start3A_790 = tpu.memref_slice %arg9[%dma_start3A_788, %dma_start3A_789] : memref<1x250xi32, #tpu.memory_space<vmem>> -> memref<1x250xi32, #tpu.memory_space<vmem>>
        %dma_start3A_791 = tpu.memref_squeeze %dma_start3A_790 : memref<1x250xi32, #tpu.memory_space<vmem>> -> memref<250xi32, #tpu.memory_space<vmem>>
        %dma_start3A_792 = arith.constant 0 : i32
        %dma_start3A_793 = arith.constant 0 : i32
        %dma_start3A_794 = tpu.memref_slice %arg3[%dma_start3A_792, %dma_start3A_793] : memref<10000x128xbf16, #tpu.memory_space<hbm>> -> memref<10000x128xbf16, #tpu.memory_space<hbm>>
        tpu.enqueue_indirect_dma source(%dma_start3A_794 : memref<10000x128xbf16, #tpu.memory_space<hbm>>) target(%arg25 : memref<250x128xbf16, #tpu.memory_space<vmem>>) offsets(%dma_start3A_791 : memref<250xi32, #tpu.memory_space<vmem>>) semaphore(%arg30 : memref<!tpu.dma_semaphore, #tpu.memory_space<semaphore_mem>>)
      } else {
      }
      %add3A_669 = arith.constant 5 : i32
      %add3A_670 = arith.addi %add3A_486, %add3A_669 : i32
      %dma_wait3A_671 = arith.constant 0 : i32
      %dma_wait3A_672 = arith.constant 0 : i32
      %dma_wait3A_673 = tpu.memref_slice %arg14[%dma_wait3A_671, %dma_wait3A_672] : memref<1x250xi32, #tpu.memory_space<vmem>> -> memref<1x250xi32, #tpu.memory_space<vmem>>
      %dma_wait3A_674 = tpu.memref_squeeze %dma_wait3A_673 : memref<1x250xi32, #tpu.memory_space<vmem>> -> memref<250xi32, #tpu.memory_space<vmem>>
      %dma_wait3A_675 = arith.constant 0 : i32
      %dma_wait3A_676 = arith.constant 0 : i32
      %dma_wait3A_677 = tpu.memref_slice %arg3[%dma_wait3A_675, %dma_wait3A_676] : memref<10000x128xbf16, #tpu.memory_space<hbm>> -> memref<10000x128xbf16, #tpu.memory_space<hbm>>
      tpu.wait_indirect_dma semaphore(%arg31 : memref<!tpu.dma_semaphore, #tpu.memory_space<semaphore_mem>>) src(%dma_wait3A_677 : memref<10000x128xbf16, #tpu.memory_space<hbm>>) dst(%arg26 : memref<250x128xbf16, #tpu.memory_space<vmem>>)
      %dma_start3A_678 = arith.constant 0 : i32
      %dma_start3A_679 = arith.constant 0 : i32
      %dma_start3A_680 = tpu.memref_slice %arg22[%dma_start3A_678, %dma_start3A_679] : memref<1x250xi32, #tpu.memory_space<vmem>> -> memref<1x250xi32, #tpu.memory_space<vmem>>
      %dma_start3A_681 = tpu.memref_squeeze %dma_start3A_680 : memref<1x250xi32, #tpu.memory_space<vmem>> -> memref<250xi32, #tpu.memory_space<vmem>>
      %dma_start3A_682 = arith.constant 0 : i32
      %dma_start3A_683 = arith.constant 0 : i32
      %dma_start3A_684 = tpu.memref_slice %arg29[%dma_start3A_682, %dma_start3A_683] : memref<10000x128xbf16, #tpu.memory_space<vmem_shared>> -> memref<10000x128xbf16, #tpu.memory_space<vmem_shared>>
      tpu.enqueue_indirect_dma source(%arg26 : memref<250x128xbf16, #tpu.memory_space<vmem>>) target(%dma_start3A_684 : memref<10000x128xbf16, #tpu.memory_space<vmem_shared>>) offsets(%dma_start3A_681 : memref<250xi32, #tpu.memory_space<vmem>>) semaphore(%arg35 : memref<!tpu.dma_semaphore, #tpu.memory_space<semaphore_mem>>) {add = true}
      %dma_wait3A_685 = arith.constant 0 : i32
      %dma_wait3A_686 = arith.constant 0 : i32
      %dma_wait3A_687 = tpu.memref_slice %arg22[%dma_wait3A_685, %dma_wait3A_686] : memref<1x250xi32, #tpu.memory_space<vmem>> -> memref<1x250xi32, #tpu.memory_space<vmem>>
      %dma_wait3A_688 = tpu.memref_squeeze %dma_wait3A_687 : memref<1x250xi32, #tpu.memory_space<vmem>> -> memref<250xi32, #tpu.memory_space<vmem>>
      %dma_wait3A_689 = arith.constant 0 : i32
      %dma_wait3A_690 = arith.constant 0 : i32
      %dma_wait3A_691 = tpu.memref_slice %arg29[%dma_wait3A_689, %dma_wait3A_690] : memref<10000x128xbf16, #tpu.memory_space<vmem_shared>> -> memref<10000x128xbf16, #tpu.memory_space<vmem_shared>>
      tpu.wait_indirect_dma semaphore(%arg35 : memref<!tpu.dma_semaphore, #tpu.memory_space<semaphore_mem>>) src(%arg26 : memref<250x128xbf16, #tpu.memory_space<vmem>>) dst(%dma_wait3A_691 : memref<10000x128xbf16, #tpu.memory_space<vmem_shared>>)
      %add3A_692 = arith.constant 8 : i32
      %add3A_693 = arith.addi %add3A_670, %add3A_692 : i32
      %lt3A_694 = arith.constant 40 : i32
      %lt3A_695 = arith.cmpi slt, %add3A_693, %lt3A_694 : i32
      %convert_element_type3A_696 = arith.extui %lt3A_695 : i1 to i32
      %cond3A_697 = arith.constant 0 : i32
      %cond3A_698 = arith.cmpi ne, %convert_element_type3A_696, %cond3A_697 : i32
      scf.if %cond3A_698 {
        %add3A_780 = arith.addi %select_n3A, %add3A_670 : i32
        %add3A_781 = arith.constant 8 : i32
        %add3A_782 = arith.addi %add3A_780, %add3A_781 : i32
        %dma_start3A_783 = arith.constant 0 : i32
        %dma_start3A_784 = tpu.memref_slice %arg5[%add3A_782, %dma_start3A_783] : memref<1280x250xi32, #tpu.memory_space<hbm>> -> memref<1x250xi32, #tpu.memory_space<hbm>>
        %dma_start3A_785 = arith.constant 0 : i32
        %dma_start3A_786 = tpu.memref_slice %arg5[%add3A_782, %dma_start3A_785] : memref<1280x250xi32, #tpu.memory_space<hbm>> -> memref<1x250xi32, #tpu.memory_space<hbm>>
        tpu.enqueue_dma source(%dma_start3A_786 : memref<1x250xi32, #tpu.memory_space<hbm>>) target(%arg14 : memref<1x250xi32, #tpu.memory_space<vmem>>) target_semaphore(%arg47 : memref<!tpu.dma_semaphore, #tpu.memory_space<semaphore_mem>>)
        %dma_start3A_787 = arith.constant 0 : i32
        %dma_start3A_788 = tpu.memref_slice %arg6[%add3A_782, %dma_start3A_787] : memref<1280x250xi32, #tpu.memory_space<hbm>> -> memref<1x250xi32, #tpu.memory_space<hbm>>
        %dma_start3A_789 = arith.constant 0 : i32
        %dma_start3A_790 = tpu.memref_slice %arg6[%add3A_782, %dma_start3A_789] : memref<1280x250xi32, #tpu.memory_space<hbm>> -> memref<1x250xi32, #tpu.memory_space<hbm>>
        tpu.enqueue_dma source(%dma_start3A_790 : memref<1x250xi32, #tpu.memory_space<hbm>>) target(%arg22 : memref<1x250xi32, #tpu.memory_space<vmem>>) target_semaphore(%arg55 : memref<!tpu.dma_semaphore, #tpu.memory_space<semaphore_mem>>)
      } else {
      }
      %add3A_699 = arith.constant 4 : i32
      %add3A_700 = arith.addi %add3A_670, %add3A_699 : i32
      %lt3A_701 = arith.constant 40 : i32
      %lt3A_702 = arith.cmpi slt, %add3A_700, %lt3A_701 : i32
      %convert_element_type3A_703 = arith.extui %lt3A_702 : i1 to i32
      %cond3A_704 = arith.constant 0 : i32
      %cond3A_705 = arith.cmpi ne, %convert_element_type3A_703, %cond3A_704 : i32
      scf.if %cond3A_705 {
        %dma_wait3A_780 = arith.constant 0 : i32
        %dma_wait3A_781 = tpu.memref_slice %arg5[%select_n3A, %dma_wait3A_780] : memref<1280x250xi32, #tpu.memory_space<hbm>> -> memref<1x250xi32, #tpu.memory_space<hbm>>
        %dma_wait3A_782 = arith.constant 0 : i32
        %dma_wait3A_783 = tpu.memref_slice %arg5[%select_n3A, %dma_wait3A_782] : memref<1280x250xi32, #tpu.memory_space<hbm>> -> memref<1x250xi32, #tpu.memory_space<hbm>>
        tpu.wait_dma2 semaphore(%arg43 : memref<!tpu.dma_semaphore, #tpu.memory_space<semaphore_mem>>) src(%dma_wait3A_783 : memref<1x250xi32, #tpu.memory_space<hbm>>) dst(%arg10 : memref<1x250xi32, #tpu.memory_space<vmem>>)
        %dma_wait3A_784 = arith.constant 0 : i32
        %dma_wait3A_785 = tpu.memref_slice %arg6[%select_n3A, %dma_wait3A_784] : memref<1280x250xi32, #tpu.memory_space<hbm>> -> memref<1x250xi32, #tpu.memory_space<hbm>>
        %dma_wait3A_786 = arith.constant 0 : i32
        %dma_wait3A_787 = tpu.memref_slice %arg6[%select_n3A, %dma_wait3A_786] : memref<1280x250xi32, #tpu.memory_space<hbm>> -> memref<1x250xi32, #tpu.memory_space<hbm>>
        tpu.wait_dma2 semaphore(%arg51 : memref<!tpu.dma_semaphore, #tpu.memory_space<semaphore_mem>>) src(%dma_wait3A_787 : memref<1x250xi32, #tpu.memory_space<hbm>>) dst(%arg18 : memref<1x250xi32, #tpu.memory_space<vmem>>)
        %dma_start3A_788 = arith.constant 0 : i32
        %dma_start3A_789 = arith.constant 0 : i32
        %dma_start3A_790 = tpu.memref_slice %arg10[%dma_start3A_788, %dma_start3A_789] : memref<1x250xi32, #tpu.memory_space<vmem>> -> memref<1x250xi32, #tpu.memory_space<vmem>>
        %dma_start3A_791 = tpu.memref_squeeze %dma_start3A_790 : memref<1x250xi32, #tpu.memory_space<vmem>> -> memref<250xi32, #tpu.memory_space<vmem>>
        %dma_start3A_792 = arith.constant 0 : i32
        %dma_start3A_793 = arith.constant 0 : i32
        %dma_start3A_794 = tpu.memref_slice %arg3[%dma_start3A_792, %dma_start3A_793] : memref<10000x128xbf16, #tpu.memory_space<hbm>> -> memref<10000x128xbf16, #tpu.memory_space<hbm>>
        tpu.enqueue_indirect_dma source(%dma_start3A_794 : memref<10000x128xbf16, #tpu.memory_space<hbm>>) target(%arg26 : memref<250x128xbf16, #tpu.memory_space<vmem>>) offsets(%dma_start3A_791 : memref<250xi32, #tpu.memory_space<vmem>>) semaphore(%arg31 : memref<!tpu.dma_semaphore, #tpu.memory_space<semaphore_mem>>)
      } else {
      }
      %add3A_706 = arith.constant 6 : i32
      %add3A_707 = arith.addi %add3A_486, %add3A_706 : i32
      %dma_wait3A_708 = arith.constant 0 : i32
      %dma_wait3A_709 = arith.constant 0 : i32
      %dma_wait3A_710 = tpu.memref_slice %arg15[%dma_wait3A_708, %dma_wait3A_709] : memref<1x250xi32, #tpu.memory_space<vmem>> -> memref<1x250xi32, #tpu.memory_space<vmem>>
      %dma_wait3A_711 = tpu.memref_squeeze %dma_wait3A_710 : memref<1x250xi32, #tpu.memory_space<vmem>> -> memref<250xi32, #tpu.memory_space<vmem>>
      %dma_wait3A_712 = arith.constant 0 : i32
      %dma_wait3A_713 = arith.constant 0 : i32
      %dma_wait3A_714 = tpu.memref_slice %arg3[%dma_wait3A_712, %dma_wait3A_713] : memref<10000x128xbf16, #tpu.memory_space<hbm>> -> memref<10000x128xbf16, #tpu.memory_space<hbm>>
      tpu.wait_indirect_dma semaphore(%arg32 : memref<!tpu.dma_semaphore, #tpu.memory_space<semaphore_mem>>) src(%dma_wait3A_714 : memref<10000x128xbf16, #tpu.memory_space<hbm>>) dst(%arg27 : memref<250x128xbf16, #tpu.memory_space<vmem>>)
      %dma_start3A_715 = arith.constant 0 : i32
      %dma_start3A_716 = arith.constant 0 : i32
      %dma_start3A_717 = tpu.memref_slice %arg23[%dma_start3A_715, %dma_start3A_716] : memref<1x250xi32, #tpu.memory_space<vmem>> -> memref<1x250xi32, #tpu.memory_space<vmem>>
      %dma_start3A_718 = tpu.memref_squeeze %dma_start3A_717 : memref<1x250xi32, #tpu.memory_space<vmem>> -> memref<250xi32, #tpu.memory_space<vmem>>
      %dma_start3A_719 = arith.constant 0 : i32
      %dma_start3A_720 = arith.constant 0 : i32
      %dma_start3A_721 = tpu.memref_slice %arg29[%dma_start3A_719, %dma_start3A_720] : memref<10000x128xbf16, #tpu.memory_space<vmem_shared>> -> memref<10000x128xbf16, #tpu.memory_space<vmem_shared>>
      tpu.enqueue_indirect_dma source(%arg27 : memref<250x128xbf16, #tpu.memory_space<vmem>>) target(%dma_start3A_721 : memref<10000x128xbf16, #tpu.memory_space<vmem_shared>>) offsets(%dma_start3A_718 : memref<250xi32, #tpu.memory_space<vmem>>) semaphore(%arg36 : memref<!tpu.dma_semaphore, #tpu.memory_space<semaphore_mem>>) {add = true}
      %dma_wait3A_722 = arith.constant 0 : i32
      %dma_wait3A_723 = arith.constant 0 : i32
      %dma_wait3A_724 = tpu.memref_slice %arg23[%dma_wait3A_722, %dma_wait3A_723] : memref<1x250xi32, #tpu.memory_space<vmem>> -> memref<1x250xi32, #tpu.memory_space<vmem>>
      %dma_wait3A_725 = tpu.memref_squeeze %dma_wait3A_724 : memref<1x250xi32, #tpu.memory_space<vmem>> -> memref<250xi32, #tpu.memory_space<vmem>>
      %dma_wait3A_726 = arith.constant 0 : i32
      %dma_wait3A_727 = arith.constant 0 : i32
      %dma_wait3A_728 = tpu.memref_slice %arg29[%dma_wait3A_726, %dma_wait3A_727] : memref<10000x128xbf16, #tpu.memory_space<vmem_shared>> -> memref<10000x128xbf16, #tpu.memory_space<vmem_shared>>
      tpu.wait_indirect_dma semaphore(%arg36 : memref<!tpu.dma_semaphore, #tpu.memory_space<semaphore_mem>>) src(%arg27 : memref<250x128xbf16, #tpu.memory_space<vmem>>) dst(%dma_wait3A_728 : memref<10000x128xbf16, #tpu.memory_space<vmem_shared>>)
      %add3A_729 = arith.constant 8 : i32
      %add3A_730 = arith.addi %add3A_707, %add3A_729 : i32
      %lt3A_731 = arith.constant 40 : i32
      %lt3A_732 = arith.cmpi slt, %add3A_730, %lt3A_731 : i32
      %convert_element_type3A_733 = arith.extui %lt3A_732 : i1 to i32
      %cond3A_734 = arith.constant 0 : i32
      %cond3A_735 = arith.cmpi ne, %convert_element_type3A_733, %cond3A_734 : i32
      scf.if %cond3A_735 {
        %add3A_780 = arith.addi %select_n3A, %add3A_707 : i32
        %add3A_781 = arith.constant 8 : i32
        %add3A_782 = arith.addi %add3A_780, %add3A_781 : i32
        %dma_start3A_783 = arith.constant 0 : i32
        %dma_start3A_784 = tpu.memref_slice %arg5[%add3A_782, %dma_start3A_783] : memref<1280x250xi32, #tpu.memory_space<hbm>> -> memref<1x250xi32, #tpu.memory_space<hbm>>
        %dma_start3A_785 = arith.constant 0 : i32
        %dma_start3A_786 = tpu.memref_slice %arg5[%add3A_782, %dma_start3A_785] : memref<1280x250xi32, #tpu.memory_space<hbm>> -> memref<1x250xi32, #tpu.memory_space<hbm>>
        tpu.enqueue_dma source(%dma_start3A_786 : memref<1x250xi32, #tpu.memory_space<hbm>>) target(%arg15 : memref<1x250xi32, #tpu.memory_space<vmem>>) target_semaphore(%arg48 : memref<!tpu.dma_semaphore, #tpu.memory_space<semaphore_mem>>)
        %dma_start3A_787 = arith.constant 0 : i32
        %dma_start3A_788 = tpu.memref_slice %arg6[%add3A_782, %dma_start3A_787] : memref<1280x250xi32, #tpu.memory_space<hbm>> -> memref<1x250xi32, #tpu.memory_space<hbm>>
        %dma_start3A_789 = arith.constant 0 : i32
        %dma_start3A_790 = tpu.memref_slice %arg6[%add3A_782, %dma_start3A_789] : memref<1280x250xi32, #tpu.memory_space<hbm>> -> memref<1x250xi32, #tpu.memory_space<hbm>>
        tpu.enqueue_dma source(%dma_start3A_790 : memref<1x250xi32, #tpu.memory_space<hbm>>) target(%arg23 : memref<1x250xi32, #tpu.memory_space<vmem>>) target_semaphore(%arg56 : memref<!tpu.dma_semaphore, #tpu.memory_space<semaphore_mem>>)
      } else {
      }
      %add3A_736 = arith.constant 4 : i32
      %add3A_737 = arith.addi %add3A_707, %add3A_736 : i32
      %lt3A_738 = arith.constant 40 : i32
      %lt3A_739 = arith.cmpi slt, %add3A_737, %lt3A_738 : i32
      %convert_element_type3A_740 = arith.extui %lt3A_739 : i1 to i32
      %cond3A_741 = arith.constant 0 : i32
      %cond3A_742 = arith.cmpi ne, %convert_element_type3A_740, %cond3A_741 : i32
      scf.if %cond3A_742 {
        %dma_wait3A_780 = arith.constant 0 : i32
        %dma_wait3A_781 = tpu.memref_slice %arg5[%select_n3A, %dma_wait3A_780] : memref<1280x250xi32, #tpu.memory_space<hbm>> -> memref<1x250xi32, #tpu.memory_space<hbm>>
        %dma_wait3A_782 = arith.constant 0 : i32
        %dma_wait3A_783 = tpu.memref_slice %arg5[%select_n3A, %dma_wait3A_782] : memref<1280x250xi32, #tpu.memory_space<hbm>> -> memref<1x250xi32, #tpu.memory_space<hbm>>
        tpu.wait_dma2 semaphore(%arg44 : memref<!tpu.dma_semaphore, #tpu.memory_space<semaphore_mem>>) src(%dma_wait3A_783 : memref<1x250xi32, #tpu.memory_space<hbm>>) dst(%arg11 : memref<1x250xi32, #tpu.memory_space<vmem>>)
        %dma_wait3A_784 = arith.constant 0 : i32
        %dma_wait3A_785 = tpu.memref_slice %arg6[%select_n3A, %dma_wait3A_784] : memref<1280x250xi32, #tpu.memory_space<hbm>> -> memref<1x250xi32, #tpu.memory_space<hbm>>
        %dma_wait3A_786 = arith.constant 0 : i32
        %dma_wait3A_787 = tpu.memref_slice %arg6[%select_n3A, %dma_wait3A_786] : memref<1280x250xi32, #tpu.memory_space<hbm>> -> memref<1x250xi32, #tpu.memory_space<hbm>>
        tpu.wait_dma2 semaphore(%arg52 : memref<!tpu.dma_semaphore, #tpu.memory_space<semaphore_mem>>) src(%dma_wait3A_787 : memref<1x250xi32, #tpu.memory_space<hbm>>) dst(%arg19 : memref<1x250xi32, #tpu.memory_space<vmem>>)
        %dma_start3A_788 = arith.constant 0 : i32
        %dma_start3A_789 = arith.constant 0 : i32
        %dma_start3A_790 = tpu.memref_slice %arg11[%dma_start3A_788, %dma_start3A_789] : memref<1x250xi32, #tpu.memory_space<vmem>> -> memref<1x250xi32, #tpu.memory_space<vmem>>
        %dma_start3A_791 = tpu.memref_squeeze %dma_start3A_790 : memref<1x250xi32, #tpu.memory_space<vmem>> -> memref<250xi32, #tpu.memory_space<vmem>>
        %dma_start3A_792 = arith.constant 0 : i32
        %dma_start3A_793 = arith.constant 0 : i32
        %dma_start3A_794 = tpu.memref_slice %arg3[%dma_start3A_792, %dma_start3A_793] : memref<10000x128xbf16, #tpu.memory_space<hbm>> -> memref<10000x128xbf16, #tpu.memory_space<hbm>>
        tpu.enqueue_indirect_dma source(%dma_start3A_794 : memref<10000x128xbf16, #tpu.memory_space<hbm>>) target(%arg27 : memref<250x128xbf16, #tpu.memory_space<vmem>>) offsets(%dma_start3A_791 : memref<250xi32, #tpu.memory_space<vmem>>) semaphore(%arg32 : memref<!tpu.dma_semaphore, #tpu.memory_space<semaphore_mem>>)
      } else {
      }
      %add3A_743 = arith.constant 7 : i32
      %add3A_744 = arith.addi %add3A_486, %add3A_743 : i32
      %dma_wait3A_745 = arith.constant 0 : i32
      %dma_wait3A_746 = arith.constant 0 : i32
      %dma_wait3A_747 = tpu.memref_slice %arg16[%dma_wait3A_745, %dma_wait3A_746] : memref<1x250xi32, #tpu.memory_space<vmem>> -> memref<1x250xi32, #tpu.memory_space<vmem>>
      %dma_wait3A_748 = tpu.memref_squeeze %dma_wait3A_747 : memref<1x250xi32, #tpu.memory_space<vmem>> -> memref<250xi32, #tpu.memory_space<vmem>>
      %dma_wait3A_749 = arith.constant 0 : i32
      %dma_wait3A_750 = arith.constant 0 : i32
      %dma_wait3A_751 = tpu.memref_slice %arg3[%dma_wait3A_749, %dma_wait3A_750] : memref<10000x128xbf16, #tpu.memory_space<hbm>> -> memref<10000x128xbf16, #tpu.memory_space<hbm>>
      tpu.wait_indirect_dma semaphore(%arg33 : memref<!tpu.dma_semaphore, #tpu.memory_space<semaphore_mem>>) src(%dma_wait3A_751 : memref<10000x128xbf16, #tpu.memory_space<hbm>>) dst(%arg28 : memref<250x128xbf16, #tpu.memory_space<vmem>>)
      %dma_start3A_752 = arith.constant 0 : i32
      %dma_start3A_753 = arith.constant 0 : i32
      %dma_start3A_754 = tpu.memref_slice %arg24[%dma_start3A_752, %dma_start3A_753] : memref<1x250xi32, #tpu.memory_space<vmem>> -> memref<1x250xi32, #tpu.memory_space<vmem>>
      %dma_start3A_755 = tpu.memref_squeeze %dma_start3A_754 : memref<1x250xi32, #tpu.memory_space<vmem>> -> memref<250xi32, #tpu.memory_space<vmem>>
      %dma_start3A_756 = arith.constant 0 : i32
      %dma_start3A_757 = arith.constant 0 : i32
      %dma_start3A_758 = tpu.memref_slice %arg29[%dma_start3A_756, %dma_start3A_757] : memref<10000x128xbf16, #tpu.memory_space<vmem_shared>> -> memref<10000x128xbf16, #tpu.memory_space<vmem_shared>>
      tpu.enqueue_indirect_dma source(%arg28 : memref<250x128xbf16, #tpu.memory_space<vmem>>) target(%dma_start3A_758 : memref<10000x128xbf16, #tpu.memory_space<vmem_shared>>) offsets(%dma_start3A_755 : memref<250xi32, #tpu.memory_space<vmem>>) semaphore(%arg37 : memref<!tpu.dma_semaphore, #tpu.memory_space<semaphore_mem>>) {add = true}
      %dma_wait3A_759 = arith.constant 0 : i32
      %dma_wait3A_760 = arith.constant 0 : i32
      %dma_wait3A_761 = tpu.memref_slice %arg24[%dma_wait3A_759, %dma_wait3A_760] : memref<1x250xi32, #tpu.memory_space<vmem>> -> memref<1x250xi32, #tpu.memory_space<vmem>>
      %dma_wait3A_762 = tpu.memref_squeeze %dma_wait3A_761 : memref<1x250xi32, #tpu.memory_space<vmem>> -> memref<250xi32, #tpu.memory_space<vmem>>
      %dma_wait3A_763 = arith.constant 0 : i32
      %dma_wait3A_764 = arith.constant 0 : i32
      %dma_wait3A_765 = tpu.memref_slice %arg29[%dma_wait3A_763, %dma_wait3A_764] : memref<10000x128xbf16, #tpu.memory_space<vmem_shared>> -> memref<10000x128xbf16, #tpu.memory_space<vmem_shared>>
      tpu.wait_indirect_dma semaphore(%arg37 : memref<!tpu.dma_semaphore, #tpu.memory_space<semaphore_mem>>) src(%arg28 : memref<250x128xbf16, #tpu.memory_space<vmem>>) dst(%dma_wait3A_765 : memref<10000x128xbf16, #tpu.memory_space<vmem_shared>>)
      %add3A_766 = arith.constant 8 : i32
      %add3A_767 = arith.addi %add3A_744, %add3A_766 : i32
      %lt3A_768 = arith.constant 40 : i32
      %lt3A_769 = arith.cmpi slt, %add3A_767, %lt3A_768 : i32
      %convert_element_type3A_770 = arith.extui %lt3A_769 : i1 to i32
      %cond3A_771 = arith.constant 0 : i32
      %cond3A_772 = arith.cmpi ne, %convert_element_type3A_770, %cond3A_771 : i32
      scf.if %cond3A_772 {
        %add3A_780 = arith.addi %select_n3A, %add3A_744 : i32
        %add3A_781 = arith.constant 8 : i32
        %add3A_782 = arith.addi %add3A_780, %add3A_781 : i32
        %dma_start3A_783 = arith.constant 0 : i32
        %dma_start3A_784 = tpu.memref_slice %arg5[%add3A_782, %dma_start3A_783] : memref<1280x250xi32, #tpu.memory_space<hbm>> -> memref<1x250xi32, #tpu.memory_space<hbm>>
        %dma_start3A_785 = arith.constant 0 : i32
        %dma_start3A_786 = tpu.memref_slice %arg5[%add3A_782, %dma_start3A_785] : memref<1280x250xi32, #tpu.memory_space<hbm>> -> memref<1x250xi32, #tpu.memory_space<hbm>>
        tpu.enqueue_dma source(%dma_start3A_786 : memref<1x250xi32, #tpu.memory_space<hbm>>) target(%arg16 : memref<1x250xi32, #tpu.memory_space<vmem>>) target_semaphore(%arg49 : memref<!tpu.dma_semaphore, #tpu.memory_space<semaphore_mem>>)
        %dma_start3A_787 = arith.constant 0 : i32
        %dma_start3A_788 = tpu.memref_slice %arg6[%add3A_782, %dma_start3A_787] : memref<1280x250xi32, #tpu.memory_space<hbm>> -> memref<1x250xi32, #tpu.memory_space<hbm>>
        %dma_start3A_789 = arith.constant 0 : i32
        %dma_start3A_790 = tpu.memref_slice %arg6[%add3A_782, %dma_start3A_789] : memref<1280x250xi32, #tpu.memory_space<hbm>> -> memref<1x250xi32, #tpu.memory_space<hbm>>
        tpu.enqueue_dma source(%dma_start3A_790 : memref<1x250xi32, #tpu.memory_space<hbm>>) target(%arg24 : memref<1x250xi32, #tpu.memory_space<vmem>>) target_semaphore(%arg57 : memref<!tpu.dma_semaphore, #tpu.memory_space<semaphore_mem>>)
      } else {
      }
      %add3A_773 = arith.constant 4 : i32
      %add3A_774 = arith.addi %add3A_744, %add3A_773 : i32
      %lt3A_775 = arith.constant 40 : i32
      %lt3A_776 = arith.cmpi slt, %add3A_774, %lt3A_775 : i32
      %convert_element_type3A_777 = arith.extui %lt3A_776 : i1 to i32
      %cond3A_778 = arith.constant 0 : i32
      %cond3A_779 = arith.cmpi ne, %convert_element_type3A_777, %cond3A_778 : i32
      scf.if %cond3A_779 {
        %dma_wait3A_780 = arith.constant 0 : i32
        %dma_wait3A_781 = tpu.memref_slice %arg5[%select_n3A, %dma_wait3A_780] : memref<1280x250xi32, #tpu.memory_space<hbm>> -> memref<1x250xi32, #tpu.memory_space<hbm>>
        %dma_wait3A_782 = arith.constant 0 : i32
        %dma_wait3A_783 = tpu.memref_slice %arg5[%select_n3A, %dma_wait3A_782] : memref<1280x250xi32, #tpu.memory_space<hbm>> -> memref<1x250xi32, #tpu.memory_space<hbm>>
        tpu.wait_dma2 semaphore(%arg45 : memref<!tpu.dma_semaphore, #tpu.memory_space<semaphore_mem>>) src(%dma_wait3A_783 : memref<1x250xi32, #tpu.memory_space<hbm>>) dst(%arg12 : memref<1x250xi32, #tpu.memory_space<vmem>>)
        %dma_wait3A_784 = arith.constant 0 : i32
        %dma_wait3A_785 = tpu.memref_slice %arg6[%select_n3A, %dma_wait3A_784] : memref<1280x250xi32, #tpu.memory_space<hbm>> -> memref<1x250xi32, #tpu.memory_space<hbm>>
        %dma_wait3A_786 = arith.constant 0 : i32
        %dma_wait3A_787 = tpu.memref_slice %arg6[%select_n3A, %dma_wait3A_786] : memref<1280x250xi32, #tpu.memory_space<hbm>> -> memref<1x250xi32, #tpu.memory_space<hbm>>
        tpu.wait_dma2 semaphore(%arg53 : memref<!tpu.dma_semaphore, #tpu.memory_space<semaphore_mem>>) src(%dma_wait3A_787 : memref<1x250xi32, #tpu.memory_space<hbm>>) dst(%arg20 : memref<1x250xi32, #tpu.memory_space<vmem>>)
        %dma_start3A_788 = arith.constant 0 : i32
        %dma_start3A_789 = arith.constant 0 : i32
        %dma_start3A_790 = tpu.memref_slice %arg12[%dma_start3A_788, %dma_start3A_789] : memref<1x250xi32, #tpu.memory_space<vmem>> -> memref<1x250xi32, #tpu.memory_space<vmem>>
        %dma_start3A_791 = tpu.memref_squeeze %dma_start3A_790 : memref<1x250xi32, #tpu.memory_space<vmem>> -> memref<250xi32, #tpu.memory_space<vmem>>
        %dma_start3A_792 = arith.constant 0 : i32
        %dma_start3A_793 = arith.constant 0 : i32
        %dma_start3A_794 = tpu.memref_slice %arg3[%dma_start3A_792, %dma_start3A_793] : memref<10000x128xbf16, #tpu.memory_space<hbm>> -> memref<10000x128xbf16, #tpu.memory_space<hbm>>
        tpu.enqueue_indirect_dma source(%dma_start3A_794 : memref<10000x128xbf16, #tpu.memory_space<hbm>>) target(%arg28 : memref<250x128xbf16, #tpu.memory_space<vmem>>) offsets(%dma_start3A_791 : memref<250xi32, #tpu.memory_space<vmem>>) semaphore(%arg33 : memref<!tpu.dma_semaphore, #tpu.memory_space<semaphore_mem>>)
      } else {
      }
    }
    %scan3A_317 = arith.constant 5 : i32
    %barrier3A_318 = arith.constant 0 : index
    tpu.barrier barrier_id(%barrier3A_318)
    %add3A_319 = arith.constant 2 : i32
    %add3A_320 = arith.addi %add3A_319, %arg0 : i32
    %mul3A_321 = arith.constant 10000 : i32
    %mul3A_322 = arith.muli %add3A_320, %mul3A_321 : i32
    %mul3A_323 = arith.constant 625 : i32
    %mul3A_324 = arith.muli %arg1, %mul3A_323 : i32
    %add3A_325 = arith.addi %mul3A_322, %mul3A_324 : i32
    "tpu.region"() ({
      %run_scoped3A = tpu.sem_alloc : memref<!tpu.dma_semaphore, #tpu.memory_space<semaphore_mem>>
      %dma_start3A_482 = arith.constant 0 : i32
      %dma_start3A_483 = tpu.memref_slice %arg8[%add3A_325, %dma_start3A_482] : memref<60000x128xbf16, #tpu.memory_space<hbm>> -> memref<625x128xbf16, #tpu.memory_space<hbm>>
      %dma_start3A_484 = arith.constant 0 : i32
      %dma_start3A_485 = tpu.memref_slice %arg29[%mul3A_0, %dma_start3A_484] : memref<10000x128xbf16, #tpu.memory_space<vmem_shared>> -> memref<625x128xbf16, #tpu.memory_space<vmem_shared>>
      tpu.enqueue_dma source(%dma_start3A_485 : memref<625x128xbf16, #tpu.memory_space<vmem_shared>>) target(%dma_start3A_483 : memref<625x128xbf16, #tpu.memory_space<hbm>>) target_semaphore(%run_scoped3A : memref<!tpu.dma_semaphore, #tpu.memory_space<semaphore_mem>>)
      %dma_wait3A_486 = arith.constant 0 : i32
      %dma_wait3A_487 = tpu.memref_slice %arg8[%add3A_325, %dma_wait3A_486] : memref<60000x128xbf16, #tpu.memory_space<hbm>> -> memref<625x128xbf16, #tpu.memory_space<hbm>>
      %dma_wait3A_488 = arith.constant 0 : i32
      %dma_wait3A_489 = tpu.memref_slice %arg29[%mul3A_0, %dma_wait3A_488] : memref<10000x128xbf16, #tpu.memory_space<vmem_shared>> -> memref<625x128xbf16, #tpu.memory_space<vmem_shared>>
      tpu.wait_dma2 semaphore(%run_scoped3A : memref<!tpu.dma_semaphore, #tpu.memory_space<semaphore_mem>>) src(%dma_wait3A_489 : memref<625x128xbf16, #tpu.memory_space<vmem_shared>>) dst(%dma_wait3A_487 : memref<625x128xbf16, #tpu.memory_space<hbm>>)
      tpu.yield
    }) : () -> ()
    %barrier3A_326 = arith.constant 0 : index
    tpu.barrier barrier_id(%barrier3A_326)
    "tpu.region"() ({
      %run_scoped3A = tpu.sem_alloc : memref<!tpu.dma_semaphore, #tpu.memory_space<semaphore_mem>>
      %dma_start3A_482 = arith.constant 0 : i32
      %dma_start3A_483 = tpu.memref_slice %arg29[%mul3A_0, %dma_start3A_482] : memref<10000x128xbf16, #tpu.memory_space<vmem_shared>> -> memref<625x128xbf16, #tpu.memory_space<vmem_shared>>
      tpu.enqueue_dma source(%arg7 : memref<625x128xbf16, #tpu.memory_space<hbm>>) target(%dma_start3A_483 : memref<625x128xbf16, #tpu.memory_space<vmem_shared>>) target_semaphore(%run_scoped3A : memref<!tpu.dma_semaphore, #tpu.memory_space<semaphore_mem>>)
      %dma_wait3A_484 = arith.constant 0 : i32
      %dma_wait3A_485 = tpu.memref_slice %arg29[%mul3A_0, %dma_wait3A_484] : memref<10000x128xbf16, #tpu.memory_space<vmem_shared>> -> memref<625x128xbf16, #tpu.memory_space<vmem_shared>>
      tpu.wait_dma2 semaphore(%run_scoped3A : memref<!tpu.dma_semaphore, #tpu.memory_space<semaphore_mem>>) src(%arg7 : memref<625x128xbf16, #tpu.memory_space<hbm>>) dst(%dma_wait3A_485 : memref<625x128xbf16, #tpu.memory_space<vmem_shared>>)
      tpu.yield
    }) : () -> ()
    %add3A_327 = arith.constant 0 : i32
    %add3A_328 = arith.addi %select_n3A, %add3A_327 : i32
    %dma_start3A_329 = arith.constant 0 : i32
    %dma_start3A_330 = tpu.memref_slice %arg5[%add3A_328, %dma_start3A_329] : memref<1280x250xi32, #tpu.memory_space<hbm>> -> memref<1x250xi32, #tpu.memory_space<hbm>>
    %dma_start3A_331 = arith.constant 0 : i32
    %dma_start3A_332 = tpu.memref_slice %arg5[%add3A_328, %dma_start3A_331] : memref<1280x250xi32, #tpu.memory_space<hbm>> -> memref<1x250xi32, #tpu.memory_space<hbm>>
    tpu.enqueue_dma source(%dma_start3A_332 : memref<1x250xi32, #tpu.memory_space<hbm>>) target(%arg9 : memref<1x250xi32, #tpu.memory_space<vmem>>) target_semaphore(%arg42 : memref<!tpu.dma_semaphore, #tpu.memory_space<semaphore_mem>>)
    %dma_start3A_333 = arith.constant 0 : i32
    %dma_start3A_334 = tpu.memref_slice %arg6[%add3A_328, %dma_start3A_333] : memref<1280x250xi32, #tpu.memory_space<hbm>> -> memref<1x250xi32, #tpu.memory_space<hbm>>
    %dma_start3A_335 = arith.constant 0 : i32
    %dma_start3A_336 = tpu.memref_slice %arg6[%add3A_328, %dma_start3A_335] : memref<1280x250xi32, #tpu.memory_space<hbm>> -> memref<1x250xi32, #tpu.memory_space<hbm>>
    tpu.enqueue_dma source(%dma_start3A_336 : memref<1x250xi32, #tpu.memory_space<hbm>>) target(%arg17 : memref<1x250xi32, #tpu.memory_space<vmem>>) target_semaphore(%arg50 : memref<!tpu.dma_semaphore, #tpu.memory_space<semaphore_mem>>)
    %add3A_337 = arith.constant 1 : i32
    %add3A_338 = arith.addi %select_n3A, %add3A_337 : i32
    %dma_start3A_339 = arith.constant 0 : i32
    %dma_start3A_340 = tpu.memref_slice %arg5[%add3A_338, %dma_start3A_339] : memref<1280x250xi32, #tpu.memory_space<hbm>> -> memref<1x250xi32, #tpu.memory_space<hbm>>
    %dma_start3A_341 = arith.constant 0 : i32
    %dma_start3A_342 = tpu.memref_slice %arg5[%add3A_338, %dma_start3A_341] : memref<1280x250xi32, #tpu.memory_space<hbm>> -> memref<1x250xi32, #tpu.memory_space<hbm>>
    tpu.enqueue_dma source(%dma_start3A_342 : memref<1x250xi32, #tpu.memory_space<hbm>>) target(%arg10 : memref<1x250xi32, #tpu.memory_space<vmem>>) target_semaphore(%arg43 : memref<!tpu.dma_semaphore, #tpu.memory_space<semaphore_mem>>)
    %dma_start3A_343 = arith.constant 0 : i32
    %dma_start3A_344 = tpu.memref_slice %arg6[%add3A_338, %dma_start3A_343] : memref<1280x250xi32, #tpu.memory_space<hbm>> -> memref<1x250xi32, #tpu.memory_space<hbm>>
    %dma_start3A_345 = arith.constant 0 : i32
    %dma_start3A_346 = tpu.memref_slice %arg6[%add3A_338, %dma_start3A_345] : memref<1280x250xi32, #tpu.memory_space<hbm>> -> memref<1x250xi32, #tpu.memory_space<hbm>>
    tpu.enqueue_dma source(%dma_start3A_346 : memref<1x250xi32, #tpu.memory_space<hbm>>) target(%arg18 : memref<1x250xi32, #tpu.memory_space<vmem>>) target_semaphore(%arg51 : memref<!tpu.dma_semaphore, #tpu.memory_space<semaphore_mem>>)
    %add3A_347 = arith.constant 2 : i32
    %add3A_348 = arith.addi %select_n3A, %add3A_347 : i32
    %dma_start3A_349 = arith.constant 0 : i32
    %dma_start3A_350 = tpu.memref_slice %arg5[%add3A_348, %dma_start3A_349] : memref<1280x250xi32, #tpu.memory_space<hbm>> -> memref<1x250xi32, #tpu.memory_space<hbm>>
    %dma_start3A_351 = arith.constant 0 : i32
    %dma_start3A_352 = tpu.memref_slice %arg5[%add3A_348, %dma_start3A_351] : memref<1280x250xi32, #tpu.memory_space<hbm>> -> memref<1x250xi32, #tpu.memory_space<hbm>>
    tpu.enqueue_dma source(%dma_start3A_352 : memref<1x250xi32, #tpu.memory_space<hbm>>) target(%arg11 : memref<1x250xi32, #tpu.memory_space<vmem>>) target_semaphore(%arg44 : memref<!tpu.dma_semaphore, #tpu.memory_space<semaphore_mem>>)
    %dma_start3A_353 = arith.constant 0 : i32
    %dma_start3A_354 = tpu.memref_slice %arg6[%add3A_348, %dma_start3A_353] : memref<1280x250xi32, #tpu.memory_space<hbm>> -> memref<1x250xi32, #tpu.memory_space<hbm>>
    %dma_start3A_355 = arith.constant 0 : i32
    %dma_start3A_356 = tpu.memref_slice %arg6[%add3A_348, %dma_start3A_355] : memref<1280x250xi32, #tpu.memory_space<hbm>> -> memref<1x250xi32, #tpu.memory_space<hbm>>
    tpu.enqueue_dma source(%dma_start3A_356 : memref<1x250xi32, #tpu.memory_space<hbm>>) target(%arg19 : memref<1x250xi32, #tpu.memory_space<vmem>>) target_semaphore(%arg52 : memref<!tpu.dma_semaphore, #tpu.memory_space<semaphore_mem>>)
    %add3A_357 = arith.constant 3 : i32
    %add3A_358 = arith.addi %select_n3A, %add3A_357 : i32
    %dma_start3A_359 = arith.constant 0 : i32
    %dma_start3A_360 = tpu.memref_slice %arg5[%add3A_358, %dma_start3A_359] : memref<1280x250xi32, #tpu.memory_space<hbm>> -> memref<1x250xi32, #tpu.memory_space<hbm>>
    %dma_start3A_361 = arith.constant 0 : i32
    %dma_start3A_362 = tpu.memref_slice %arg5[%add3A_358, %dma_start3A_361] : memref<1280x250xi32, #tpu.memory_space<hbm>> -> memref<1x250xi32, #tpu.memory_space<hbm>>
    tpu.enqueue_dma source(%dma_start3A_362 : memref<1x250xi32, #tpu.memory_space<hbm>>) target(%arg12 : memref<1x250xi32, #tpu.memory_space<vmem>>) target_semaphore(%arg45 : memref<!tpu.dma_semaphore, #tpu.memory_space<semaphore_mem>>)
    %dma_start3A_363 = arith.constant 0 : i32
    %dma_start3A_364 = tpu.memref_slice %arg6[%add3A_358, %dma_start3A_363] : memref<1280x250xi32, #tpu.memory_space<hbm>> -> memref<1x250xi32, #tpu.memory_space<hbm>>
    %dma_start3A_365 = arith.constant 0 : i32
    %dma_start3A_366 = tpu.memref_slice %arg6[%add3A_358, %dma_start3A_365] : memref<1280x250xi32, #tpu.memory_space<hbm>> -> memref<1x250xi32, #tpu.memory_space<hbm>>
    tpu.enqueue_dma source(%dma_start3A_366 : memref<1x250xi32, #tpu.memory_space<hbm>>) target(%arg20 : memref<1x250xi32, #tpu.memory_space<vmem>>) target_semaphore(%arg53 : memref<!tpu.dma_semaphore, #tpu.memory_space<semaphore_mem>>)
    %add3A_367 = arith.constant 4 : i32
    %add3A_368 = arith.addi %select_n3A, %add3A_367 : i32
    %dma_start3A_369 = arith.constant 0 : i32
    %dma_start3A_370 = tpu.memref_slice %arg5[%add3A_368, %dma_start3A_369] : memref<1280x250xi32, #tpu.memory_space<hbm>> -> memref<1x250xi32, #tpu.memory_space<hbm>>
    %dma_start3A_371 = arith.constant 0 : i32
    %dma_start3A_372 = tpu.memref_slice %arg5[%add3A_368, %dma_start3A_371] : memref<1280x250xi32, #tpu.memory_space<hbm>> -> memref<1x250xi32, #tpu.memory_space<hbm>>
    tpu.enqueue_dma source(%dma_start3A_372 : memref<1x250xi32, #tpu.memory_space<hbm>>) target(%arg13 : memref<1x250xi32, #tpu.memory_space<vmem>>) target_semaphore(%arg46 : memref<!tpu.dma_semaphore, #tpu.memory_space<semaphore_mem>>)
    %dma_start3A_373 = arith.constant 0 : i32
    %dma_start3A_374 = tpu.memref_slice %arg6[%add3A_368, %dma_start3A_373] : memref<1280x250xi32, #tpu.memory_space<hbm>> -> memref<1x250xi32, #tpu.memory_space<hbm>>
    %dma_start3A_375 = arith.constant 0 : i32
    %dma_start3A_376 = tpu.memref_slice %arg6[%add3A_368, %dma_start3A_375] : memref<1280x250xi32, #tpu.memory_space<hbm>> -> memref<1x250xi32, #tpu.memory_space<hbm>>
    tpu.enqueue_dma source(%dma_start3A_376 : memref<1x250xi32, #tpu.memory_space<hbm>>) target(%arg21 : memref<1x250xi32, #tpu.memory_space<vmem>>) target_semaphore(%arg54 : memref<!tpu.dma_semaphore, #tpu.memory_space<semaphore_mem>>)
    %add3A_377 = arith.constant 5 : i32
    %add3A_378 = arith.addi %select_n3A, %add3A_377 : i32
    %dma_start3A_379 = arith.constant 0 : i32
    %dma_start3A_380 = tpu.memref_slice %arg5[%add3A_378, %dma_start3A_379] : memref<1280x250xi32, #tpu.memory_space<hbm>> -> memref<1x250xi32, #tpu.memory_space<hbm>>
    %dma_start3A_381 = arith.constant 0 : i32
    %dma_start3A_382 = tpu.memref_slice %arg5[%add3A_378, %dma_start3A_381] : memref<1280x250xi32, #tpu.memory_space<hbm>> -> memref<1x250xi32, #tpu.memory_space<hbm>>
    tpu.enqueue_dma source(%dma_start3A_382 : memref<1x250xi32, #tpu.memory_space<hbm>>) target(%arg14 : memref<1x250xi32, #tpu.memory_space<vmem>>) target_semaphore(%arg47 : memref<!tpu.dma_semaphore, #tpu.memory_space<semaphore_mem>>)
    %dma_start3A_383 = arith.constant 0 : i32
    %dma_start3A_384 = tpu.memref_slice %arg6[%add3A_378, %dma_start3A_383] : memref<1280x250xi32, #tpu.memory_space<hbm>> -> memref<1x250xi32, #tpu.memory_space<hbm>>
    %dma_start3A_385 = arith.constant 0 : i32
    %dma_start3A_386 = tpu.memref_slice %arg6[%add3A_378, %dma_start3A_385] : memref<1280x250xi32, #tpu.memory_space<hbm>> -> memref<1x250xi32, #tpu.memory_space<hbm>>
    tpu.enqueue_dma source(%dma_start3A_386 : memref<1x250xi32, #tpu.memory_space<hbm>>) target(%arg22 : memref<1x250xi32, #tpu.memory_space<vmem>>) target_semaphore(%arg55 : memref<!tpu.dma_semaphore, #tpu.memory_space<semaphore_mem>>)
    %add3A_387 = arith.constant 6 : i32
    %add3A_388 = arith.addi %select_n3A, %add3A_387 : i32
    %dma_start3A_389 = arith.constant 0 : i32
    %dma_start3A_390 = tpu.memref_slice %arg5[%add3A_388, %dma_start3A_389] : memref<1280x250xi32, #tpu.memory_space<hbm>> -> memref<1x250xi32, #tpu.memory_space<hbm>>
    %dma_start3A_391 = arith.constant 0 : i32
    %dma_start3A_392 = tpu.memref_slice %arg5[%add3A_388, %dma_start3A_391] : memref<1280x250xi32, #tpu.memory_space<hbm>> -> memref<1x250xi32, #tpu.memory_space<hbm>>
    tpu.enqueue_dma source(%dma_start3A_392 : memref<1x250xi32, #tpu.memory_space<hbm>>) target(%arg15 : memref<1x250xi32, #tpu.memory_space<vmem>>) target_semaphore(%arg48 : memref<!tpu.dma_semaphore, #tpu.memory_space<semaphore_mem>>)
    %dma_start3A_393 = arith.constant 0 : i32
    %dma_start3A_394 = tpu.memref_slice %arg6[%add3A_388, %dma_start3A_393] : memref<1280x250xi32, #tpu.memory_space<hbm>> -> memref<1x250xi32, #tpu.memory_space<hbm>>
    %dma_start3A_395 = arith.constant 0 : i32
    %dma_start3A_396 = tpu.memref_slice %arg6[%add3A_388, %dma_start3A_395] : memref<1280x250xi32, #tpu.memory_space<hbm>> -> memref<1x250xi32, #tpu.memory_space<hbm>>
    tpu.enqueue_dma source(%dma_start3A_396 : memref<1x250xi32, #tpu.memory_space<hbm>>) target(%arg23 : memref<1x250xi32, #tpu.memory_space<vmem>>) target_semaphore(%arg56 : memref<!tpu.dma_semaphore, #tpu.memory_space<semaphore_mem>>)
    %add3A_397 = arith.constant 7 : i32
    %add3A_398 = arith.addi %select_n3A, %add3A_397 : i32
    %dma_start3A_399 = arith.constant 0 : i32
    %dma_start3A_400 = tpu.memref_slice %arg5[%add3A_398, %dma_start3A_399] : memref<1280x250xi32, #tpu.memory_space<hbm>> -> memref<1x250xi32, #tpu.memory_space<hbm>>
    %dma_start3A_401 = arith.constant 0 : i32
    %dma_start3A_402 = tpu.memref_slice %arg5[%add3A_398, %dma_start3A_401] : memref<1280x250xi32, #tpu.memory_space<hbm>> -> memref<1x250xi32, #tpu.memory_space<hbm>>
    tpu.enqueue_dma source(%dma_start3A_402 : memref<1x250xi32, #tpu.memory_space<hbm>>) target(%arg16 : memref<1x250xi32, #tpu.memory_space<vmem>>) target_semaphore(%arg49 : memref<!tpu.dma_semaphore, #tpu.memory_space<semaphore_mem>>)
    %dma_start3A_403 = arith.constant 0 : i32
    %dma_start3A_404 = tpu.memref_slice %arg6[%add3A_398, %dma_start3A_403] : memref<1280x250xi32, #tpu.memory_space<hbm>> -> memref<1x250xi32, #tpu.memory_space<hbm>>
    %dma_start3A_405 = arith.constant 0 : i32
    %dma_start3A_406 = tpu.memref_slice %arg6[%add3A_398, %dma_start3A_405] : memref<1280x250xi32, #tpu.memory_space<hbm>> -> memref<1x250xi32, #tpu.memory_space<hbm>>
    tpu.enqueue_dma source(%dma_start3A_406 : memref<1x250xi32, #tpu.memory_space<hbm>>) target(%arg24 : memref<1x250xi32, #tpu.memory_space<vmem>>) target_semaphore(%arg57 : memref<!tpu.dma_semaphore, #tpu.memory_space<semaphore_mem>>)
    %dma_wait3A_407 = arith.constant 0 : i32
    %dma_wait3A_408 = tpu.memref_slice %arg5[%select_n3A, %dma_wait3A_407] : memref<1280x250xi32, #tpu.memory_space<hbm>> -> memref<1x250xi32, #tpu.memory_space<hbm>>
    %dma_wait3A_409 = arith.constant 0 : i32
    %dma_wait3A_410 = tpu.memref_slice %arg5[%select_n3A, %dma_wait3A_409] : memref<1280x250xi32, #tpu.memory_space<hbm>> -> memref<1x250xi32, #tpu.memory_space<hbm>>
    tpu.wait_dma2 semaphore(%arg42 : memref<!tpu.dma_semaphore, #tpu.memory_space<semaphore_mem>>) src(%dma_wait3A_410 : memref<1x250xi32, #tpu.memory_space<hbm>>) dst(%arg9 : memref<1x250xi32, #tpu.memory_space<vmem>>)
    %dma_wait3A_411 = arith.constant 0 : i32
    %dma_wait3A_412 = tpu.memref_slice %arg6[%select_n3A, %dma_wait3A_411] : memref<1280x250xi32, #tpu.memory_space<hbm>> -> memref<1x250xi32, #tpu.memory_space<hbm>>
    %dma_wait3A_413 = arith.constant 0 : i32
    %dma_wait3A_414 = tpu.memref_slice %arg6[%select_n3A, %dma_wait3A_413] : memref<1280x250xi32, #tpu.memory_space<hbm>> -> memref<1x250xi32, #tpu.memory_space<hbm>>
    tpu.wait_dma2 semaphore(%arg50 : memref<!tpu.dma_semaphore, #tpu.memory_space<semaphore_mem>>) src(%dma_wait3A_414 : memref<1x250xi32, #tpu.memory_space<hbm>>) dst(%arg17 : memref<1x250xi32, #tpu.memory_space<vmem>>)
    %dma_start3A_415 = arith.constant 0 : i32
    %dma_start3A_416 = arith.constant 0 : i32
    %dma_start3A_417 = tpu.memref_slice %arg9[%dma_start3A_415, %dma_start3A_416] : memref<1x250xi32, #tpu.memory_space<vmem>> -> memref<1x250xi32, #tpu.memory_space<vmem>>
    %dma_start3A_418 = tpu.memref_squeeze %dma_start3A_417 : memref<1x250xi32, #tpu.memory_space<vmem>> -> memref<250xi32, #tpu.memory_space<vmem>>
    %dma_start3A_419 = arith.constant 0 : i32
    %dma_start3A_420 = arith.constant 0 : i32
    %dma_start3A_421 = tpu.memref_slice %arg4[%dma_start3A_419, %dma_start3A_420] : memref<10000x128xbf16, #tpu.memory_space<hbm>> -> memref<10000x128xbf16, #tpu.memory_space<hbm>>
    tpu.enqueue_indirect_dma source(%dma_start3A_421 : memref<10000x128xbf16, #tpu.memory_space<hbm>>) target(%arg25 : memref<250x128xbf16, #tpu.memory_space<vmem>>) offsets(%dma_start3A_418 : memref<250xi32, #tpu.memory_space<vmem>>) semaphore(%arg30 : memref<!tpu.dma_semaphore, #tpu.memory_space<semaphore_mem>>)
    %dma_wait3A_422 = arith.constant 0 : i32
    %dma_wait3A_423 = tpu.memref_slice %arg5[%select_n3A, %dma_wait3A_422] : memref<1280x250xi32, #tpu.memory_space<hbm>> -> memref<1x250xi32, #tpu.memory_space<hbm>>
    %dma_wait3A_424 = arith.constant 0 : i32
    %dma_wait3A_425 = tpu.memref_slice %arg5[%select_n3A, %dma_wait3A_424] : memref<1280x250xi32, #tpu.memory_space<hbm>> -> memref<1x250xi32, #tpu.memory_space<hbm>>
    tpu.wait_dma2 semaphore(%arg43 : memref<!tpu.dma_semaphore, #tpu.memory_space<semaphore_mem>>) src(%dma_wait3A_425 : memref<1x250xi32, #tpu.memory_space<hbm>>) dst(%arg10 : memref<1x250xi32, #tpu.memory_space<vmem>>)
    %dma_wait3A_426 = arith.constant 0 : i32
    %dma_wait3A_427 = tpu.memref_slice %arg6[%select_n3A, %dma_wait3A_426] : memref<1280x250xi32, #tpu.memory_space<hbm>> -> memref<1x250xi32, #tpu.memory_space<hbm>>
    %dma_wait3A_428 = arith.constant 0 : i32
    %dma_wait3A_429 = tpu.memref_slice %arg6[%select_n3A, %dma_wait3A_428] : memref<1280x250xi32, #tpu.memory_space<hbm>> -> memref<1x250xi32, #tpu.memory_space<hbm>>
    tpu.wait_dma2 semaphore(%arg51 : memref<!tpu.dma_semaphore, #tpu.memory_space<semaphore_mem>>) src(%dma_wait3A_429 : memref<1x250xi32, #tpu.memory_space<hbm>>) dst(%arg18 : memref<1x250xi32, #tpu.memory_space<vmem>>)
    %dma_start3A_430 = arith.constant 0 : i32
    %dma_start3A_431 = arith.constant 0 : i32
    %dma_start3A_432 = tpu.memref_slice %arg10[%dma_start3A_430, %dma_start3A_431] : memref<1x250xi32, #tpu.memory_space<vmem>> -> memref<1x250xi32, #tpu.memory_space<vmem>>
    %dma_start3A_433 = tpu.memref_squeeze %dma_start3A_432 : memref<1x250xi32, #tpu.memory_space<vmem>> -> memref<250xi32, #tpu.memory_space<vmem>>
    %dma_start3A_434 = arith.constant 0 : i32
    %dma_start3A_435 = arith.constant 0 : i32
    %dma_start3A_436 = tpu.memref_slice %arg4[%dma_start3A_434, %dma_start3A_435] : memref<10000x128xbf16, #tpu.memory_space<hbm>> -> memref<10000x128xbf16, #tpu.memory_space<hbm>>
    tpu.enqueue_indirect_dma source(%dma_start3A_436 : memref<10000x128xbf16, #tpu.memory_space<hbm>>) target(%arg26 : memref<250x128xbf16, #tpu.memory_space<vmem>>) offsets(%dma_start3A_433 : memref<250xi32, #tpu.memory_space<vmem>>) semaphore(%arg31 : memref<!tpu.dma_semaphore, #tpu.memory_space<semaphore_mem>>)
    %dma_wait3A_437 = arith.constant 0 : i32
    %dma_wait3A_438 = tpu.memref_slice %arg5[%select_n3A, %dma_wait3A_437] : memref<1280x250xi32, #tpu.memory_space<hbm>> -> memref<1x250xi32, #tpu.memory_space<hbm>>
    %dma_wait3A_439 = arith.constant 0 : i32
    %dma_wait3A_440 = tpu.memref_slice %arg5[%select_n3A, %dma_wait3A_439] : memref<1280x250xi32, #tpu.memory_space<hbm>> -> memref<1x250xi32, #tpu.memory_space<hbm>>
    tpu.wait_dma2 semaphore(%arg44 : memref<!tpu.dma_semaphore, #tpu.memory_space<semaphore_mem>>) src(%dma_wait3A_440 : memref<1x250xi32, #tpu.memory_space<hbm>>) dst(%arg11 : memref<1x250xi32, #tpu.memory_space<vmem>>)
    %dma_wait3A_441 = arith.constant 0 : i32
    %dma_wait3A_442 = tpu.memref_slice %arg6[%select_n3A, %dma_wait3A_441] : memref<1280x250xi32, #tpu.memory_space<hbm>> -> memref<1x250xi32, #tpu.memory_space<hbm>>
    %dma_wait3A_443 = arith.constant 0 : i32
    %dma_wait3A_444 = tpu.memref_slice %arg6[%select_n3A, %dma_wait3A_443] : memref<1280x250xi32, #tpu.memory_space<hbm>> -> memref<1x250xi32, #tpu.memory_space<hbm>>
    tpu.wait_dma2 semaphore(%arg52 : memref<!tpu.dma_semaphore, #tpu.memory_space<semaphore_mem>>) src(%dma_wait3A_444 : memref<1x250xi32, #tpu.memory_space<hbm>>) dst(%arg19 : memref<1x250xi32, #tpu.memory_space<vmem>>)
    %dma_start3A_445 = arith.constant 0 : i32
    %dma_start3A_446 = arith.constant 0 : i32
    %dma_start3A_447 = tpu.memref_slice %arg11[%dma_start3A_445, %dma_start3A_446] : memref<1x250xi32, #tpu.memory_space<vmem>> -> memref<1x250xi32, #tpu.memory_space<vmem>>
    %dma_start3A_448 = tpu.memref_squeeze %dma_start3A_447 : memref<1x250xi32, #tpu.memory_space<vmem>> -> memref<250xi32, #tpu.memory_space<vmem>>
    %dma_start3A_449 = arith.constant 0 : i32
    %dma_start3A_450 = arith.constant 0 : i32
    %dma_start3A_451 = tpu.memref_slice %arg4[%dma_start3A_449, %dma_start3A_450] : memref<10000x128xbf16, #tpu.memory_space<hbm>> -> memref<10000x128xbf16, #tpu.memory_space<hbm>>
    tpu.enqueue_indirect_dma source(%dma_start3A_451 : memref<10000x128xbf16, #tpu.memory_space<hbm>>) target(%arg27 : memref<250x128xbf16, #tpu.memory_space<vmem>>) offsets(%dma_start3A_448 : memref<250xi32, #tpu.memory_space<vmem>>) semaphore(%arg32 : memref<!tpu.dma_semaphore, #tpu.memory_space<semaphore_mem>>)
    %dma_wait3A_452 = arith.constant 0 : i32
    %dma_wait3A_453 = tpu.memref_slice %arg5[%select_n3A, %dma_wait3A_452] : memref<1280x250xi32, #tpu.memory_space<hbm>> -> memref<1x250xi32, #tpu.memory_space<hbm>>
    %dma_wait3A_454 = arith.constant 0 : i32
    %dma_wait3A_455 = tpu.memref_slice %arg5[%select_n3A, %dma_wait3A_454] : memref<1280x250xi32, #tpu.memory_space<hbm>> -> memref<1x250xi32, #tpu.memory_space<hbm>>
    tpu.wait_dma2 semaphore(%arg45 : memref<!tpu.dma_semaphore, #tpu.memory_space<semaphore_mem>>) src(%dma_wait3A_455 : memref<1x250xi32, #tpu.memory_space<hbm>>) dst(%arg12 : memref<1x250xi32, #tpu.memory_space<vmem>>)
    %dma_wait3A_456 = arith.constant 0 : i32
    %dma_wait3A_457 = tpu.memref_slice %arg6[%select_n3A, %dma_wait3A_456] : memref<1280x250xi32, #tpu.memory_space<hbm>> -> memref<1x250xi32, #tpu.memory_space<hbm>>
    %dma_wait3A_458 = arith.constant 0 : i32
    %dma_wait3A_459 = tpu.memref_slice %arg6[%select_n3A, %dma_wait3A_458] : memref<1280x250xi32, #tpu.memory_space<hbm>> -> memref<1x250xi32, #tpu.memory_space<hbm>>
    tpu.wait_dma2 semaphore(%arg53 : memref<!tpu.dma_semaphore, #tpu.memory_space<semaphore_mem>>) src(%dma_wait3A_459 : memref<1x250xi32, #tpu.memory_space<hbm>>) dst(%arg20 : memref<1x250xi32, #tpu.memory_space<vmem>>)
    %dma_start3A_460 = arith.constant 0 : i32
    %dma_start3A_461 = arith.constant 0 : i32
    %dma_start3A_462 = tpu.memref_slice %arg12[%dma_start3A_460, %dma_start3A_461] : memref<1x250xi32, #tpu.memory_space<vmem>> -> memref<1x250xi32, #tpu.memory_space<vmem>>
    %dma_start3A_463 = tpu.memref_squeeze %dma_start3A_462 : memref<1x250xi32, #tpu.memory_space<vmem>> -> memref<250xi32, #tpu.memory_space<vmem>>
    %dma_start3A_464 = arith.constant 0 : i32
    %dma_start3A_465 = arith.constant 0 : i32
    %dma_start3A_466 = tpu.memref_slice %arg4[%dma_start3A_464, %dma_start3A_465] : memref<10000x128xbf16, #tpu.memory_space<hbm>> -> memref<10000x128xbf16, #tpu.memory_space<hbm>>
    tpu.enqueue_indirect_dma source(%dma_start3A_466 : memref<10000x128xbf16, #tpu.memory_space<hbm>>) target(%arg28 : memref<250x128xbf16, #tpu.memory_space<vmem>>) offsets(%dma_start3A_463 : memref<250xi32, #tpu.memory_space<vmem>>) semaphore(%arg33 : memref<!tpu.dma_semaphore, #tpu.memory_space<semaphore_mem>>)
    %barrier3A_467 = arith.constant 0 : index
    tpu.barrier barrier_id(%barrier3A_467)
    %scan3A_468 = arith.constant 0 : i32
    %scan3A_469 = arith.constant 5 : i32
    %scan3A_470 = arith.addi %scan3A_468, %scan3A_469 : i32
    %scan3A_471 = arith.constant 1 : i32
    scf.for %scan3A_482 = %scan3A_468 to %scan3A_470 step %scan3A_471  : i32 {
      %mul3A_483 = arith.constant 8 : i32
      %mul3A_484 = arith.muli %scan3A_482, %mul3A_483 : i32
      %add3A_485 = arith.constant 0 : i32
      %add3A_486 = arith.addi %add3A_485, %mul3A_484 : i32
      %add3A_487 = arith.constant 0 : i32
      %add3A_488 = arith.addi %add3A_486, %add3A_487 : i32
      %dma_wait3A_489 = arith.constant 0 : i32
      %dma_wait3A_490 = arith.constant 0 : i32
      %dma_wait3A_491 = tpu.memref_slice %arg9[%dma_wait3A_489, %dma_wait3A_490] : memref<1x250xi32, #tpu.memory_space<vmem>> -> memref<1x250xi32, #tpu.memory_space<vmem>>
      %dma_wait3A_492 = tpu.memref_squeeze %dma_wait3A_491 : memref<1x250xi32, #tpu.memory_space<vmem>> -> memref<250xi32, #tpu.memory_space<vmem>>
      %dma_wait3A_493 = arith.constant 0 : i32
      %dma_wait3A_494 = arith.constant 0 : i32
      %dma_wait3A_495 = tpu.memref_slice %arg4[%dma_wait3A_493, %dma_wait3A_494] : memref<10000x128xbf16, #tpu.memory_space<hbm>> -> memref<10000x128xbf16, #tpu.memory_space<hbm>>
      tpu.wait_indirect_dma semaphore(%arg30 : memref<!tpu.dma_semaphore, #tpu.memory_space<semaphore_mem>>) src(%dma_wait3A_495 : memref<10000x128xbf16, #tpu.memory_space<hbm>>) dst(%arg25 : memref<250x128xbf16, #tpu.memory_space<vmem>>)
      %dma_start3A_496 = arith.constant 0 : i32
      %dma_start3A_497 = arith.constant 0 : i32
      %dma_start3A_498 = tpu.memref_slice %arg17[%dma_start3A_496, %dma_start3A_497] : memref<1x250xi32, #tpu.memory_space<vmem>> -> memref<1x250xi32, #tpu.memory_space<vmem>>
      %dma_start3A_499 = tpu.memref_squeeze %dma_start3A_498 : memref<1x250xi32, #tpu.memory_space<vmem>> -> memref<250xi32, #tpu.memory_space<vmem>>
      %dma_start3A_500 = arith.constant 0 : i32
      %dma_start3A_501 = arith.constant 0 : i32
      %dma_start3A_502 = tpu.memref_slice %arg29[%dma_start3A_500, %dma_start3A_501] : memref<10000x128xbf16, #tpu.memory_space<vmem_shared>> -> memref<10000x128xbf16, #tpu.memory_space<vmem_shared>>
      tpu.enqueue_indirect_dma source(%arg25 : memref<250x128xbf16, #tpu.memory_space<vmem>>) target(%dma_start3A_502 : memref<10000x128xbf16, #tpu.memory_space<vmem_shared>>) offsets(%dma_start3A_499 : memref<250xi32, #tpu.memory_space<vmem>>) semaphore(%arg34 : memref<!tpu.dma_semaphore, #tpu.memory_space<semaphore_mem>>) {add = true}
      %dma_wait3A_503 = arith.constant 0 : i32
      %dma_wait3A_504 = arith.constant 0 : i32
      %dma_wait3A_505 = tpu.memref_slice %arg17[%dma_wait3A_503, %dma_wait3A_504] : memref<1x250xi32, #tpu.memory_space<vmem>> -> memref<1x250xi32, #tpu.memory_space<vmem>>
      %dma_wait3A_506 = tpu.memref_squeeze %dma_wait3A_505 : memref<1x250xi32, #tpu.memory_space<vmem>> -> memref<250xi32, #tpu.memory_space<vmem>>
      %dma_wait3A_507 = arith.constant 0 : i32
      %dma_wait3A_508 = arith.constant 0 : i32
      %dma_wait3A_509 = tpu.memref_slice %arg29[%dma_wait3A_507, %dma_wait3A_508] : memref<10000x128xbf16, #tpu.memory_space<vmem_shared>> -> memref<10000x128xbf16, #tpu.memory_space<vmem_shared>>
      tpu.wait_indirect_dma semaphore(%arg34 : memref<!tpu.dma_semaphore, #tpu.memory_space<semaphore_mem>>) src(%arg25 : memref<250x128xbf16, #tpu.memory_space<vmem>>) dst(%dma_wait3A_509 : memref<10000x128xbf16, #tpu.memory_space<vmem_shared>>)
      %add3A_510 = arith.constant 8 : i32
      %add3A_511 = arith.addi %add3A_488, %add3A_510 : i32
      %lt3A = arith.constant 40 : i32
      %lt3A_512 = arith.cmpi slt, %add3A_511, %lt3A : i32
      %convert_element_type3A = arith.extui %lt3A_512 : i1 to i32
      %cond3A = arith.constant 0 : i32
      %cond3A_513 = arith.cmpi ne, %convert_element_type3A, %cond3A : i32
      scf.if %cond3A_513 {
        %add3A_780 = arith.addi %select_n3A, %add3A_488 : i32
        %add3A_781 = arith.constant 8 : i32
        %add3A_782 = arith.addi %add3A_780, %add3A_781 : i32
        %dma_start3A_783 = arith.constant 0 : i32
        %dma_start3A_784 = tpu.memref_slice %arg5[%add3A_782, %dma_start3A_783] : memref<1280x250xi32, #tpu.memory_space<hbm>> -> memref<1x250xi32, #tpu.memory_space<hbm>>
        %dma_start3A_785 = arith.constant 0 : i32
        %dma_start3A_786 = tpu.memref_slice %arg5[%add3A_782, %dma_start3A_785] : memref<1280x250xi32, #tpu.memory_space<hbm>> -> memref<1x250xi32, #tpu.memory_space<hbm>>
        tpu.enqueue_dma source(%dma_start3A_786 : memref<1x250xi32, #tpu.memory_space<hbm>>) target(%arg9 : memref<1x250xi32, #tpu.memory_space<vmem>>) target_semaphore(%arg42 : memref<!tpu.dma_semaphore, #tpu.memory_space<semaphore_mem>>)
        %dma_start3A_787 = arith.constant 0 : i32
        %dma_start3A_788 = tpu.memref_slice %arg6[%add3A_782, %dma_start3A_787] : memref<1280x250xi32, #tpu.memory_space<hbm>> -> memref<1x250xi32, #tpu.memory_space<hbm>>
        %dma_start3A_789 = arith.constant 0 : i32
        %dma_start3A_790 = tpu.memref_slice %arg6[%add3A_782, %dma_start3A_789] : memref<1280x250xi32, #tpu.memory_space<hbm>> -> memref<1x250xi32, #tpu.memory_space<hbm>>
        tpu.enqueue_dma source(%dma_start3A_790 : memref<1x250xi32, #tpu.memory_space<hbm>>) target(%arg17 : memref<1x250xi32, #tpu.memory_space<vmem>>) target_semaphore(%arg50 : memref<!tpu.dma_semaphore, #tpu.memory_space<semaphore_mem>>)
      } else {
      }
      %add3A_514 = arith.constant 4 : i32
      %add3A_515 = arith.addi %add3A_488, %add3A_514 : i32
      %lt3A_516 = arith.constant 40 : i32
      %lt3A_517 = arith.cmpi slt, %add3A_515, %lt3A_516 : i32
      %convert_element_type3A_518 = arith.extui %lt3A_517 : i1 to i32
      %cond3A_519 = arith.constant 0 : i32
      %cond3A_520 = arith.cmpi ne, %convert_element_type3A_518, %cond3A_519 : i32
      scf.if %cond3A_520 {
        %dma_wait3A_780 = arith.constant 0 : i32
        %dma_wait3A_781 = tpu.memref_slice %arg5[%select_n3A, %dma_wait3A_780] : memref<1280x250xi32, #tpu.memory_space<hbm>> -> memref<1x250xi32, #tpu.memory_space<hbm>>
        %dma_wait3A_782 = arith.constant 0 : i32
        %dma_wait3A_783 = tpu.memref_slice %arg5[%select_n3A, %dma_wait3A_782] : memref<1280x250xi32, #tpu.memory_space<hbm>> -> memref<1x250xi32, #tpu.memory_space<hbm>>
        tpu.wait_dma2 semaphore(%arg46 : memref<!tpu.dma_semaphore, #tpu.memory_space<semaphore_mem>>) src(%dma_wait3A_783 : memref<1x250xi32, #tpu.memory_space<hbm>>) dst(%arg13 : memref<1x250xi32, #tpu.memory_space<vmem>>)
        %dma_wait3A_784 = arith.constant 0 : i32
        %dma_wait3A_785 = tpu.memref_slice %arg6[%select_n3A, %dma_wait3A_784] : memref<1280x250xi32, #tpu.memory_space<hbm>> -> memref<1x250xi32, #tpu.memory_space<hbm>>
        %dma_wait3A_786 = arith.constant 0 : i32
        %dma_wait3A_787 = tpu.memref_slice %arg6[%select_n3A, %dma_wait3A_786] : memref<1280x250xi32, #tpu.memory_space<hbm>> -> memref<1x250xi32, #tpu.memory_space<hbm>>
        tpu.wait_dma2 semaphore(%arg54 : memref<!tpu.dma_semaphore, #tpu.memory_space<semaphore_mem>>) src(%dma_wait3A_787 : memref<1x250xi32, #tpu.memory_space<hbm>>) dst(%arg21 : memref<1x250xi32, #tpu.memory_space<vmem>>)
        %dma_start3A_788 = arith.constant 0 : i32
        %dma_start3A_789 = arith.constant 0 : i32
        %dma_start3A_790 = tpu.memref_slice %arg13[%dma_start3A_788, %dma_start3A_789] : memref<1x250xi32, #tpu.memory_space<vmem>> -> memref<1x250xi32, #tpu.memory_space<vmem>>
        %dma_start3A_791 = tpu.memref_squeeze %dma_start3A_790 : memref<1x250xi32, #tpu.memory_space<vmem>> -> memref<250xi32, #tpu.memory_space<vmem>>
        %dma_start3A_792 = arith.constant 0 : i32
        %dma_start3A_793 = arith.constant 0 : i32
        %dma_start3A_794 = tpu.memref_slice %arg4[%dma_start3A_792, %dma_start3A_793] : memref<10000x128xbf16, #tpu.memory_space<hbm>> -> memref<10000x128xbf16, #tpu.memory_space<hbm>>
        tpu.enqueue_indirect_dma source(%dma_start3A_794 : memref<10000x128xbf16, #tpu.memory_space<hbm>>) target(%arg25 : memref<250x128xbf16, #tpu.memory_space<vmem>>) offsets(%dma_start3A_791 : memref<250xi32, #tpu.memory_space<vmem>>) semaphore(%arg30 : memref<!tpu.dma_semaphore, #tpu.memory_space<semaphore_mem>>)
      } else {
      }
      %add3A_521 = arith.constant 1 : i32
      %add3A_522 = arith.addi %add3A_486, %add3A_521 : i32
      %dma_wait3A_523 = arith.constant 0 : i32
      %dma_wait3A_524 = arith.constant 0 : i32
      %dma_wait3A_525 = tpu.memref_slice %arg10[%dma_wait3A_523, %dma_wait3A_524] : memref<1x250xi32, #tpu.memory_space<vmem>> -> memref<1x250xi32, #tpu.memory_space<vmem>>
      %dma_wait3A_526 = tpu.memref_squeeze %dma_wait3A_525 : memref<1x250xi32, #tpu.memory_space<vmem>> -> memref<250xi32, #tpu.memory_space<vmem>>
      %dma_wait3A_527 = arith.constant 0 : i32
      %dma_wait3A_528 = arith.constant 0 : i32
      %dma_wait3A_529 = tpu.memref_slice %arg4[%dma_wait3A_527, %dma_wait3A_528] : memref<10000x128xbf16, #tpu.memory_space<hbm>> -> memref<10000x128xbf16, #tpu.memory_space<hbm>>
      tpu.wait_indirect_dma semaphore(%arg31 : memref<!tpu.dma_semaphore, #tpu.memory_space<semaphore_mem>>) src(%dma_wait3A_529 : memref<10000x128xbf16, #tpu.memory_space<hbm>>) dst(%arg26 : memref<250x128xbf16, #tpu.memory_space<vmem>>)
      %dma_start3A_530 = arith.constant 0 : i32
      %dma_start3A_531 = arith.constant 0 : i32
      %dma_start3A_532 = tpu.memref_slice %arg18[%dma_start3A_530, %dma_start3A_531] : memref<1x250xi32, #tpu.memory_space<vmem>> -> memref<1x250xi32, #tpu.memory_space<vmem>>
      %dma_start3A_533 = tpu.memref_squeeze %dma_start3A_532 : memref<1x250xi32, #tpu.memory_space<vmem>> -> memref<250xi32, #tpu.memory_space<vmem>>
      %dma_start3A_534 = arith.constant 0 : i32
      %dma_start3A_535 = arith.constant 0 : i32
      %dma_start3A_536 = tpu.memref_slice %arg29[%dma_start3A_534, %dma_start3A_535] : memref<10000x128xbf16, #tpu.memory_space<vmem_shared>> -> memref<10000x128xbf16, #tpu.memory_space<vmem_shared>>
      tpu.enqueue_indirect_dma source(%arg26 : memref<250x128xbf16, #tpu.memory_space<vmem>>) target(%dma_start3A_536 : memref<10000x128xbf16, #tpu.memory_space<vmem_shared>>) offsets(%dma_start3A_533 : memref<250xi32, #tpu.memory_space<vmem>>) semaphore(%arg35 : memref<!tpu.dma_semaphore, #tpu.memory_space<semaphore_mem>>) {add = true}
      %dma_wait3A_537 = arith.constant 0 : i32
      %dma_wait3A_538 = arith.constant 0 : i32
      %dma_wait3A_539 = tpu.memref_slice %arg18[%dma_wait3A_537, %dma_wait3A_538] : memref<1x250xi32, #tpu.memory_space<vmem>> -> memref<1x250xi32, #tpu.memory_space<vmem>>
      %dma_wait3A_540 = tpu.memref_squeeze %dma_wait3A_539 : memref<1x250xi32, #tpu.memory_space<vmem>> -> memref<250xi32, #tpu.memory_space<vmem>>
      %dma_wait3A_541 = arith.constant 0 : i32
      %dma_wait3A_542 = arith.constant 0 : i32
      %dma_wait3A_543 = tpu.memref_slice %arg29[%dma_wait3A_541, %dma_wait3A_542] : memref<10000x128xbf16, #tpu.memory_space<vmem_shared>> -> memref<10000x128xbf16, #tpu.memory_space<vmem_shared>>
      tpu.wait_indirect_dma semaphore(%arg35 : memref<!tpu.dma_semaphore, #tpu.memory_space<semaphore_mem>>) src(%arg26 : memref<250x128xbf16, #tpu.memory_space<vmem>>) dst(%dma_wait3A_543 : memref<10000x128xbf16, #tpu.memory_space<vmem_shared>>)
      %add3A_544 = arith.constant 8 : i32
      %add3A_545 = arith.addi %add3A_522, %add3A_544 : i32
      %lt3A_546 = arith.constant 40 : i32
      %lt3A_547 = arith.cmpi slt, %add3A_545, %lt3A_546 : i32
      %convert_element_type3A_548 = arith.extui %lt3A_547 : i1 to i32
      %cond3A_549 = arith.constant 0 : i32
      %cond3A_550 = arith.cmpi ne, %convert_element_type3A_548, %cond3A_549 : i32
      scf.if %cond3A_550 {
        %add3A_780 = arith.addi %select_n3A, %add3A_522 : i32
        %add3A_781 = arith.constant 8 : i32
        %add3A_782 = arith.addi %add3A_780, %add3A_781 : i32
        %dma_start3A_783 = arith.constant 0 : i32
        %dma_start3A_784 = tpu.memref_slice %arg5[%add3A_782, %dma_start3A_783] : memref<1280x250xi32, #tpu.memory_space<hbm>> -> memref<1x250xi32, #tpu.memory_space<hbm>>
        %dma_start3A_785 = arith.constant 0 : i32
        %dma_start3A_786 = tpu.memref_slice %arg5[%add3A_782, %dma_start3A_785] : memref<1280x250xi32, #tpu.memory_space<hbm>> -> memref<1x250xi32, #tpu.memory_space<hbm>>
        tpu.enqueue_dma source(%dma_start3A_786 : memref<1x250xi32, #tpu.memory_space<hbm>>) target(%arg10 : memref<1x250xi32, #tpu.memory_space<vmem>>) target_semaphore(%arg43 : memref<!tpu.dma_semaphore, #tpu.memory_space<semaphore_mem>>)
        %dma_start3A_787 = arith.constant 0 : i32
        %dma_start3A_788 = tpu.memref_slice %arg6[%add3A_782, %dma_start3A_787] : memref<1280x250xi32, #tpu.memory_space<hbm>> -> memref<1x250xi32, #tpu.memory_space<hbm>>
        %dma_start3A_789 = arith.constant 0 : i32
        %dma_start3A_790 = tpu.memref_slice %arg6[%add3A_782, %dma_start3A_789] : memref<1280x250xi32, #tpu.memory_space<hbm>> -> memref<1x250xi32, #tpu.memory_space<hbm>>
        tpu.enqueue_dma source(%dma_start3A_790 : memref<1x250xi32, #tpu.memory_space<hbm>>) target(%arg18 : memref<1x250xi32, #tpu.memory_space<vmem>>) target_semaphore(%arg51 : memref<!tpu.dma_semaphore, #tpu.memory_space<semaphore_mem>>)
      } else {
      }
      %add3A_551 = arith.constant 4 : i32
      %add3A_552 = arith.addi %add3A_522, %add3A_551 : i32
      %lt3A_553 = arith.constant 40 : i32
      %lt3A_554 = arith.cmpi slt, %add3A_552, %lt3A_553 : i32
      %convert_element_type3A_555 = arith.extui %lt3A_554 : i1 to i32
      %cond3A_556 = arith.constant 0 : i32
      %cond3A_557 = arith.cmpi ne, %convert_element_type3A_555, %cond3A_556 : i32
      scf.if %cond3A_557 {
        %dma_wait3A_780 = arith.constant 0 : i32
        %dma_wait3A_781 = tpu.memref_slice %arg5[%select_n3A, %dma_wait3A_780] : memref<1280x250xi32, #tpu.memory_space<hbm>> -> memref<1x250xi32, #tpu.memory_space<hbm>>
        %dma_wait3A_782 = arith.constant 0 : i32
        %dma_wait3A_783 = tpu.memref_slice %arg5[%select_n3A, %dma_wait3A_782] : memref<1280x250xi32, #tpu.memory_space<hbm>> -> memref<1x250xi32, #tpu.memory_space<hbm>>
        tpu.wait_dma2 semaphore(%arg47 : memref<!tpu.dma_semaphore, #tpu.memory_space<semaphore_mem>>) src(%dma_wait3A_783 : memref<1x250xi32, #tpu.memory_space<hbm>>) dst(%arg14 : memref<1x250xi32, #tpu.memory_space<vmem>>)
        %dma_wait3A_784 = arith.constant 0 : i32
        %dma_wait3A_785 = tpu.memref_slice %arg6[%select_n3A, %dma_wait3A_784] : memref<1280x250xi32, #tpu.memory_space<hbm>> -> memref<1x250xi32, #tpu.memory_space<hbm>>
        %dma_wait3A_786 = arith.constant 0 : i32
        %dma_wait3A_787 = tpu.memref_slice %arg6[%select_n3A, %dma_wait3A_786] : memref<1280x250xi32, #tpu.memory_space<hbm>> -> memref<1x250xi32, #tpu.memory_space<hbm>>
        tpu.wait_dma2 semaphore(%arg55 : memref<!tpu.dma_semaphore, #tpu.memory_space<semaphore_mem>>) src(%dma_wait3A_787 : memref<1x250xi32, #tpu.memory_space<hbm>>) dst(%arg22 : memref<1x250xi32, #tpu.memory_space<vmem>>)
        %dma_start3A_788 = arith.constant 0 : i32
        %dma_start3A_789 = arith.constant 0 : i32
        %dma_start3A_790 = tpu.memref_slice %arg14[%dma_start3A_788, %dma_start3A_789] : memref<1x250xi32, #tpu.memory_space<vmem>> -> memref<1x250xi32, #tpu.memory_space<vmem>>
        %dma_start3A_791 = tpu.memref_squeeze %dma_start3A_790 : memref<1x250xi32, #tpu.memory_space<vmem>> -> memref<250xi32, #tpu.memory_space<vmem>>
        %dma_start3A_792 = arith.constant 0 : i32
        %dma_start3A_793 = arith.constant 0 : i32
        %dma_start3A_794 = tpu.memref_slice %arg4[%dma_start3A_792, %dma_start3A_793] : memref<10000x128xbf16, #tpu.memory_space<hbm>> -> memref<10000x128xbf16, #tpu.memory_space<hbm>>
        tpu.enqueue_indirect_dma source(%dma_start3A_794 : memref<10000x128xbf16, #tpu.memory_space<hbm>>) target(%arg26 : memref<250x128xbf16, #tpu.memory_space<vmem>>) offsets(%dma_start3A_791 : memref<250xi32, #tpu.memory_space<vmem>>) semaphore(%arg31 : memref<!tpu.dma_semaphore, #tpu.memory_space<semaphore_mem>>)
      } else {
      }
      %add3A_558 = arith.constant 2 : i32
      %add3A_559 = arith.addi %add3A_486, %add3A_558 : i32
      %dma_wait3A_560 = arith.constant 0 : i32
      %dma_wait3A_561 = arith.constant 0 : i32
      %dma_wait3A_562 = tpu.memref_slice %arg11[%dma_wait3A_560, %dma_wait3A_561] : memref<1x250xi32, #tpu.memory_space<vmem>> -> memref<1x250xi32, #tpu.memory_space<vmem>>
      %dma_wait3A_563 = tpu.memref_squeeze %dma_wait3A_562 : memref<1x250xi32, #tpu.memory_space<vmem>> -> memref<250xi32, #tpu.memory_space<vmem>>
      %dma_wait3A_564 = arith.constant 0 : i32
      %dma_wait3A_565 = arith.constant 0 : i32
      %dma_wait3A_566 = tpu.memref_slice %arg4[%dma_wait3A_564, %dma_wait3A_565] : memref<10000x128xbf16, #tpu.memory_space<hbm>> -> memref<10000x128xbf16, #tpu.memory_space<hbm>>
      tpu.wait_indirect_dma semaphore(%arg32 : memref<!tpu.dma_semaphore, #tpu.memory_space<semaphore_mem>>) src(%dma_wait3A_566 : memref<10000x128xbf16, #tpu.memory_space<hbm>>) dst(%arg27 : memref<250x128xbf16, #tpu.memory_space<vmem>>)
      %dma_start3A_567 = arith.constant 0 : i32
      %dma_start3A_568 = arith.constant 0 : i32
      %dma_start3A_569 = tpu.memref_slice %arg19[%dma_start3A_567, %dma_start3A_568] : memref<1x250xi32, #tpu.memory_space<vmem>> -> memref<1x250xi32, #tpu.memory_space<vmem>>
      %dma_start3A_570 = tpu.memref_squeeze %dma_start3A_569 : memref<1x250xi32, #tpu.memory_space<vmem>> -> memref<250xi32, #tpu.memory_space<vmem>>
      %dma_start3A_571 = arith.constant 0 : i32
      %dma_start3A_572 = arith.constant 0 : i32
      %dma_start3A_573 = tpu.memref_slice %arg29[%dma_start3A_571, %dma_start3A_572] : memref<10000x128xbf16, #tpu.memory_space<vmem_shared>> -> memref<10000x128xbf16, #tpu.memory_space<vmem_shared>>
      tpu.enqueue_indirect_dma source(%arg27 : memref<250x128xbf16, #tpu.memory_space<vmem>>) target(%dma_start3A_573 : memref<10000x128xbf16, #tpu.memory_space<vmem_shared>>) offsets(%dma_start3A_570 : memref<250xi32, #tpu.memory_space<vmem>>) semaphore(%arg36 : memref<!tpu.dma_semaphore, #tpu.memory_space<semaphore_mem>>) {add = true}
      %dma_wait3A_574 = arith.constant 0 : i32
      %dma_wait3A_575 = arith.constant 0 : i32
      %dma_wait3A_576 = tpu.memref_slice %arg19[%dma_wait3A_574, %dma_wait3A_575] : memref<1x250xi32, #tpu.memory_space<vmem>> -> memref<1x250xi32, #tpu.memory_space<vmem>>
      %dma_wait3A_577 = tpu.memref_squeeze %dma_wait3A_576 : memref<1x250xi32, #tpu.memory_space<vmem>> -> memref<250xi32, #tpu.memory_space<vmem>>
      %dma_wait3A_578 = arith.constant 0 : i32
      %dma_wait3A_579 = arith.constant 0 : i32
      %dma_wait3A_580 = tpu.memref_slice %arg29[%dma_wait3A_578, %dma_wait3A_579] : memref<10000x128xbf16, #tpu.memory_space<vmem_shared>> -> memref<10000x128xbf16, #tpu.memory_space<vmem_shared>>
      tpu.wait_indirect_dma semaphore(%arg36 : memref<!tpu.dma_semaphore, #tpu.memory_space<semaphore_mem>>) src(%arg27 : memref<250x128xbf16, #tpu.memory_space<vmem>>) dst(%dma_wait3A_580 : memref<10000x128xbf16, #tpu.memory_space<vmem_shared>>)
      %add3A_581 = arith.constant 8 : i32
      %add3A_582 = arith.addi %add3A_559, %add3A_581 : i32
      %lt3A_583 = arith.constant 40 : i32
      %lt3A_584 = arith.cmpi slt, %add3A_582, %lt3A_583 : i32
      %convert_element_type3A_585 = arith.extui %lt3A_584 : i1 to i32
      %cond3A_586 = arith.constant 0 : i32
      %cond3A_587 = arith.cmpi ne, %convert_element_type3A_585, %cond3A_586 : i32
      scf.if %cond3A_587 {
        %add3A_780 = arith.addi %select_n3A, %add3A_559 : i32
        %add3A_781 = arith.constant 8 : i32
        %add3A_782 = arith.addi %add3A_780, %add3A_781 : i32
        %dma_start3A_783 = arith.constant 0 : i32
        %dma_start3A_784 = tpu.memref_slice %arg5[%add3A_782, %dma_start3A_783] : memref<1280x250xi32, #tpu.memory_space<hbm>> -> memref<1x250xi32, #tpu.memory_space<hbm>>
        %dma_start3A_785 = arith.constant 0 : i32
        %dma_start3A_786 = tpu.memref_slice %arg5[%add3A_782, %dma_start3A_785] : memref<1280x250xi32, #tpu.memory_space<hbm>> -> memref<1x250xi32, #tpu.memory_space<hbm>>
        tpu.enqueue_dma source(%dma_start3A_786 : memref<1x250xi32, #tpu.memory_space<hbm>>) target(%arg11 : memref<1x250xi32, #tpu.memory_space<vmem>>) target_semaphore(%arg44 : memref<!tpu.dma_semaphore, #tpu.memory_space<semaphore_mem>>)
        %dma_start3A_787 = arith.constant 0 : i32
        %dma_start3A_788 = tpu.memref_slice %arg6[%add3A_782, %dma_start3A_787] : memref<1280x250xi32, #tpu.memory_space<hbm>> -> memref<1x250xi32, #tpu.memory_space<hbm>>
        %dma_start3A_789 = arith.constant 0 : i32
        %dma_start3A_790 = tpu.memref_slice %arg6[%add3A_782, %dma_start3A_789] : memref<1280x250xi32, #tpu.memory_space<hbm>> -> memref<1x250xi32, #tpu.memory_space<hbm>>
        tpu.enqueue_dma source(%dma_start3A_790 : memref<1x250xi32, #tpu.memory_space<hbm>>) target(%arg19 : memref<1x250xi32, #tpu.memory_space<vmem>>) target_semaphore(%arg52 : memref<!tpu.dma_semaphore, #tpu.memory_space<semaphore_mem>>)
      } else {
      }
      %add3A_588 = arith.constant 4 : i32
      %add3A_589 = arith.addi %add3A_559, %add3A_588 : i32
      %lt3A_590 = arith.constant 40 : i32
      %lt3A_591 = arith.cmpi slt, %add3A_589, %lt3A_590 : i32
      %convert_element_type3A_592 = arith.extui %lt3A_591 : i1 to i32
      %cond3A_593 = arith.constant 0 : i32
      %cond3A_594 = arith.cmpi ne, %convert_element_type3A_592, %cond3A_593 : i32
      scf.if %cond3A_594 {
        %dma_wait3A_780 = arith.constant 0 : i32
        %dma_wait3A_781 = tpu.memref_slice %arg5[%select_n3A, %dma_wait3A_780] : memref<1280x250xi32, #tpu.memory_space<hbm>> -> memref<1x250xi32, #tpu.memory_space<hbm>>
        %dma_wait3A_782 = arith.constant 0 : i32
        %dma_wait3A_783 = tpu.memref_slice %arg5[%select_n3A, %dma_wait3A_782] : memref<1280x250xi32, #tpu.memory_space<hbm>> -> memref<1x250xi32, #tpu.memory_space<hbm>>
        tpu.wait_dma2 semaphore(%arg48 : memref<!tpu.dma_semaphore, #tpu.memory_space<semaphore_mem>>) src(%dma_wait3A_783 : memref<1x250xi32, #tpu.memory_space<hbm>>) dst(%arg15 : memref<1x250xi32, #tpu.memory_space<vmem>>)
        %dma_wait3A_784 = arith.constant 0 : i32
        %dma_wait3A_785 = tpu.memref_slice %arg6[%select_n3A, %dma_wait3A_784] : memref<1280x250xi32, #tpu.memory_space<hbm>> -> memref<1x250xi32, #tpu.memory_space<hbm>>
        %dma_wait3A_786 = arith.constant 0 : i32
        %dma_wait3A_787 = tpu.memref_slice %arg6[%select_n3A, %dma_wait3A_786] : memref<1280x250xi32, #tpu.memory_space<hbm>> -> memref<1x250xi32, #tpu.memory_space<hbm>>
        tpu.wait_dma2 semaphore(%arg56 : memref<!tpu.dma_semaphore, #tpu.memory_space<semaphore_mem>>) src(%dma_wait3A_787 : memref<1x250xi32, #tpu.memory_space<hbm>>) dst(%arg23 : memref<1x250xi32, #tpu.memory_space<vmem>>)
        %dma_start3A_788 = arith.constant 0 : i32
        %dma_start3A_789 = arith.constant 0 : i32
        %dma_start3A_790 = tpu.memref_slice %arg15[%dma_start3A_788, %dma_start3A_789] : memref<1x250xi32, #tpu.memory_space<vmem>> -> memref<1x250xi32, #tpu.memory_space<vmem>>
        %dma_start3A_791 = tpu.memref_squeeze %dma_start3A_790 : memref<1x250xi32, #tpu.memory_space<vmem>> -> memref<250xi32, #tpu.memory_space<vmem>>
        %dma_start3A_792 = arith.constant 0 : i32
        %dma_start3A_793 = arith.constant 0 : i32
        %dma_start3A_794 = tpu.memref_slice %arg4[%dma_start3A_792, %dma_start3A_793] : memref<10000x128xbf16, #tpu.memory_space<hbm>> -> memref<10000x128xbf16, #tpu.memory_space<hbm>>
        tpu.enqueue_indirect_dma source(%dma_start3A_794 : memref<10000x128xbf16, #tpu.memory_space<hbm>>) target(%arg27 : memref<250x128xbf16, #tpu.memory_space<vmem>>) offsets(%dma_start3A_791 : memref<250xi32, #tpu.memory_space<vmem>>) semaphore(%arg32 : memref<!tpu.dma_semaphore, #tpu.memory_space<semaphore_mem>>)
      } else {
      }
      %add3A_595 = arith.constant 3 : i32
      %add3A_596 = arith.addi %add3A_486, %add3A_595 : i32
      %dma_wait3A_597 = arith.constant 0 : i32
      %dma_wait3A_598 = arith.constant 0 : i32
      %dma_wait3A_599 = tpu.memref_slice %arg12[%dma_wait3A_597, %dma_wait3A_598] : memref<1x250xi32, #tpu.memory_space<vmem>> -> memref<1x250xi32, #tpu.memory_space<vmem>>
      %dma_wait3A_600 = tpu.memref_squeeze %dma_wait3A_599 : memref<1x250xi32, #tpu.memory_space<vmem>> -> memref<250xi32, #tpu.memory_space<vmem>>
      %dma_wait3A_601 = arith.constant 0 : i32
      %dma_wait3A_602 = arith.constant 0 : i32
      %dma_wait3A_603 = tpu.memref_slice %arg4[%dma_wait3A_601, %dma_wait3A_602] : memref<10000x128xbf16, #tpu.memory_space<hbm>> -> memref<10000x128xbf16, #tpu.memory_space<hbm>>
      tpu.wait_indirect_dma semaphore(%arg33 : memref<!tpu.dma_semaphore, #tpu.memory_space<semaphore_mem>>) src(%dma_wait3A_603 : memref<10000x128xbf16, #tpu.memory_space<hbm>>) dst(%arg28 : memref<250x128xbf16, #tpu.memory_space<vmem>>)
      %dma_start3A_604 = arith.constant 0 : i32
      %dma_start3A_605 = arith.constant 0 : i32
      %dma_start3A_606 = tpu.memref_slice %arg20[%dma_start3A_604, %dma_start3A_605] : memref<1x250xi32, #tpu.memory_space<vmem>> -> memref<1x250xi32, #tpu.memory_space<vmem>>
      %dma_start3A_607 = tpu.memref_squeeze %dma_start3A_606 : memref<1x250xi32, #tpu.memory_space<vmem>> -> memref<250xi32, #tpu.memory_space<vmem>>
      %dma_start3A_608 = arith.constant 0 : i32
      %dma_start3A_609 = arith.constant 0 : i32
      %dma_start3A_610 = tpu.memref_slice %arg29[%dma_start3A_608, %dma_start3A_609] : memref<10000x128xbf16, #tpu.memory_space<vmem_shared>> -> memref<10000x128xbf16, #tpu.memory_space<vmem_shared>>
      tpu.enqueue_indirect_dma source(%arg28 : memref<250x128xbf16, #tpu.memory_space<vmem>>) target(%dma_start3A_610 : memref<10000x128xbf16, #tpu.memory_space<vmem_shared>>) offsets(%dma_start3A_607 : memref<250xi32, #tpu.memory_space<vmem>>) semaphore(%arg37 : memref<!tpu.dma_semaphore, #tpu.memory_space<semaphore_mem>>) {add = true}
      %dma_wait3A_611 = arith.constant 0 : i32
      %dma_wait3A_612 = arith.constant 0 : i32
      %dma_wait3A_613 = tpu.memref_slice %arg20[%dma_wait3A_611, %dma_wait3A_612] : memref<1x250xi32, #tpu.memory_space<vmem>> -> memref<1x250xi32, #tpu.memory_space<vmem>>
      %dma_wait3A_614 = tpu.memref_squeeze %dma_wait3A_613 : memref<1x250xi32, #tpu.memory_space<vmem>> -> memref<250xi32, #tpu.memory_space<vmem>>
      %dma_wait3A_615 = arith.constant 0 : i32
      %dma_wait3A_616 = arith.constant 0 : i32
      %dma_wait3A_617 = tpu.memref_slice %arg29[%dma_wait3A_615, %dma_wait3A_616] : memref<10000x128xbf16, #tpu.memory_space<vmem_shared>> -> memref<10000x128xbf16, #tpu.memory_space<vmem_shared>>
      tpu.wait_indirect_dma semaphore(%arg37 : memref<!tpu.dma_semaphore, #tpu.memory_space<semaphore_mem>>) src(%arg28 : memref<250x128xbf16, #tpu.memory_space<vmem>>) dst(%dma_wait3A_617 : memref<10000x128xbf16, #tpu.memory_space<vmem_shared>>)
      %add3A_618 = arith.constant 8 : i32
      %add3A_619 = arith.addi %add3A_596, %add3A_618 : i32
      %lt3A_620 = arith.constant 40 : i32
      %lt3A_621 = arith.cmpi slt, %add3A_619, %lt3A_620 : i32
      %convert_element_type3A_622 = arith.extui %lt3A_621 : i1 to i32
      %cond3A_623 = arith.constant 0 : i32
      %cond3A_624 = arith.cmpi ne, %convert_element_type3A_622, %cond3A_623 : i32
      scf.if %cond3A_624 {
        %add3A_780 = arith.addi %select_n3A, %add3A_596 : i32
        %add3A_781 = arith.constant 8 : i32
        %add3A_782 = arith.addi %add3A_780, %add3A_781 : i32
        %dma_start3A_783 = arith.constant 0 : i32
        %dma_start3A_784 = tpu.memref_slice %arg5[%add3A_782, %dma_start3A_783] : memref<1280x250xi32, #tpu.memory_space<hbm>> -> memref<1x250xi32, #tpu.memory_space<hbm>>
        %dma_start3A_785 = arith.constant 0 : i32
        %dma_start3A_786 = tpu.memref_slice %arg5[%add3A_782, %dma_start3A_785] : memref<1280x250xi32, #tpu.memory_space<hbm>> -> memref<1x250xi32, #tpu.memory_space<hbm>>
        tpu.enqueue_dma source(%dma_start3A_786 : memref<1x250xi32, #tpu.memory_space<hbm>>) target(%arg12 : memref<1x250xi32, #tpu.memory_space<vmem>>) target_semaphore(%arg45 : memref<!tpu.dma_semaphore, #tpu.memory_space<semaphore_mem>>)
        %dma_start3A_787 = arith.constant 0 : i32
        %dma_start3A_788 = tpu.memref_slice %arg6[%add3A_782, %dma_start3A_787] : memref<1280x250xi32, #tpu.memory_space<hbm>> -> memref<1x250xi32, #tpu.memory_space<hbm>>
        %dma_start3A_789 = arith.constant 0 : i32
        %dma_start3A_790 = tpu.memref_slice %arg6[%add3A_782, %dma_start3A_789] : memref<1280x250xi32, #tpu.memory_space<hbm>> -> memref<1x250xi32, #tpu.memory_space<hbm>>
        tpu.enqueue_dma source(%dma_start3A_790 : memref<1x250xi32, #tpu.memory_space<hbm>>) target(%arg20 : memref<1x250xi32, #tpu.memory_space<vmem>>) target_semaphore(%arg53 : memref<!tpu.dma_semaphore, #tpu.memory_space<semaphore_mem>>)
      } else {
      }
      %add3A_625 = arith.constant 4 : i32
      %add3A_626 = arith.addi %add3A_596, %add3A_625 : i32
      %lt3A_627 = arith.constant 40 : i32
      %lt3A_628 = arith.cmpi slt, %add3A_626, %lt3A_627 : i32
      %convert_element_type3A_629 = arith.extui %lt3A_628 : i1 to i32
      %cond3A_630 = arith.constant 0 : i32
      %cond3A_631 = arith.cmpi ne, %convert_element_type3A_629, %cond3A_630 : i32
      scf.if %cond3A_631 {
        %dma_wait3A_780 = arith.constant 0 : i32
        %dma_wait3A_781 = tpu.memref_slice %arg5[%select_n3A, %dma_wait3A_780] : memref<1280x250xi32, #tpu.memory_space<hbm>> -> memref<1x250xi32, #tpu.memory_space<hbm>>
        %dma_wait3A_782 = arith.constant 0 : i32
        %dma_wait3A_783 = tpu.memref_slice %arg5[%select_n3A, %dma_wait3A_782] : memref<1280x250xi32, #tpu.memory_space<hbm>> -> memref<1x250xi32, #tpu.memory_space<hbm>>
        tpu.wait_dma2 semaphore(%arg49 : memref<!tpu.dma_semaphore, #tpu.memory_space<semaphore_mem>>) src(%dma_wait3A_783 : memref<1x250xi32, #tpu.memory_space<hbm>>) dst(%arg16 : memref<1x250xi32, #tpu.memory_space<vmem>>)
        %dma_wait3A_784 = arith.constant 0 : i32
        %dma_wait3A_785 = tpu.memref_slice %arg6[%select_n3A, %dma_wait3A_784] : memref<1280x250xi32, #tpu.memory_space<hbm>> -> memref<1x250xi32, #tpu.memory_space<hbm>>
        %dma_wait3A_786 = arith.constant 0 : i32
        %dma_wait3A_787 = tpu.memref_slice %arg6[%select_n3A, %dma_wait3A_786] : memref<1280x250xi32, #tpu.memory_space<hbm>> -> memref<1x250xi32, #tpu.memory_space<hbm>>
        tpu.wait_dma2 semaphore(%arg57 : memref<!tpu.dma_semaphore, #tpu.memory_space<semaphore_mem>>) src(%dma_wait3A_787 : memref<1x250xi32, #tpu.memory_space<hbm>>) dst(%arg24 : memref<1x250xi32, #tpu.memory_space<vmem>>)
        %dma_start3A_788 = arith.constant 0 : i32
        %dma_start3A_789 = arith.constant 0 : i32
        %dma_start3A_790 = tpu.memref_slice %arg16[%dma_start3A_788, %dma_start3A_789] : memref<1x250xi32, #tpu.memory_space<vmem>> -> memref<1x250xi32, #tpu.memory_space<vmem>>
        %dma_start3A_791 = tpu.memref_squeeze %dma_start3A_790 : memref<1x250xi32, #tpu.memory_space<vmem>> -> memref<250xi32, #tpu.memory_space<vmem>>
        %dma_start3A_792 = arith.constant 0 : i32
        %dma_start3A_793 = arith.constant 0 : i32
        %dma_start3A_794 = tpu.memref_slice %arg4[%dma_start3A_792, %dma_start3A_793] : memref<10000x128xbf16, #tpu.memory_space<hbm>> -> memref<10000x128xbf16, #tpu.memory_space<hbm>>
        tpu.enqueue_indirect_dma source(%dma_start3A_794 : memref<10000x128xbf16, #tpu.memory_space<hbm>>) target(%arg28 : memref<250x128xbf16, #tpu.memory_space<vmem>>) offsets(%dma_start3A_791 : memref<250xi32, #tpu.memory_space<vmem>>) semaphore(%arg33 : memref<!tpu.dma_semaphore, #tpu.memory_space<semaphore_mem>>)
      } else {
      }
      %add3A_632 = arith.constant 4 : i32
      %add3A_633 = arith.addi %add3A_486, %add3A_632 : i32
      %dma_wait3A_634 = arith.constant 0 : i32
      %dma_wait3A_635 = arith.constant 0 : i32
      %dma_wait3A_636 = tpu.memref_slice %arg13[%dma_wait3A_634, %dma_wait3A_635] : memref<1x250xi32, #tpu.memory_space<vmem>> -> memref<1x250xi32, #tpu.memory_space<vmem>>
      %dma_wait3A_637 = tpu.memref_squeeze %dma_wait3A_636 : memref<1x250xi32, #tpu.memory_space<vmem>> -> memref<250xi32, #tpu.memory_space<vmem>>
      %dma_wait3A_638 = arith.constant 0 : i32
      %dma_wait3A_639 = arith.constant 0 : i32
      %dma_wait3A_640 = tpu.memref_slice %arg4[%dma_wait3A_638, %dma_wait3A_639] : memref<10000x128xbf16, #tpu.memory_space<hbm>> -> memref<10000x128xbf16, #tpu.memory_space<hbm>>
      tpu.wait_indirect_dma semaphore(%arg30 : memref<!tpu.dma_semaphore, #tpu.memory_space<semaphore_mem>>) src(%dma_wait3A_640 : memref<10000x128xbf16, #tpu.memory_space<hbm>>) dst(%arg25 : memref<250x128xbf16, #tpu.memory_space<vmem>>)
      %dma_start3A_641 = arith.constant 0 : i32
      %dma_start3A_642 = arith.constant 0 : i32
      %dma_start3A_643 = tpu.memref_slice %arg21[%dma_start3A_641, %dma_start3A_642] : memref<1x250xi32, #tpu.memory_space<vmem>> -> memref<1x250xi32, #tpu.memory_space<vmem>>
      %dma_start3A_644 = tpu.memref_squeeze %dma_start3A_643 : memref<1x250xi32, #tpu.memory_space<vmem>> -> memref<250xi32, #tpu.memory_space<vmem>>
      %dma_start3A_645 = arith.constant 0 : i32
      %dma_start3A_646 = arith.constant 0 : i32
      %dma_start3A_647 = tpu.memref_slice %arg29[%dma_start3A_645, %dma_start3A_646] : memref<10000x128xbf16, #tpu.memory_space<vmem_shared>> -> memref<10000x128xbf16, #tpu.memory_space<vmem_shared>>
      tpu.enqueue_indirect_dma source(%arg25 : memref<250x128xbf16, #tpu.memory_space<vmem>>) target(%dma_start3A_647 : memref<10000x128xbf16, #tpu.memory_space<vmem_shared>>) offsets(%dma_start3A_644 : memref<250xi32, #tpu.memory_space<vmem>>) semaphore(%arg34 : memref<!tpu.dma_semaphore, #tpu.memory_space<semaphore_mem>>) {add = true}
      %dma_wait3A_648 = arith.constant 0 : i32
      %dma_wait3A_649 = arith.constant 0 : i32
      %dma_wait3A_650 = tpu.memref_slice %arg21[%dma_wait3A_648, %dma_wait3A_649] : memref<1x250xi32, #tpu.memory_space<vmem>> -> memref<1x250xi32, #tpu.memory_space<vmem>>
      %dma_wait3A_651 = tpu.memref_squeeze %dma_wait3A_650 : memref<1x250xi32, #tpu.memory_space<vmem>> -> memref<250xi32, #tpu.memory_space<vmem>>
      %dma_wait3A_652 = arith.constant 0 : i32
      %dma_wait3A_653 = arith.constant 0 : i32
      %dma_wait3A_654 = tpu.memref_slice %arg29[%dma_wait3A_652, %dma_wait3A_653] : memref<10000x128xbf16, #tpu.memory_space<vmem_shared>> -> memref<10000x128xbf16, #tpu.memory_space<vmem_shared>>
      tpu.wait_indirect_dma semaphore(%arg34 : memref<!tpu.dma_semaphore, #tpu.memory_space<semaphore_mem>>) src(%arg25 : memref<250x128xbf16, #tpu.memory_space<vmem>>) dst(%dma_wait3A_654 : memref<10000x128xbf16, #tpu.memory_space<vmem_shared>>)
      %add3A_655 = arith.constant 8 : i32
      %add3A_656 = arith.addi %add3A_633, %add3A_655 : i32
      %lt3A_657 = arith.constant 40 : i32
      %lt3A_658 = arith.cmpi slt, %add3A_656, %lt3A_657 : i32
      %convert_element_type3A_659 = arith.extui %lt3A_658 : i1 to i32
      %cond3A_660 = arith.constant 0 : i32
      %cond3A_661 = arith.cmpi ne, %convert_element_type3A_659, %cond3A_660 : i32
      scf.if %cond3A_661 {
        %add3A_780 = arith.addi %select_n3A, %add3A_633 : i32
        %add3A_781 = arith.constant 8 : i32
        %add3A_782 = arith.addi %add3A_780, %add3A_781 : i32
        %dma_start3A_783 = arith.constant 0 : i32
        %dma_start3A_784 = tpu.memref_slice %arg5[%add3A_782, %dma_start3A_783] : memref<1280x250xi32, #tpu.memory_space<hbm>> -> memref<1x250xi32, #tpu.memory_space<hbm>>
        %dma_start3A_785 = arith.constant 0 : i32
        %dma_start3A_786 = tpu.memref_slice %arg5[%add3A_782, %dma_start3A_785] : memref<1280x250xi32, #tpu.memory_space<hbm>> -> memref<1x250xi32, #tpu.memory_space<hbm>>
        tpu.enqueue_dma source(%dma_start3A_786 : memref<1x250xi32, #tpu.memory_space<hbm>>) target(%arg13 : memref<1x250xi32, #tpu.memory_space<vmem>>) target_semaphore(%arg46 : memref<!tpu.dma_semaphore, #tpu.memory_space<semaphore_mem>>)
        %dma_start3A_787 = arith.constant 0 : i32
        %dma_start3A_788 = tpu.memref_slice %arg6[%add3A_782, %dma_start3A_787] : memref<1280x250xi32, #tpu.memory_space<hbm>> -> memref<1x250xi32, #tpu.memory_space<hbm>>
        %dma_start3A_789 = arith.constant 0 : i32
        %dma_start3A_790 = tpu.memref_slice %arg6[%add3A_782, %dma_start3A_789] : memref<1280x250xi32, #tpu.memory_space<hbm>> -> memref<1x250xi32, #tpu.memory_space<hbm>>
        tpu.enqueue_dma source(%dma_start3A_790 : memref<1x250xi32, #tpu.memory_space<hbm>>) target(%arg21 : memref<1x250xi32, #tpu.memory_space<vmem>>) target_semaphore(%arg54 : memref<!tpu.dma_semaphore, #tpu.memory_space<semaphore_mem>>)
      } else {
      }
      %add3A_662 = arith.constant 4 : i32
      %add3A_663 = arith.addi %add3A_633, %add3A_662 : i32
      %lt3A_664 = arith.constant 40 : i32
      %lt3A_665 = arith.cmpi slt, %add3A_663, %lt3A_664 : i32
      %convert_element_type3A_666 = arith.extui %lt3A_665 : i1 to i32
      %cond3A_667 = arith.constant 0 : i32
      %cond3A_668 = arith.cmpi ne, %convert_element_type3A_666, %cond3A_667 : i32
      scf.if %cond3A_668 {
        %dma_wait3A_780 = arith.constant 0 : i32
        %dma_wait3A_781 = tpu.memref_slice %arg5[%select_n3A, %dma_wait3A_780] : memref<1280x250xi32, #tpu.memory_space<hbm>> -> memref<1x250xi32, #tpu.memory_space<hbm>>
        %dma_wait3A_782 = arith.constant 0 : i32
        %dma_wait3A_783 = tpu.memref_slice %arg5[%select_n3A, %dma_wait3A_782] : memref<1280x250xi32, #tpu.memory_space<hbm>> -> memref<1x250xi32, #tpu.memory_space<hbm>>
        tpu.wait_dma2 semaphore(%arg42 : memref<!tpu.dma_semaphore, #tpu.memory_space<semaphore_mem>>) src(%dma_wait3A_783 : memref<1x250xi32, #tpu.memory_space<hbm>>) dst(%arg9 : memref<1x250xi32, #tpu.memory_space<vmem>>)
        %dma_wait3A_784 = arith.constant 0 : i32
        %dma_wait3A_785 = tpu.memref_slice %arg6[%select_n3A, %dma_wait3A_784] : memref<1280x250xi32, #tpu.memory_space<hbm>> -> memref<1x250xi32, #tpu.memory_space<hbm>>
        %dma_wait3A_786 = arith.constant 0 : i32
        %dma_wait3A_787 = tpu.memref_slice %arg6[%select_n3A, %dma_wait3A_786] : memref<1280x250xi32, #tpu.memory_space<hbm>> -> memref<1x250xi32, #tpu.memory_space<hbm>>
        tpu.wait_dma2 semaphore(%arg50 : memref<!tpu.dma_semaphore, #tpu.memory_space<semaphore_mem>>) src(%dma_wait3A_787 : memref<1x250xi32, #tpu.memory_space<hbm>>) dst(%arg17 : memref<1x250xi32, #tpu.memory_space<vmem>>)
        %dma_start3A_788 = arith.constant 0 : i32
        %dma_start3A_789 = arith.constant 0 : i32
        %dma_start3A_790 = tpu.memref_slice %arg9[%dma_start3A_788, %dma_start3A_789] : memref<1x250xi32, #tpu.memory_space<vmem>> -> memref<1x250xi32, #tpu.memory_space<vmem>>
        %dma_start3A_791 = tpu.memref_squeeze %dma_start3A_790 : memref<1x250xi32, #tpu.memory_space<vmem>> -> memref<250xi32, #tpu.memory_space<vmem>>
        %dma_start3A_792 = arith.constant 0 : i32
        %dma_start3A_793 = arith.constant 0 : i32
        %dma_start3A_794 = tpu.memref_slice %arg4[%dma_start3A_792, %dma_start3A_793] : memref<10000x128xbf16, #tpu.memory_space<hbm>> -> memref<10000x128xbf16, #tpu.memory_space<hbm>>
        tpu.enqueue_indirect_dma source(%dma_start3A_794 : memref<10000x128xbf16, #tpu.memory_space<hbm>>) target(%arg25 : memref<250x128xbf16, #tpu.memory_space<vmem>>) offsets(%dma_start3A_791 : memref<250xi32, #tpu.memory_space<vmem>>) semaphore(%arg30 : memref<!tpu.dma_semaphore, #tpu.memory_space<semaphore_mem>>)
      } else {
      }
      %add3A_669 = arith.constant 5 : i32
      %add3A_670 = arith.addi %add3A_486, %add3A_669 : i32
      %dma_wait3A_671 = arith.constant 0 : i32
      %dma_wait3A_672 = arith.constant 0 : i32
      %dma_wait3A_673 = tpu.memref_slice %arg14[%dma_wait3A_671, %dma_wait3A_672] : memref<1x250xi32, #tpu.memory_space<vmem>> -> memref<1x250xi32, #tpu.memory_space<vmem>>
      %dma_wait3A_674 = tpu.memref_squeeze %dma_wait3A_673 : memref<1x250xi32, #tpu.memory_space<vmem>> -> memref<250xi32, #tpu.memory_space<vmem>>
      %dma_wait3A_675 = arith.constant 0 : i32
      %dma_wait3A_676 = arith.constant 0 : i32
      %dma_wait3A_677 = tpu.memref_slice %arg4[%dma_wait3A_675, %dma_wait3A_676] : memref<10000x128xbf16, #tpu.memory_space<hbm>> -> memref<10000x128xbf16, #tpu.memory_space<hbm>>
      tpu.wait_indirect_dma semaphore(%arg31 : memref<!tpu.dma_semaphore, #tpu.memory_space<semaphore_mem>>) src(%dma_wait3A_677 : memref<10000x128xbf16, #tpu.memory_space<hbm>>) dst(%arg26 : memref<250x128xbf16, #tpu.memory_space<vmem>>)
      %dma_start3A_678 = arith.constant 0 : i32
      %dma_start3A_679 = arith.constant 0 : i32
      %dma_start3A_680 = tpu.memref_slice %arg22[%dma_start3A_678, %dma_start3A_679] : memref<1x250xi32, #tpu.memory_space<vmem>> -> memref<1x250xi32, #tpu.memory_space<vmem>>
      %dma_start3A_681 = tpu.memref_squeeze %dma_start3A_680 : memref<1x250xi32, #tpu.memory_space<vmem>> -> memref<250xi32, #tpu.memory_space<vmem>>
      %dma_start3A_682 = arith.constant 0 : i32
      %dma_start3A_683 = arith.constant 0 : i32
      %dma_start3A_684 = tpu.memref_slice %arg29[%dma_start3A_682, %dma_start3A_683] : memref<10000x128xbf16, #tpu.memory_space<vmem_shared>> -> memref<10000x128xbf16, #tpu.memory_space<vmem_shared>>
      tpu.enqueue_indirect_dma source(%arg26 : memref<250x128xbf16, #tpu.memory_space<vmem>>) target(%dma_start3A_684 : memref<10000x128xbf16, #tpu.memory_space<vmem_shared>>) offsets(%dma_start3A_681 : memref<250xi32, #tpu.memory_space<vmem>>) semaphore(%arg35 : memref<!tpu.dma_semaphore, #tpu.memory_space<semaphore_mem>>) {add = true}
      %dma_wait3A_685 = arith.constant 0 : i32
      %dma_wait3A_686 = arith.constant 0 : i32
      %dma_wait3A_687 = tpu.memref_slice %arg22[%dma_wait3A_685, %dma_wait3A_686] : memref<1x250xi32, #tpu.memory_space<vmem>> -> memref<1x250xi32, #tpu.memory_space<vmem>>
      %dma_wait3A_688 = tpu.memref_squeeze %dma_wait3A_687 : memref<1x250xi32, #tpu.memory_space<vmem>> -> memref<250xi32, #tpu.memory_space<vmem>>
      %dma_wait3A_689 = arith.constant 0 : i32
      %dma_wait3A_690 = arith.constant 0 : i32
      %dma_wait3A_691 = tpu.memref_slice %arg29[%dma_wait3A_689, %dma_wait3A_690] : memref<10000x128xbf16, #tpu.memory_space<vmem_shared>> -> memref<10000x128xbf16, #tpu.memory_space<vmem_shared>>
      tpu.wait_indirect_dma semaphore(%arg35 : memref<!tpu.dma_semaphore, #tpu.memory_space<semaphore_mem>>) src(%arg26 : memref<250x128xbf16, #tpu.memory_space<vmem>>) dst(%dma_wait3A_691 : memref<10000x128xbf16, #tpu.memory_space<vmem_shared>>)
      %add3A_692 = arith.constant 8 : i32
      %add3A_693 = arith.addi %add3A_670, %add3A_692 : i32
      %lt3A_694 = arith.constant 40 : i32
      %lt3A_695 = arith.cmpi slt, %add3A_693, %lt3A_694 : i32
      %convert_element_type3A_696 = arith.extui %lt3A_695 : i1 to i32
      %cond3A_697 = arith.constant 0 : i32
      %cond3A_698 = arith.cmpi ne, %convert_element_type3A_696, %cond3A_697 : i32
      scf.if %cond3A_698 {
        %add3A_780 = arith.addi %select_n3A, %add3A_670 : i32
        %add3A_781 = arith.constant 8 : i32
        %add3A_782 = arith.addi %add3A_780, %add3A_781 : i32
        %dma_start3A_783 = arith.constant 0 : i32
        %dma_start3A_784 = tpu.memref_slice %arg5[%add3A_782, %dma_start3A_783] : memref<1280x250xi32, #tpu.memory_space<hbm>> -> memref<1x250xi32, #tpu.memory_space<hbm>>
        %dma_start3A_785 = arith.constant 0 : i32
        %dma_start3A_786 = tpu.memref_slice %arg5[%add3A_782, %dma_start3A_785] : memref<1280x250xi32, #tpu.memory_space<hbm>> -> memref<1x250xi32, #tpu.memory_space<hbm>>
        tpu.enqueue_dma source(%dma_start3A_786 : memref<1x250xi32, #tpu.memory_space<hbm>>) target(%arg14 : memref<1x250xi32, #tpu.memory_space<vmem>>) target_semaphore(%arg47 : memref<!tpu.dma_semaphore, #tpu.memory_space<semaphore_mem>>)
        %dma_start3A_787 = arith.constant 0 : i32
        %dma_start3A_788 = tpu.memref_slice %arg6[%add3A_782, %dma_start3A_787] : memref<1280x250xi32, #tpu.memory_space<hbm>> -> memref<1x250xi32, #tpu.memory_space<hbm>>
        %dma_start3A_789 = arith.constant 0 : i32
        %dma_start3A_790 = tpu.memref_slice %arg6[%add3A_782, %dma_start3A_789] : memref<1280x250xi32, #tpu.memory_space<hbm>> -> memref<1x250xi32, #tpu.memory_space<hbm>>
        tpu.enqueue_dma source(%dma_start3A_790 : memref<1x250xi32, #tpu.memory_space<hbm>>) target(%arg22 : memref<1x250xi32, #tpu.memory_space<vmem>>) target_semaphore(%arg55 : memref<!tpu.dma_semaphore, #tpu.memory_space<semaphore_mem>>)
      } else {
      }
      %add3A_699 = arith.constant 4 : i32
      %add3A_700 = arith.addi %add3A_670, %add3A_699 : i32
      %lt3A_701 = arith.constant 40 : i32
      %lt3A_702 = arith.cmpi slt, %add3A_700, %lt3A_701 : i32
      %convert_element_type3A_703 = arith.extui %lt3A_702 : i1 to i32
      %cond3A_704 = arith.constant 0 : i32
      %cond3A_705 = arith.cmpi ne, %convert_element_type3A_703, %cond3A_704 : i32
      scf.if %cond3A_705 {
        %dma_wait3A_780 = arith.constant 0 : i32
        %dma_wait3A_781 = tpu.memref_slice %arg5[%select_n3A, %dma_wait3A_780] : memref<1280x250xi32, #tpu.memory_space<hbm>> -> memref<1x250xi32, #tpu.memory_space<hbm>>
        %dma_wait3A_782 = arith.constant 0 : i32
        %dma_wait3A_783 = tpu.memref_slice %arg5[%select_n3A, %dma_wait3A_782] : memref<1280x250xi32, #tpu.memory_space<hbm>> -> memref<1x250xi32, #tpu.memory_space<hbm>>
        tpu.wait_dma2 semaphore(%arg43 : memref<!tpu.dma_semaphore, #tpu.memory_space<semaphore_mem>>) src(%dma_wait3A_783 : memref<1x250xi32, #tpu.memory_space<hbm>>) dst(%arg10 : memref<1x250xi32, #tpu.memory_space<vmem>>)
        %dma_wait3A_784 = arith.constant 0 : i32
        %dma_wait3A_785 = tpu.memref_slice %arg6[%select_n3A, %dma_wait3A_784] : memref<1280x250xi32, #tpu.memory_space<hbm>> -> memref<1x250xi32, #tpu.memory_space<hbm>>
        %dma_wait3A_786 = arith.constant 0 : i32
        %dma_wait3A_787 = tpu.memref_slice %arg6[%select_n3A, %dma_wait3A_786] : memref<1280x250xi32, #tpu.memory_space<hbm>> -> memref<1x250xi32, #tpu.memory_space<hbm>>
        tpu.wait_dma2 semaphore(%arg51 : memref<!tpu.dma_semaphore, #tpu.memory_space<semaphore_mem>>) src(%dma_wait3A_787 : memref<1x250xi32, #tpu.memory_space<hbm>>) dst(%arg18 : memref<1x250xi32, #tpu.memory_space<vmem>>)
        %dma_start3A_788 = arith.constant 0 : i32
        %dma_start3A_789 = arith.constant 0 : i32
        %dma_start3A_790 = tpu.memref_slice %arg10[%dma_start3A_788, %dma_start3A_789] : memref<1x250xi32, #tpu.memory_space<vmem>> -> memref<1x250xi32, #tpu.memory_space<vmem>>
        %dma_start3A_791 = tpu.memref_squeeze %dma_start3A_790 : memref<1x250xi32, #tpu.memory_space<vmem>> -> memref<250xi32, #tpu.memory_space<vmem>>
        %dma_start3A_792 = arith.constant 0 : i32
        %dma_start3A_793 = arith.constant 0 : i32
        %dma_start3A_794 = tpu.memref_slice %arg4[%dma_start3A_792, %dma_start3A_793] : memref<10000x128xbf16, #tpu.memory_space<hbm>> -> memref<10000x128xbf16, #tpu.memory_space<hbm>>
        tpu.enqueue_indirect_dma source(%dma_start3A_794 : memref<10000x128xbf16, #tpu.memory_space<hbm>>) target(%arg26 : memref<250x128xbf16, #tpu.memory_space<vmem>>) offsets(%dma_start3A_791 : memref<250xi32, #tpu.memory_space<vmem>>) semaphore(%arg31 : memref<!tpu.dma_semaphore, #tpu.memory_space<semaphore_mem>>)
      } else {
      }
      %add3A_706 = arith.constant 6 : i32
      %add3A_707 = arith.addi %add3A_486, %add3A_706 : i32
      %dma_wait3A_708 = arith.constant 0 : i32
      %dma_wait3A_709 = arith.constant 0 : i32
      %dma_wait3A_710 = tpu.memref_slice %arg15[%dma_wait3A_708, %dma_wait3A_709] : memref<1x250xi32, #tpu.memory_space<vmem>> -> memref<1x250xi32, #tpu.memory_space<vmem>>
      %dma_wait3A_711 = tpu.memref_squeeze %dma_wait3A_710 : memref<1x250xi32, #tpu.memory_space<vmem>> -> memref<250xi32, #tpu.memory_space<vmem>>
      %dma_wait3A_712 = arith.constant 0 : i32
      %dma_wait3A_713 = arith.constant 0 : i32
      %dma_wait3A_714 = tpu.memref_slice %arg4[%dma_wait3A_712, %dma_wait3A_713] : memref<10000x128xbf16, #tpu.memory_space<hbm>> -> memref<10000x128xbf16, #tpu.memory_space<hbm>>
      tpu.wait_indirect_dma semaphore(%arg32 : memref<!tpu.dma_semaphore, #tpu.memory_space<semaphore_mem>>) src(%dma_wait3A_714 : memref<10000x128xbf16, #tpu.memory_space<hbm>>) dst(%arg27 : memref<250x128xbf16, #tpu.memory_space<vmem>>)
      %dma_start3A_715 = arith.constant 0 : i32
      %dma_start3A_716 = arith.constant 0 : i32
      %dma_start3A_717 = tpu.memref_slice %arg23[%dma_start3A_715, %dma_start3A_716] : memref<1x250xi32, #tpu.memory_space<vmem>> -> memref<1x250xi32, #tpu.memory_space<vmem>>
      %dma_start3A_718 = tpu.memref_squeeze %dma_start3A_717 : memref<1x250xi32, #tpu.memory_space<vmem>> -> memref<250xi32, #tpu.memory_space<vmem>>
      %dma_start3A_719 = arith.constant 0 : i32
      %dma_start3A_720 = arith.constant 0 : i32
      %dma_start3A_721 = tpu.memref_slice %arg29[%dma_start3A_719, %dma_start3A_720] : memref<10000x128xbf16, #tpu.memory_space<vmem_shared>> -> memref<10000x128xbf16, #tpu.memory_space<vmem_shared>>
      tpu.enqueue_indirect_dma source(%arg27 : memref<250x128xbf16, #tpu.memory_space<vmem>>) target(%dma_start3A_721 : memref<10000x128xbf16, #tpu.memory_space<vmem_shared>>) offsets(%dma_start3A_718 : memref<250xi32, #tpu.memory_space<vmem>>) semaphore(%arg36 : memref<!tpu.dma_semaphore, #tpu.memory_space<semaphore_mem>>) {add = true}
      %dma_wait3A_722 = arith.constant 0 : i32
      %dma_wait3A_723 = arith.constant 0 : i32
      %dma_wait3A_724 = tpu.memref_slice %arg23[%dma_wait3A_722, %dma_wait3A_723] : memref<1x250xi32, #tpu.memory_space<vmem>> -> memref<1x250xi32, #tpu.memory_space<vmem>>
      %dma_wait3A_725 = tpu.memref_squeeze %dma_wait3A_724 : memref<1x250xi32, #tpu.memory_space<vmem>> -> memref<250xi32, #tpu.memory_space<vmem>>
      %dma_wait3A_726 = arith.constant 0 : i32
      %dma_wait3A_727 = arith.constant 0 : i32
      %dma_wait3A_728 = tpu.memref_slice %arg29[%dma_wait3A_726, %dma_wait3A_727] : memref<10000x128xbf16, #tpu.memory_space<vmem_shared>> -> memref<10000x128xbf16, #tpu.memory_space<vmem_shared>>
      tpu.wait_indirect_dma semaphore(%arg36 : memref<!tpu.dma_semaphore, #tpu.memory_space<semaphore_mem>>) src(%arg27 : memref<250x128xbf16, #tpu.memory_space<vmem>>) dst(%dma_wait3A_728 : memref<10000x128xbf16, #tpu.memory_space<vmem_shared>>)
      %add3A_729 = arith.constant 8 : i32
      %add3A_730 = arith.addi %add3A_707, %add3A_729 : i32
      %lt3A_731 = arith.constant 40 : i32
      %lt3A_732 = arith.cmpi slt, %add3A_730, %lt3A_731 : i32
      %convert_element_type3A_733 = arith.extui %lt3A_732 : i1 to i32
      %cond3A_734 = arith.constant 0 : i32
      %cond3A_735 = arith.cmpi ne, %convert_element_type3A_733, %cond3A_734 : i32
      scf.if %cond3A_735 {
        %add3A_780 = arith.addi %select_n3A, %add3A_707 : i32
        %add3A_781 = arith.constant 8 : i32
        %add3A_782 = arith.addi %add3A_780, %add3A_781 : i32
        %dma_start3A_783 = arith.constant 0 : i32
        %dma_start3A_784 = tpu.memref_slice %arg5[%add3A_782, %dma_start3A_783] : memref<1280x250xi32, #tpu.memory_space<hbm>> -> memref<1x250xi32, #tpu.memory_space<hbm>>
        %dma_start3A_785 = arith.constant 0 : i32
        %dma_start3A_786 = tpu.memref_slice %arg5[%add3A_782, %dma_start3A_785] : memref<1280x250xi32, #tpu.memory_space<hbm>> -> memref<1x250xi32, #tpu.memory_space<hbm>>
        tpu.enqueue_dma source(%dma_start3A_786 : memref<1x250xi32, #tpu.memory_space<hbm>>) target(%arg15 : memref<1x250xi32, #tpu.memory_space<vmem>>) target_semaphore(%arg48 : memref<!tpu.dma_semaphore, #tpu.memory_space<semaphore_mem>>)
        %dma_start3A_787 = arith.constant 0 : i32
        %dma_start3A_788 = tpu.memref_slice %arg6[%add3A_782, %dma_start3A_787] : memref<1280x250xi32, #tpu.memory_space<hbm>> -> memref<1x250xi32, #tpu.memory_space<hbm>>
        %dma_start3A_789 = arith.constant 0 : i32
        %dma_start3A_790 = tpu.memref_slice %arg6[%add3A_782, %dma_start3A_789] : memref<1280x250xi32, #tpu.memory_space<hbm>> -> memref<1x250xi32, #tpu.memory_space<hbm>>
        tpu.enqueue_dma source(%dma_start3A_790 : memref<1x250xi32, #tpu.memory_space<hbm>>) target(%arg23 : memref<1x250xi32, #tpu.memory_space<vmem>>) target_semaphore(%arg56 : memref<!tpu.dma_semaphore, #tpu.memory_space<semaphore_mem>>)
      } else {
      }
      %add3A_736 = arith.constant 4 : i32
      %add3A_737 = arith.addi %add3A_707, %add3A_736 : i32
      %lt3A_738 = arith.constant 40 : i32
      %lt3A_739 = arith.cmpi slt, %add3A_737, %lt3A_738 : i32
      %convert_element_type3A_740 = arith.extui %lt3A_739 : i1 to i32
      %cond3A_741 = arith.constant 0 : i32
      %cond3A_742 = arith.cmpi ne, %convert_element_type3A_740, %cond3A_741 : i32
      scf.if %cond3A_742 {
        %dma_wait3A_780 = arith.constant 0 : i32
        %dma_wait3A_781 = tpu.memref_slice %arg5[%select_n3A, %dma_wait3A_780] : memref<1280x250xi32, #tpu.memory_space<hbm>> -> memref<1x250xi32, #tpu.memory_space<hbm>>
        %dma_wait3A_782 = arith.constant 0 : i32
        %dma_wait3A_783 = tpu.memref_slice %arg5[%select_n3A, %dma_wait3A_782] : memref<1280x250xi32, #tpu.memory_space<hbm>> -> memref<1x250xi32, #tpu.memory_space<hbm>>
        tpu.wait_dma2 semaphore(%arg44 : memref<!tpu.dma_semaphore, #tpu.memory_space<semaphore_mem>>) src(%dma_wait3A_783 : memref<1x250xi32, #tpu.memory_space<hbm>>) dst(%arg11 : memref<1x250xi32, #tpu.memory_space<vmem>>)
        %dma_wait3A_784 = arith.constant 0 : i32
        %dma_wait3A_785 = tpu.memref_slice %arg6[%select_n3A, %dma_wait3A_784] : memref<1280x250xi32, #tpu.memory_space<hbm>> -> memref<1x250xi32, #tpu.memory_space<hbm>>
        %dma_wait3A_786 = arith.constant 0 : i32
        %dma_wait3A_787 = tpu.memref_slice %arg6[%select_n3A, %dma_wait3A_786] : memref<1280x250xi32, #tpu.memory_space<hbm>> -> memref<1x250xi32, #tpu.memory_space<hbm>>
        tpu.wait_dma2 semaphore(%arg52 : memref<!tpu.dma_semaphore, #tpu.memory_space<semaphore_mem>>) src(%dma_wait3A_787 : memref<1x250xi32, #tpu.memory_space<hbm>>) dst(%arg19 : memref<1x250xi32, #tpu.memory_space<vmem>>)
        %dma_start3A_788 = arith.constant 0 : i32
        %dma_start3A_789 = arith.constant 0 : i32
        %dma_start3A_790 = tpu.memref_slice %arg11[%dma_start3A_788, %dma_start3A_789] : memref<1x250xi32, #tpu.memory_space<vmem>> -> memref<1x250xi32, #tpu.memory_space<vmem>>
        %dma_start3A_791 = tpu.memref_squeeze %dma_start3A_790 : memref<1x250xi32, #tpu.memory_space<vmem>> -> memref<250xi32, #tpu.memory_space<vmem>>
        %dma_start3A_792 = arith.constant 0 : i32
        %dma_start3A_793 = arith.constant 0 : i32
        %dma_start3A_794 = tpu.memref_slice %arg4[%dma_start3A_792, %dma_start3A_793] : memref<10000x128xbf16, #tpu.memory_space<hbm>> -> memref<10000x128xbf16, #tpu.memory_space<hbm>>
        tpu.enqueue_indirect_dma source(%dma_start3A_794 : memref<10000x128xbf16, #tpu.memory_space<hbm>>) target(%arg27 : memref<250x128xbf16, #tpu.memory_space<vmem>>) offsets(%dma_start3A_791 : memref<250xi32, #tpu.memory_space<vmem>>) semaphore(%arg32 : memref<!tpu.dma_semaphore, #tpu.memory_space<semaphore_mem>>)
      } else {
      }
      %add3A_743 = arith.constant 7 : i32
      %add3A_744 = arith.addi %add3A_486, %add3A_743 : i32
      %dma_wait3A_745 = arith.constant 0 : i32
      %dma_wait3A_746 = arith.constant 0 : i32
      %dma_wait3A_747 = tpu.memref_slice %arg16[%dma_wait3A_745, %dma_wait3A_746] : memref<1x250xi32, #tpu.memory_space<vmem>> -> memref<1x250xi32, #tpu.memory_space<vmem>>
      %dma_wait3A_748 = tpu.memref_squeeze %dma_wait3A_747 : memref<1x250xi32, #tpu.memory_space<vmem>> -> memref<250xi32, #tpu.memory_space<vmem>>
      %dma_wait3A_749 = arith.constant 0 : i32
      %dma_wait3A_750 = arith.constant 0 : i32
      %dma_wait3A_751 = tpu.memref_slice %arg4[%dma_wait3A_749, %dma_wait3A_750] : memref<10000x128xbf16, #tpu.memory_space<hbm>> -> memref<10000x128xbf16, #tpu.memory_space<hbm>>
      tpu.wait_indirect_dma semaphore(%arg33 : memref<!tpu.dma_semaphore, #tpu.memory_space<semaphore_mem>>) src(%dma_wait3A_751 : memref<10000x128xbf16, #tpu.memory_space<hbm>>) dst(%arg28 : memref<250x128xbf16, #tpu.memory_space<vmem>>)
      %dma_start3A_752 = arith.constant 0 : i32
      %dma_start3A_753 = arith.constant 0 : i32
      %dma_start3A_754 = tpu.memref_slice %arg24[%dma_start3A_752, %dma_start3A_753] : memref<1x250xi32, #tpu.memory_space<vmem>> -> memref<1x250xi32, #tpu.memory_space<vmem>>
      %dma_start3A_755 = tpu.memref_squeeze %dma_start3A_754 : memref<1x250xi32, #tpu.memory_space<vmem>> -> memref<250xi32, #tpu.memory_space<vmem>>
      %dma_start3A_756 = arith.constant 0 : i32
      %dma_start3A_757 = arith.constant 0 : i32
      %dma_start3A_758 = tpu.memref_slice %arg29[%dma_start3A_756, %dma_start3A_757] : memref<10000x128xbf16, #tpu.memory_space<vmem_shared>> -> memref<10000x128xbf16, #tpu.memory_space<vmem_shared>>
      tpu.enqueue_indirect_dma source(%arg28 : memref<250x128xbf16, #tpu.memory_space<vmem>>) target(%dma_start3A_758 : memref<10000x128xbf16, #tpu.memory_space<vmem_shared>>) offsets(%dma_start3A_755 : memref<250xi32, #tpu.memory_space<vmem>>) semaphore(%arg37 : memref<!tpu.dma_semaphore, #tpu.memory_space<semaphore_mem>>) {add = true}
      %dma_wait3A_759 = arith.constant 0 : i32
      %dma_wait3A_760 = arith.constant 0 : i32
      %dma_wait3A_761 = tpu.memref_slice %arg24[%dma_wait3A_759, %dma_wait3A_760] : memref<1x250xi32, #tpu.memory_space<vmem>> -> memref<1x250xi32, #tpu.memory_space<vmem>>
      %dma_wait3A_762 = tpu.memref_squeeze %dma_wait3A_761 : memref<1x250xi32, #tpu.memory_space<vmem>> -> memref<250xi32, #tpu.memory_space<vmem>>
      %dma_wait3A_763 = arith.constant 0 : i32
      %dma_wait3A_764 = arith.constant 0 : i32
      %dma_wait3A_765 = tpu.memref_slice %arg29[%dma_wait3A_763, %dma_wait3A_764] : memref<10000x128xbf16, #tpu.memory_space<vmem_shared>> -> memref<10000x128xbf16, #tpu.memory_space<vmem_shared>>
      tpu.wait_indirect_dma semaphore(%arg37 : memref<!tpu.dma_semaphore, #tpu.memory_space<semaphore_mem>>) src(%arg28 : memref<250x128xbf16, #tpu.memory_space<vmem>>) dst(%dma_wait3A_765 : memref<10000x128xbf16, #tpu.memory_space<vmem_shared>>)
      %add3A_766 = arith.constant 8 : i32
      %add3A_767 = arith.addi %add3A_744, %add3A_766 : i32
      %lt3A_768 = arith.constant 40 : i32
      %lt3A_769 = arith.cmpi slt, %add3A_767, %lt3A_768 : i32
      %convert_element_type3A_770 = arith.extui %lt3A_769 : i1 to i32
      %cond3A_771 = arith.constant 0 : i32
      %cond3A_772 = arith.cmpi ne, %convert_element_type3A_770, %cond3A_771 : i32
      scf.if %cond3A_772 {
        %add3A_780 = arith.addi %select_n3A, %add3A_744 : i32
        %add3A_781 = arith.constant 8 : i32
        %add3A_782 = arith.addi %add3A_780, %add3A_781 : i32
        %dma_start3A_783 = arith.constant 0 : i32
        %dma_start3A_784 = tpu.memref_slice %arg5[%add3A_782, %dma_start3A_783] : memref<1280x250xi32, #tpu.memory_space<hbm>> -> memref<1x250xi32, #tpu.memory_space<hbm>>
        %dma_start3A_785 = arith.constant 0 : i32
        %dma_start3A_786 = tpu.memref_slice %arg5[%add3A_782, %dma_start3A_785] : memref<1280x250xi32, #tpu.memory_space<hbm>> -> memref<1x250xi32, #tpu.memory_space<hbm>>
        tpu.enqueue_dma source(%dma_start3A_786 : memref<1x250xi32, #tpu.memory_space<hbm>>) target(%arg16 : memref<1x250xi32, #tpu.memory_space<vmem>>) target_semaphore(%arg49 : memref<!tpu.dma_semaphore, #tpu.memory_space<semaphore_mem>>)
        %dma_start3A_787 = arith.constant 0 : i32
        %dma_start3A_788 = tpu.memref_slice %arg6[%add3A_782, %dma_start3A_787] : memref<1280x250xi32, #tpu.memory_space<hbm>> -> memref<1x250xi32, #tpu.memory_space<hbm>>
        %dma_start3A_789 = arith.constant 0 : i32
        %dma_start3A_790 = tpu.memref_slice %arg6[%add3A_782, %dma_start3A_789] : memref<1280x250xi32, #tpu.memory_space<hbm>> -> memref<1x250xi32, #tpu.memory_space<hbm>>
        tpu.enqueue_dma source(%dma_start3A_790 : memref<1x250xi32, #tpu.memory_space<hbm>>) target(%arg24 : memref<1x250xi32, #tpu.memory_space<vmem>>) target_semaphore(%arg57 : memref<!tpu.dma_semaphore, #tpu.memory_space<semaphore_mem>>)
      } else {
      }
      %add3A_773 = arith.constant 4 : i32
      %add3A_774 = arith.addi %add3A_744, %add3A_773 : i32
      %lt3A_775 = arith.constant 40 : i32
      %lt3A_776 = arith.cmpi slt, %add3A_774, %lt3A_775 : i32
      %convert_element_type3A_777 = arith.extui %lt3A_776 : i1 to i32
      %cond3A_778 = arith.constant 0 : i32
      %cond3A_779 = arith.cmpi ne, %convert_element_type3A_777, %cond3A_778 : i32
      scf.if %cond3A_779 {
        %dma_wait3A_780 = arith.constant 0 : i32
        %dma_wait3A_781 = tpu.memref_slice %arg5[%select_n3A, %dma_wait3A_780] : memref<1280x250xi32, #tpu.memory_space<hbm>> -> memref<1x250xi32, #tpu.memory_space<hbm>>
        %dma_wait3A_782 = arith.constant 0 : i32
        %dma_wait3A_783 = tpu.memref_slice %arg5[%select_n3A, %dma_wait3A_782] : memref<1280x250xi32, #tpu.memory_space<hbm>> -> memref<1x250xi32, #tpu.memory_space<hbm>>
        tpu.wait_dma2 semaphore(%arg45 : memref<!tpu.dma_semaphore, #tpu.memory_space<semaphore_mem>>) src(%dma_wait3A_783 : memref<1x250xi32, #tpu.memory_space<hbm>>) dst(%arg12 : memref<1x250xi32, #tpu.memory_space<vmem>>)
        %dma_wait3A_784 = arith.constant 0 : i32
        %dma_wait3A_785 = tpu.memref_slice %arg6[%select_n3A, %dma_wait3A_784] : memref<1280x250xi32, #tpu.memory_space<hbm>> -> memref<1x250xi32, #tpu.memory_space<hbm>>
        %dma_wait3A_786 = arith.constant 0 : i32
        %dma_wait3A_787 = tpu.memref_slice %arg6[%select_n3A, %dma_wait3A_786] : memref<1280x250xi32, #tpu.memory_space<hbm>> -> memref<1x250xi32, #tpu.memory_space<hbm>>
        tpu.wait_dma2 semaphore(%arg53 : memref<!tpu.dma_semaphore, #tpu.memory_space<semaphore_mem>>) src(%dma_wait3A_787 : memref<1x250xi32, #tpu.memory_space<hbm>>) dst(%arg20 : memref<1x250xi32, #tpu.memory_space<vmem>>)
        %dma_start3A_788 = arith.constant 0 : i32
        %dma_start3A_789 = arith.constant 0 : i32
        %dma_start3A_790 = tpu.memref_slice %arg12[%dma_start3A_788, %dma_start3A_789] : memref<1x250xi32, #tpu.memory_space<vmem>> -> memref<1x250xi32, #tpu.memory_space<vmem>>
        %dma_start3A_791 = tpu.memref_squeeze %dma_start3A_790 : memref<1x250xi32, #tpu.memory_space<vmem>> -> memref<250xi32, #tpu.memory_space<vmem>>
        %dma_start3A_792 = arith.constant 0 : i32
        %dma_start3A_793 = arith.constant 0 : i32
        %dma_start3A_794 = tpu.memref_slice %arg4[%dma_start3A_792, %dma_start3A_793] : memref<10000x128xbf16, #tpu.memory_space<hbm>> -> memref<10000x128xbf16, #tpu.memory_space<hbm>>
        tpu.enqueue_indirect_dma source(%dma_start3A_794 : memref<10000x128xbf16, #tpu.memory_space<hbm>>) target(%arg28 : memref<250x128xbf16, #tpu.memory_space<vmem>>) offsets(%dma_start3A_791 : memref<250xi32, #tpu.memory_space<vmem>>) semaphore(%arg33 : memref<!tpu.dma_semaphore, #tpu.memory_space<semaphore_mem>>)
      } else {
      }
    }
    %scan3A_472 = arith.constant 5 : i32
    %barrier3A_473 = arith.constant 0 : index
    tpu.barrier barrier_id(%barrier3A_473)
    %add3A_474 = arith.constant 4 : i32
    %add3A_475 = arith.addi %add3A_474, %arg0 : i32
    %mul3A_476 = arith.constant 10000 : i32
    %mul3A_477 = arith.muli %add3A_475, %mul3A_476 : i32
    %mul3A_478 = arith.constant 625 : i32
    %mul3A_479 = arith.muli %arg1, %mul3A_478 : i32
    %add3A_480 = arith.addi %mul3A_477, %mul3A_479 : i32
    "tpu.region"() ({
      %run_scoped3A = tpu.sem_alloc : memref<!tpu.dma_semaphore, #tpu.memory_space<semaphore_mem>>
      %dma_start3A_482 = arith.constant 0 : i32
      %dma_start3A_483 = tpu.memref_slice %arg8[%add3A_480, %dma_start3A_482] : memref<60000x128xbf16, #tpu.memory_space<hbm>> -> memref<625x128xbf16, #tpu.memory_space<hbm>>
      %dma_start3A_484 = arith.constant 0 : i32
      %dma_start3A_485 = tpu.memref_slice %arg29[%mul3A_0, %dma_start3A_484] : memref<10000x128xbf16, #tpu.memory_space<vmem_shared>> -> memref<625x128xbf16, #tpu.memory_space<vmem_shared>>
      tpu.enqueue_dma source(%dma_start3A_485 : memref<625x128xbf16, #tpu.memory_space<vmem_shared>>) target(%dma_start3A_483 : memref<625x128xbf16, #tpu.memory_space<hbm>>) target_semaphore(%run_scoped3A : memref<!tpu.dma_semaphore, #tpu.memory_space<semaphore_mem>>)
      %dma_wait3A_486 = arith.constant 0 : i32
      %dma_wait3A_487 = tpu.memref_slice %arg8[%add3A_480, %dma_wait3A_486] : memref<60000x128xbf16, #tpu.memory_space<hbm>> -> memref<625x128xbf16, #tpu.memory_space<hbm>>
      %dma_wait3A_488 = arith.constant 0 : i32
      %dma_wait3A_489 = tpu.memref_slice %arg29[%mul3A_0, %dma_wait3A_488] : memref<10000x128xbf16, #tpu.memory_space<vmem_shared>> -> memref<625x128xbf16, #tpu.memory_space<vmem_shared>>
      tpu.wait_dma2 semaphore(%run_scoped3A : memref<!tpu.dma_semaphore, #tpu.memory_space<semaphore_mem>>) src(%dma_wait3A_489 : memref<625x128xbf16, #tpu.memory_space<vmem_shared>>) dst(%dma_wait3A_487 : memref<625x128xbf16, #tpu.memory_space<hbm>>)
      tpu.yield
    }) : () -> ()
    %barrier3A_481 = arith.constant 0 : index
    tpu.barrier barrier_id(%barrier3A_481)
    return
  }
}

module attributes {stable_mosaic.version = 14 : i64} {
  func.func @body(%arg0: i32, %arg1: memref<2000x128xf32, #tpu.memory_space<vmem>>, %arg2: memref<128x384xf32, #tpu.memory_space<vmem>>, %arg3: memref<2x2000x1xf32, #tpu.memory_space<vmem>>, %arg4: memref<2000x128xbf16, #tpu.memory_space<vmem>>, %arg5: memref<2000x128xbf16, #tpu.memory_space<vmem>>, %arg6: memref<2000x128xbf16, #tpu.memory_space<vmem>>) attributes {dimension_semantics = [#tpu.dimension_semantics<arbitrary>], iteration_bounds = array<i64: 5>, scalar_prefetch = 0 : i64, scratch_operands = 0 : i64, tpu.core_type = #tpu.core_type<tc>, window_params = [{transform_indices = @transform_0, window_bounds = array<i64: 2000, 128>}, {pipeline_mode = #tpu.pipeline_mode<synchronous>, transform_indices = @transform_1, window_bounds = array<i64: 128, 384>}, {transform_indices = @transform_2, window_bounds = array<i64: 2, 2000, 1>}, {transform_indices = @transform_3, window_bounds = array<i64: 2000, 128>}, {transform_indices = @transform_4, window_bounds = array<i64: 2000, 128>}, {transform_indices = @transform_5, window_bounds = array<i64: 2000, 128>}]} {
    %get3A = arith.constant 0 : index
    %get3A_0 = arith.constant 0 : index
    %get3A_1 = vector.load %arg1[%get3A, %get3A_0] : memref<2000x128xf32, #tpu.memory_space<vmem>>, vector<2000x128xf32>
    %get3A_2 = arith.constant 0 : index
    %get3A_3 = arith.constant 0 : index
    %get3A_4 = vector.load %arg2[%get3A_2, %get3A_3] : memref<128x384xf32, #tpu.memory_space<vmem>>, vector<128x384xf32>
    %dot_general3A = arith.constant dense<0.000000e+00> : vector<2000x384xf32>
    %dot_general3A_5 = tpu.matmul %get3A_1, %get3A_4, %dot_general3A {dimension_numbers = #tpu.dot_dimension_numbers<[1], [0], [0], [1], [0, 0, 1, 1], [], []>, transpose_lhs_hint = false} : vector<2000x128xf32>, vector<128x384xf32>, vector<2000x384xf32> -> vector<2000x384xf32>
    %get3A_6 = arith.constant 0 : index
    %get3A_7 = arith.constant 0 : index
    %get3A_8 = arith.constant 0 : index
    %get3A_9 = vector.load %arg3[%get3A_6, %get3A_7, %get3A_8] : memref<2x2000x1xf32, #tpu.memory_space<vmem>>, vector<1x2000x1xf32>
    %get3A_10 = vector.shape_cast %get3A_9 : vector<1x2000x1xf32> to vector<2000x1xf32>
    %get3A_11 = arith.constant 1 : index
    %get3A_12 = arith.constant 0 : index
    %get3A_13 = arith.constant 0 : index
    %get3A_14 = vector.load %arg3[%get3A_11, %get3A_12, %get3A_13] : memref<2x2000x1xf32, #tpu.memory_space<vmem>>, vector<1x2000x1xf32>
    %get3A_15 = vector.shape_cast %get3A_14 : vector<1x2000x1xf32> to vector<2000x1xf32>
    %add3A = arith.addf %get3A_10, %get3A_15 : vector<2000x1xf32>
    %gt3A = arith.constant 0.000000e+00 : f32
    %gt3A_16 = vector.broadcast %gt3A : f32 to vector<2000x1xf32>
    %gt3A_17 = arith.cmpf ogt, %add3A, %gt3A_16 : vector<2000x1xf32>
    %max3A = arith.constant 1.000000e+00 : f32
    %max3A_18 = vector.broadcast %max3A : f32 to vector<2000x1xf32>
    %max3A_19 = arith.maximumf %add3A, %max3A_18 : vector<2000x1xf32>
    %rsqrt3A = math.rsqrt %max3A_19 : vector<2000x1xf32>
    %jit3A = arith.constant 0.000000e+00 : f32
    %broadcast_in_dim3A = vector.broadcast %jit3A : f32 to vector<2000x1xf32>
    %select_n3A = arith.select %gt3A_17, %rsqrt3A, %broadcast_in_dim3A : vector<2000x1xi1>, vector<2000x1xf32>
    %mul3A = vector.broadcast %select_n3A : vector<2000x1xf32> to vector<2000x384xf32>
    %mul3A_20 = arith.mulf %dot_general3A_5, %mul3A : vector<2000x384xf32>
    %convert_element_type3A = arith.truncf %mul3A_20 : vector<2000x384xf32> to vector<2000x384xbf16>
    %slice3A = vector.extract_strided_slice %convert_element_type3A {offsets = [0, 0], sizes = [2000, 128], strides = [1, 1]} : vector<2000x384xbf16> to vector<2000x128xbf16>
    %swap3A = arith.constant 0 : index
    %swap3A_21 = arith.constant 0 : index
    %swap3A_22 = vector.load %arg4[%swap3A, %swap3A_21] : memref<2000x128xbf16, #tpu.memory_space<vmem>>, vector<2000x128xbf16>
    tpu.vector_store %arg4[%swap3A, %swap3A_21], %slice3A {strides = array<i32>} : memref<2000x128xbf16, #tpu.memory_space<vmem>>, vector<2000x128xbf16>,
    %slice3A_23 = vector.extract_strided_slice %convert_element_type3A {offsets = [0, 128], sizes = [2000, 128], strides = [1, 1]} : vector<2000x384xbf16> to vector<2000x128xbf16>
    %swap3A_24 = arith.constant 0 : index
    %swap3A_25 = arith.constant 0 : index
    %swap3A_26 = vector.load %arg5[%swap3A_24, %swap3A_25] : memref<2000x128xbf16, #tpu.memory_space<vmem>>, vector<2000x128xbf16>
    tpu.vector_store %arg5[%swap3A_24, %swap3A_25], %slice3A_23 {strides = array<i32>} : memref<2000x128xbf16, #tpu.memory_space<vmem>>, vector<2000x128xbf16>,
    %slice3A_27 = vector.extract_strided_slice %convert_element_type3A {offsets = [0, 256], sizes = [2000, 128], strides = [1, 1]} : vector<2000x384xbf16> to vector<2000x128xbf16>
    %swap3A_28 = arith.constant 0 : index
    %swap3A_29 = arith.constant 0 : index
    %swap3A_30 = vector.load %arg6[%swap3A_28, %swap3A_29] : memref<2000x128xbf16, #tpu.memory_space<vmem>>, vector<2000x128xbf16>
    tpu.vector_store %arg6[%swap3A_28, %swap3A_29], %slice3A_27 {strides = array<i32>} : memref<2000x128xbf16, #tpu.memory_space<vmem>>, vector<2000x128xbf16>,
    return
  }
  func.func @transform_0(%arg0: i32) -> (i32, i32) {
    %c0_i32 = arith.constant 0 : i32
    %c0_i32_0 = arith.constant 0 : i32
    return %arg0, %c0_i32 : i32, i32
  }
  func.func @transform_1(%arg0: i32) -> (i32, i32) {
    %c0_i32 = arith.constant 0 : i32
    %c0_i32_0 = arith.constant 0 : i32
    %c0_i32_1 = arith.constant 0 : i32
    return %c0_i32, %c0_i32_0 : i32, i32
  }
  func.func @transform_2(%arg0: i32) -> (i32, i32, i32) {
    %c0_i32 = arith.constant 0 : i32
    %c0_i32_0 = arith.constant 0 : i32
    %c0_i32_1 = arith.constant 0 : i32
    return %c0_i32, %arg0, %c0_i32_0 : i32, i32, i32
  }
  func.func @transform_3(%arg0: i32) -> (i32, i32) {
    %c0_i32 = arith.constant 0 : i32
    %c0_i32_0 = arith.constant 0 : i32
    return %arg0, %c0_i32 : i32, i32
  }
  func.func @transform_4(%arg0: i32) -> (i32, i32) {
    %c0_i32 = arith.constant 0 : i32
    %c0_i32_0 = arith.constant 0 : i32
    return %arg0, %c0_i32 : i32, i32
  }
  func.func @transform_5(%arg0: i32) -> (i32, i32) {
    %c0_i32 = arith.constant 0 : i32
    %c0_i32_0 = arith.constant 0 : i32
    return %arg0, %c0_i32 : i32, i32
  }
}

module attributes {stable_mosaic.version = 14 : i64} {
  func.func @body(%arg0: i32, %arg1: memref<3x2x2000x128xbf16, #tpu.memory_space<vmem>>, %arg2: memref<2x2000x1xf32, #tpu.memory_space<vmem>>, %arg3: memref<1x128xf32, #tpu.memory_space<vmem>>, %arg4: memref<1x128xf32, #tpu.memory_space<vmem>>, %arg5: memref<1x128xf32, #tpu.memory_space<vmem>>, %arg6: memref<1x128xf32, #tpu.memory_space<vmem>>, %arg7: memref<2000x128xf32, #tpu.memory_space<vmem>>, %arg8: memref<2000x128xf32, #tpu.memory_space<vmem>>) attributes {dimension_semantics = [#tpu.dimension_semantics<arbitrary>], iteration_bounds = array<i64: 5>, scalar_prefetch = 0 : i64, scratch_operands = 0 : i64, tpu.core_type = #tpu.core_type<tc>, window_params = [{transform_indices = @transform_0, window_bounds = array<i64: 3, 2, 2000, 128>}, {transform_indices = @transform_1, window_bounds = array<i64: 2, 2000, 1>}, {pipeline_mode = #tpu.pipeline_mode<synchronous>, transform_indices = @transform_2, window_bounds = array<i64: 1, 128>}, {pipeline_mode = #tpu.pipeline_mode<synchronous>, transform_indices = @transform_3, window_bounds = array<i64: 1, 128>}, {pipeline_mode = #tpu.pipeline_mode<synchronous>, transform_indices = @transform_4, window_bounds = array<i64: 1, 128>}, {pipeline_mode = #tpu.pipeline_mode<synchronous>, transform_indices = @transform_5, window_bounds = array<i64: 1, 128>}, {transform_indices = @transform_6, window_bounds = array<i64: 2000, 128>}, {transform_indices = @transform_7, window_bounds = array<i64: 2000, 128>}]} {
    %get3A = arith.constant 0 : index
    %get3A_0 = arith.constant 0 : index
    %get3A_1 = arith.constant 0 : index
    %get3A_2 = vector.load %arg2[%get3A, %get3A_0, %get3A_1] : memref<2x2000x1xf32, #tpu.memory_space<vmem>>, vector<1x2000x1xf32>
    %get3A_3 = vector.shape_cast %get3A_2 : vector<1x2000x1xf32> to vector<2000x1xf32>
    %get3A_4 = arith.constant 1 : index
    %get3A_5 = arith.constant 0 : index
    %get3A_6 = arith.constant 0 : index
    %get3A_7 = vector.load %arg2[%get3A_4, %get3A_5, %get3A_6] : memref<2x2000x1xf32, #tpu.memory_space<vmem>>, vector<1x2000x1xf32>
    %get3A_8 = vector.shape_cast %get3A_7 : vector<1x2000x1xf32> to vector<2000x1xf32>
    %add3A = arith.addf %get3A_3, %get3A_8 : vector<2000x1xf32>
    %gt3A = arith.constant 0.000000e+00 : f32
    %gt3A_9 = vector.broadcast %gt3A : f32 to vector<2000x1xf32>
    %gt3A_10 = arith.cmpf ogt, %add3A, %gt3A_9 : vector<2000x1xf32>
    %max3A = arith.constant 1.000000e+00 : f32
    %max3A_11 = vector.broadcast %max3A : f32 to vector<2000x1xf32>
    %max3A_12 = arith.maximumf %add3A, %max3A_11 : vector<2000x1xf32>
    %rsqrt3A = math.rsqrt %max3A_12 : vector<2000x1xf32>
    %jit3A = arith.constant 0.000000e+00 : f32
    %broadcast_in_dim3A = vector.broadcast %jit3A : f32 to vector<2000x1xf32>
    %select_n3A = arith.select %gt3A_10, %rsqrt3A, %broadcast_in_dim3A : vector<2000x1xi1>, vector<2000x1xf32>
    %get3A_13 = arith.constant 0 : index
    %get3A_14 = arith.constant 0 : index
    %get3A_15 = arith.constant 0 : index
    %get3A_16 = arith.constant 0 : index
    %get3A_17 = vector.load %arg1[%get3A_13, %get3A_14, %get3A_15, %get3A_16] : memref<3x2x2000x128xbf16, #tpu.memory_space<vmem>>, vector<3x2x2000x128xbf16>
    %convert_element_type3A = arith.extf %get3A_17 : vector<3x2x2000x128xbf16> to vector<3x2x2000x128xf32>
    %slice3A = vector.extract_strided_slice %convert_element_type3A {offsets = [0, 0, 0, 0], sizes = [1, 1, 2000, 128], strides = [1, 1, 1, 1]} : vector<3x2x2000x128xf32> to vector<1x1x2000x128xf32>
    %squeeze3A = vector.shape_cast %slice3A : vector<1x1x2000x128xf32> to vector<2000x128xf32>
    %slice3A_18 = vector.extract_strided_slice %convert_element_type3A {offsets = [0, 1, 0, 0], sizes = [1, 1, 2000, 128], strides = [1, 1, 1, 1]} : vector<3x2x2000x128xf32> to vector<1x1x2000x128xf32>
    %squeeze3A_19 = vector.shape_cast %slice3A_18 : vector<1x1x2000x128xf32> to vector<2000x128xf32>
    %add3A_20 = arith.addf %squeeze3A, %squeeze3A_19 : vector<2000x128xf32>
    %slice3A_21 = vector.extract_strided_slice %convert_element_type3A {offsets = [1, 0, 0, 0], sizes = [1, 1, 2000, 128], strides = [1, 1, 1, 1]} : vector<3x2x2000x128xf32> to vector<1x1x2000x128xf32>
    %squeeze3A_22 = vector.shape_cast %slice3A_21 : vector<1x1x2000x128xf32> to vector<2000x128xf32>
    %slice3A_23 = vector.extract_strided_slice %convert_element_type3A {offsets = [1, 1, 0, 0], sizes = [1, 1, 2000, 128], strides = [1, 1, 1, 1]} : vector<3x2x2000x128xf32> to vector<1x1x2000x128xf32>
    %squeeze3A_24 = vector.shape_cast %slice3A_23 : vector<1x1x2000x128xf32> to vector<2000x128xf32>
    %add3A_25 = arith.addf %squeeze3A_22, %squeeze3A_24 : vector<2000x128xf32>
    %slice3A_26 = vector.extract_strided_slice %convert_element_type3A {offsets = [2, 0, 0, 0], sizes = [1, 1, 2000, 128], strides = [1, 1, 1, 1]} : vector<3x2x2000x128xf32> to vector<1x1x2000x128xf32>
    %squeeze3A_27 = vector.shape_cast %slice3A_26 : vector<1x1x2000x128xf32> to vector<2000x128xf32>
    %slice3A_28 = vector.extract_strided_slice %convert_element_type3A {offsets = [2, 1, 0, 0], sizes = [1, 1, 2000, 128], strides = [1, 1, 1, 1]} : vector<3x2x2000x128xf32> to vector<1x1x2000x128xf32>
    %squeeze3A_29 = vector.shape_cast %slice3A_28 : vector<1x1x2000x128xf32> to vector<2000x128xf32>
    %add3A_30 = arith.addf %squeeze3A_27, %squeeze3A_29 : vector<2000x128xf32>
    %mul3A = vector.broadcast %select_n3A : vector<2000x1xf32> to vector<2000x128xf32>
    %mul3A_31 = arith.mulf %add3A_20, %mul3A : vector<2000x128xf32>
    %get3A_32 = arith.constant 0 : index
    %get3A_33 = arith.constant 0 : index
    %get3A_34 = vector.load %arg3[%get3A_32, %get3A_33] : memref<1x128xf32, #tpu.memory_space<vmem>>, vector<1x128xf32>
    %add3A_35 = vector.broadcast %get3A_34 : vector<1x128xf32> to vector<2000x128xf32>
    %add3A_36 = arith.addf %mul3A_31, %add3A_35 : vector<2000x128xf32>
    %logistic3A = arith.negf %add3A_36 : vector<2000x128xf32>
    %logistic3A_37 = math.exp %logistic3A : vector<2000x128xf32>
    %logistic3A_38 = arith.constant 1.000000e+00 : f32
    %logistic3A_39 = vector.broadcast %logistic3A_38 : f32 to vector<2000x128xf32>
    %logistic3A_40 = arith.addf %logistic3A_39, %logistic3A_37 : vector<2000x128xf32>
    %logistic3A_41 = arith.divf %logistic3A_39, %logistic3A_40 : vector<2000x128xf32>
    %mul3A_42 = vector.broadcast %select_n3A : vector<2000x1xf32> to vector<2000x128xf32>
    %mul3A_43 = arith.mulf %add3A_25, %mul3A_42 : vector<2000x128xf32>
    %get3A_44 = arith.constant 0 : index
    %get3A_45 = arith.constant 0 : index
    %get3A_46 = vector.load %arg4[%get3A_44, %get3A_45] : memref<1x128xf32, #tpu.memory_space<vmem>>, vector<1x128xf32>
    %add3A_47 = vector.broadcast %get3A_46 : vector<1x128xf32> to vector<2000x128xf32>
    %add3A_48 = arith.addf %mul3A_43, %add3A_47 : vector<2000x128xf32>
    %tanh3A = math.tanh %add3A_48 : vector<2000x128xf32>
    %mul3A_49 = arith.mulf %logistic3A_41, %tanh3A : vector<2000x128xf32>
    %mul3A_50 = vector.broadcast %select_n3A : vector<2000x1xf32> to vector<2000x128xf32>
    %mul3A_51 = arith.mulf %add3A_30, %mul3A_50 : vector<2000x128xf32>
    %get3A_52 = arith.constant 0 : index
    %get3A_53 = arith.constant 0 : index
    %get3A_54 = vector.load %arg6[%get3A_52, %get3A_53] : memref<1x128xf32, #tpu.memory_space<vmem>>, vector<1x128xf32>
    %mul3A_55 = vector.broadcast %get3A_54 : vector<1x128xf32> to vector<2000x128xf32>
    %mul3A_56 = arith.mulf %mul3A_55, %mul3A_49 : vector<2000x128xf32>
    %add3A_57 = arith.addf %mul3A_51, %mul3A_56 : vector<2000x128xf32>
    %get3A_58 = arith.constant 0 : index
    %get3A_59 = arith.constant 0 : index
    %get3A_60 = vector.load %arg5[%get3A_58, %get3A_59] : memref<1x128xf32, #tpu.memory_space<vmem>>, vector<1x128xf32>
    %add3A_61 = vector.broadcast %get3A_60 : vector<1x128xf32> to vector<2000x128xf32>
    %add3A_62 = arith.addf %add3A_57, %add3A_61 : vector<2000x128xf32>
    %logistic3A_63 = arith.negf %add3A_62 : vector<2000x128xf32>
    %logistic3A_64 = math.exp %logistic3A_63 : vector<2000x128xf32>
    %logistic3A_65 = arith.constant 1.000000e+00 : f32
    %logistic3A_66 = vector.broadcast %logistic3A_65 : f32 to vector<2000x128xf32>
    %logistic3A_67 = arith.addf %logistic3A_66, %logistic3A_64 : vector<2000x128xf32>
    %logistic3A_68 = arith.divf %logistic3A_66, %logistic3A_67 : vector<2000x128xf32>
    %tanh3A_69 = math.tanh %mul3A_49 : vector<2000x128xf32>
    %mul3A_70 = arith.mulf %logistic3A_68, %tanh3A_69 : vector<2000x128xf32>
    %swap3A = arith.constant 0 : index
    %swap3A_71 = arith.constant 0 : index
    %swap3A_72 = vector.load %arg7[%swap3A, %swap3A_71] : memref<2000x128xf32, #tpu.memory_space<vmem>>, vector<2000x128xf32>
    tpu.vector_store %arg7[%swap3A, %swap3A_71], %mul3A_70 {strides = array<i32>} : memref<2000x128xf32, #tpu.memory_space<vmem>>, vector<2000x128xf32>,
    %swap3A_73 = arith.constant 0 : index
    %swap3A_74 = arith.constant 0 : index
    %swap3A_75 = vector.load %arg8[%swap3A_73, %swap3A_74] : memref<2000x128xf32, #tpu.memory_space<vmem>>, vector<2000x128xf32>
    tpu.vector_store %arg8[%swap3A_73, %swap3A_74], %mul3A_49 {strides = array<i32>} : memref<2000x128xf32, #tpu.memory_space<vmem>>, vector<2000x128xf32>,
    return
  }
  func.func @transform_0(%arg0: i32) -> (i32, i32, i32, i32) {
    %c0_i32 = arith.constant 0 : i32
    %c0_i32_0 = arith.constant 0 : i32
    %c0_i32_1 = arith.constant 0 : i32
    %c0_i32_2 = arith.constant 0 : i32
    return %c0_i32, %c0_i32_0, %arg0, %c0_i32_1 : i32, i32, i32, i32
  }
  func.func @transform_1(%arg0: i32) -> (i32, i32, i32) {
    %c0_i32 = arith.constant 0 : i32
    %c0_i32_0 = arith.constant 0 : i32
    %c0_i32_1 = arith.constant 0 : i32
    return %c0_i32, %arg0, %c0_i32_0 : i32, i32, i32
  }
  func.func @transform_2(%arg0: i32) -> (i32, i32) {
    %c0_i32 = arith.constant 0 : i32
    %c0_i32_0 = arith.constant 0 : i32
    %c0_i32_1 = arith.constant 0 : i32
    return %c0_i32, %c0_i32_0 : i32, i32
  }
  func.func @transform_3(%arg0: i32) -> (i32, i32) {
    %c0_i32 = arith.constant 0 : i32
    %c0_i32_0 = arith.constant 0 : i32
    %c0_i32_1 = arith.constant 0 : i32
    return %c0_i32, %c0_i32_0 : i32, i32
  }
  func.func @transform_4(%arg0: i32) -> (i32, i32) {
    %c0_i32 = arith.constant 0 : i32
    %c0_i32_0 = arith.constant 0 : i32
    %c0_i32_1 = arith.constant 0 : i32
    return %c0_i32, %c0_i32_0 : i32, i32
  }
  func.func @transform_5(%arg0: i32) -> (i32, i32) {
    %c0_i32 = arith.constant 0 : i32
    %c0_i32_0 = arith.constant 0 : i32
    %c0_i32_1 = arith.constant 0 : i32
    return %c0_i32, %c0_i32_0 : i32, i32
  }
  func.func @transform_6(%arg0: i32) -> (i32, i32) {
    %c0_i32 = arith.constant 0 : i32
    %c0_i32_0 = arith.constant 0 : i32
    return %arg0, %c0_i32 : i32, i32
  }
  func.func @transform_7(%arg0: i32) -> (i32, i32) {
    %c0_i32 = arith.constant 0 : i32
    %c0_i32_0 = arith.constant 0 : i32
    return %arg0, %c0_i32 : i32, i32
  }
}

</mosaic_0001>

<sc_bundles>
// kernel: kernel.6.cloned.1.call-start
scs
__scs_entry_jumppad:
0x0: {  	(pc) =	sbr.rel $0x88, $3  }
0x1: {  	(tag) =	ssettag $0x0;
	lr =	simm.s32 $0x1  }
0x2: {  	[smem:$0x3F92] =	sst lr;
	_ =	strace $0xD0000000  }
0x3: {  	_ = 	snop  }
0x4: {  	_ = 	snop  }
0x5: {  	_ = 	snop  }
0x6: {  	_ = 	snop  }
0x7: {  	_ = 	snop  }
__scs_overlays_trampoline_lowered:
0x8: {  	[smem:$0x3FA1] =	sst s0  }
0x9: {  	[smem:$0x3FA2] =	sst s1  }
0xa: {  	[smem:$0x3FA3] =	sst s2  }
0xb: {  	[smem:$0x3FA4] =	sst s3  }
0xc: {  	[smem:$0x3FA5] =	sst s4  }
0xd: {  	[smem:$0x3FA6] =	sst s5  }
0xe: {  	[smem:$0x3FA7] =	sst s6  }
0xf: {  	[smem:$0x3FA8] =	sst s7  }
0x10: {  	[smem:$0x3FA9] =	sst s8  }
0x11: {  	[smem:$0x3FAA] =	sst s9;
	s0 =	simm.s32 @!p0 $0x0  }
0x12: {  	s1 =	sld [smem:$0x3F90];
	s0 =	simm.s32 @p0 $0x1  }
0x13: {  	[smem:$0x3FAB] =	sst s0;
	s0 =	simm.s32 @!p1 $0x0  }
0x14: {  	s2 =	sld [smem:$0x3F8F];
	s0 =	simm.s32 @p1 $0x1  }
0x15: {  	[smem:$0x3FAC] =	sst s0;
	s0 =	simm.s32 @!p2 $0x0  }
0x16: {  	s3 =	sld [smem:$0x3FDB];
	s0 =	simm.s32 @p2 $0x1  }
0x17: {  	s4 =	simm.s32 $0x1BF5;
	[smem:$0x3FAE] =	sst s0  }
0x18: {  	s0 =	sld [smem:$0x3F91];
	_ =	swait.ge [sflag:s4], $0x0  }
0x19: {  	s7 =	sld [smem:$0x3F92]  }
0x1a: {  	s8 =	sadd.s32 $0xFFFFE003, lr  }
0x1b: {  	s9 =	sadd.s32 $0xFFFFFEF7, lr;
	s5 =	simm.s32 $0xFFFFFFFF;
	p2 =	slt.u32 s8, $0xFFFFF086  }
0x1c: {  	p1 =	slt.u32 s9, $0xF7A;
	s5 =	simm.s32 @!p2 $0x0  }
0x1d: {  	s5 =	simm.s32 @p1 $0x1;
	p0 =	seq.s32 s7, s2  }
0x1e: {  	s7 =	smul.u32 @!p0 $0xF7A, s2;
	p2 =	seq.s32 @!p0 s5, $0x0  }
0x1f: {  	s9 =	smul.u32 $0xF7A, s1;
	s8 =	simm.s32 @!p0 $0x1BF5;
	p2 =	por !p2, p0  }
0x20: {  	[sflag:s8] =	ssyncset.s32 @!p0 $0xFFFFF086;
	s6 =	sadd.s32 @!p0 s3, s7;
	s7 =	simm.s32 @!p0 $0x108  }
0x21: {  	s3 =	sadd.s32 s3, s9;
	s6 =	sadd.s32 @!p0 $0x88, s6;
	s7 =	simm.s32 @p2 $0x1082  }
0x22: {  	[simem:s7], [sflag:s8] =	dma.local @!p0 [hbm:s6], $0xF7A  }
0x23: {  	s9 =	sor.u32 $0xD0000000, s2;
	s6 =	simm.s32 $0x108;
	_ =	swait.ge @!p0 [sflag:s8], $0x0  }
0x24: {  	s3 =	sadd.s32 $0x88, s3;
	s6 =	simm.s32 @!p1 $0x1082;
	[sflag:s4] =	ssyncset.s32 $0xFFFFF086  }
0x25: {  	[simem:s6], [sflag:s4] =	dma.local [hbm:s3], $0xF7A  }
0x26: {  	[smem:$0x3F92] =	sst s1;
	(tag) =	ssettag s2;
	_ =	strace s9  }
0x27: {  	s1 =	sld [smem:$0x3FA2]  }
0x28: {  	s2 =	sld [smem:$0x3FA3]  }
0x29: {  	s4 =	sld [smem:$0x3FA5]  }
0x2a: {  	p0 =	seq.s32 s5, $0x0;
	s5 =	sld [smem:$0x3FA6]  }
0x2b: {  	s6 =	sld [smem:$0x3FA7]  }
0x2c: {  	s7 =	sld [smem:$0x3FA8]  }
0x2d: {  	s3 =	simm.s32 $0x108;
	s8 =	sld [smem:$0x3FA9]  }
0x2e: {  	s3 =	simm.s32 @!p0 $0x1082;
	s9 =	sld [smem:$0x3FAA]  }
0x2f: {  	lr =	sadd.s32 s0, s3;
	s0 =	sld [smem:$0x3FA1]  }
0x30: {  	s3 =	sld [smem:$0x3FA4]  }
0x31: {  	[smem:$0x3FAD] =	sst s10  }
0x32: {  	s10 =	sld [smem:$0x3FAB];
	_ =	sdelay $0x3  }
0x33: {  	p0 =	seq.s32 s10, $0x1;
	s10 =	sld [smem:$0x3FAD];
	_ =	sdelay $0x3  }
0x34: {  	[smem:$0x3FAD] =	sst s10  }
0x35: {  	s10 =	sld [smem:$0x3FAC];
	_ =	sdelay $0x3  }
0x36: {  	p1 =	seq.s32 s10, $0x1;
	s10 =	sld [smem:$0x3FAD];
	_ =	sdelay $0x3  }
0x37: {  	[smem:$0x3FAD] =	sst s10  }
0x38: {  	s10 =	sld [smem:$0x3FAE]  }
0x39: {  	_ = 	snop;
	(pc) =	sbr.ind lr, $3  }
0x3a: {  	_ = 	snop  }
0x3b: {  	_ = 	snop  }
0x3c: {  	p2 =	seq.s32 s10, $0x1;
	s10 =	sld [smem:$0x3FAD]  }
0x3d: {  	_ =	shalt  }
0x3e: {  	_ =	shalt  }
0x3f: {  	_ =	shalt  }
0x40: {  	_ =	shalt  }
0x41: {  	_ =	shalt  }
0x42: {  	_ =	shalt  }
0x43: {  	_ =	shalt  }
0x44: {  	_ =	shalt  }
0x45: {  	_ =	shalt  }
0x46: {  	_ =	shalt  }
0x47: {  	_ =	shalt  }
0x48: {  	_ =	shalt  }
0x49: {  	_ =	shalt  }
0x4a: {  	_ =	shalt  }
0x4b: {  	_ =	shalt  }
0x4c: {  	_ =	shalt  }
0x4d: {  	_ =	shalt  }
0x4e: {  	_ =	shalt  }
0x4f: {  	_ =	shalt  }
0x50: {  	_ =	shalt  }
0x51: {  	_ =	shalt  }
0x52: {  	_ =	shalt  }
0x53: {  	_ =	shalt  }
0x54: {  	_ =	shalt  }
0x55: {  	_ =	shalt  }
0x56: {  	_ =	shalt  }
0x57: {  	_ =	shalt  }
0x58: {  	_ =	shalt  }
0x59: {  	_ =	shalt  }
0x5a: {  	_ =	shalt  }
0x5b: {  	_ =	shalt  }
0x5c: {  	_ =	shalt  }
0x5d: {  	_ =	shalt  }
0x5e: {  	_ =	shalt  }
0x5f: {  	_ =	shalt  }
0x60: {  	_ =	shalt  }
0x61: {  	_ =	shalt  }
0x62: {  	_ =	shalt  }
0x63: {  	_ =	shalt  }
0x64: {  	_ =	shalt  }
0x65: {  	_ =	shalt  }
0x66: {  	_ =	shalt  }
0x67: {  	_ =	shalt  }
0x68: {  	_ =	shalt  }
0x69: {  	_ =	shalt  }
0x6a: {  	_ =	shalt  }
0x6b: {  	_ =	shalt  }
0x6c: {  	_ =	shalt  }
0x6d: {  	_ =	shalt  }
0x6e: {  	_ =	shalt  }
0x6f: {  	_ =	shalt  }
0x70: {  	_ =	shalt  }
0x71: {  	_ =	shalt  }
0x72: {  	_ =	shalt  }
0x73: {  	_ =	shalt  }
0x74: {  	_ =	shalt  }
0x75: {  	_ =	shalt  }
0x76: {  	_ =	shalt  }
0x77: {  	_ =	shalt  }
0x78: {  	_ =	shalt  }
0x79: {  	_ =	shalt  }
0x7a: {  	_ =	shalt  }
0x7b: {  	_ =	shalt  }
0x7c: {  	_ =	shalt  }
0x7d: {  	_ =	shalt  }
0x7e: {  	_ =	shalt  }
0x7f: {  	_ =	shalt  }
0x80: {  	_ =	shalt  }
0x81: {  	_ =	shalt  }
0x82: {  	_ =	shalt  }
0x83: {  	_ =	shalt  }
0x84: {  	_ =	shalt  }
0x85: {  	_ =	shalt  }
0x86: {  	_ =	shalt  }
0x87: {  	_ =	shalt  }
.Lfunc_end0:
.L_simem_size_0:
called_computation_lowered:
.L_overlay_start_0:
0x88: {  	s2 =	sld [smem:$0x3FD9]  }
0x89: {  	s3 =	sld [smem:$0x3FFE];
	_ =	sdelay $0x1  }
0x8a: {  	s1 =	srdreg.scid  }
0x8b: {  	s0 =	sand.u32 $0x1, s1  }
0x8c: {  	s14 =	sshll.u32 s0, $0xA;
	s2 =	sadd.s32 s3, s2  }
0x8d: {  	s2 =	sadd.s32 s2, s14  }
0x8e: {  	[smem:$0x3FB9] =	sst s2  }
0x8f: {  	_ = 	snop  }
0x90: {  	s2 =	sld [smem:$0x3FD0];
	_ =	sdelay $0x2  }
0x91: {  	s15 =	simm.s32 $0xA;
	s4 =	simm.s32 $0x10  }
0x92: {  	[smem:s4], [sflag:s15] =	dma.local [hbm:s2], $0x1  }
0x93: {  	_ =	swait.eq [sflag:s15], $0x1  }
0x94: {  	[sflag:s15] =	ssyncset.done $0x0  }
0x95: {  	s16 =	sld [smem:$0x10];
	[sflag:s15] =	ssyncadd.s32 $0xFFFFFFFF  }
0x96: {  	s17 =	sld [smem:$0x11];
	(tm) =	ssettm $0x1  }
0x97: {  	s18 =	sld [smem:$0x3FFB];
	_ =	sdelay $0x3  }
0x98: {  	_ =	strace s18  }
0x99: {  	s4 =	sld [smem:$0x3FFC];
	_ =	sdelay $0x3  }
0x9a: {  	_ =	strace s4  }
0x9b: {  	s4 =	sld [smem:$0x3FFD];
	_ =	sdelay $0x3  }
0x9c: {  	_ =	strace s4  }
0x9d: {  	_ =	strace $0x8FFFFFFF  }
0x9e: {  	s19 =	sld [smem:$0x3FDB];
	_ =	sdelay $0x1  }
0x9f: {  	s5 =	simm.s32 $_scs_section_size  }
0xa0: {  	s6 =	simm.s32 $_size__tile_overlayer_lowered;
	s7 =	simm.s32 $_tile_overlayer_lowered  }
0xa1: {  	s22 =	simm.s32 $0x1BFF;
	s21 =	sshll.u32 s7, $0x1;
	s4 =	sadd.s32 s5, s19  }
0xa2: {  	s8 =	simm.s32 $0x0;
	s20 =	sshll.u32 s6, $0x1;
	s6 =	sadd.s32 s21, s4  }
0xa3: {  	[timem:s8], [sflag:s22] =	dma.local [hbm:s6], s20  }
0xa4: {  	_ =	swait.ge [sflag:s22], s20  }
0xa5: {  	s5 =	ssub.s32 $0x0, s20;
	[sflag:s22] =	ssyncset.done $0x0  }
0xa6: {  	[sflag:s22] =	ssyncadd.s32 s5;
	_ =	sdelay $0x1  }
0xa7: {  	s23 =	simm.s32 $0x1B8B  }
0xa8: {  	_ =	swait.ge [sflag:s23], $0x1  }
0xa9: {  	[sflag:s23] =	ssyncset.done $0x0  }
0xaa: {  	s25 =	simm.s32 $0x1B8E;
	s24 =	sld [smem:$0x3FFE];
	[sflag:s23] =	ssyncadd.s32 $0xFFFFFFFF  }
0xab: {  	s26 =	simm.s32 $execute0_lowered;
	[smem:$0x3FD2] =	sst s25  }
0xac: {  	s6 =	sshll.u32 s26, $0x1;
	_ =	strace $0x80000046;
	[dreg:$0x1] =	wrdreg $0xFFFFFFFF  }
0xad: {  	s28 =	simm.s32 $_size_execute0_lowered;
	s4 =	sadd.s32 s4, s6;
	[dreg:$0x0] =	wrdreg $0x0  }
0xae: {  	s6 =	sshll.u32 s28, $0x1;
	[dreg:$0x2] =	wrdreg s4  }
0xaf: {  	[dreg:$0x3] =	wrdreg s6  }
0xb0: {  	[dreg:$0x4] =	wrdreg $0xC0  }
0xb1: {  	_ =	task [dreg:s8], $0x5FFFF  }
0xb2: {  	[dreg:$0x1] =	wrdreg $0xFFFFFFFF  }
0xb3: {  	[dreg:$0x0] =	wrdreg $0x60  }
0xb4: {  	[dreg:$0x2] =	wrdreg s17  }
0xb5: {  	[dreg:$0x3] =	wrdreg s24  }
0xb6: {  	[dreg:$0x4] =	wrdreg s16  }
0xb7: {  	[dreg:$0x5] =	wrdreg $0x51900  }
0xb8: {  	[dreg:$0x6] =	wrdreg $0x9  }
0xb9: {  	_ =	task.clear_ibuf [dreg:s8], $0x7FFFF;
	_ =	strace $0x90000046  }
0xba: {  	s29 =	simm.s32 $0x9;
	_ =	strace $0x80000048  }
0xbb: {  	_ =	swait.ge [sflag:s29], $0x1  }
0xbc: {  	[sflag:s29] =	ssyncadd.s32 $0xFFFFFFFF  }
0xbd: {  	_ =	strace $0x90000048  }
0xbe: {  	_ =	sfence  }
0xbf: {  	s30 =	sld [smem:$0x0];
	_ =	sdelay $0x2  }
0xc0: {  	s31 =	sshll.u32 s1, $0xD;
	s1 =	sshrl.u32 s1, $0x2  }
0xc1: {  	s3 =	sand.u32 $0x4000, s31;
	s1 =	sadd.s32 s1, s30  }
0xc2: {  	s0 =	sor.u32 s3, s0;
	s1 =	sshll.u32 s1, $0x11  }
0xc3: {  	s0 =	sor.u32 s1, s0  }
0xc4: {  	s0 =	sadd.s32 $0x8F2B, s0  }
0xc5: {  	[sflag:s0] =	ssyncadd.remote.s32 $0x1  }
0xc6: {  	_ =	sfence.sel $0xFFFF  }
0xc7: {  	[dreg:$0x0] =	wrdreg $0xFFFFFFFF;
	(pc) =	sbr.abs _section_cstart, $3  }
0xc8: {  	[dreg:$0x1] =	wrdreg $0xFFFFFFFF  }
0xc9: {  	_ =	task.clear_ibuf [dreg:s8], $0x2FFFF;
	_ =	strace $0x9FFFFFFF  }
0xca: {  	(tm) =	ssettm $0x7FFFFFFF  }
0xcb: {  	_ =	shalt  }
tec
execute0_lowered:
.L_overlay_start_1:
0x0: {  	(tag) =	ssettag $0x1  }
0x1: {  	s4 =	rddreg [dreg:$0x0]  }
0x2: {  	s3 =	rddreg [dreg:$0x1]  }
0x3: {  	s5 =	rddreg [dreg:$0x2]  }
0x4: {  	s1 =	rddreg [dreg:$0x3]  }
0x5: {  	s0 =	rddreg [dreg:$0x4]  }
0x6: {  	s2 =	simm.s32 $0x0;
	s6 =	srdreg.scid;
	s10 =	stileid.u32  }
0x7: {  	[smem:$0x7FF] =	sst s2;
	s6 =	sand.u32 $0x1, s6;
	s9 =	smul.u32 $0x50, s10  }
0x8: {  	s11 =	smul.u32 $0xA00, s10;
	s3 =	sadd.s32 $0x3400, s3;
	p0 =	sne.s32 s10, $0x0  }
0x9: {  	s31 =	sshll.u32 s10, $0x6;
	s7 =	smul.u32 $0x500, s6;
	s8 =	sshll.u32 s6, $0x4  }
0xa: {  	_ =	strace $0x80000047;
	s6 =	ssub.s32 $0x2, s6;
	s8 =	sor.u32 s10, s8  }
0xb: {  	s12 =	sshrl.u32 s6, $0x1;
	s29 =	sshrl.u32 s11, $0x2;
	s10 =	simm.s32 $0x280  }
0xc: {  	s11 =	sor.u32 $0x1C01, s31;
	s8 =	smul.u32 $0x4E2, s8;
	s6 =	ssub.s32 s6, s12  }
0xd: {  	s7 =	sadd.s32 s9, s7;
	s30 =	sadd.s32 s29, s1;
	s9 =	simm.s32 $0x2710  }
0xe: {  	s5 =	sadd.s32 s5, s7;
	s6 =	smax.u32 s6, $0x1;
	s7 =	simm.s32 $0x1  }
0xf: {  	v0 =	vimm.f32 $0.0e+00;
	v1 =	vimm.f32 $1.000000000e+00;
	s12 =	sshrl.u32 s30, $0x3;
	s4 =	sadd.s32 s4, s8;
	s8 =	simm.s32 $0x4F10  }
.LBB2_1:
0x10: {  	s13 =	simm.s32 $0x40;
	s14 =	simm.s32 $0x0  }
.LBB2_2:
0x11: {  	p1 =	sne.s32 s13, $0x9FC0;
	[tilespmem:s14+$0x2710] =	vst v0;
	s14 =	smov.u32 s13;
	s13 =	sadd.s32 $0x40, s13  }
.Ltmp0:
0x12: {  	(pc) =	sbr.rel @p1 .LBB2_2-.Ltmp0, $2  }
0x13: {  	_ =	sdelay $0x2  }
0x14: {  	s14 =	sshra.s32 s14, $0x2  }
0x15: {  	[tilespmem:s14+$0x2710] =	vst v0;
	s13 =	simm.s32 @!p0 $0x2710  }
0x16: {  	[spmem:s1] =	stream.linear.scatter @!p0 [tilespmem:s13], [sflag:$0x1], $0x2800, $0x38;
	[tilespmem:$0x5410] =	vst v63  }
0x17: {  	s13 =	simm.s32 @!p0 $0x1  }
0x18: {  	_ =	swait.ge @!p0 [sflag:s13], $0x2800  }
0x19: {  	[sflag:s13] =	ssyncset.done @!p0 $0x0  }
0x1a: {  	[sflag:s13] =	ssyncadd.s32 @!p0 $0xFFFFD800  }
0x1b: {  	s31 =	simm.s32 $0x0;
	[bflag:$0x0] =	sbarrier.arrive $0xFFFF  }
0x1c: {  	[tilespmem:s31], [sflag:$0x1] =	stream.linear.gather [hbm4b:s4+s31], $0x2710, $0x38;
	[tilespmem:$0x5410] =	vst v63  }
0x1d: {  	_ =	swait.ge [sflag:s7], $0x2710  }
0x1e: {  	[sflag:s7] =	ssyncset.done $0x0  }
0x1f: {  	[sflag:s7] =	ssyncadd.s32 $0xFFFFD8F0  }
0x20: {  	[tilespmem:s8], [sflag:$0x1] =	stream.linear.gather [hbm4b:s3+s31], $0x280, $0x38;
	[tilespmem:$0x5410] =	vst v63  }
0x21: {  	_ =	swait.ge [sflag:s7], $0x280  }
0x22: {  	[sflag:s7] =	ssyncset.done $0x0  }
0x23: {  	s14 =	simm.s32 $0x0;
	s13 =	simm.s32 $0x40;
	[sflag:s7] =	ssyncadd.s32 $0xFFFFFD80  }
.LBB2_4:
0x24: {  	p1 =	sne.s32 s13, $0x9C00;
	v2 =	vld [tilespmem:s14+$0x0];
	_ =	sdelay $0x3  }
.Ltmp1:
0x25: {  	(pc) =	sbr.rel @p1 .LBB2_4-.Ltmp1, $2  }
0x26: {  	_ =	sdelay $0x2  }
0x27: {  	s14 =	sshra.s32 s13, $0x2;
	s13 =	sadd.s32 $0x40, s13;
	[tilespmem:v2+s9+$0x0] =	vst.idx.add.f32.msk $0xffff, v1  }
0x28: {  	v2 =	vld [tilespmem:s14+$0x0];
	_ =	sdelay $0x7  }
0x29: {  	[tilespmem:v2+s9+$0x0] =	vst.idx.add.f32.msk $0xffff, v1  }
0x2a: {  	[spmem:s1] =	stream.indirect.scatter.add.f32 [tilespmem:s9], [sflag:$0x1], $0x10, s8, s10, $0xb8;
	[tilespmem:$0x5410] =	vst v63  }
0x2b: {  	_ =	swait.ge [sflag:s7], $0x2800  }
0x2c: {  	s2 =	sadd.s32 $0x1, s2;
	[sflag:s7] =	ssyncset.done $0x0  }
0x2d: {  	p1 =	sne.s32 s2, s6;
	[sflag:s7] =	ssyncadd.s32 $0xFFFFD800  }
.Ltmp2:
0x2e: {  	[bflag:$0x0] =	sbarrier.arrive $0xFFFF;
	(pc) =	sbr.rel @p1 .LBB2_1-.Ltmp2, $4  }
0x2f: {  	[hbm:s5], [sflag:s11] =	dma.local [spmem:s12], $0x50  }
0x30: {  	_ =	swait.ge [sflag:s7], $0x50  }
0x31: {  	[sflag:s7] =	ssyncset.done $0x0  }
0x32: {  	[sflag:s7] =	ssyncadd.s32 $0xFFFFFFB0  }
0x33: {  	_ =	sfence.sel $0x180000  }
0x34: {  	[bflag:$0x0] =	sbarrier.arrive $0xFFFF  }
0x35: {  	_ =	strace $0x90000047  }
0x36: {  	s0 =	sadd.s32 @!p0 $0x100000, s0;
	[bflag:$0x2] =	sbarrier.arrive $0xFFFF  }
0x37: {  	[sflag:s0] =	ssyncadd.tile.s32 @!p0 $0x1;
	_ =	shalt  }
.Lfunc_end2:
_tile_overlayer_lowered:
.L_overlay_start_2:
0x38: {  	(tag) =	ssettag $0x2  }
0x39: {  	s0 =	rddreg [dreg:$0x0];
	s2 =	stileid.u32  }
0x3a: {  	s1 =	rddreg [dreg:$0x1];
	p0 =	sne.s32 s2, $0x0  }
0x3b: {  	s3 =	rddreg [dreg:$0x2];
	[bflag:$0x3] =	sbarrier.arrive $0xFFFF;
	s2 =	simm.s32 @!p0 $0x1C01  }
0x3c: {  	[timem:s3], [sflag:s2] =	dma.local @!p0 [hbm:s0], s1  }
0x3d: {  	s0 =	simm.s32 @!p0 $0x1  }
0x3e: {  	_ =	swait.ge @!p0 [sflag:s0], s1  }
0x3f: {  	s1 =	ssub.s32 @!p0 $0x0, s1;
	[sflag:s0] =	ssyncset.done @!p0 $0x0  }
0x40: {  	[sflag:s0] =	ssyncadd.s32 @!p0 s1  }
0x41: {  	[bflag:$0x3] =	sbarrier.arrive $0xFFFF  }
0x42: {  	_ =	shalt  }

// kernel: kernel.9.cloned.1.call-start
scs
__scs_entry_jumppad:
0x0: {  	(pc) =	sbr.rel $0x88, $3  }
0x1: {  	(tag) =	ssettag $0x0;
	lr =	simm.s32 $0x1  }
0x2: {  	[smem:$0x3F92] =	sst lr;
	_ =	strace $0xD0000000  }
0x3: {  	_ = 	snop  }
0x4: {  	_ = 	snop  }
0x5: {  	_ = 	snop  }
0x6: {  	_ = 	snop  }
0x7: {  	_ = 	snop  }
__scs_overlays_trampoline_lowered:
0x8: {  	[smem:$0x3FA1] =	sst s0  }
0x9: {  	[smem:$0x3FA2] =	sst s1  }
0xa: {  	[smem:$0x3FA3] =	sst s2  }
0xb: {  	[smem:$0x3FA4] =	sst s3  }
0xc: {  	[smem:$0x3FA5] =	sst s4  }
0xd: {  	[smem:$0x3FA6] =	sst s5  }
0xe: {  	[smem:$0x3FA7] =	sst s6  }
0xf: {  	[smem:$0x3FA8] =	sst s7  }
0x10: {  	[smem:$0x3FA9] =	sst s8  }
0x11: {  	[smem:$0x3FAA] =	sst s9;
	s0 =	simm.s32 @!p0 $0x0  }
0x12: {  	s1 =	sld [smem:$0x3F90];
	s0 =	simm.s32 @p0 $0x1  }
0x13: {  	[smem:$0x3FAB] =	sst s0;
	s0 =	simm.s32 @!p1 $0x0  }
0x14: {  	s2 =	sld [smem:$0x3F8F];
	s0 =	simm.s32 @p1 $0x1  }
0x15: {  	[smem:$0x3FAC] =	sst s0;
	s0 =	simm.s32 @!p2 $0x0  }
0x16: {  	s3 =	sld [smem:$0x3FDB];
	s0 =	simm.s32 @p2 $0x1  }
0x17: {  	s4 =	simm.s32 $0x1BF5;
	[smem:$0x3FAE] =	sst s0  }
0x18: {  	s0 =	sld [smem:$0x3F91];
	_ =	swait.ge [sflag:s4], $0x0  }
0x19: {  	s7 =	sld [smem:$0x3F92]  }
0x1a: {  	s8 =	sadd.s32 $0xFFFFE003, lr  }
0x1b: {  	s9 =	sadd.s32 $0xFFFFFEF7, lr;
	s5 =	simm.s32 $0xFFFFFFFF;
	p2 =	slt.u32 s8, $0xFFFFF086  }
0x1c: {  	p1 =	slt.u32 s9, $0xF7A;
	s5 =	simm.s32 @!p2 $0x0  }
0x1d: {  	s5 =	simm.s32 @p1 $0x1;
	p0 =	seq.s32 s7, s2  }
0x1e: {  	s7 =	smul.u32 @!p0 $0xF7A, s2;
	p2 =	seq.s32 @!p0 s5, $0x0  }
0x1f: {  	s9 =	smul.u32 $0xF7A, s1;
	s8 =	simm.s32 @!p0 $0x1BF5;
	p2 =	por !p2, p0  }
0x20: {  	[sflag:s8] =	ssyncset.s32 @!p0 $0xFFFFF086;
	s6 =	sadd.s32 @!p0 s3, s7;
	s7 =	simm.s32 @!p0 $0x108  }
0x21: {  	s3 =	sadd.s32 s3, s9;
	s6 =	sadd.s32 @!p0 $0x88, s6;
	s7 =	simm.s32 @p2 $0x1082  }
0x22: {  	[simem:s7], [sflag:s8] =	dma.local @!p0 [hbm:s6], $0xF7A  }
0x23: {  	s9 =	sor.u32 $0xD0000000, s2;
	s6 =	simm.s32 $0x108;
	_ =	swait.ge @!p0 [sflag:s8], $0x0  }
0x24: {  	s3 =	sadd.s32 $0x88, s3;
	s6 =	simm.s32 @!p1 $0x1082;
	[sflag:s4] =	ssyncset.s32 $0xFFFFF086  }
0x25: {  	[simem:s6], [sflag:s4] =	dma.local [hbm:s3], $0xF7A  }
0x26: {  	[smem:$0x3F92] =	sst s1;
	(tag) =	ssettag s2;
	_ =	strace s9  }
0x27: {  	s1 =	sld [smem:$0x3FA2]  }
0x28: {  	s2 =	sld [smem:$0x3FA3]  }
0x29: {  	s4 =	sld [smem:$0x3FA5]  }
0x2a: {  	p0 =	seq.s32 s5, $0x0;
	s5 =	sld [smem:$0x3FA6]  }
0x2b: {  	s6 =	sld [smem:$0x3FA7]  }
0x2c: {  	s7 =	sld [smem:$0x3FA8]  }
0x2d: {  	s3 =	simm.s32 $0x108;
	s8 =	sld [smem:$0x3FA9]  }
0x2e: {  	s3 =	simm.s32 @!p0 $0x1082;
	s9 =	sld [smem:$0x3FAA]  }
0x2f: {  	lr =	sadd.s32 s0, s3;
	s0 =	sld [smem:$0x3FA1]  }
0x30: {  	s3 =	sld [smem:$0x3FA4]  }
0x31: {  	[smem:$0x3FAD] =	sst s10  }
0x32: {  	s10 =	sld [smem:$0x3FAB];
	_ =	sdelay $0x3  }
0x33: {  	p0 =	seq.s32 s10, $0x1;
	s10 =	sld [smem:$0x3FAD];
	_ =	sdelay $0x3  }
0x34: {  	[smem:$0x3FAD] =	sst s10  }
0x35: {  	s10 =	sld [smem:$0x3FAC];
	_ =	sdelay $0x3  }
0x36: {  	p1 =	seq.s32 s10, $0x1;
	s10 =	sld [smem:$0x3FAD];
	_ =	sdelay $0x3  }
0x37: {  	[smem:$0x3FAD] =	sst s10  }
0x38: {  	s10 =	sld [smem:$0x3FAE]  }
0x39: {  	_ = 	snop;
	(pc) =	sbr.ind lr, $3  }
0x3a: {  	_ = 	snop  }
0x3b: {  	_ = 	snop  }
0x3c: {  	p2 =	seq.s32 s10, $0x1;
	s10 =	sld [smem:$0x3FAD]  }
0x3d: {  	_ =	shalt  }
0x3e: {  	_ =	shalt  }
0x3f: {  	_ =	shalt  }
0x40: {  	_ =	shalt  }
0x41: {  	_ =	shalt  }
0x42: {  	_ =	shalt  }
0x43: {  	_ =	shalt  }
0x44: {  	_ =	shalt  }
0x45: {  	_ =	shalt  }
0x46: {  	_ =	shalt  }
0x47: {  	_ =	shalt  }
0x48: {  	_ =	shalt  }
0x49: {  	_ =	shalt  }
0x4a: {  	_ =	shalt  }
0x4b: {  	_ =	shalt  }
0x4c: {  	_ =	shalt  }
0x4d: {  	_ =	shalt  }
0x4e: {  	_ =	shalt  }
0x4f: {  	_ =	shalt  }
0x50: {  	_ =	shalt  }
0x51: {  	_ =	shalt  }
0x52: {  	_ =	shalt  }
0x53: {  	_ =	shalt  }
0x54: {  	_ =	shalt  }
0x55: {  	_ =	shalt  }
0x56: {  	_ =	shalt  }
0x57: {  	_ =	shalt  }
0x58: {  	_ =	shalt  }
0x59: {  	_ =	shalt  }
0x5a: {  	_ =	shalt  }
0x5b: {  	_ =	shalt  }
0x5c: {  	_ =	shalt  }
0x5d: {  	_ =	shalt  }
0x5e: {  	_ =	shalt  }
0x5f: {  	_ =	shalt  }
0x60: {  	_ =	shalt  }
0x61: {  	_ =	shalt  }
0x62: {  	_ =	shalt  }
0x63: {  	_ =	shalt  }
0x64: {  	_ =	shalt  }
0x65: {  	_ =	shalt  }
0x66: {  	_ =	shalt  }
0x67: {  	_ =	shalt  }
0x68: {  	_ =	shalt  }
0x69: {  	_ =	shalt  }
0x6a: {  	_ =	shalt  }
0x6b: {  	_ =	shalt  }
0x6c: {  	_ =	shalt  }
0x6d: {  	_ =	shalt  }
0x6e: {  	_ =	shalt  }
0x6f: {  	_ =	shalt  }
0x70: {  	_ =	shalt  }
0x71: {  	_ =	shalt  }
0x72: {  	_ =	shalt  }
0x73: {  	_ =	shalt  }
0x74: {  	_ =	shalt  }
0x75: {  	_ =	shalt  }
0x76: {  	_ =	shalt  }
0x77: {  	_ =	shalt  }
0x78: {  	_ =	shalt  }
0x79: {  	_ =	shalt  }
0x7a: {  	_ =	shalt  }
0x7b: {  	_ =	shalt  }
0x7c: {  	_ =	shalt  }
0x7d: {  	_ =	shalt  }
0x7e: {  	_ =	shalt  }
0x7f: {  	_ =	shalt  }
0x80: {  	_ =	shalt  }
0x81: {  	_ =	shalt  }
0x82: {  	_ =	shalt  }
0x83: {  	_ =	shalt  }
0x84: {  	_ =	shalt  }
0x85: {  	_ =	shalt  }
0x86: {  	_ =	shalt  }
0x87: {  	_ =	shalt  }
.Lfunc_end0:
.L_simem_size_0:
called_computation.1_lowered:
.L_overlay_start_0:
0x88: {  	s2 =	sld [smem:$0x3FD9]  }
0x89: {  	s3 =	sld [smem:$0x3FFE];
	_ =	sdelay $0x1  }
0x8a: {  	s1 =	srdreg.scid  }
0x8b: {  	s0 =	sand.u32 $0x1, s1  }
0x8c: {  	s14 =	sshll.u32 s0, $0xA;
	s2 =	sadd.s32 s3, s2  }
0x8d: {  	s2 =	sadd.s32 s2, s14  }
0x8e: {  	[smem:$0x3FB9] =	sst s2  }
0x8f: {  	_ = 	snop  }
0x90: {  	s2 =	sld [smem:$0x3FD0];
	_ =	sdelay $0x2  }
0x91: {  	s15 =	simm.s32 $0xA;
	s4 =	simm.s32 $0x10  }
0x92: {  	[smem:s4], [sflag:s15] =	dma.local [hbm:s2], $0x1  }
0x93: {  	_ =	swait.eq [sflag:s15], $0x1  }
0x94: {  	[sflag:s15] =	ssyncset.done $0x0  }
0x95: {  	s16 =	sld [smem:$0x10];
	[sflag:s15] =	ssyncadd.s32 $0xFFFFFFFF  }
0x96: {  	s17 =	sld [smem:$0x11];
	(tm) =	ssettm $0x1  }
0x97: {  	s18 =	sld [smem:$0x3FFB];
	_ =	sdelay $0x3  }
0x98: {  	_ =	strace s18  }
0x99: {  	s4 =	sld [smem:$0x3FFC];
	_ =	sdelay $0x3  }
0x9a: {  	_ =	strace s4  }
0x9b: {  	s4 =	sld [smem:$0x3FFD];
	_ =	sdelay $0x3  }
0x9c: {  	_ =	strace s4  }
0x9d: {  	_ =	strace $0x8FFFFFFF  }
0x9e: {  	s19 =	sld [smem:$0x3FDB];
	_ =	sdelay $0x1  }
0x9f: {  	s5 =	simm.s32 $_scs_section_size  }
0xa0: {  	s6 =	simm.s32 $_size__tile_overlayer_lowered;
	s7 =	simm.s32 $_tile_overlayer_lowered  }
0xa1: {  	s22 =	simm.s32 $0x1BFF;
	s21 =	sshll.u32 s7, $0x1;
	s4 =	sadd.s32 s5, s19  }
0xa2: {  	s8 =	simm.s32 $0x0;
	s20 =	sshll.u32 s6, $0x1;
	s6 =	sadd.s32 s21, s4  }
0xa3: {  	[timem:s8], [sflag:s22] =	dma.local [hbm:s6], s20  }
0xa4: {  	_ =	swait.ge [sflag:s22], s20  }
0xa5: {  	s5 =	ssub.s32 $0x0, s20;
	[sflag:s22] =	ssyncset.done $0x0  }
0xa6: {  	[sflag:s22] =	ssyncadd.s32 s5;
	_ =	sdelay $0x1  }
0xa7: {  	s23 =	simm.s32 $0x1B8B  }
0xa8: {  	_ =	swait.ge [sflag:s23], $0x1  }
0xa9: {  	[sflag:s23] =	ssyncset.done $0x0  }
0xaa: {  	s25 =	simm.s32 $0x1B8E;
	s24 =	sld [smem:$0x3FFE];
	[sflag:s23] =	ssyncadd.s32 $0xFFFFFFFF  }
0xab: {  	s26 =	simm.s32 $execute0_lowered;
	[smem:$0x3FD2] =	sst s25  }
0xac: {  	s6 =	sshll.u32 s26, $0x1;
	_ =	strace $0x80000049;
	[dreg:$0x1] =	wrdreg $0xFFFFFFFF  }
0xad: {  	s28 =	simm.s32 $_size_execute0_lowered;
	s4 =	sadd.s32 s4, s6;
	[dreg:$0x0] =	wrdreg $0x0  }
0xae: {  	s6 =	sshll.u32 s28, $0x1;
	[dreg:$0x2] =	wrdreg s4  }
0xaf: {  	[dreg:$0x3] =	wrdreg s6  }
0xb0: {  	[dreg:$0x4] =	wrdreg $0xC0  }
0xb1: {  	_ =	task [dreg:s8], $0x5FFFF  }
0xb2: {  	[dreg:$0x1] =	wrdreg $0xFFFFFFFF  }
0xb3: {  	[dreg:$0x0] =	wrdreg $0x60  }
0xb4: {  	[dreg:$0x2] =	wrdreg s17  }
0xb5: {  	[dreg:$0x3] =	wrdreg s16  }
0xb6: {  	[dreg:$0x4] =	wrdreg s24  }
0xb7: {  	[dreg:$0x5] =	wrdreg $0x10A000  }
0xb8: {  	[dreg:$0x6] =	wrdreg $0x9  }
0xb9: {  	_ =	task.clear_ibuf [dreg:s8], $0x7FFFF;
	_ =	strace $0x90000049  }
0xba: {  	s29 =	simm.s32 $0x9;
	_ =	strace $0x8000004B  }
0xbb: {  	_ =	swait.ge [sflag:s29], $0x1  }
0xbc: {  	[sflag:s29] =	ssyncadd.s32 $0xFFFFFFFF  }
0xbd: {  	_ =	strace $0x9000004B  }
0xbe: {  	_ =	sfence  }
0xbf: {  	s30 =	sld [smem:$0x0];
	_ =	sdelay $0x2  }
0xc0: {  	s31 =	sshll.u32 s1, $0xD;
	s1 =	sshrl.u32 s1, $0x2  }
0xc1: {  	s3 =	sand.u32 $0x4000, s31;
	s1 =	sadd.s32 s1, s30  }
0xc2: {  	s0 =	sor.u32 s3, s0;
	s1 =	sshll.u32 s1, $0x11  }
0xc3: {  	s0 =	sor.u32 s1, s0  }
0xc4: {  	s0 =	sadd.s32 $0x8F2B, s0  }
0xc5: {  	[sflag:s0] =	ssyncadd.remote.s32 $0x1  }
0xc6: {  	_ =	sfence.sel $0xFFFF  }
0xc7: {  	[dreg:$0x0] =	wrdreg $0xFFFFFFFF;
	(pc) =	sbr.abs _section_cstart, $3  }
0xc8: {  	[dreg:$0x1] =	wrdreg $0xFFFFFFFF  }
0xc9: {  	_ =	task.clear_ibuf [dreg:s8], $0x2FFFF;
	_ =	strace $0x9FFFFFFF  }
0xca: {  	(tm) =	ssettm $0x7FFFFFFF  }
0xcb: {  	_ =	shalt  }
tec
execute0_lowered:
.L_overlay_start_1:
0x0: {  	(tag) =	ssettag $0x1  }
0x1: {  	s18 =	rddreg [dreg:$0x0];
	s0 =	srdreg.scid  }
0x2: {  	s1 =	rddreg [dreg:$0x2];
	s12 =	stileid.u32  }
0x3: {  	s4 =	rddreg [dreg:$0x3];
	s3 =	smul.u32 $0x2710, s12  }
0x4: {  	s5 =	simm.s32 $0x0;
	s0 =	sand.u32 $0x1, s0;
	s6 =	smul.u32 $0x271, s12  }
0x5: {  	s28 =	simm.s32 $0x700;
	s31 =	simm.s32 $0x5;
	s2 =	smul.u32 $0x27100, s0  }
0x6: {  	[smem:$0x7FF] =	sst s5;
	s25 =	sadd.s32 $0xD600, s1;
	s23 =	smul.u32 $0x27100, s12  }
0x7: {  	s7 =	smul.u32 $0x2710, s0;
	s0 =	ssub.s32 $0x2, s0;
	s2 =	sadd.s32 s3, s2  }
0x8: {  	s8 =	sadd.s32 $0x3600, s1;
	s26 =	sshrl.u32 s0, $0x1;
	s2 =	smulhi.u32 $0x10624DE, s2  }
0x9: {  	s9 =	sadd.s32 s6, s7;
	s0 =	ssub.s32 s0, s26;
	s26 =	sshll.u32 s12, $0x6  }
0xa: {  	s12 =	simm.s32 $0x4;
	s24 =	sshll.u32 s9, $0x3;
	s2 =	sshll.u32 s2, $0x5  }
0xb: {  	s0 =	smax.u32 s0, $0x1;
	s9 =	simm.s32 $0x7;
	s10 =	sadd.s32 $0x20, s2  }
0xc: {  	s6 =	sadd.s32 s25, s2;
	s7 =	sadd.s32 s8, s2;
	s11 =	sadd.s32 s25, s10  }
0xd: {  	s29 =	sadd.s32 $0x40, s2;
	s10 =	sadd.s32 s8, s10;
	[dreg:$0x5] =	wrdreg s11  }
0xe: {  	s13 =	sadd.s32 $0x60, s2;
	s30 =	sadd.s32 s25, s29;
	[dreg:$0x6] =	wrdreg s10  }
0xf: {  	s15 =	sadd.s32 $0x80, s2;
	s14 =	sadd.s32 s25, s13;
	[dreg:$0x7] =	wrdreg s30  }
0x10: {  	s17 =	sadd.s32 $0xA0, s2;
	s16 =	sadd.s32 s25, s15;
	[dreg:$0x9] =	wrdreg s14  }
0x11: {  	s20 =	sadd.s32 $0xC0, s2;
	s19 =	sadd.s32 s25, s17;
	[dreg:$0xb] =	wrdreg s16  }
0x12: {  	s2 =	sadd.s32 $0xE0, s2;
	s21 =	sadd.s32 s25, s20;
	[dreg:$0xd] =	wrdreg s19  }
0x13: {  	s22 =	sadd.s32 s8, s20;
	s3 =	sadd.s32 s25, s2;
	[dreg:$0xf] =	wrdreg s21  }
0x14: {  	s2 =	sadd.s32 s8, s2;
	s20 =	simm.s32 $0xCB80;
	[dreg:$0x10] =	wrdreg s22  }
0x15: {  	s11 =	sadd.s32 s8, s29;
	s10 =	sadd.s32 s8, s13;
	[dreg:$0x11] =	wrdreg s3  }
0x16: {  	[dreg:$0x12] =	wrdreg s2;
	s2 =	sadd.s32 s24, s1;
	s3 =	sshrl.u32 s23, $0x2  }
0x17: {  	s22 =	sadd.s32 $0x68A00, s1;
	s1 =	sadd.s32 $0x17600, s1;
	s24 =	simm.s32 $0x600  }
0x18: {  	s19 =	simm.s32 $0xE00;
	s23 =	simm.s32 $0xF00;
	[dreg:$0x8] =	wrdreg s11  }
0x19: {  	s13 =	simm.s32 $0x8;
	[dreg:$0xa] =	wrdreg s10;
	s11 =	sadd.s32 s8, s15  }
0x1a: {  	s14 =	simm.s32 $0x10;
	s10 =	sadd.s32 s8, s17;
	[dreg:$0xc] =	wrdreg s11  }
0x1b: {  	s21 =	simm.s32 $0x18;
	s25 =	sadd.s32 s3, s4;
	[dreg:$0xe] =	wrdreg s10  }
0x1c: {  	s29 =	sadd.s32 $0x7C400, s2;
	_ =	strace $0x8000004A;
	[dreg:$0x13] =	wrdreg s1  }
0x1d: {  	s30 =	sadd.s32 $0xA3500, s2;
	s2 =	sadd.s32 $0xCA600, s2;
	[dreg:$0x14] =	wrdreg s25  }
.Ltmp0:
0x1e: {  	s17 =	simm.s32 $0xFA;
	[dreg:$0x16] =	wrdreg s29;
	(pc) =	sbr.rel .LBB2_1-.Ltmp0, $4  }
0x1f: {  	s15 =	simm.s32 $0x8D00;
	s8 =	simm.s32 $0x3;
	[dreg:$0x17] =	wrdreg s30  }
0x20: {  	s3 =	simm.s32 $0x0;
	s10 =	simm.s32 $0x1000;
	[dreg:$0x18] =	wrdreg s2  }
0x21: {  	s11 =	simm.s32 $0x4E80;
	s1 =	sor.u32 $0x1C19, s26;
	[dreg:$0x19] =	wrdreg s0  }
0x22: {  	s2 =	simm.s32 $0x19;
	s25 =	simm.s32 $0x1;
	[dreg:$0x15] =	wrdreg s1  }
.LBB2_10:
0x23: {  	_ =	swait.ge [sflag:s12], $0x3E80  }
0x24: {  	[sflag:s12] =	ssyncset.done $0x0  }
0x25: {  	s23 =	simm.s32 $0xF00;
	[sflag:s12] =	ssyncadd.s32 $0xFFFFC180  }
0x26: {  	[spmem:s4] =	stream.indirect.scatter.add.bf16 [tilespmem:s20], [sflag:$0x8], $0x40, s23, s17, $0xb8;
	[tilespmem:$0x1A640] =	vst v63  }
0x27: {  	_ =	swait.ge [sflag:s13], $0x3E80  }
0x28: {  	[sflag:s13] =	ssyncset.done $0x0  }
0x29: {  	[sflag:s13] =	ssyncadd.s32 $0xFFFFC180  }
0x2a: {  	[bflag:$0x0] =	sbarrier.arrive $0xFFFF  }
0x2b: {  	s1 =	rddreg [dreg:$0x15]  }
0x2c: {  	s0 =	rddreg [dreg:$0x18]  }
0x2d: {  	s2 =	rddreg [dreg:$0x1b]  }
0x2e: {  	[hbm:s0], [sflag:s1] =	dma.local [spmem:s2], $0x1388  }
0x2f: {  	s2 =	simm.s32 $0x19  }
0x30: {  	_ =	swait.ge [sflag:s2], $0x1388  }
0x31: {  	s3 =	rddreg [dreg:$0x1a]  }
0x32: {  	s30 =	rddreg [dreg:$0x19];
	s3 =	sadd.s32 $0x1, s3  }
0x33: {  	p0 =	sne.s32 s3, s30  }
.Ltmp1:
0x34: {  	_ = 	snop;
	(pc) =	sbr.rel @!p0 .LBB2_11-.Ltmp1, $4  }
0x35: {  	[sflag:s2] =	ssyncset.done $0x0  }
0x36: {  	[sflag:s2] =	ssyncadd.s32 $0xFFFFEC78  }
0x37: {  	[bflag:$0x0] =	sbarrier.arrive $0xFFFF  }
0x38: {  	s18 =	smov.u32 s26;
	s24 =	simm.s32 $0x600;
	s28 =	simm.s32 $0x700  }
.LBB2_1:
0x39: {  	[dreg:$0x1a] =	wrdreg s3  }
0x3a: {  	s0 =	rddreg [dreg:$0x14]  }
0x3b: {  	s30 =	rddreg [dreg:$0x13];
	s26 =	sshrl.u32 s0, $0x3  }
0x3c: {  	[dreg:$0x1b] =	wrdreg s26  }
0x3d: {  	[spmem:s26], [sflag:s1] =	dma.local [hbm:s30], $0x1388  }
0x3e: {  	_ =	swait.ge [sflag:s2], $0x1388  }
0x3f: {  	[sflag:s2] =	ssyncset.done $0x0  }
0x40: {  	[sflag:s2] =	ssyncadd.s32 $0xFFFFEC78  }
0x41: {  	[tilespmem:s5], [sflag:$0x9] =	stream.linear.gather [hbm4b:s6+s5], $0x100, $0x38;
	[tilespmem:$0x1A640] =	vst v63  }
0x42: {  	s2 =	simm.s32 $0x800  }
0x43: {  	[tilespmem:s2], [sflag:$0x11] =	stream.linear.gather [hbm4b:s7+s5], $0x100, $0x38;
	[tilespmem:$0x1A640] =	vst v63  }
0x44: {  	s1 =	simm.s32 $0x100;
	s3 =	rddreg [dreg:$0x5]  }
0x45: {  	[tilespmem:s1], [sflag:$0xA] =	stream.linear.gather [hbm4b:s3+s5], $0x100, $0x38;
	[tilespmem:$0x1A640] =	vst v63  }
0x46: {  	s26 =	simm.s32 $0x900;
	s16 =	rddreg [dreg:$0x6]  }
0x47: {  	[tilespmem:s26], [sflag:$0x12] =	stream.linear.gather [hbm4b:s16+s5], $0x100, $0x38;
	[tilespmem:$0x1A640] =	vst v63  }
0x48: {  	s30 =	rddreg [dreg:$0x7];
	s2 =	simm.s32 $0x200  }
0x49: {  	[tilespmem:s2], [sflag:$0xB] =	stream.linear.gather [hbm4b:s30+s5], $0x100, $0x38;
	[tilespmem:$0x1A640] =	vst v63  }
0x4a: {  	s3 =	rddreg [dreg:$0x8];
	s16 =	simm.s32 $0xA00  }
0x4b: {  	[tilespmem:s16], [sflag:$0x13] =	stream.linear.gather [hbm4b:s3+s5], $0x100, $0x38;
	[tilespmem:$0x1A640] =	vst v63  }
0x4c: {  	s26 =	rddreg [dreg:$0x9];
	s3 =	simm.s32 $0x300  }
0x4d: {  	[tilespmem:s3], [sflag:$0xC] =	stream.linear.gather [hbm4b:s26+s5], $0x100, $0x38;
	[tilespmem:$0x1A640] =	vst v63  }
0x4e: {  	s30 =	rddreg [dreg:$0xa];
	s16 =	simm.s32 $0xB00  }
0x4f: {  	[tilespmem:s16], [sflag:$0x14] =	stream.linear.gather [hbm4b:s30+s5], $0x100, $0x38;
	[tilespmem:$0x1A640] =	vst v63  }
0x50: {  	s26 =	rddreg [dreg:$0xb];
	s30 =	simm.s32 $0x400  }
0x51: {  	[tilespmem:s30], [sflag:$0xD] =	stream.linear.gather [hbm4b:s26+s5], $0x100, $0x38;
	[tilespmem:$0x1A640] =	vst v63  }
0x52: {  	s26 =	rddreg [dreg:$0xc];
	s30 =	simm.s32 $0xC00  }
0x53: {  	[tilespmem:s30], [sflag:$0x15] =	stream.linear.gather [hbm4b:s26+s5], $0x100, $0x38;
	[tilespmem:$0x1A640] =	vst v63  }
0x54: {  	s26 =	rddreg [dreg:$0xd];
	s30 =	simm.s32 $0x500  }
0x55: {  	[tilespmem:s30], [sflag:$0xE] =	stream.linear.gather [hbm4b:s26+s5], $0x100, $0x38;
	[tilespmem:$0x1A640] =	vst v63  }
0x56: {  	s26 =	rddreg [dreg:$0xe];
	s30 =	simm.s32 $0xD00  }
0x57: {  	[tilespmem:s30], [sflag:$0x16] =	stream.linear.gather [hbm4b:s26+s5], $0x100, $0x38;
	[tilespmem:$0x1A640] =	vst v63  }
0x58: {  	s26 =	rddreg [dreg:$0xf]  }
0x59: {  	[tilespmem:s24], [sflag:$0xF] =	stream.linear.gather [hbm4b:s26+s5], $0x100, $0x38;
	[tilespmem:$0x1A640] =	vst v63  }
0x5a: {  	s30 =	rddreg [dreg:$0x10]  }
0x5b: {  	[tilespmem:s19], [sflag:$0x17] =	stream.linear.gather [hbm4b:s30+s5], $0x100, $0x38;
	[tilespmem:$0x1A640] =	vst v63  }
0x5c: {  	s16 =	rddreg [dreg:$0x11]  }
0x5d: {  	[tilespmem:s28], [sflag:$0x10] =	stream.linear.gather [hbm4b:s16+s5], $0x100, $0x38;
	[tilespmem:$0x1A640] =	vst v63  }
0x5e: {  	s26 =	simm.s32 $0x9;
	s19 =	rddreg [dreg:$0x12]  }
0x5f: {  	[tilespmem:s23], [sflag:$0x18] =	stream.linear.gather [hbm4b:s19+s5], $0x100, $0x38;
	[tilespmem:$0x1A640] =	vst v63  }
0x60: {  	_ =	swait.ge [sflag:s26], $0x100  }
0x61: {  	[sflag:s26] =	ssyncset.done $0x0  }
0x62: {  	s30 =	simm.s32 $0x11;
	[sflag:s26] =	ssyncadd.s32 $0xFFFFFF00  }
0x63: {  	_ =	swait.ge [sflag:s30], $0x100  }
0x64: {  	[sflag:s30] =	ssyncset.done $0x0  }
0x65: {  	[sflag:s30] =	ssyncadd.s32 $0xFFFFFF00  }
0x66: {  	[tilespmem:s10], [sflag:$0x1] =	stream.indirect.gather [hbm4b:s18+s17], $0x40, s5, s17, $0xb8;
	[tilespmem:$0x1A640] =	vst v63  }
0x67: {  	s10 =	simm.s32 $0xA  }
0x68: {  	_ =	swait.ge [sflag:s10], $0x100  }
0x69: {  	[sflag:s10] =	ssyncset.done $0x0  }
0x6a: {  	s16 =	simm.s32 $0x12;
	[sflag:s10] =	ssyncadd.s32 $0xFFFFFF00  }
0x6b: {  	_ =	swait.ge [sflag:s16], $0x100  }
0x6c: {  	[sflag:s16] =	ssyncset.done $0x0  }
0x6d: {  	s19 =	simm.s32 $0xB;
	[sflag:s16] =	ssyncadd.s32 $0xFFFFFF00  }
0x6e: {  	[tilespmem:s11], [sflag:$0x2] =	stream.indirect.gather [hbm4b:s18+s17], $0x40, s1, s17, $0xb8;
	[tilespmem:$0x1A640] =	vst v63  }
0x6f: {  	_ =	swait.ge [sflag:s19], $0x100  }
0x70: {  	[sflag:s19] =	ssyncset.done $0x0  }
0x71: {  	s23 =	simm.s32 $0x13;
	[sflag:s19] =	ssyncadd.s32 $0xFFFFFF00  }
0x72: {  	_ =	swait.ge [sflag:s23], $0x100  }
0x73: {  	[sflag:s23] =	ssyncset.done $0x0  }
0x74: {  	s26 =	simm.s32 $0xC;
	[sflag:s23] =	ssyncadd.s32 $0xFFFFFF00  }
0x75: {  	[tilespmem:s15], [sflag:$0x3] =	stream.indirect.gather [hbm4b:s18+s17], $0x40, s2, s17, $0xb8;
	[tilespmem:$0x1A640] =	vst v63  }
0x76: {  	_ =	swait.ge [sflag:s26], $0x100  }
0x77: {  	[sflag:s26] =	ssyncset.done $0x0  }
0x78: {  	s30 =	simm.s32 $0x14;
	[sflag:s26] =	ssyncadd.s32 $0xFFFFFF00  }
0x79: {  	_ =	swait.ge [sflag:s30], $0x100  }
0x7a: {  	[sflag:s30] =	ssyncset.done $0x0  }
0x7b: {  	[sflag:s30] =	ssyncadd.s32 $0xFFFFFF00  }
0x7c: {  	[tilespmem:s20], [sflag:$0x4] =	stream.indirect.gather [hbm4b:s18+s17], $0x40, s3, s17, $0xb8;
	[tilespmem:$0x1A640] =	vst v63  }
0x7d: {  	s29 =	simm.s32 $0xE00;
	s0 =	simm.s32 $0x0;
	[bflag:$0x0] =	sbarrier.arrive $0xFFFF  }
.LBB2_2:
0x7e: {  	_ =	swait.ge [sflag:s25], $0x3E80  }
0x7f: {  	[sflag:s25] =	ssyncset.done $0x0  }
0x80: {  	s1 =	simm.s32 $0x800;
	s30 =	simm.s32 $0x1000;
	[sflag:s25] =	ssyncadd.s32 $0xFFFFC180  }
0x81: {  	[spmem:s4] =	stream.indirect.scatter.add.bf16 [tilespmem:s30], [sflag:$0x5], $0x40, s1, s17, $0xb8;
	[tilespmem:$0x1A640] =	vst v63  }
0x82: {  	p0 =	seq.s32 s0, $0x400;
	_ =	swait.ge [sflag:s31], $0x3E80  }
0x83: {  	s23 =	sadd.s32 @!p0 s0, s6;
	[sflag:s31] =	ssyncset.done $0x0  }
0x84: {  	s2 =	simm.s32 @!p0 $0x0;
	s1 =	sadd.s32 @!p0 $0x100, s23;
	[sflag:s31] =	ssyncadd.s32 $0xFFFFC180  }
0x85: {  	[tilespmem:s2], [sflag:$0x9] =	stream.linear.gather @!p0 [hbm4b:s1+s2], $0x100, $0x38;
	[tilespmem:$0x1A640] =	vst v63  }
0x86: {  	s1 =	sadd.s32 @!p0 s0, s7  }
0x87: {  	s3 =	simm.s32 $0xD;
	s19 =	simm.s32 @!p0 $0x800;
	s16 =	sadd.s32 @!p0 $0x100, s1  }
0x88: {  	[tilespmem:s19], [sflag:$0x11] =	stream.linear.gather @!p0 [hbm4b:s16+s2], $0x100, $0x38;
	[tilespmem:$0x1A640] =	vst v63  }
0x89: {  	_ =	swait.ge [sflag:s3], $0x100  }
0x8a: {  	[sflag:s3] =	ssyncset.done $0x0  }
0x8b: {  	s19 =	simm.s32 $0x15;
	[sflag:s3] =	ssyncadd.s32 $0xFFFFFF00  }
0x8c: {  	_ =	swait.ge [sflag:s19], $0x100  }
0x8d: {  	[sflag:s19] =	ssyncset.done $0x0  }
0x8e: {  	s26 =	simm.s32 $0x400;
	s10 =	simm.s32 $0x2;
	[sflag:s19] =	ssyncadd.s32 $0xFFFFFF00  }
0x8f: {  	[tilespmem:s30], [sflag:$0x1] =	stream.indirect.gather [hbm4b:s18+s17], $0x40, s26, s17, $0xb8;
	[tilespmem:$0x1A640] =	vst v63  }
0x90: {  	_ =	swait.ge [sflag:s10], $0x3E80  }
0x91: {  	s11 =	simm.s32 $0x900;
	[sflag:s10] =	ssyncset.done $0x0  }
0x92: {  	s16 =	simm.s32 $0x6;
	[sflag:s10] =	ssyncadd.s32 $0xFFFFC180;
	s10 =	simm.s32 $0x4E80  }
0x93: {  	[spmem:s4] =	stream.indirect.scatter.add.bf16 [tilespmem:s10], [sflag:$0x6], $0x40, s11, s17, $0xb8;
	[tilespmem:$0x1A640] =	vst v63  }
0x94: {  	_ =	swait.ge [sflag:s16], $0x3E80  }
0x95: {  	[sflag:s16] =	ssyncset.done $0x0  }
0x96: {  	s19 =	sadd.s32 @!p0 $0x120, s23;
	[sflag:s16] =	ssyncadd.s32 $0xFFFFC180;
	s16 =	simm.s32 @!p0 $0x100  }
0x97: {  	[tilespmem:s16], [sflag:$0xA] =	stream.linear.gather @!p0 [hbm4b:s19+s2], $0x100, $0x38;
	[tilespmem:$0x1A640] =	vst v63  }
0x98: {  	s26 =	smov.u32 s18;
	s18 =	simm.s32 @!p0 $0x900;
	s19 =	sadd.s32 @!p0 $0x120, s1  }
0x99: {  	[tilespmem:s18], [sflag:$0x12] =	stream.linear.gather @!p0 [hbm4b:s19+s2], $0x100, $0x38;
	[tilespmem:$0x1A640] =	vst v63  }
0x9a: {  	s19 =	simm.s32 $0xE  }
0x9b: {  	_ =	swait.ge [sflag:s19], $0x100  }
0x9c: {  	[sflag:s19] =	ssyncset.done $0x0  }
0x9d: {  	s11 =	simm.s32 $0x16;
	[sflag:s19] =	ssyncadd.s32 $0xFFFFFF00  }
0x9e: {  	_ =	swait.ge [sflag:s11], $0x100  }
0x9f: {  	[sflag:s11] =	ssyncset.done $0x0  }
0xa0: {  	s18 =	simm.s32 $0x500;
	[sflag:s11] =	ssyncadd.s32 $0xFFFFFF00  }
0xa1: {  	[tilespmem:s10], [sflag:$0x2] =	stream.indirect.gather [hbm4b:s26+s17], $0x40, s18, s17, $0xb8;
	[tilespmem:$0x1A640] =	vst v63  }
0xa2: {  	_ =	swait.ge [sflag:s8], $0x3E80  }
0xa3: {  	[sflag:s8] =	ssyncset.done $0x0  }
0xa4: {  	s19 =	simm.s32 $0xA00;
	[sflag:s8] =	ssyncadd.s32 $0xFFFFC180  }
0xa5: {  	[spmem:s4] =	stream.indirect.scatter.add.bf16 [tilespmem:s15], [sflag:$0x7], $0x40, s19, s17, $0xb8;
	[tilespmem:$0x1A640] =	vst v63  }
0xa6: {  	_ =	swait.ge [sflag:s9], $0x3E80  }
0xa7: {  	[sflag:s9] =	ssyncset.done $0x0  }
0xa8: {  	s18 =	sadd.s32 @!p0 $0x140, s23;
	s19 =	simm.s32 @!p0 $0x200;
	[sflag:s9] =	ssyncadd.s32 $0xFFFFC180  }
0xa9: {  	[tilespmem:s19], [sflag:$0xB] =	stream.linear.gather @!p0 [hbm4b:s18+s2], $0x100, $0x38;
	[tilespmem:$0x1A640] =	vst v63  }
0xaa: {  	s10 =	simm.s32 $0xF;
	s18 =	sadd.s32 @!p0 $0x140, s1;
	s19 =	simm.s32 @!p0 $0xA00  }
0xab: {  	[tilespmem:s19], [sflag:$0x13] =	stream.linear.gather @!p0 [hbm4b:s18+s2], $0x100, $0x38;
	[tilespmem:$0x1A640] =	vst v63  }
0xac: {  	_ =	swait.ge [sflag:s10], $0x100  }
0xad: {  	[sflag:s10] =	ssyncset.done $0x0  }
0xae: {  	s18 =	simm.s32 $0x17;
	[sflag:s10] =	ssyncadd.s32 $0xFFFFFF00  }
0xaf: {  	_ =	swait.ge [sflag:s18], $0x100  }
0xb0: {  	[sflag:s18] =	ssyncset.done $0x0  }
0xb1: {  	[sflag:s18] =	ssyncadd.s32 $0xFFFFFF00  }
0xb2: {  	[tilespmem:s15], [sflag:$0x3] =	stream.indirect.gather [hbm4b:s26+s17], $0x40, s24, s17, $0xb8;
	[tilespmem:$0x1A640] =	vst v63  }
0xb3: {  	_ =	swait.ge [sflag:s12], $0x3E80  }
0xb4: {  	[sflag:s12] =	ssyncset.done $0x0  }
0xb5: {  	s19 =	simm.s32 $0xB00;
	[sflag:s12] =	ssyncadd.s32 $0xFFFFC180  }
0xb6: {  	[spmem:s4] =	stream.indirect.scatter.add.bf16 [tilespmem:s20], [sflag:$0x8], $0x40, s19, s17, $0xb8;
	[tilespmem:$0x1A640] =	vst v63  }
0xb7: {  	_ =	swait.ge [sflag:s13], $0x3E80  }
0xb8: {  	[sflag:s13] =	ssyncset.done $0x0  }
0xb9: {  	s18 =	sadd.s32 @!p0 $0x160, s23;
	s19 =	simm.s32 @!p0 $0x300;
	[sflag:s13] =	ssyncadd.s32 $0xFFFFC180  }
0xba: {  	[tilespmem:s19], [sflag:$0xC] =	stream.linear.gather @!p0 [hbm4b:s18+s2], $0x100, $0x38;
	[tilespmem:$0x1A640] =	vst v63  }
0xbb: {  	s18 =	sadd.s32 @!p0 $0x160, s1;
	s19 =	simm.s32 @!p0 $0xB00  }
0xbc: {  	[tilespmem:s19], [sflag:$0x14] =	stream.linear.gather @!p0 [hbm4b:s18+s2], $0x100, $0x38;
	[tilespmem:$0x1A640] =	vst v63  }
0xbd: {  	_ =	swait.ge [sflag:s14], $0x100  }
0xbe: {  	[sflag:s14] =	ssyncset.done $0x0  }
0xbf: {  	[sflag:s14] =	ssyncadd.s32 $0xFFFFFF00  }
0xc0: {  	_ =	swait.ge [sflag:s21], $0x100  }
0xc1: {  	[sflag:s21] =	ssyncset.done $0x0  }
0xc2: {  	[sflag:s21] =	ssyncadd.s32 $0xFFFFFF00  }
0xc3: {  	[tilespmem:s20], [sflag:$0x4] =	stream.indirect.gather [hbm4b:s26+s17], $0x40, s28, s17, $0xb8;
	[tilespmem:$0x1A640] =	vst v63  }
0xc4: {  	_ =	swait.ge [sflag:s25], $0x3E80  }
0xc5: {  	[sflag:s25] =	ssyncset.done $0x0  }
0xc6: {  	s24 =	simm.s32 $0xC00;
	[sflag:s25] =	ssyncadd.s32 $0xFFFFC180  }
0xc7: {  	[spmem:s4] =	stream.indirect.scatter.add.bf16 [tilespmem:s30], [sflag:$0x5], $0x40, s24, s17, $0xb8;
	[tilespmem:$0x1A640] =	vst v63  }
0xc8: {  	_ =	swait.ge [sflag:s31], $0x3E80  }
0xc9: {  	[sflag:s31] =	ssyncset.done $0x0  }
0xca: {  	s18 =	simm.s32 @p0 $0x2;
	[sflag:s31] =	ssyncadd.s32 $0xFFFFC180  }
0xcb: {  	_ =	swait.ge @p0 [sflag:s18], $0x3E80  }
0xcc: {  	s3 =	simm.s32 @p0 $0x4E80;
	[sflag:s18] =	ssyncset.done @p0 $0x0  }
0xcd: {  	s19 =	simm.s32 @p0 $0xD00;
	[sflag:s18] =	ssyncadd.s32 @p0 $0xFFFFC180;
	s18 =	simm.s32 @p0 $0xFA  }
0xce: {  	[spmem:s4] =	stream.indirect.scatter.add.bf16 @p0 [tilespmem:s3], [sflag:$0x6], $0x40, s19, s18, $0xb8;
	[tilespmem:$0x1A640] =	vst v63  }
0xcf: {  	s3 =	simm.s32 @p0 $0x6  }
0xd0: {  	_ =	swait.ge @p0 [sflag:s3], $0x3E80  }
0xd1: {  	[sflag:s3] =	ssyncset.done @p0 $0x0  }
0xd2: {  	s18 =	simm.s32 @!p0 $0x400;
	[sflag:s3] =	ssyncadd.s32 @p0 $0xFFFFC180;
	s3 =	sadd.s32 @!p0 $0x180, s23  }
0xd3: {  	[tilespmem:s18], [sflag:$0xD] =	stream.linear.gather @!p0 [hbm4b:s3+s2], $0x100, $0x38;
	[tilespmem:$0x1A640] =	vst v63  }
0xd4: {  	s3 =	sadd.s32 @!p0 $0x180, s1;
	s18 =	simm.s32 @!p0 $0xC00  }
0xd5: {  	[tilespmem:s18], [sflag:$0x15] =	stream.linear.gather @!p0 [hbm4b:s3+s2], $0x100, $0x38;
	[tilespmem:$0x1A640] =	vst v63  }
0xd6: {  	s3 =	simm.s32 @!p0 $0x9  }
0xd7: {  	_ =	swait.ge @!p0 [sflag:s3], $0x100  }
0xd8: {  	[sflag:s3] =	ssyncset.done @!p0 $0x0  }
0xd9: {  	[sflag:s3] =	ssyncadd.s32 @!p0 $0xFFFFFF00;
	s3 =	simm.s32 @!p0 $0x11  }
0xda: {  	_ =	swait.ge @!p0 [sflag:s3], $0x100  }
0xdb: {  	[sflag:s3] =	ssyncset.done @!p0 $0x0  }
0xdc: {  	s18 =	simm.s32 @!p0 $0x1000;
	[sflag:s3] =	ssyncadd.s32 @!p0 $0xFFFFFF00;
	s3 =	simm.s32 @!p0 $0xFA  }
0xdd: {  	[tilespmem:s18], [sflag:$0x1] =	stream.indirect.gather @!p0 [hbm4b:s26+s3], $0x40, s2, s3, $0xb8;
	[tilespmem:$0x1A640] =	vst v63  }
0xde: {  	s18 =	simm.s32 @!p0 $0x2  }
0xdf: {  	_ =	swait.ge @!p0 [sflag:s18], $0x3E80  }
0xe0: {  	s24 =	simm.s32 @!p0 $0x6;
	[sflag:s18] =	ssyncset.done @!p0 $0x0  }
0xe1: {  	s19 =	simm.s32 @!p0 $0x4E80;
	[sflag:s18] =	ssyncadd.s32 @!p0 $0xFFFFC180;
	s18 =	simm.s32 @!p0 $0xD00  }
0xe2: {  	[spmem:s4] =	stream.indirect.scatter.add.bf16 @!p0 [tilespmem:s19], [sflag:$0x6], $0x40, s18, s3, $0xb8;
	[tilespmem:$0x1A640] =	vst v63  }
0xe3: {  	_ =	swait.ge @!p0 [sflag:s24], $0x3E80  }
0xe4: {  	[sflag:s24] =	ssyncset.done @!p0 $0x0  }
0xe5: {  	s23 =	sadd.s32 @!p0 $0x1A0, s23;
	[sflag:s24] =	ssyncadd.s32 @!p0 $0xFFFFC180;
	s24 =	simm.s32 @!p0 $0x500  }
0xe6: {  	[tilespmem:s24], [sflag:$0xE] =	stream.linear.gather @!p0 [hbm4b:s23+s2], $0x100, $0x38;
	[tilespmem:$0x1A640] =	vst v63  }
0xe7: {  	s1 =	sadd.s32 @!p0 $0x1A0, s1  }
0xe8: {  	[tilespmem:s18], [sflag:$0x16] =	stream.linear.gather @!p0 [hbm4b:s1+s2], $0x100, $0x38;
	[tilespmem:$0x1A640] =	vst v63  }
0xe9: {  	s1 =	simm.s32 @!p0 $0xA  }
0xea: {  	_ =	swait.ge @!p0 [sflag:s1], $0x100  }
0xeb: {  	[sflag:s1] =	ssyncset.done @!p0 $0x0  }
0xec: {  	[sflag:s1] =	ssyncadd.s32 @!p0 $0xFFFFFF00;
	s1 =	simm.s32 @!p0 $0x12  }
0xed: {  	_ =	swait.ge @!p0 [sflag:s1], $0x100  }
0xee: {  	[sflag:s1] =	ssyncset.done @!p0 $0x0  }
0xef: {  	[sflag:s1] =	ssyncadd.s32 @!p0 $0xFFFFFF00  }
0xf0: {  	[tilespmem:s19], [sflag:$0x2] =	stream.indirect.gather @!p0 [hbm4b:s26+s3], $0x40, s16, s3, $0xb8;
	[tilespmem:$0x1A640] =	vst v63  }
0xf1: {  	_ =	swait.ge [sflag:s8], $0x3E80  }
0xf2: {  	[sflag:s8] =	ssyncset.done $0x0  }
.Ltmp2:
0xf3: {  	[sflag:s8] =	ssyncadd.s32 $0xFFFFC180;
	(pc) =	sbr.rel @p0 .LBB2_4-.Ltmp2, $4  }
0xf4: {  	[spmem:s4] =	stream.indirect.scatter.add.bf16 [tilespmem:s15], [sflag:$0x7], $0x40, s29, s17, $0xb8;
	[tilespmem:$0x1A640] =	vst v63  }
0xf5: {  	s11 =	simm.s32 $0x4E80;
	_ =	swait.ge [sflag:s9], $0x3E80  }
0xf6: {  	s10 =	simm.s32 $0x1000;
	s28 =	simm.s32 $0x600;
	[sflag:s9] =	ssyncset.done $0x0  }
0xf7: {  	s30 =	simm.s32 $0x700;
	s19 =	simm.s32 $0xE00;
	[sflag:s9] =	ssyncadd.s32 $0xFFFFC180  }
0xf8: {  	s1 =	sadd.s32 s0, s6  }
0xf9: {  	s23 =	sadd.s32 s0, s7;
	s2 =	sadd.s32 $0x1C0, s1  }
0xfa: {  	[tilespmem:s28], [sflag:$0xF] =	stream.linear.gather [hbm4b:s2+s5], $0x100, $0x38;
	[tilespmem:$0x1A640] =	vst v63  }
0xfb: {  	s24 =	simm.s32 $0xB;
	s3 =	sadd.s32 $0x1C0, s23  }
0xfc: {  	[tilespmem:s19], [sflag:$0x17] =	stream.linear.gather [hbm4b:s3+s5], $0x100, $0x38;
	[tilespmem:$0x1A640] =	vst v63  }
0xfd: {  	_ =	swait.ge [sflag:s24], $0x100  }
0xfe: {  	[sflag:s24] =	ssyncset.done $0x0  }
0xff: {  	s10 =	simm.s32 $0x13;
	[sflag:s24] =	ssyncadd.s32 $0xFFFFFF00  }
0x100: {  	_ =	swait.ge [sflag:s10], $0x100  }
0x101: {  	[sflag:s10] =	ssyncset.done $0x0  }
0x102: {  	s11 =	simm.s32 $0x200;
	[sflag:s10] =	ssyncadd.s32 $0xFFFFFF00  }
0x103: {  	[tilespmem:s15], [sflag:$0x3] =	stream.indirect.gather [hbm4b:s26+s17], $0x40, s11, s17, $0xb8;
	[tilespmem:$0x1A640] =	vst v63  }
0x104: {  	_ =	swait.ge [sflag:s12], $0x3E80  }
0x105: {  	[sflag:s12] =	ssyncset.done $0x0  }
0x106: {  	s16 =	simm.s32 $0xF00;
	[sflag:s12] =	ssyncadd.s32 $0xFFFFC180  }
0x107: {  	[spmem:s4] =	stream.indirect.scatter.add.bf16 [tilespmem:s20], [sflag:$0x8], $0x40, s16, s17, $0xb8;
	[tilespmem:$0x1A640] =	vst v63  }
0x108: {  	_ =	swait.ge [sflag:s13], $0x3E80  }
0x109: {  	[sflag:s13] =	ssyncset.done $0x0  }
0x10a: {  	s1 =	sadd.s32 $0x1E0, s1;
	[sflag:s13] =	ssyncadd.s32 $0xFFFFC180  }
0x10b: {  	[tilespmem:s30], [sflag:$0x10] =	stream.linear.gather [hbm4b:s1+s5], $0x100, $0x38;
	[tilespmem:$0x1A640] =	vst v63  }
0x10c: {  	s19 =	sadd.s32 $0x1E0, s23;
	s23 =	simm.s32 $0xC  }
0x10d: {  	[tilespmem:s16], [sflag:$0x18] =	stream.linear.gather [hbm4b:s19+s5], $0x100, $0x38;
	[tilespmem:$0x1A640] =	vst v63  }
0x10e: {  	_ =	swait.ge [sflag:s23], $0x100  }
0x10f: {  	[sflag:s23] =	ssyncset.done $0x0  }
.Ltmp3:
0x110: {  	s24 =	simm.s32 $0x14;
	[sflag:s23] =	ssyncadd.s32 $0xFFFFFF00;
	(pc) =	sbr.rel .LBB2_2-.Ltmp3, $4  }
0x111: {  	s18 =	smov.u32 s26;
	s0 =	sadd.s32 $0x100, s0;
	_ =	swait.ge [sflag:s24], $0x100  }
0x112: {  	s29 =	simm.s32 $0xE00;
	s28 =	simm.s32 $0x700;
	[sflag:s24] =	ssyncset.done $0x0  }
0x113: {  	s30 =	simm.s32 $0x300;
	[sflag:s24] =	ssyncadd.s32 $0xFFFFFF00;
	s24 =	simm.s32 $0x600  }
0x114: {  	[tilespmem:s20], [sflag:$0x4] =	stream.indirect.gather [hbm4b:s26+s17], $0x40, s30, s17, $0xb8;
	[tilespmem:$0x1A640] =	vst v63  }
.LBB2_4:
0x115: {  	_ =	swait.ge [sflag:s12], $0x3E80  }
0x116: {  	[sflag:s12] =	ssyncset.done $0x0  }
0x117: {  	s23 =	simm.s32 $0xF00;
	[sflag:s12] =	ssyncadd.s32 $0xFFFFC180  }
0x118: {  	[spmem:s4] =	stream.indirect.scatter.add.bf16 [tilespmem:s20], [sflag:$0x8], $0x40, s23, s17, $0xb8;
	[tilespmem:$0x1A640] =	vst v63  }
0x119: {  	_ =	swait.ge [sflag:s13], $0x3E80  }
0x11a: {  	[sflag:s13] =	ssyncset.done $0x0  }
0x11b: {  	[sflag:s13] =	ssyncadd.s32 $0xFFFFC180  }
0x11c: {  	[bflag:$0x0] =	sbarrier.arrive $0xFFFF  }
0x11d: {  	s1 =	rddreg [dreg:$0x15]  }
0x11e: {  	s0 =	rddreg [dreg:$0x16]  }
0x11f: {  	s2 =	simm.s32 $0x19;
	s3 =	rddreg [dreg:$0x1b]  }
0x120: {  	[hbm:s0], [sflag:s1] =	dma.local [spmem:s3], $0x1388  }
0x121: {  	_ =	swait.ge [sflag:s2], $0x1388  }
0x122: {  	[sflag:s2] =	ssyncset.done $0x0  }
0x123: {  	[sflag:s2] =	ssyncadd.s32 $0xFFFFEC78  }
0x124: {  	[bflag:$0x0] =	sbarrier.arrive $0xFFFF  }
0x125: {  	s16 =	rddreg [dreg:$0x13]  }
0x126: {  	[spmem:s3], [sflag:s1] =	dma.local [hbm:s16], $0x1388  }
0x127: {  	_ =	swait.ge [sflag:s2], $0x1388  }
0x128: {  	[sflag:s2] =	ssyncset.done $0x0  }
0x129: {  	s0 =	simm.s32 $0x0;
	[sflag:s2] =	ssyncadd.s32 $0xFFFFEC78  }
0x12a: {  	[tilespmem:s0], [sflag:$0x9] =	stream.linear.gather [hbm4b:s6+s0], $0x100, $0x38;
	[tilespmem:$0x1A640] =	vst v63  }
0x12b: {  	s18 =	simm.s32 $0x800  }
0x12c: {  	[tilespmem:s18], [sflag:$0x11] =	stream.linear.gather [hbm4b:s7+s0], $0x100, $0x38;
	[tilespmem:$0x1A640] =	vst v63  }
0x12d: {  	s24 =	rddreg [dreg:$0x5];
	s2 =	simm.s32 $0x100  }
0x12e: {  	[tilespmem:s2], [sflag:$0xA] =	stream.linear.gather [hbm4b:s24+s0], $0x100, $0x38;
	[tilespmem:$0x1A640] =	vst v63  }
0x12f: {  	s16 =	simm.s32 $0x900;
	s3 =	rddreg [dreg:$0x6]  }
0x130: {  	[tilespmem:s16], [sflag:$0x12] =	stream.linear.gather [hbm4b:s3+s0], $0x100, $0x38;
	[tilespmem:$0x1A640] =	vst v63  }
0x131: {  	s18 =	rddreg [dreg:$0x7];
	s3 =	simm.s32 $0x200  }
0x132: {  	[tilespmem:s3], [sflag:$0xB] =	stream.linear.gather [hbm4b:s18+s0], $0x100, $0x38;
	[tilespmem:$0x1A640] =	vst v63  }
0x133: {  	s24 =	rddreg [dreg:$0x8];
	s16 =	simm.s32 $0xA00  }
0x134: {  	[tilespmem:s16], [sflag:$0x13] =	stream.linear.gather [hbm4b:s24+s0], $0x100, $0x38;
	[tilespmem:$0x1A640] =	vst v63  }
0x135: {  	s18 =	rddreg [dreg:$0x9];
	s16 =	simm.s32 $0x300  }
0x136: {  	[tilespmem:s16], [sflag:$0xC] =	stream.linear.gather [hbm4b:s18+s0], $0x100, $0x38;
	[tilespmem:$0x1A640] =	vst v63  }
0x137: {  	s24 =	rddreg [dreg:$0xa];
	s18 =	simm.s32 $0xB00  }
0x138: {  	[tilespmem:s18], [sflag:$0x14] =	stream.linear.gather [hbm4b:s24+s0], $0x100, $0x38;
	[tilespmem:$0x1A640] =	vst v63  }
0x139: {  	s18 =	rddreg [dreg:$0xb];
	s24 =	simm.s32 $0x400  }
0x13a: {  	[tilespmem:s24], [sflag:$0xD] =	stream.linear.gather [hbm4b:s18+s0], $0x100, $0x38;
	[tilespmem:$0x1A640] =	vst v63  }
0x13b: {  	s18 =	rddreg [dreg:$0xc];
	s24 =	simm.s32 $0xC00  }
0x13c: {  	[tilespmem:s24], [sflag:$0x15] =	stream.linear.gather [hbm4b:s18+s0], $0x100, $0x38;
	[tilespmem:$0x1A640] =	vst v63  }
0x13d: {  	s18 =	rddreg [dreg:$0xd];
	s24 =	simm.s32 $0x500  }
0x13e: {  	[tilespmem:s24], [sflag:$0xE] =	stream.linear.gather [hbm4b:s18+s0], $0x100, $0x38;
	[tilespmem:$0x1A640] =	vst v63  }
0x13f: {  	s18 =	rddreg [dreg:$0xe];
	s24 =	simm.s32 $0xD00  }
0x140: {  	[tilespmem:s24], [sflag:$0x16] =	stream.linear.gather [hbm4b:s18+s0], $0x100, $0x38;
	[tilespmem:$0x1A640] =	vst v63  }
0x141: {  	s24 =	rddreg [dreg:$0xf]  }
0x142: {  	[tilespmem:s28], [sflag:$0xF] =	stream.linear.gather [hbm4b:s24+s0], $0x100, $0x38;
	[tilespmem:$0x1A640] =	vst v63  }
0x143: {  	s18 =	rddreg [dreg:$0x10]  }
0x144: {  	[tilespmem:s19], [sflag:$0x17] =	stream.linear.gather [hbm4b:s18+s0], $0x100, $0x38;
	[tilespmem:$0x1A640] =	vst v63  }
0x145: {  	s19 =	rddreg [dreg:$0x11]  }
0x146: {  	[tilespmem:s30], [sflag:$0x10] =	stream.linear.gather [hbm4b:s19+s0], $0x100, $0x38;
	[tilespmem:$0x1A640] =	vst v63  }
0x147: {  	s24 =	rddreg [dreg:$0x12];
	s28 =	simm.s32 $0x9  }
0x148: {  	[tilespmem:s23], [sflag:$0x18] =	stream.linear.gather [hbm4b:s24+s0], $0x100, $0x38;
	[tilespmem:$0x1A640] =	vst v63  }
0x149: {  	_ =	swait.ge [sflag:s28], $0x100  }
0x14a: {  	[sflag:s28] =	ssyncset.done $0x0  }
0x14b: {  	s30 =	simm.s32 $0x11;
	[sflag:s28] =	ssyncadd.s32 $0xFFFFFF00  }
0x14c: {  	_ =	swait.ge [sflag:s30], $0x100  }
0x14d: {  	[sflag:s30] =	ssyncset.done $0x0  }
0x14e: {  	[sflag:s30] =	ssyncadd.s32 $0xFFFFFF00  }
0x14f: {  	s18 =	rddreg [dreg:$0x1]  }
0x150: {  	[tilespmem:s10], [sflag:$0x1] =	stream.indirect.gather [hbm4b:s18+s17], $0x40, s0, s17, $0xb8;
	[tilespmem:$0x1A640] =	vst v63  }
0x151: {  	s10 =	simm.s32 $0xA  }
0x152: {  	_ =	swait.ge [sflag:s10], $0x100  }
0x153: {  	[sflag:s10] =	ssyncset.done $0x0  }
0x154: {  	s19 =	simm.s32 $0x12;
	[sflag:s10] =	ssyncadd.s32 $0xFFFFFF00  }
0x155: {  	_ =	swait.ge [sflag:s19], $0x100  }
0x156: {  	[sflag:s19] =	ssyncset.done $0x0  }
0x157: {  	s23 =	simm.s32 $0xB;
	[sflag:s19] =	ssyncadd.s32 $0xFFFFFF00  }
0x158: {  	[tilespmem:s11], [sflag:$0x2] =	stream.indirect.gather [hbm4b:s18+s17], $0x40, s2, s17, $0xb8;
	[tilespmem:$0x1A640] =	vst v63  }
0x159: {  	_ =	swait.ge [sflag:s23], $0x100  }
0x15a: {  	[sflag:s23] =	ssyncset.done $0x0  }
0x15b: {  	s24 =	simm.s32 $0x13;
	[sflag:s23] =	ssyncadd.s32 $0xFFFFFF00  }
0x15c: {  	_ =	swait.ge [sflag:s24], $0x100  }
0x15d: {  	[sflag:s24] =	ssyncset.done $0x0  }
0x15e: {  	s28 =	simm.s32 $0xC;
	[sflag:s24] =	ssyncadd.s32 $0xFFFFFF00  }
0x15f: {  	[tilespmem:s15], [sflag:$0x3] =	stream.indirect.gather [hbm4b:s18+s17], $0x40, s3, s17, $0xb8;
	[tilespmem:$0x1A640] =	vst v63  }
0x160: {  	_ =	swait.ge [sflag:s28], $0x100  }
0x161: {  	[sflag:s28] =	ssyncset.done $0x0  }
0x162: {  	s30 =	simm.s32 $0x14;
	[sflag:s28] =	ssyncadd.s32 $0xFFFFFF00  }
0x163: {  	_ =	swait.ge [sflag:s30], $0x100  }
0x164: {  	[sflag:s30] =	ssyncset.done $0x0  }
0x165: {  	s29 =	simm.s32 $0xE00;
	[sflag:s30] =	ssyncadd.s32 $0xFFFFFF00  }
0x166: {  	[tilespmem:s20], [sflag:$0x4] =	stream.indirect.gather [hbm4b:s18+s17], $0x40, s16, s17, $0xb8;
	[tilespmem:$0x1A640] =	vst v63  }
0x167: {  	s19 =	simm.s32 $0x600;
	s24 =	simm.s32 $0x700;
	[bflag:$0x0] =	sbarrier.arrive $0xFFFF  }
.LBB2_5:
0x168: {  	_ =	swait.ge [sflag:s25], $0x3E80  }
0x169: {  	[sflag:s25] =	ssyncset.done $0x0  }
0x16a: {  	s1 =	simm.s32 $0x800;
	s28 =	simm.s32 $0x1000;
	[sflag:s25] =	ssyncadd.s32 $0xFFFFC180  }
0x16b: {  	[spmem:s4] =	stream.indirect.scatter.add.bf16 [tilespmem:s28], [sflag:$0x5], $0x40, s1, s17, $0xb8;
	[tilespmem:$0x1A640] =	vst v63  }
0x16c: {  	p0 =	seq.s32 s0, $0x400;
	_ =	swait.ge [sflag:s31], $0x3E80  }
0x16d: {  	s23 =	sadd.s32 @!p0 s0, s6;
	[sflag:s31] =	ssyncset.done $0x0  }
0x16e: {  	s2 =	simm.s32 @!p0 $0x0;
	s1 =	sadd.s32 @!p0 $0x100, s23;
	[sflag:s31] =	ssyncadd.s32 $0xFFFFC180  }
0x16f: {  	[tilespmem:s2], [sflag:$0x9] =	stream.linear.gather @!p0 [hbm4b:s1+s2], $0x100, $0x38;
	[tilespmem:$0x1A640] =	vst v63  }
0x170: {  	s1 =	sadd.s32 @!p0 s0, s7  }
0x171: {  	s11 =	simm.s32 $0xD;
	s16 =	simm.s32 @!p0 $0x800;
	s3 =	sadd.s32 @!p0 $0x100, s1  }
0x172: {  	[tilespmem:s16], [sflag:$0x11] =	stream.linear.gather @!p0 [hbm4b:s3+s2], $0x100, $0x38;
	[tilespmem:$0x1A640] =	vst v63  }
0x173: {  	_ =	swait.ge [sflag:s11], $0x100  }
0x174: {  	[sflag:s11] =	ssyncset.done $0x0  }
0x175: {  	s16 =	simm.s32 $0x15;
	[sflag:s11] =	ssyncadd.s32 $0xFFFFFF00  }
0x176: {  	_ =	swait.ge [sflag:s16], $0x100  }
0x177: {  	[sflag:s16] =	ssyncset.done $0x0  }
0x178: {  	s10 =	simm.s32 $0x400;
	s11 =	simm.s32 $0x2;
	[sflag:s16] =	ssyncadd.s32 $0xFFFFFF00  }
0x179: {  	[tilespmem:s28], [sflag:$0x1] =	stream.indirect.gather [hbm4b:s18+s17], $0x40, s10, s17, $0xb8;
	[tilespmem:$0x1A640] =	vst v63  }
0x17a: {  	_ =	swait.ge [sflag:s11], $0x3E80  }
0x17b: {  	s16 =	simm.s32 $0x900;
	[sflag:s11] =	ssyncset.done $0x0  }
0x17c: {  	s10 =	simm.s32 $0x4E80;
	s18 =	simm.s32 $0x6;
	[sflag:s11] =	ssyncadd.s32 $0xFFFFC180  }
0x17d: {  	[spmem:s4] =	stream.indirect.scatter.add.bf16 [tilespmem:s10], [sflag:$0x6], $0x40, s16, s17, $0xb8;
	[tilespmem:$0x1A640] =	vst v63  }
0x17e: {  	_ =	swait.ge [sflag:s18], $0x3E80  }
0x17f: {  	[sflag:s18] =	ssyncset.done $0x0  }
0x180: {  	s3 =	sadd.s32 @!p0 $0x120, s23;
	s16 =	simm.s32 @!p0 $0x100;
	[sflag:s18] =	ssyncadd.s32 $0xFFFFC180  }
0x181: {  	[tilespmem:s16], [sflag:$0xA] =	stream.linear.gather @!p0 [hbm4b:s3+s2], $0x100, $0x38;
	[tilespmem:$0x1A640] =	vst v63  }
0x182: {  	s11 =	simm.s32 $0xE;
	s18 =	simm.s32 @!p0 $0x900;
	s3 =	sadd.s32 @!p0 $0x120, s1  }
0x183: {  	[tilespmem:s18], [sflag:$0x12] =	stream.linear.gather @!p0 [hbm4b:s3+s2], $0x100, $0x38;
	[tilespmem:$0x1A640] =	vst v63  }
0x184: {  	_ =	swait.ge [sflag:s11], $0x100  }
0x185: {  	[sflag:s11] =	ssyncset.done $0x0  }
0x186: {  	s18 =	simm.s32 $0x16;
	[sflag:s11] =	ssyncadd.s32 $0xFFFFFF00  }
0x187: {  	_ =	swait.ge [sflag:s18], $0x100  }
0x188: {  	[sflag:s18] =	ssyncset.done $0x0  }
0x189: {  	[sflag:s18] =	ssyncadd.s32 $0xFFFFFF00  }
0x18a: {  	s18 =	simm.s32 $0x500;
	s3 =	rddreg [dreg:$0x1]  }
0x18b: {  	[tilespmem:s10], [sflag:$0x2] =	stream.indirect.gather [hbm4b:s3+s17], $0x40, s18, s17, $0xb8;
	[tilespmem:$0x1A640] =	vst v63  }
0x18c: {  	_ =	swait.ge [sflag:s8], $0x3E80  }
0x18d: {  	[sflag:s8] =	ssyncset.done $0x0  }
0x18e: {  	s10 =	simm.s32 $0xA00;
	[sflag:s8] =	ssyncadd.s32 $0xFFFFC180  }
0x18f: {  	[spmem:s4] =	stream.indirect.scatter.add.bf16 [tilespmem:s15], [sflag:$0x7], $0x40, s10, s17, $0xb8;
	[tilespmem:$0x1A640] =	vst v63  }
0x190: {  	_ =	swait.ge [sflag:s9], $0x3E80  }
0x191: {  	[sflag:s9] =	ssyncset.done $0x0  }
0x192: {  	s3 =	sadd.s32 @!p0 $0x140, s23;
	s18 =	simm.s32 @!p0 $0x200;
	[sflag:s9] =	ssyncadd.s32 $0xFFFFC180  }
0x193: {  	[tilespmem:s18], [sflag:$0xB] =	stream.linear.gather @!p0 [hbm4b:s3+s2], $0x100, $0x38;
	[tilespmem:$0x1A640] =	vst v63  }
0x194: {  	s3 =	sadd.s32 @!p0 $0x140, s1;
	s18 =	simm.s32 @!p0 $0xA00  }
0x195: {  	[tilespmem:s18], [sflag:$0x13] =	stream.linear.gather @!p0 [hbm4b:s3+s2], $0x100, $0x38;
	[tilespmem:$0x1A640] =	vst v63  }
0x196: {  	s18 =	simm.s32 $0xF  }
0x197: {  	_ =	swait.ge [sflag:s18], $0x100  }
0x198: {  	[sflag:s18] =	ssyncset.done $0x0  }
0x199: {  	s10 =	simm.s32 $0x17;
	[sflag:s18] =	ssyncadd.s32 $0xFFFFFF00  }
0x19a: {  	_ =	swait.ge [sflag:s10], $0x100  }
0x19b: {  	[sflag:s10] =	ssyncset.done $0x0  }
0x19c: {  	[sflag:s10] =	ssyncadd.s32 $0xFFFFFF00  }
0x19d: {  	s3 =	rddreg [dreg:$0x1]  }
0x19e: {  	[tilespmem:s15], [sflag:$0x3] =	stream.indirect.gather [hbm4b:s3+s17], $0x40, s19, s17, $0xb8;
	[tilespmem:$0x1A640] =	vst v63  }
0x19f: {  	_ =	swait.ge [sflag:s12], $0x3E80  }
0x1a0: {  	[sflag:s12] =	ssyncset.done $0x0  }
0x1a1: {  	s18 =	simm.s32 $0xB00;
	[sflag:s12] =	ssyncadd.s32 $0xFFFFC180  }
0x1a2: {  	[spmem:s4] =	stream.indirect.scatter.add.bf16 [tilespmem:s20], [sflag:$0x8], $0x40, s18, s17, $0xb8;
	[tilespmem:$0x1A640] =	vst v63  }
0x1a3: {  	_ =	swait.ge [sflag:s13], $0x3E80  }
0x1a4: {  	[sflag:s13] =	ssyncset.done $0x0  }
0x1a5: {  	s3 =	sadd.s32 @!p0 $0x160, s23;
	s18 =	simm.s32 @!p0 $0x300;
	[sflag:s13] =	ssyncadd.s32 $0xFFFFC180  }
0x1a6: {  	[tilespmem:s18], [sflag:$0xC] =	stream.linear.gather @!p0 [hbm4b:s3+s2], $0x100, $0x38;
	[tilespmem:$0x1A640] =	vst v63  }
0x1a7: {  	s3 =	sadd.s32 @!p0 $0x160, s1;
	s18 =	simm.s32 @!p0 $0xB00  }
0x1a8: {  	[tilespmem:s18], [sflag:$0x14] =	stream.linear.gather @!p0 [hbm4b:s3+s2], $0x100, $0x38;
	[tilespmem:$0x1A640] =	vst v63  }
0x1a9: {  	_ =	swait.ge [sflag:s14], $0x100  }
0x1aa: {  	[sflag:s14] =	ssyncset.done $0x0  }
0x1ab: {  	[sflag:s14] =	ssyncadd.s32 $0xFFFFFF00  }
0x1ac: {  	_ =	swait.ge [sflag:s21], $0x100  }
0x1ad: {  	[sflag:s21] =	ssyncset.done $0x0  }
0x1ae: {  	[sflag:s21] =	ssyncadd.s32 $0xFFFFFF00  }
0x1af: {  	s19 =	rddreg [dreg:$0x1]  }
0x1b0: {  	[tilespmem:s20], [sflag:$0x4] =	stream.indirect.gather [hbm4b:s19+s17], $0x40, s24, s17, $0xb8;
	[tilespmem:$0x1A640] =	vst v63  }
0x1b1: {  	_ =	swait.ge [sflag:s25], $0x3E80  }
0x1b2: {  	[sflag:s25] =	ssyncset.done $0x0  }
0x1b3: {  	s24 =	simm.s32 $0xC00;
	[sflag:s25] =	ssyncadd.s32 $0xFFFFC180  }
0x1b4: {  	[spmem:s4] =	stream.indirect.scatter.add.bf16 [tilespmem:s28], [sflag:$0x5], $0x40, s24, s17, $0xb8;
	[tilespmem:$0x1A640] =	vst v63  }
0x1b5: {  	_ =	swait.ge [sflag:s31], $0x3E80  }
0x1b6: {  	[sflag:s31] =	ssyncset.done $0x0  }
0x1b7: {  	s3 =	simm.s32 @p0 $0x2;
	[sflag:s31] =	ssyncadd.s32 $0xFFFFC180  }
0x1b8: {  	_ =	swait.ge @p0 [sflag:s3], $0x3E80  }
0x1b9: {  	s18 =	simm.s32 @p0 $0xD00;
	[sflag:s3] =	ssyncset.done @p0 $0x0  }
0x1ba: {  	s19 =	simm.s32 @p0 $0x4E80;
	[sflag:s3] =	ssyncadd.s32 @p0 $0xFFFFC180;
	s3 =	simm.s32 @p0 $0xFA  }
0x1bb: {  	[spmem:s4] =	stream.indirect.scatter.add.bf16 @p0 [tilespmem:s19], [sflag:$0x6], $0x40, s18, s3, $0xb8;
	[tilespmem:$0x1A640] =	vst v63  }
0x1bc: {  	s3 =	simm.s32 @p0 $0x6  }
0x1bd: {  	_ =	swait.ge @p0 [sflag:s3], $0x3E80  }
0x1be: {  	[sflag:s3] =	ssyncset.done @p0 $0x0  }
0x1bf: {  	s18 =	simm.s32 @!p0 $0x400;
	[sflag:s3] =	ssyncadd.s32 @p0 $0xFFFFC180;
	s3 =	sadd.s32 @!p0 $0x180, s23  }
0x1c0: {  	[tilespmem:s18], [sflag:$0xD] =	stream.linear.gather @!p0 [hbm4b:s3+s2], $0x100, $0x38;
	[tilespmem:$0x1A640] =	vst v63  }
0x1c1: {  	s3 =	sadd.s32 @!p0 $0x180, s1;
	s18 =	simm.s32 @!p0 $0xC00  }
0x1c2: {  	[tilespmem:s18], [sflag:$0x15] =	stream.linear.gather @!p0 [hbm4b:s3+s2], $0x100, $0x38;
	[tilespmem:$0x1A640] =	vst v63  }
0x1c3: {  	s3 =	simm.s32 @!p0 $0x9  }
0x1c4: {  	_ =	swait.ge @!p0 [sflag:s3], $0x100  }
0x1c5: {  	[sflag:s3] =	ssyncset.done @!p0 $0x0  }
0x1c6: {  	[sflag:s3] =	ssyncadd.s32 @!p0 $0xFFFFFF00;
	s3 =	simm.s32 @!p0 $0x11  }
0x1c7: {  	_ =	swait.ge @!p0 [sflag:s3], $0x100  }
0x1c8: {  	[sflag:s3] =	ssyncset.done @!p0 $0x0  }
0x1c9: {  	[sflag:s3] =	ssyncadd.s32 @!p0 $0xFFFFFF00  }
0x1ca: {  	s18 =	simm.s32 @!p0 $0x1000;
	s3 =	simm.s32 @!p0 $0xFA;
	s19 =	rddreg [dreg:$0x1]  }
0x1cb: {  	[tilespmem:s18], [sflag:$0x1] =	stream.indirect.gather @!p0 [hbm4b:s19+s3], $0x40, s2, s3, $0xb8;
	[tilespmem:$0x1A640] =	vst v63  }
0x1cc: {  	s18 =	simm.s32 @!p0 $0x2  }
0x1cd: {  	_ =	swait.ge @!p0 [sflag:s18], $0x3E80  }
0x1ce: {  	s24 =	simm.s32 @!p0 $0x6;
	[sflag:s18] =	ssyncset.done @!p0 $0x0  }
0x1cf: {  	s19 =	simm.s32 @!p0 $0x4E80;
	[sflag:s18] =	ssyncadd.s32 @!p0 $0xFFFFC180;
	s18 =	simm.s32 @!p0 $0xD00  }
0x1d0: {  	[spmem:s4] =	stream.indirect.scatter.add.bf16 @!p0 [tilespmem:s19], [sflag:$0x6], $0x40, s18, s3, $0xb8;
	[tilespmem:$0x1A640] =	vst v63  }
0x1d1: {  	_ =	swait.ge @!p0 [sflag:s24], $0x3E80  }
0x1d2: {  	[sflag:s24] =	ssyncset.done @!p0 $0x0  }
0x1d3: {  	s23 =	sadd.s32 @!p0 $0x1A0, s23;
	[sflag:s24] =	ssyncadd.s32 @!p0 $0xFFFFC180;
	s24 =	simm.s32 @!p0 $0x500  }
0x1d4: {  	[tilespmem:s24], [sflag:$0xE] =	stream.linear.gather @!p0 [hbm4b:s23+s2], $0x100, $0x38;
	[tilespmem:$0x1A640] =	vst v63  }
0x1d5: {  	s1 =	sadd.s32 @!p0 $0x1A0, s1  }
0x1d6: {  	[tilespmem:s18], [sflag:$0x16] =	stream.linear.gather @!p0 [hbm4b:s1+s2], $0x100, $0x38;
	[tilespmem:$0x1A640] =	vst v63  }
0x1d7: {  	s1 =	simm.s32 @!p0 $0xA  }
0x1d8: {  	s18 =	rddreg [dreg:$0x1];
	_ =	swait.ge @!p0 [sflag:s1], $0x100  }
0x1d9: {  	[sflag:s1] =	ssyncset.done @!p0 $0x0  }
0x1da: {  	[sflag:s1] =	ssyncadd.s32 @!p0 $0xFFFFFF00;
	s1 =	simm.s32 @!p0 $0x12  }
0x1db: {  	_ =	swait.ge @!p0 [sflag:s1], $0x100  }
0x1dc: {  	[sflag:s1] =	ssyncset.done @!p0 $0x0  }
0x1dd: {  	[sflag:s1] =	ssyncadd.s32 @!p0 $0xFFFFFF00  }
0x1de: {  	[tilespmem:s19], [sflag:$0x2] =	stream.indirect.gather @!p0 [hbm4b:s18+s3], $0x40, s16, s3, $0xb8;
	[tilespmem:$0x1A640] =	vst v63  }
0x1df: {  	_ =	swait.ge [sflag:s8], $0x3E80  }
0x1e0: {  	[sflag:s8] =	ssyncset.done $0x0  }
.Ltmp4:
0x1e1: {  	[sflag:s8] =	ssyncadd.s32 $0xFFFFC180;
	(pc) =	sbr.rel @p0 .LBB2_7-.Ltmp4, $4  }
0x1e2: {  	[spmem:s4] =	stream.indirect.scatter.add.bf16 [tilespmem:s15], [sflag:$0x7], $0x40, s29, s17, $0xb8;
	[tilespmem:$0x1A640] =	vst v63  }
0x1e3: {  	s30 =	simm.s32 $0x700;
	_ =	swait.ge [sflag:s9], $0x3E80  }
0x1e4: {  	s11 =	simm.s32 $0x4E80;
	s10 =	simm.s32 $0x1000;
	[sflag:s9] =	ssyncset.done $0x0  }
0x1e5: {  	s28 =	simm.s32 $0x600;
	s19 =	simm.s32 $0xE00;
	[sflag:s9] =	ssyncadd.s32 $0xFFFFC180  }
0x1e6: {  	s1 =	sadd.s32 s0, s6  }
0x1e7: {  	s2 =	sadd.s32 $0x1C0, s1  }
0x1e8: {  	[tilespmem:s28], [sflag:$0xF] =	stream.linear.gather [hbm4b:s2+s5], $0x100, $0x38;
	[tilespmem:$0x1A640] =	vst v63  }
0x1e9: {  	s28 =	sadd.s32 s0, s7  }
0x1ea: {  	s10 =	simm.s32 $0xB;
	s3 =	sadd.s32 $0x1C0, s28  }
0x1eb: {  	[tilespmem:s19], [sflag:$0x17] =	stream.linear.gather [hbm4b:s3+s5], $0x100, $0x38;
	[tilespmem:$0x1A640] =	vst v63  }
0x1ec: {  	_ =	swait.ge [sflag:s10], $0x100  }
0x1ed: {  	[sflag:s10] =	ssyncset.done $0x0  }
0x1ee: {  	s11 =	simm.s32 $0x13;
	[sflag:s10] =	ssyncadd.s32 $0xFFFFFF00  }
0x1ef: {  	_ =	swait.ge [sflag:s11], $0x100  }
0x1f0: {  	[sflag:s11] =	ssyncset.done $0x0  }
0x1f1: {  	s16 =	simm.s32 $0x200;
	[sflag:s11] =	ssyncadd.s32 $0xFFFFFF00  }
0x1f2: {  	[tilespmem:s15], [sflag:$0x3] =	stream.indirect.gather [hbm4b:s18+s17], $0x40, s16, s17, $0xb8;
	[tilespmem:$0x1A640] =	vst v63  }
0x1f3: {  	_ =	swait.ge [sflag:s12], $0x3E80  }
0x1f4: {  	[sflag:s12] =	ssyncset.done $0x0  }
0x1f5: {  	s19 =	simm.s32 $0xF00;
	[sflag:s12] =	ssyncadd.s32 $0xFFFFC180  }
0x1f6: {  	[spmem:s4] =	stream.indirect.scatter.add.bf16 [tilespmem:s20], [sflag:$0x8], $0x40, s19, s17, $0xb8;
	[tilespmem:$0x1A640] =	vst v63  }
0x1f7: {  	_ =	swait.ge [sflag:s13], $0x3E80  }
0x1f8: {  	[sflag:s13] =	ssyncset.done $0x0  }
0x1f9: {  	s1 =	sadd.s32 $0x1E0, s1;
	[sflag:s13] =	ssyncadd.s32 $0xFFFFC180  }
0x1fa: {  	[tilespmem:s30], [sflag:$0x10] =	stream.linear.gather [hbm4b:s1+s5], $0x100, $0x38;
	[tilespmem:$0x1A640] =	vst v63  }
0x1fb: {  	s24 =	simm.s32 $0xC;
	s23 =	sadd.s32 $0x1E0, s28  }
0x1fc: {  	[tilespmem:s19], [sflag:$0x18] =	stream.linear.gather [hbm4b:s23+s5], $0x100, $0x38;
	[tilespmem:$0x1A640] =	vst v63  }
0x1fd: {  	_ =	swait.ge [sflag:s24], $0x100  }
0x1fe: {  	[sflag:s24] =	ssyncset.done $0x0  }
.Ltmp5:
0x1ff: {  	s28 =	simm.s32 $0x14;
	[sflag:s24] =	ssyncadd.s32 $0xFFFFFF00;
	(pc) =	sbr.rel .LBB2_5-.Ltmp5, $4  }
0x200: {  	s29 =	simm.s32 $0xE00;
	_ =	swait.ge [sflag:s28], $0x100  }
0x201: {  	s0 =	sadd.s32 $0x100, s0;
	s30 =	simm.s32 $0x300;
	[sflag:s28] =	ssyncset.done $0x0  }
0x202: {  	s19 =	simm.s32 $0x600;
	s24 =	simm.s32 $0x700;
	[sflag:s28] =	ssyncadd.s32 $0xFFFFFF00  }
0x203: {  	[tilespmem:s20], [sflag:$0x4] =	stream.indirect.gather [hbm4b:s18+s17], $0x40, s30, s17, $0xb8;
	[tilespmem:$0x1A640] =	vst v63  }
.LBB2_7:
0x204: {  	_ =	swait.ge [sflag:s12], $0x3E80  }
0x205: {  	[sflag:s12] =	ssyncset.done $0x0  }
0x206: {  	s23 =	simm.s32 $0xF00;
	[sflag:s12] =	ssyncadd.s32 $0xFFFFC180  }
0x207: {  	[spmem:s4] =	stream.indirect.scatter.add.bf16 [tilespmem:s20], [sflag:$0x8], $0x40, s23, s17, $0xb8;
	[tilespmem:$0x1A640] =	vst v63  }
0x208: {  	_ =	swait.ge [sflag:s13], $0x3E80  }
0x209: {  	[sflag:s13] =	ssyncset.done $0x0  }
0x20a: {  	[sflag:s13] =	ssyncadd.s32 $0xFFFFC180  }
0x20b: {  	[bflag:$0x0] =	sbarrier.arrive $0xFFFF  }
0x20c: {  	s1 =	rddreg [dreg:$0x15]  }
0x20d: {  	s0 =	rddreg [dreg:$0x17]  }
0x20e: {  	s2 =	simm.s32 $0x19;
	s3 =	rddreg [dreg:$0x1b]  }
0x20f: {  	[hbm:s0], [sflag:s1] =	dma.local [spmem:s3], $0x1388  }
0x210: {  	_ =	swait.ge [sflag:s2], $0x1388  }
0x211: {  	[sflag:s2] =	ssyncset.done $0x0  }
0x212: {  	[sflag:s2] =	ssyncadd.s32 $0xFFFFEC78  }
0x213: {  	[bflag:$0x0] =	sbarrier.arrive $0xFFFF  }
0x214: {  	s16 =	rddreg [dreg:$0x13]  }
0x215: {  	[spmem:s3], [sflag:s1] =	dma.local [hbm:s16], $0x1388  }
0x216: {  	_ =	swait.ge [sflag:s2], $0x1388  }
0x217: {  	[sflag:s2] =	ssyncset.done $0x0  }
0x218: {  	s0 =	simm.s32 $0x0;
	[sflag:s2] =	ssyncadd.s32 $0xFFFFEC78  }
0x219: {  	[tilespmem:s0], [sflag:$0x9] =	stream.linear.gather [hbm4b:s6+s0], $0x100, $0x38;
	[tilespmem:$0x1A640] =	vst v63  }
0x21a: {  	s18 =	simm.s32 $0x800  }
0x21b: {  	[tilespmem:s18], [sflag:$0x11] =	stream.linear.gather [hbm4b:s7+s0], $0x100, $0x38;
	[tilespmem:$0x1A640] =	vst v63  }
0x21c: {  	s24 =	rddreg [dreg:$0x5];
	s2 =	simm.s32 $0x100  }
0x21d: {  	[tilespmem:s2], [sflag:$0xA] =	stream.linear.gather [hbm4b:s24+s0], $0x100, $0x38;
	[tilespmem:$0x1A640] =	vst v63  }
0x21e: {  	s16 =	simm.s32 $0x900;
	s3 =	rddreg [dreg:$0x6]  }
0x21f: {  	[tilespmem:s16], [sflag:$0x12] =	stream.linear.gather [hbm4b:s3+s0], $0x100, $0x38;
	[tilespmem:$0x1A640] =	vst v63  }
0x220: {  	s18 =	rddreg [dreg:$0x7];
	s3 =	simm.s32 $0x200  }
0x221: {  	[tilespmem:s3], [sflag:$0xB] =	stream.linear.gather [hbm4b:s18+s0], $0x100, $0x38;
	[tilespmem:$0x1A640] =	vst v63  }
0x222: {  	s24 =	rddreg [dreg:$0x8];
	s16 =	simm.s32 $0xA00  }
0x223: {  	[tilespmem:s16], [sflag:$0x13] =	stream.linear.gather [hbm4b:s24+s0], $0x100, $0x38;
	[tilespmem:$0x1A640] =	vst v63  }
0x224: {  	s18 =	rddreg [dreg:$0x9];
	s16 =	simm.s32 $0x300  }
0x225: {  	[tilespmem:s16], [sflag:$0xC] =	stream.linear.gather [hbm4b:s18+s0], $0x100, $0x38;
	[tilespmem:$0x1A640] =	vst v63  }
0x226: {  	s24 =	rddreg [dreg:$0xa];
	s18 =	simm.s32 $0xB00  }
0x227: {  	[tilespmem:s18], [sflag:$0x14] =	stream.linear.gather [hbm4b:s24+s0], $0x100, $0x38;
	[tilespmem:$0x1A640] =	vst v63  }
0x228: {  	s18 =	rddreg [dreg:$0xb];
	s24 =	simm.s32 $0x400  }
0x229: {  	[tilespmem:s24], [sflag:$0xD] =	stream.linear.gather [hbm4b:s18+s0], $0x100, $0x38;
	[tilespmem:$0x1A640] =	vst v63  }
0x22a: {  	s18 =	rddreg [dreg:$0xc];
	s24 =	simm.s32 $0xC00  }
0x22b: {  	[tilespmem:s24], [sflag:$0x15] =	stream.linear.gather [hbm4b:s18+s0], $0x100, $0x38;
	[tilespmem:$0x1A640] =	vst v63  }
0x22c: {  	s18 =	rddreg [dreg:$0xd];
	s24 =	simm.s32 $0x500  }
0x22d: {  	[tilespmem:s24], [sflag:$0xE] =	stream.linear.gather [hbm4b:s18+s0], $0x100, $0x38;
	[tilespmem:$0x1A640] =	vst v63  }
0x22e: {  	s18 =	rddreg [dreg:$0xe];
	s24 =	simm.s32 $0xD00  }
0x22f: {  	[tilespmem:s24], [sflag:$0x16] =	stream.linear.gather [hbm4b:s18+s0], $0x100, $0x38;
	[tilespmem:$0x1A640] =	vst v63  }
0x230: {  	s24 =	rddreg [dreg:$0xf]  }
0x231: {  	[tilespmem:s28], [sflag:$0xF] =	stream.linear.gather [hbm4b:s24+s0], $0x100, $0x38;
	[tilespmem:$0x1A640] =	vst v63  }
0x232: {  	s18 =	rddreg [dreg:$0x10]  }
0x233: {  	[tilespmem:s19], [sflag:$0x17] =	stream.linear.gather [hbm4b:s18+s0], $0x100, $0x38;
	[tilespmem:$0x1A640] =	vst v63  }
0x234: {  	s19 =	rddreg [dreg:$0x11]  }
0x235: {  	[tilespmem:s30], [sflag:$0x10] =	stream.linear.gather [hbm4b:s19+s0], $0x100, $0x38;
	[tilespmem:$0x1A640] =	vst v63  }
0x236: {  	s24 =	rddreg [dreg:$0x12];
	s28 =	simm.s32 $0x9  }
0x237: {  	[tilespmem:s23], [sflag:$0x18] =	stream.linear.gather [hbm4b:s24+s0], $0x100, $0x38;
	[tilespmem:$0x1A640] =	vst v63  }
0x238: {  	_ =	swait.ge [sflag:s28], $0x100  }
0x239: {  	[sflag:s28] =	ssyncset.done $0x0  }
0x23a: {  	s30 =	simm.s32 $0x11;
	[sflag:s28] =	ssyncadd.s32 $0xFFFFFF00  }
0x23b: {  	_ =	swait.ge [sflag:s30], $0x100  }
0x23c: {  	[sflag:s30] =	ssyncset.done $0x0  }
0x23d: {  	s18 =	simm.s32 $0xA;
	[sflag:s30] =	ssyncadd.s32 $0xFFFFFF00  }
0x23e: {  	[tilespmem:s10], [sflag:$0x1] =	stream.indirect.gather [hbm4b:s22+s17], $0x40, s0, s17, $0xb8;
	[tilespmem:$0x1A640] =	vst v63  }
0x23f: {  	_ =	swait.ge [sflag:s18], $0x100  }
0x240: {  	[sflag:s18] =	ssyncset.done $0x0  }
0x241: {  	s19 =	simm.s32 $0x12;
	[sflag:s18] =	ssyncadd.s32 $0xFFFFFF00  }
0x242: {  	_ =	swait.ge [sflag:s19], $0x100  }
0x243: {  	[sflag:s19] =	ssyncset.done $0x0  }
0x244: {  	s23 =	simm.s32 $0xB;
	[sflag:s19] =	ssyncadd.s32 $0xFFFFFF00  }
0x245: {  	[tilespmem:s11], [sflag:$0x2] =	stream.indirect.gather [hbm4b:s22+s17], $0x40, s2, s17, $0xb8;
	[tilespmem:$0x1A640] =	vst v63  }
0x246: {  	_ =	swait.ge [sflag:s23], $0x100  }
0x247: {  	[sflag:s23] =	ssyncset.done $0x0  }
0x248: {  	s24 =	simm.s32 $0x13;
	[sflag:s23] =	ssyncadd.s32 $0xFFFFFF00  }
0x249: {  	_ =	swait.ge [sflag:s24], $0x100  }
0x24a: {  	[sflag:s24] =	ssyncset.done $0x0  }
0x24b: {  	s28 =	simm.s32 $0xC;
	[sflag:s24] =	ssyncadd.s32 $0xFFFFFF00  }
0x24c: {  	[tilespmem:s15], [sflag:$0x3] =	stream.indirect.gather [hbm4b:s22+s17], $0x40, s3, s17, $0xb8;
	[tilespmem:$0x1A640] =	vst v63  }
0x24d: {  	_ =	swait.ge [sflag:s28], $0x100  }
0x24e: {  	[sflag:s28] =	ssyncset.done $0x0  }
0x24f: {  	s30 =	simm.s32 $0x14;
	[sflag:s28] =	ssyncadd.s32 $0xFFFFFF00  }
0x250: {  	_ =	swait.ge [sflag:s30], $0x100  }
0x251: {  	[sflag:s30] =	ssyncset.done $0x0  }
0x252: {  	s29 =	simm.s32 $0xE00;
	[sflag:s30] =	ssyncadd.s32 $0xFFFFFF00  }
0x253: {  	[tilespmem:s20], [sflag:$0x4] =	stream.indirect.gather [hbm4b:s22+s17], $0x40, s16, s17, $0xb8;
	[tilespmem:$0x1A640] =	vst v63  }
0x254: {  	s19 =	simm.s32 $0x600;
	s24 =	simm.s32 $0x700;
	[bflag:$0x0] =	sbarrier.arrive $0xFFFF  }
.LBB2_8:
0x255: {  	_ =	swait.ge [sflag:s25], $0x3E80  }
0x256: {  	[sflag:s25] =	ssyncset.done $0x0  }
0x257: {  	s1 =	simm.s32 $0x800;
	s28 =	simm.s32 $0x1000;
	[sflag:s25] =	ssyncadd.s32 $0xFFFFC180  }
0x258: {  	[spmem:s4] =	stream.indirect.scatter.add.bf16 [tilespmem:s28], [sflag:$0x5], $0x40, s1, s17, $0xb8;
	[tilespmem:$0x1A640] =	vst v63  }
0x259: {  	p0 =	seq.s32 s0, $0x400;
	_ =	swait.ge [sflag:s31], $0x3E80  }
0x25a: {  	s23 =	sadd.s32 @!p0 s0, s6;
	[sflag:s31] =	ssyncset.done $0x0  }
0x25b: {  	s2 =	simm.s32 @!p0 $0x0;
	s1 =	sadd.s32 @!p0 $0x100, s23;
	[sflag:s31] =	ssyncadd.s32 $0xFFFFC180  }
0x25c: {  	[tilespmem:s2], [sflag:$0x9] =	stream.linear.gather @!p0 [hbm4b:s1+s2], $0x100, $0x38;
	[tilespmem:$0x1A640] =	vst v63  }
0x25d: {  	s1 =	sadd.s32 @!p0 s0, s7  }
0x25e: {  	s11 =	simm.s32 $0xD;
	s16 =	simm.s32 @!p0 $0x800;
	s3 =	sadd.s32 @!p0 $0x100, s1  }
0x25f: {  	[tilespmem:s16], [sflag:$0x11] =	stream.linear.gather @!p0 [hbm4b:s3+s2], $0x100, $0x38;
	[tilespmem:$0x1A640] =	vst v63  }
0x260: {  	_ =	swait.ge [sflag:s11], $0x100  }
0x261: {  	[sflag:s11] =	ssyncset.done $0x0  }
0x262: {  	s16 =	simm.s32 $0x15;
	[sflag:s11] =	ssyncadd.s32 $0xFFFFFF00  }
0x263: {  	_ =	swait.ge [sflag:s16], $0x100  }
0x264: {  	[sflag:s16] =	ssyncset.done $0x0  }
0x265: {  	s18 =	simm.s32 $0x400;
	s10 =	simm.s32 $0x2;
	[sflag:s16] =	ssyncadd.s32 $0xFFFFFF00  }
0x266: {  	[tilespmem:s28], [sflag:$0x1] =	stream.indirect.gather [hbm4b:s22+s17], $0x40, s18, s17, $0xb8;
	[tilespmem:$0x1A640] =	vst v63  }
0x267: {  	_ =	swait.ge [sflag:s10], $0x3E80  }
0x268: {  	s11 =	simm.s32 $0x900;
	[sflag:s10] =	ssyncset.done $0x0  }
0x269: {  	s16 =	simm.s32 $0x6;
	[sflag:s10] =	ssyncadd.s32 $0xFFFFC180;
	s10 =	simm.s32 $0x4E80  }
0x26a: {  	[spmem:s4] =	stream.indirect.scatter.add.bf16 [tilespmem:s10], [sflag:$0x6], $0x40, s11, s17, $0xb8;
	[tilespmem:$0x1A640] =	vst v63  }
0x26b: {  	_ =	swait.ge [sflag:s16], $0x3E80  }
0x26c: {  	[sflag:s16] =	ssyncset.done $0x0  }
0x26d: {  	s3 =	sadd.s32 @!p0 $0x120, s23;
	[sflag:s16] =	ssyncadd.s32 $0xFFFFC180;
	s16 =	simm.s32 @!p0 $0x100  }
0x26e: {  	[tilespmem:s16], [sflag:$0xA] =	stream.linear.gather @!p0 [hbm4b:s3+s2], $0x100, $0x38;
	[tilespmem:$0x1A640] =	vst v63  }
0x26f: {  	s18 =	simm.s32 @!p0 $0x900;
	s3 =	sadd.s32 @!p0 $0x120, s1  }
0x270: {  	[tilespmem:s18], [sflag:$0x12] =	stream.linear.gather @!p0 [hbm4b:s3+s2], $0x100, $0x38;
	[tilespmem:$0x1A640] =	vst v63  }
0x271: {  	s18 =	simm.s32 $0xE  }
0x272: {  	_ =	swait.ge [sflag:s18], $0x100  }
0x273: {  	[sflag:s18] =	ssyncset.done $0x0  }
0x274: {  	s11 =	simm.s32 $0x16;
	[sflag:s18] =	ssyncadd.s32 $0xFFFFFF00  }
0x275: {  	_ =	swait.ge [sflag:s11], $0x100  }
0x276: {  	[sflag:s11] =	ssyncset.done $0x0  }
0x277: {  	s18 =	simm.s32 $0x500;
	[sflag:s11] =	ssyncadd.s32 $0xFFFFFF00  }
0x278: {  	[tilespmem:s10], [sflag:$0x2] =	stream.indirect.gather [hbm4b:s22+s17], $0x40, s18, s17, $0xb8;
	[tilespmem:$0x1A640] =	vst v63  }
0x279: {  	_ =	swait.ge [sflag:s8], $0x3E80  }
0x27a: {  	[sflag:s8] =	ssyncset.done $0x0  }
0x27b: {  	s18 =	simm.s32 $0xA00;
	[sflag:s8] =	ssyncadd.s32 $0xFFFFC180  }
0x27c: {  	[spmem:s4] =	stream.indirect.scatter.add.bf16 [tilespmem:s15], [sflag:$0x7], $0x40, s18, s17, $0xb8;
	[tilespmem:$0x1A640] =	vst v63  }
0x27d: {  	_ =	swait.ge [sflag:s9], $0x3E80  }
0x27e: {  	[sflag:s9] =	ssyncset.done $0x0  }
0x27f: {  	s3 =	sadd.s32 @!p0 $0x140, s23;
	s18 =	simm.s32 @!p0 $0x200;
	[sflag:s9] =	ssyncadd.s32 $0xFFFFC180  }
0x280: {  	[tilespmem:s18], [sflag:$0xB] =	stream.linear.gather @!p0 [hbm4b:s3+s2], $0x100, $0x38;
	[tilespmem:$0x1A640] =	vst v63  }
0x281: {  	s10 =	simm.s32 $0xF;
	s3 =	sadd.s32 @!p0 $0x140, s1;
	s18 =	simm.s32 @!p0 $0xA00  }
0x282: {  	[tilespmem:s18], [sflag:$0x13] =	stream.linear.gather @!p0 [hbm4b:s3+s2], $0x100, $0x38;
	[tilespmem:$0x1A640] =	vst v63  }
0x283: {  	_ =	swait.ge [sflag:s10], $0x100  }
0x284: {  	[sflag:s10] =	ssyncset.done $0x0  }
0x285: {  	s18 =	simm.s32 $0x17;
	[sflag:s10] =	ssyncadd.s32 $0xFFFFFF00  }
0x286: {  	_ =	swait.ge [sflag:s18], $0x100  }
0x287: {  	[sflag:s18] =	ssyncset.done $0x0  }
0x288: {  	[sflag:s18] =	ssyncadd.s32 $0xFFFFFF00  }
0x289: {  	[tilespmem:s15], [sflag:$0x3] =	stream.indirect.gather [hbm4b:s22+s17], $0x40, s19, s17, $0xb8;
	[tilespmem:$0x1A640] =	vst v63  }
0x28a: {  	_ =	swait.ge [sflag:s12], $0x3E80  }
0x28b: {  	[sflag:s12] =	ssyncset.done $0x0  }
0x28c: {  	s19 =	simm.s32 $0xB00;
	[sflag:s12] =	ssyncadd.s32 $0xFFFFC180  }
0x28d: {  	[spmem:s4] =	stream.indirect.scatter.add.bf16 [tilespmem:s20], [sflag:$0x8], $0x40, s19, s17, $0xb8;
	[tilespmem:$0x1A640] =	vst v63  }
0x28e: {  	_ =	swait.ge [sflag:s13], $0x3E80  }
0x28f: {  	[sflag:s13] =	ssyncset.done $0x0  }
0x290: {  	s3 =	sadd.s32 @!p0 $0x160, s23;
	s18 =	simm.s32 @!p0 $0x300;
	[sflag:s13] =	ssyncadd.s32 $0xFFFFC180  }
0x291: {  	[tilespmem:s18], [sflag:$0xC] =	stream.linear.gather @!p0 [hbm4b:s3+s2], $0x100, $0x38;
	[tilespmem:$0x1A640] =	vst v63  }
0x292: {  	s3 =	sadd.s32 @!p0 $0x160, s1;
	s18 =	simm.s32 @!p0 $0xB00  }
0x293: {  	[tilespmem:s18], [sflag:$0x14] =	stream.linear.gather @!p0 [hbm4b:s3+s2], $0x100, $0x38;
	[tilespmem:$0x1A640] =	vst v63  }
0x294: {  	_ =	swait.ge [sflag:s14], $0x100  }
0x295: {  	[sflag:s14] =	ssyncset.done $0x0  }
0x296: {  	[sflag:s14] =	ssyncadd.s32 $0xFFFFFF00  }
0x297: {  	_ =	swait.ge [sflag:s21], $0x100  }
0x298: {  	[sflag:s21] =	ssyncset.done $0x0  }
0x299: {  	[sflag:s21] =	ssyncadd.s32 $0xFFFFFF00  }
0x29a: {  	[tilespmem:s20], [sflag:$0x4] =	stream.indirect.gather [hbm4b:s22+s17], $0x40, s24, s17, $0xb8;
	[tilespmem:$0x1A640] =	vst v63  }
0x29b: {  	_ =	swait.ge [sflag:s25], $0x3E80  }
0x29c: {  	[sflag:s25] =	ssyncset.done $0x0  }
0x29d: {  	s24 =	simm.s32 $0xC00;
	[sflag:s25] =	ssyncadd.s32 $0xFFFFC180  }
0x29e: {  	[spmem:s4] =	stream.indirect.scatter.add.bf16 [tilespmem:s28], [sflag:$0x5], $0x40, s24, s17, $0xb8;
	[tilespmem:$0x1A640] =	vst v63  }
0x29f: {  	_ =	swait.ge [sflag:s31], $0x3E80  }
0x2a0: {  	[sflag:s31] =	ssyncset.done $0x0  }
0x2a1: {  	s3 =	simm.s32 @p0 $0x2;
	[sflag:s31] =	ssyncadd.s32 $0xFFFFC180  }
0x2a2: {  	_ =	swait.ge @p0 [sflag:s3], $0x3E80  }
0x2a3: {  	s19 =	simm.s32 @p0 $0x4E80;
	[sflag:s3] =	ssyncset.done @p0 $0x0  }
0x2a4: {  	s18 =	simm.s32 @p0 $0xD00;
	[sflag:s3] =	ssyncadd.s32 @p0 $0xFFFFC180;
	s3 =	simm.s32 @p0 $0xFA  }
0x2a5: {  	[spmem:s4] =	stream.indirect.scatter.add.bf16 @p0 [tilespmem:s19], [sflag:$0x6], $0x40, s18, s3, $0xb8;
	[tilespmem:$0x1A640] =	vst v63  }
0x2a6: {  	s3 =	simm.s32 @p0 $0x6  }
0x2a7: {  	_ =	swait.ge @p0 [sflag:s3], $0x3E80  }
0x2a8: {  	[sflag:s3] =	ssyncset.done @p0 $0x0  }
0x2a9: {  	s18 =	simm.s32 @!p0 $0x400;
	[sflag:s3] =	ssyncadd.s32 @p0 $0xFFFFC180;
	s3 =	sadd.s32 @!p0 $0x180, s23  }
0x2aa: {  	[tilespmem:s18], [sflag:$0xD] =	stream.linear.gather @!p0 [hbm4b:s3+s2], $0x100, $0x38;
	[tilespmem:$0x1A640] =	vst v63  }
0x2ab: {  	s3 =	sadd.s32 @!p0 $0x180, s1;
	s18 =	simm.s32 @!p0 $0xC00  }
0x2ac: {  	[tilespmem:s18], [sflag:$0x15] =	stream.linear.gather @!p0 [hbm4b:s3+s2], $0x100, $0x38;
	[tilespmem:$0x1A640] =	vst v63  }
0x2ad: {  	s3 =	simm.s32 @!p0 $0x9  }
0x2ae: {  	_ =	swait.ge @!p0 [sflag:s3], $0x100  }
0x2af: {  	[sflag:s3] =	ssyncset.done @!p0 $0x0  }
0x2b0: {  	[sflag:s3] =	ssyncadd.s32 @!p0 $0xFFFFFF00;
	s3 =	simm.s32 @!p0 $0x11  }
0x2b1: {  	_ =	swait.ge @!p0 [sflag:s3], $0x100  }
0x2b2: {  	[sflag:s3] =	ssyncset.done @!p0 $0x0  }
0x2b3: {  	s18 =	simm.s32 @!p0 $0x1000;
	[sflag:s3] =	ssyncadd.s32 @!p0 $0xFFFFFF00;
	s3 =	simm.s32 @!p0 $0xFA  }
0x2b4: {  	[tilespmem:s18], [sflag:$0x1] =	stream.indirect.gather @!p0 [hbm4b:s22+s3], $0x40, s2, s3, $0xb8;
	[tilespmem:$0x1A640] =	vst v63  }
0x2b5: {  	s18 =	simm.s32 @!p0 $0x2  }
0x2b6: {  	_ =	swait.ge @!p0 [sflag:s18], $0x3E80  }
0x2b7: {  	s24 =	simm.s32 @!p0 $0x6;
	[sflag:s18] =	ssyncset.done @!p0 $0x0  }
0x2b8: {  	s19 =	simm.s32 @!p0 $0x4E80;
	[sflag:s18] =	ssyncadd.s32 @!p0 $0xFFFFC180;
	s18 =	simm.s32 @!p0 $0xD00  }
0x2b9: {  	[spmem:s4] =	stream.indirect.scatter.add.bf16 @!p0 [tilespmem:s19], [sflag:$0x6], $0x40, s18, s3, $0xb8;
	[tilespmem:$0x1A640] =	vst v63  }
0x2ba: {  	_ =	swait.ge @!p0 [sflag:s24], $0x3E80  }
0x2bb: {  	[sflag:s24] =	ssyncset.done @!p0 $0x0  }
0x2bc: {  	s23 =	sadd.s32 @!p0 $0x1A0, s23;
	[sflag:s24] =	ssyncadd.s32 @!p0 $0xFFFFC180;
	s24 =	simm.s32 @!p0 $0x500  }
0x2bd: {  	[tilespmem:s24], [sflag:$0xE] =	stream.linear.gather @!p0 [hbm4b:s23+s2], $0x100, $0x38;
	[tilespmem:$0x1A640] =	vst v63  }
0x2be: {  	s1 =	sadd.s32 @!p0 $0x1A0, s1  }
0x2bf: {  	[tilespmem:s18], [sflag:$0x16] =	stream.linear.gather @!p0 [hbm4b:s1+s2], $0x100, $0x38;
	[tilespmem:$0x1A640] =	vst v63  }
0x2c0: {  	s1 =	simm.s32 @!p0 $0xA  }
0x2c1: {  	_ =	swait.ge @!p0 [sflag:s1], $0x100  }
0x2c2: {  	[sflag:s1] =	ssyncset.done @!p0 $0x0  }
0x2c3: {  	[sflag:s1] =	ssyncadd.s32 @!p0 $0xFFFFFF00;
	s1 =	simm.s32 @!p0 $0x12  }
0x2c4: {  	_ =	swait.ge @!p0 [sflag:s1], $0x100  }
0x2c5: {  	[sflag:s1] =	ssyncset.done @!p0 $0x0  }
0x2c6: {  	[sflag:s1] =	ssyncadd.s32 @!p0 $0xFFFFFF00  }
0x2c7: {  	[tilespmem:s19], [sflag:$0x2] =	stream.indirect.gather @!p0 [hbm4b:s22+s3], $0x40, s16, s3, $0xb8;
	[tilespmem:$0x1A640] =	vst v63  }
0x2c8: {  	_ =	swait.ge [sflag:s8], $0x3E80  }
0x2c9: {  	[sflag:s8] =	ssyncset.done $0x0  }
.Ltmp6:
0x2ca: {  	[sflag:s8] =	ssyncadd.s32 $0xFFFFC180;
	(pc) =	sbr.rel @p0 .LBB2_10-.Ltmp6, $4  }
0x2cb: {  	[spmem:s4] =	stream.indirect.scatter.add.bf16 [tilespmem:s15], [sflag:$0x7], $0x40, s29, s17, $0xb8;
	[tilespmem:$0x1A640] =	vst v63  }
0x2cc: {  	s30 =	simm.s32 $0x700;
	_ =	swait.ge [sflag:s9], $0x3E80  }
0x2cd: {  	s11 =	simm.s32 $0x4E80;
	s10 =	simm.s32 $0x1000;
	[sflag:s9] =	ssyncset.done $0x0  }
0x2ce: {  	s28 =	simm.s32 $0x600;
	s19 =	simm.s32 $0xE00;
	[sflag:s9] =	ssyncadd.s32 $0xFFFFC180  }
0x2cf: {  	s1 =	sadd.s32 s0, s6  }
0x2d0: {  	s10 =	sadd.s32 s0, s7;
	s2 =	sadd.s32 $0x1C0, s1  }
0x2d1: {  	[tilespmem:s28], [sflag:$0xF] =	stream.linear.gather [hbm4b:s2+s5], $0x100, $0x38;
	[tilespmem:$0x1A640] =	vst v63  }
0x2d2: {  	s11 =	simm.s32 $0xB;
	s3 =	sadd.s32 $0x1C0, s10  }
0x2d3: {  	[tilespmem:s19], [sflag:$0x17] =	stream.linear.gather [hbm4b:s3+s5], $0x100, $0x38;
	[tilespmem:$0x1A640] =	vst v63  }
0x2d4: {  	_ =	swait.ge [sflag:s11], $0x100  }
0x2d5: {  	[sflag:s11] =	ssyncset.done $0x0  }
0x2d6: {  	s16 =	simm.s32 $0x13;
	[sflag:s11] =	ssyncadd.s32 $0xFFFFFF00  }
0x2d7: {  	_ =	swait.ge [sflag:s16], $0x100  }
0x2d8: {  	[sflag:s16] =	ssyncset.done $0x0  }
0x2d9: {  	s18 =	simm.s32 $0x200;
	[sflag:s16] =	ssyncadd.s32 $0xFFFFFF00  }
0x2da: {  	[tilespmem:s15], [sflag:$0x3] =	stream.indirect.gather [hbm4b:s22+s17], $0x40, s18, s17, $0xb8;
	[tilespmem:$0x1A640] =	vst v63  }
0x2db: {  	_ =	swait.ge [sflag:s12], $0x3E80  }
0x2dc: {  	[sflag:s12] =	ssyncset.done $0x0  }
0x2dd: {  	s19 =	simm.s32 $0xF00;
	[sflag:s12] =	ssyncadd.s32 $0xFFFFC180  }
0x2de: {  	[spmem:s4] =	stream.indirect.scatter.add.bf16 [tilespmem:s20], [sflag:$0x8], $0x40, s19, s17, $0xb8;
	[tilespmem:$0x1A640] =	vst v63  }
0x2df: {  	_ =	swait.ge [sflag:s13], $0x3E80  }
0x2e0: {  	[sflag:s13] =	ssyncset.done $0x0  }
0x2e1: {  	s1 =	sadd.s32 $0x1E0, s1;
	[sflag:s13] =	ssyncadd.s32 $0xFFFFC180  }
0x2e2: {  	[tilespmem:s30], [sflag:$0x10] =	stream.linear.gather [hbm4b:s1+s5], $0x100, $0x38;
	[tilespmem:$0x1A640] =	vst v63  }
0x2e3: {  	s24 =	simm.s32 $0xC;
	s23 =	sadd.s32 $0x1E0, s10  }
0x2e4: {  	[tilespmem:s19], [sflag:$0x18] =	stream.linear.gather [hbm4b:s23+s5], $0x100, $0x38;
	[tilespmem:$0x1A640] =	vst v63  }
0x2e5: {  	_ =	swait.ge [sflag:s24], $0x100  }
0x2e6: {  	[sflag:s24] =	ssyncset.done $0x0  }
.Ltmp7:
0x2e7: {  	s28 =	simm.s32 $0x14;
	[sflag:s24] =	ssyncadd.s32 $0xFFFFFF00;
	(pc) =	sbr.rel .LBB2_8-.Ltmp7, $4  }
0x2e8: {  	s0 =	sadd.s32 $0x100, s0;
	_ =	swait.ge [sflag:s28], $0x100  }
0x2e9: {  	s29 =	simm.s32 $0xE00;
	s30 =	simm.s32 $0x300;
	[sflag:s28] =	ssyncset.done $0x0  }
0x2ea: {  	s19 =	simm.s32 $0x600;
	s24 =	simm.s32 $0x700;
	[sflag:s28] =	ssyncadd.s32 $0xFFFFFF00  }
0x2eb: {  	[tilespmem:s20], [sflag:$0x4] =	stream.indirect.gather [hbm4b:s22+s17], $0x40, s30, s17, $0xb8;
	[tilespmem:$0x1A640] =	vst v63  }
.LBB2_11:
0x2ec: {  	_ =	sfence.sel $0x180000  }
0x2ed: {  	[bflag:$0x0] =	sbarrier.arrive $0xFFFF  }
0x2ee: {  	_ =	strace $0x9000004A  }
0x2ef: {  	s0 =	stileid.u32;
	[bflag:$0x2] =	sbarrier.arrive $0xFFFF  }
0x2f0: {  	p0 =	sne.s32 s0, $0x0;
	s0 =	rddreg [dreg:$0x4]  }
0x2f1: {  	s0 =	sadd.s32 @!p0 $0x100000, s0  }
0x2f2: {  	[sflag:s0] =	ssyncadd.tile.s32 @!p0 $0x1;
	_ =	shalt  }
.Lfunc_end2:
_tile_overlayer_lowered:
.L_overlay_start_2:
0x2f3: {  	(tag) =	ssettag $0x2  }
0x2f4: {  	s0 =	rddreg [dreg:$0x0];
	s2 =	stileid.u32  }
0x2f5: {  	s1 =	rddreg [dreg:$0x1];
	p0 =	sne.s32 s2, $0x0  }
0x2f6: {  	s3 =	rddreg [dreg:$0x2];
	[bflag:$0x3] =	sbarrier.arrive $0xFFFF;
	s2 =	simm.s32 @!p0 $0x1C19  }
0x2f7: {  	[timem:s3], [sflag:s2] =	dma.local @!p0 [hbm:s0], s1  }
0x2f8: {  	s0 =	simm.s32 @!p0 $0x19  }
0x2f9: {  	_ =	swait.ge @!p0 [sflag:s0], s1  }
0x2fa: {  	s1 =	ssub.s32 @!p0 $0x0, s1;
	[sflag:s0] =	ssyncset.done @!p0 $0x0  }
0x2fb: {  	[sflag:s0] =	ssyncadd.s32 @!p0 s1  }
0x2fc: {  	[bflag:$0x3] =	sbarrier.arrive $0xFFFF  }
0x2fd: {  	_ =	shalt  }

</sc_bundles>
